<compile_context>
chip_gen: v7x
topology: tpu7x:2x2x1
jax: 0.10.2.dev20260603
libtpu: 0.0.44.dev20260713+nightly
codegen_flags: <defaults>
</compile_context>

<pallas_src>
import functools
import math

import jax
import jax.numpy as jnp
from jax import lax
from jax.experimental import pallas as pl
from jax.experimental.pallas import tpu as pltpu
from jax.experimental.pallas import tpu_sc as plsc

N = 10000
E = 320000
F = 128
WG = 256
EDGE_DIM = 16
CUTOFF = 10.0
EPS = 1e-6

BN = 2000
BE = 2000

NC = 2
NS = 16
NW = NC * NS
PER_T = E // NW
CH = 80
NCH = PER_T // CH

SCH = 128
TOT_CHUNKS = E // SCH
TPS_CHUNKS = TOT_CHUNKS // NS
TPS_EXTRA = TOT_CHUNKS - NS * TPS_CHUNKS



def _leaky(x):
    return jnp.where(x >= 0, x, 0.01 * x)


def _elu(x):
    return jnp.where(x > 0, x, jnp.exp(jnp.minimum(x, 0.0)) - 1.0)


def _sum3(x):
    return jnp.dot(x, jnp.ones((3, 1), jnp.float32),
                   preferred_element_type=jnp.float32)


def _vn_leaky(w00, x):
    q = _sum3(x * x)
    dot = w00 * q
    dsq = w00 * w00 * q
    scale = 0.01 + 0.99 * jnp.where(dot >= 0, 1.0, EPS / (dsq + EPS))
    return x * scale


def _gvl(sca, vec, Ws_ref, wsv_ref, bs_ref, gw_ref, c5):
    lvw, lvb, l2w, l2b, gb = c5
    vi = lvw * vec + lvb
    vn = jnp.sqrt(jnp.sum(vi * vi, axis=1, keepdims=True) + 1e-12)
    so = (jnp.dot(sca, Ws_ref[...], preferred_element_type=jnp.float32)
          + vn * wsv_ref[...] + bs_ref[...])
    gate = jax.nn.sigmoid(
        jnp.dot(so, gw_ref[...], preferred_element_type=jnp.float32) + gb)
    return so, gate * (l2w * vi + l2b)


def _pack_gvl(p, in_s):
    w = p['lin_scalar']['w']
    return (jnp.transpose(w[:, :in_s]),
            jnp.transpose(w[:, in_s:in_s + 1]),
            p['lin_scalar']['b'][None, :],
            jnp.transpose(p['gates']['w']))


def _gvl_consts(p):
    return [p['lin_vector']['w'][0, 0], p['lin_vector']['b'][0],
            p['lin_vector2']['w'][0, 0], p['lin_vector2']['b'][0],
            p['gates']['b'][0]]



def _node_pre_body(consts, xs_ref, ps_ref, xd_ref, pd_ref,
                   s1Ws, s1wv, s1b, s1g, d1Ws, d1wv, d1b, d1g,
                   ngWs, ngwv, ngb, ngg, ctWs, ctwv, ctb, ctg,
                   Ts_ref, Td_ref, cs_ref, cv_ref):
    def c5(i):
        return tuple(consts[i + k] for k in range(5))

    for side in range(2):
        x = (xs_ref if side == 0 else xd_ref)[...]
        p3 = (ps_ref if side == 0 else pd_ref)[:, 0:3]
        pk = (s1Ws, s1wv, s1b, s1g) if side == 0 else (d1Ws, d1wv, d1b, d1g)
        so, vo = _gvl(x, p3, *pk, c5(0 if side == 0 else 5))
        xn = _leaky(so)
        pv = _vn_leaky(consts[10 + side], vo)
        ns, nv = _gvl(xn, pv, ngWs, ngwv, ngb, ngg, c5(12))
        T_ref = Ts_ref if side == 0 else Td_ref
        T_ref[:, 0:F] = ns
        T_ref[:, F:F + 3] = nv
        T_ref[:, F + 3:F + 6] = p3
        T_ref[:, F + 6:WG] = jnp.zeros((BN, WG - F - 6), jnp.float32)
        if side == 0:
            cs, cv = _gvl(xn, pv, ctWs, ctwv, ctb, ctg, c5(17))
            cs_ref[...] = cs
            cv_ref[:, 0:3] = cv
            cv_ref[:, 3:8] = jnp.zeros((BN, 5), jnp.float32)


def _node_pre(x_src, pos_src8, x_dst, pos_dst8, consts, wlist):
    full = lambda a: pl.BlockSpec(a.shape, lambda i: (0,) * a.ndim)
    blk = lambda s: pl.BlockSpec(s, lambda i: (i,) + (0,) * (len(s) - 1))
    return pl.pallas_call(
        _node_pre_body,
        grid=(N // BN,),
        in_specs=[pl.BlockSpec(memory_space=pltpu.SMEM),
                  blk((BN, F)), blk((BN, 8)), blk((BN, F)), blk((BN, 8))]
                 + [full(a) for a in wlist],
        out_specs=[blk((BN, WG)), blk((BN, WG)), blk((BN, F)), blk((BN, 8))],
        out_shape=[jax.ShapeDtypeStruct((N, WG), jnp.float32),
                   jax.ShapeDtypeStruct((N, WG), jnp.float32),
                   jax.ShapeDtypeStruct((N, F), jnp.float32),
                   jax.ShapeDtypeStruct((N, 8), jnp.float32)],
    )(consts, x_src, pos_src8, x_dst, pos_dst8, *wlist)



def _sc_gather(td, ts, col, row):
    eh = col.shape[0]
    per_t = eh // NW
    ch = CH if per_t % (2 * CH) == 0 else CH // 2
    nch = per_t // ch
    mesh = plsc.VectorSubcoreMesh(core_axis_name="c", subcore_axis_name="s",
                                  num_cores=NC, num_subcores=NS)

    @functools.partial(
        pl.kernel, mesh=mesh,
        out_type=[jax.ShapeDtypeStruct((eh, WG), jnp.float32),
                  jax.ShapeDtypeStruct((eh, WG), jnp.float32)],
        scratch_types=[pltpu.VMEM((per_t,), jnp.int32),
                       pltpu.VMEM((per_t,), jnp.int32),
                       pltpu.VMEM((ch, WG), jnp.float32),
                       pltpu.VMEM((ch, WG), jnp.float32),
                       pltpu.VMEM((ch, WG), jnp.float32),
                       pltpu.VMEM((ch, WG), jnp.float32),
                       pltpu.SemaphoreType.DMA,
                       pltpu.SemaphoreType.DMA,
                       pltpu.SemaphoreType.DMA,
                       pltpu.SemaphoreType.DMA,
                       pltpu.SemaphoreType.DMA,
                       pltpu.SemaphoreType.DMA,
                       pltpu.SemaphoreType.DMA,
                       pltpu.SemaphoreType.DMA],
    )
    def gather_k(td_h, ts_h, col_h, row_h, gd_h, gs_h,
                 idx_d, idx_s, rows_d0, rows_s0, rows_d1, rows_s1,
                 sem_d0, sem_s0, sem_d1, sem_s1,
                 wsem_d0, wsem_s0, wsem_d1, wsem_s1):
        wid = lax.axis_index("s") * NC + lax.axis_index("c")
        base = wid * per_t

        pltpu.sync_copy(col_h.at[pl.ds(base, per_t)], idx_d)
        pltpu.sync_copy(row_h.at[pl.ds(base, per_t)], idx_s)

        def drain(j2):
            off = base + (2 * j2 - 2) * ch
            pltpu.make_async_copy(rows_d0, gd_h.at[pl.ds(off, ch)], wsem_d0).wait()
            pltpu.make_async_copy(rows_s0, gs_h.at[pl.ds(off, ch)], wsem_s0).wait()
            off1 = off + CH
            pltpu.make_async_copy(rows_d1, gd_h.at[pl.ds(off1, ch)], wsem_d1).wait()
            pltpu.make_async_copy(rows_s1, gs_h.at[pl.ds(off1, ch)], wsem_s1).wait()

        def pair(j2, _):
            @pl.when(j2 > 0)
            def _():
                drain(j2)

            j0 = 2 * j2
            j1 = j0 + 1
            off0 = base + j0 * ch
            off1 = base + j1 * ch
            g0d = pltpu.async_copy(
                td_h.at[idx_d.at[pl.ds(j0 * ch, ch)]], rows_d0, sem_d0)
            g0s = pltpu.async_copy(
                ts_h.at[idx_s.at[pl.ds(j0 * ch, ch)]], rows_s0, sem_s0)
            g1d = pltpu.async_copy(
                td_h.at[idx_d.at[pl.ds(j1 * ch, ch)]], rows_d1, sem_d1)
            g1s = pltpu.async_copy(
                ts_h.at[idx_s.at[pl.ds(j1 * ch, ch)]], rows_s1, sem_s1)
            g0d.wait()
            pltpu.async_copy(rows_d0, gd_h.at[pl.ds(off0, ch)], wsem_d0)
            g0s.wait()
            pltpu.async_copy(rows_s0, gs_h.at[pl.ds(off0, ch)], wsem_s0)
            g1d.wait()
            pltpu.async_copy(rows_d1, gd_h.at[pl.ds(off1, ch)], wsem_d1)
            g1s.wait()
            pltpu.async_copy(rows_s1, gs_h.at[pl.ds(off1, ch)], wsem_s1)
            return 0

        lax.fori_loop(0, nch // 2, pair, 0)
        drain(nch // 2)

        j = nch - 1
        off = base + j * ch
        gd_t = pltpu.async_copy(
            td_h.at[idx_d.at[pl.ds(j * ch, ch)]], rows_d0, sem_d0)
        gs_t = pltpu.async_copy(
            ts_h.at[idx_s.at[pl.ds(j * ch, ch)]], rows_s0, sem_s0)
        gd_t.wait()
        pltpu.sync_copy(rows_d0, gd_h.at[pl.ds(off, ch)])
        gs_t.wait()
        pltpu.sync_copy(rows_s0, gs_h.at[pl.ds(off, ch)])

    return gather_k(td, ts, col, row)



def _edge_body(consts, gd_ref, gs_ref, ea_ref,
               Wsm, Wea, wev, be, gew, Wt, bt, we2n, wn2e,
               Wo, wov, bo, gow, m_ref, mv_ref):
    (elvw, elvb, el2w, el2b, geb, vn_e, vexw, evnw, be2n, bn2e,
     olvw, olvb, ol2w, ol2b, gob) = (consts[k] for k in range(15))

    pd = gd_ref[:, F + 3:F + 6]
    ps = gs_ref[:, F + 3:F + 6]
    ev = ps - pd
    d2 = _sum3(ev * ev)
    ed = jnp.sqrt(d2 + 1e-12)

    off = (lax.broadcasted_iota(jnp.int32, (1, EDGE_DIM), 1).astype(jnp.float32)
           * (CUTOFF / (EDGE_DIM - 1)))
    dd = ed - off
    sm = jnp.exp((-0.5 * (EDGE_DIM - 1) * (EDGE_DIM - 1) / (CUTOFF * CUTOFF)) * dd * dd)

    e_vec = ev * ((1.0 / (ed + 1e-7)) * vexw)

    vi_e = elvw * e_vec + elvb
    vne = jnp.sqrt(_sum3(vi_e * vi_e) + 1e-12)
    es0 = (jnp.dot(sm, Wsm[...], preferred_element_type=jnp.float32)
           + jnp.dot(ea_ref[...], Wea[...], preferred_element_type=jnp.float32)
           + vne * wev[...] + be[...])
    gate_e = jax.nn.sigmoid(
        jnp.dot(es0, gew[...], preferred_element_type=jnp.float32) + geb)
    ve = gate_e * (el2w * vi_e + el2b)
    es = _leaky(es0)
    evg = _vn_leaky(vn_e, ve)

    t = jnp.dot(es, Wt[...], preferred_element_type=jnp.float32) + bt[...]
    c1 = jnp.dot(es, we2n[...], preferred_element_type=jnp.float32) + be2n
    ev2 = evnw * evg

    u = d2 * ((math.pi / CUTOFF) ** 2)
    fact = [1.0]
    for k in range(1, 13):
        fact.append(fact[-1] * (2 * k - 1) * (2 * k))
    poly = ((-1.0) ** 12) / fact[12]
    for k in range(11, -1, -1):
        poly = poly * u + ((-1.0) ** k) / fact[k]
    C = 0.5 * (1.0 + poly)
    C = C * (ed <= CUTOFF).astype(jnp.float32) * (ed >= 0.0).astype(jnp.float32)

    def msg(ns, nv):
        y_sca = ns * t
        c2 = jnp.dot(ns, wn2e[...], preferred_element_type=jnp.float32) + bn2e
        y_v = c1 * nv + c2 * ev2
        vi = olvw * y_v + olvb
        vno = jnp.sqrt(_sum3(vi * vi) + 1e-12)
        os_ = (jnp.dot(y_sca, Wo[...], preferred_element_type=jnp.float32)
               + vno * wov[...] + bo[...])
        gate = jax.nn.sigmoid(
            jnp.dot(os_, gow[...], preferred_element_type=jnp.float32) + gob)
        ov = gate * (ol2w * vi + ol2b)
        return os_ * C, ov * C

    os1, ov1 = msg(gd_ref[:, 0:F], gd_ref[:, F:F + 3])
    os2, ov2 = msg(gs_ref[:, 0:F], gs_ref[:, F:F + 3])
    m_ref[...] = _elu((os1 + os2) * 0.5)
    mv_ref[:, 0:3] = _elu((ov1 + ov2) * 0.5)
    mv_ref[:, 3:F] = jnp.zeros((BE, F - 3), jnp.float32)


def _edge_stage(gd, gs, ea, consts, wlist):
    full = lambda a: pl.BlockSpec(a.shape, lambda i: (0,) * a.ndim)
    blk = lambda s: pl.BlockSpec(s, lambda i: (i,) + (0,) * (len(s) - 1))
    return pl.pallas_call(
        _edge_body,
        grid=(gd.shape[0] // BE,),
        in_specs=[pl.BlockSpec(memory_space=pltpu.SMEM),
                  blk((BE, WG)), blk((BE, WG)), blk((BE, EDGE_DIM))]
                 + [full(a) for a in wlist],
        out_specs=[blk((BE, F)), blk((BE, F))],
        out_shape=[jax.ShapeDtypeStruct((gd.shape[0], F), jnp.float32),
                   jax.ShapeDtypeStruct((gd.shape[0], F), jnp.float32)],
    )(consts, gd, gs, ea, *wlist)



def _sc_scatter(m1, m2, mv1, mv2, row):
    mesh = plsc.VectorSubcoreMesh(core_axis_name="c", subcore_axis_name="s",
                                  num_cores=NC, num_subcores=NS)

    HTOT = (E // 2) // SCH
    HTPS = HTOT // 8
    HEXT = HTOT - 8 * HTPS

    @functools.partial(
        pl.kernel, mesh=mesh,
        out_type=jax.ShapeDtypeStruct((NC, N, F), jnp.float32),
        scratch_types=[pltpu.VMEM((SCH,), jnp.int32),
                       pltpu.VMEM((SCH,), jnp.int32),
                       pltpu.VMEM((SCH, F), jnp.float32),
                       pltpu.VMEM((SCH, F), jnp.float32),
                       pltpu.VMEM((8, F), jnp.float32),
                       pltpu.VMEM_SHARED((N, F), jnp.float32),
                       pltpu.SemaphoreType.DMA,
                       pltpu.SemaphoreType.DMA],
    )
    def scatter_k(m1_h, m2_h, mv1_h, mv2_h, row_h, p_h,
                  idx_v0, idx_v1, mbuf0, mbuf1, zbuf, acc, sml0, sml1):
        c = lax.axis_index("c")
        s = lax.axis_index("s")

        zv16 = jnp.zeros((16,), jnp.float32)

        def zrow(i, _):
            for k in range(F // 16):
                zbuf[i, pl.ds(16 * k, 16)] = zv16
            return 0

        lax.fori_loop(0, 8, zrow, 0)

        nrc = 78 + jnp.where(s < 2, 1, 0)
        rbase = s * 624 + 8 * jnp.minimum(s, 2)

        def za(j, _):
            pltpu.sync_copy(zbuf, acc.at[pl.ds(rbase + 8 * j, 8)])
            return 0

        lax.fori_loop(0, nrc, za, 0)
        plsc.subcore_barrier()

        s8 = lax.rem(s, 8)
        nch = HTPS + jnp.where(s8 < HEXT, 1, 0)
        cbase = s8 * HTPS + jnp.minimum(s8, HEXT)
        npairs = (nch + 1) // 2

        def mkloop(src_ref, ebase):
            def pair(j2, _):
                j0 = 2 * j2
                j1 = j0 + 1
                j1c = jnp.minimum(j1, nch - 1)
                off0 = (cbase + j0) * SCH
                off1 = (cbase + j1c) * SCH
                l0 = pltpu.async_copy(src_ref.at[pl.ds(off0, SCH)], mbuf0, sml0)
                l1 = pltpu.async_copy(src_ref.at[pl.ds(off1, SCH)], mbuf1, sml1)
                pltpu.sync_copy(row_h.at[pl.ds(ebase + off0, SCH)], idx_v0)
                pltpu.sync_copy(row_h.at[pl.ds(ebase + off1, SCH)], idx_v1)
                l0.wait()
                pltpu.sync_copy(mbuf0, acc.at[idx_v0], add=True)
                l1.wait()

                @pl.when(j1 < nch)
                def _():
                    pltpu.sync_copy(mbuf1, acc.at[idx_v1], add=True)

                return 0
            return pair

        @pl.when(jnp.logical_and(c == 0, s < 8))
        def _():
            lax.fori_loop(0, npairs, mkloop(m1_h, 0), 0)

        @pl.when(jnp.logical_and(c == 0, s >= 8))
        def _():
            lax.fori_loop(0, npairs, mkloop(m2_h, E // 2), 0)

        @pl.when(jnp.logical_and(c == 1, s < 8))
        def _():
            lax.fori_loop(0, npairs, mkloop(mv1_h, 0), 0)

        @pl.when(jnp.logical_and(c == 1, s >= 8))
        def _():
            lax.fori_loop(0, npairs, mkloop(mv2_h, E // 2), 0)

        plsc.subcore_barrier()

        def wb(j, _):
            r = rbase + 8 * j
            pltpu.sync_copy(acc.at[pl.ds(r, 8)], zbuf)
            pltpu.sync_copy(zbuf, p_h.at[c, pl.ds(r, 8)])
            return 0

        lax.fori_loop(0, nrc, wb, 0)

    return scatter_k(m1, m2, mv1, mv2, row)



def _post_body(consts, p_ref, cs_ref, cv_ref,
               lng, lnb, lvg, lvb_, tWs, twv, tb, tg, out_s_ref, out_v_ref):
    tlvw, tlvb, tl2w, tl2b, tgb, actw = (consts[k] for k in range(6))
    s = cs_ref[...] + p_ref[0, :, :]
    v = cv_ref[:, 0:3] + p_ref[1, :, 0:3]
    m = jnp.mean(s, axis=1, keepdims=True)
    va = jnp.mean((s - m) * (s - m), axis=1, keepdims=True)
    s = (s - m) / jnp.sqrt(va + 1e-5) * lng[...] + lnb[...]
    mv = jnp.mean(v, axis=1, keepdims=True)
    vv = jnp.mean((v - mv) * (v - mv), axis=1, keepdims=True)
    v = (v - mv) / jnp.sqrt(vv + 1e-5) * lvg[:, 0:3] + lvb_[:, 0:3]
    s = _leaky(s)
    v = _vn_leaky(actw, v)
    so, vo = _gvl(s, v, tWs, twv, tb, tg, (tlvw, tlvb, tl2w, tl2b, tgb))
    out_s_ref[...] = so
    out_v_ref[:, 0:3] = vo
    out_v_ref[:, 3:8] = jnp.zeros((BN, 5), jnp.float32)


def _node_post(p, cs, cv8, consts, wlist):
    full = lambda a: pl.BlockSpec(a.shape, lambda i: (0,) * a.ndim)
    blk = lambda s: pl.BlockSpec(s, lambda i: (i,) + (0,) * (len(s) - 1))
    return pl.pallas_call(
        _post_body,
        grid=(N // BN,),
        in_specs=[pl.BlockSpec(memory_space=pltpu.SMEM),
                  pl.BlockSpec((NC, BN, F), lambda i: (0, i, 0)),
                  blk((BN, F)), blk((BN, 8))]
                 + [full(a) for a in wlist],
        out_specs=[blk((BN, F)), blk((BN, 8))],
        out_shape=[jax.ShapeDtypeStruct((N, F), jnp.float32),
                   jax.ShapeDtypeStruct((N, 8), jnp.float32)],
    )(consts, p, cs, cv8, *wlist)



def kernel(x_src, pos_src, x_dst, pos_dst, edge_index, edge_attr, params):
    f32 = jnp.float32
    row = edge_index[0]
    col = edge_index[1]
    pos_src8 = jnp.pad(pos_src.astype(f32), ((0, 0), (0, 5)))
    pos_dst8 = jnp.pad(pos_dst.astype(f32), ((0, 0), (0, 5)))

    p1s, p1d = params['per1_src'], params['per1_dst']
    msg1 = params['msg1']
    c1 = jnp.stack(
        _gvl_consts(p1s['gv']) + _gvl_consts(p1d['gv'])
        + [p1s['vn_dir'][0, 0], p1d['vn_dir'][0, 0]]
        + _gvl_consts(msg1['node_gv']) + _gvl_consts(params['centroid']))
    w1 = (list(_pack_gvl(p1s['gv'], F)) + list(_pack_gvl(p1d['gv'], F))
          + list(_pack_gvl(msg1['node_gv'], F)) + list(_pack_gvl(params['centroid'], F)))
    ts, td, cs, cv8 = _node_pre(x_src, pos_src8, x_dst, pos_dst8, c1, w1)

    h = E // 2
    gd1, gs1 = _sc_gather(td, ts, col[:h], row[:h])
    gd2, gs2 = _sc_gather(td, ts, col[h:], row[h:])

    eg = msg1['edge_gvp']
    egWs, egwv, egb, egg = _pack_gvl(eg['gv'], 2 * EDGE_DIM)
    ec = _gvl_consts(eg['gv'])
    oWs, owv, ob, og = _pack_gvl(msg1['out_gv'], F)
    oc = _gvl_consts(msg1['out_gv'])
    c3 = jnp.stack(ec + [eg['vn_dir'][0, 0], params['vec_exp_w'][0, 0],
                         msg1['edge_vn']['w'][0, 0], msg1['e2n']['b'][0],
                         msg1['n2e']['b'][0]] + oc)
    w3 = [egWs[:EDGE_DIM], egWs[EDGE_DIM:], egwv, egb, egg,
          jnp.transpose(msg1['sca_linear']['w']), msg1['sca_linear']['b'][None, :],
          jnp.transpose(msg1['e2n']['w']), jnp.transpose(msg1['n2e']['w']),
          oWs, owv, ob, og]
    m1, mv1 = _edge_stage(gd1, gs1, edge_attr[:h].astype(f32), c3, w3)
    m2, mv2 = _edge_stage(gd2, gs2, edge_attr[h:].astype(f32), c3, w3)

    p = _sc_scatter(m1, m2, mv1, mv2, row)

    ot = params['out_transform']
    c5 = jnp.stack(_gvl_consts(ot) + [params['act_vec_w'][0, 0]])
    w5 = [params['ln_sca']['g'][None, :], params['ln_sca']['b'][None, :],
          jnp.pad(params['ln_vec']['g'], ((0, 0), (0, 5))),
          jnp.pad(params['ln_vec']['b'], ((0, 0), (0, 5)))] + list(_pack_gvl(ot, F))
    out_s, out_v8 = _node_post(p, cs, cv8, c5, w5)

    return out_s, out_v8[:, :3].reshape(N, 1, 3)

# --- scband reference (transcript-rebuilt; emitter-appended) ---
"""Pipeline reference for scband-gate-gruconv-inter-mol-55516747268875 (READ-ONLY COPY).

The authoritative reference and input builder live on the scoring server;
editing this copy changes nothing except your own understanding.
"""

import jax, jax.numpy as jnp
import numpy as np
import math

N_SRC = 10000
N_DST = 10000
E = 320000
IN_SRC = 128
IN_DST = 128
OUT = 128
EDGE_DIM = 16
DIM_HID = 1
CUTOFF = 10.0
EPS = 1e-6

def _lin(key, out_f, in_f, bias=True):
    k1, k2 = jax.random.split(key)
    s = 1.0 / math.sqrt(in_f)
    w = jax.random.uniform(k1, (out_f, in_f), minval=-s, maxval=s, dtype=jnp.float32)
    b = jax.random.uniform(k2, (out_f,), minval=-s, maxval=s, dtype=jnp.float32) if bias else jnp.zeros((out_f,), jnp.float32)
    return {'w': w, 'b': b}

def _gvlinear(key, in_s, in_v, out_s, out_v):
    dh = max(in_v, out_v)
    ks = jax.random.split(key, 4)
    return {'lin_vector': _lin(ks[0], dh, in_v), 'lin_vector2': _lin(ks[1], out_v, dh), 'lin_scalar': _lin(ks[2], out_s, in_s + dh), 'gates': _lin(ks[3], out_v, out_s)}

def _gvp(key, in_s, in_v, out_s, out_v):
    k1, k2 = jax.random.split(key)
    return {'gv': _gvlinear(k1, in_s, in_v, out_s, out_v), 'vn_dir': jax.random.uniform(k2, (out_v, out_v), minval=-1.0, maxval=1.0, dtype=jnp.float32) / math.sqrt(out_v)}

def _msg(key, node_sca, node_vec, edge_sca, edge_vec, out_sca, out_vec):
    ks = jax.random.split(key, 7)
    return {'node_gv': _gvlinear(ks[0], node_sca, node_vec, out_sca, out_vec), 'edge_gvp': _gvp(ks[1], edge_sca, edge_vec, edge_sca, edge_vec), 'sca_linear': _lin(ks[2], out_sca, edge_sca), 'e2n': _lin(ks[3], out_vec, edge_sca), 'n2e': _lin(ks[4], out_vec, out_sca), 'edge_vn': _lin(ks[5], out_vec, edge_vec, bias=False), 'out_gv': _gvlinear(ks[6], out_sca, out_vec, out_sca, out_vec)}

def _make_params(key):
    ks = jax.random.split(key, 9)
    return {'per1_src': _gvp(ks[0], IN_SRC, DIM_HID, OUT, DIM_HID), 'per1_dst': _gvp(ks[1], IN_DST, DIM_HID, OUT, DIM_HID), 'msg1': _msg(ks[2], OUT, DIM_HID, 2 * EDGE_DIM, DIM_HID, OUT, DIM_HID), 'centroid': _gvlinear(ks[3], OUT, DIM_HID, OUT, DIM_HID), 'out_transform': _gvlinear(ks[4], OUT, DIM_HID, OUT, DIM_HID), 'vec_exp_w': jax.random.uniform(ks[5], (DIM_HID, 1), minval=-1.0, maxval=1.0, dtype=jnp.float32), 'act_vec_w': jax.random.uniform(ks[6], (DIM_HID, DIM_HID), minval=-1.0, maxval=1.0, dtype=jnp.float32), 'ln_sca': {'g': jnp.ones((OUT,), jnp.float32), 'b': jnp.zeros((OUT,), jnp.float32)}, 'ln_vec': {'g': jnp.ones((DIM_HID, 3), jnp.float32), 'b': jnp.zeros((DIM_HID, 3), jnp.float32)}}

def gvlinear_apply(p, sca, vec):
    vi = jnp.einsum('oi,nid->nod', p['lin_vector']['w'], vec) + p['lin_vector']['b'][None, :, None]
    vnorm = jnp.sqrt(jnp.sum(vi * vi, axis=-1) + 1e-12)
    sca_out = jnp.concatenate([sca, vnorm], axis=-1) @ p['lin_scalar']['w'].T + p['lin_scalar']['b']
    vec_out = jnp.einsum('oi,nid->nod', p['lin_vector2']['w'], vi) + p['lin_vector2']['b'][None, :, None]
    gate = jax.nn.sigmoid(sca_out @ p['gates']['w'].T + p['gates']['b'])[..., None]
    return sca_out, gate * vec_out

def vn_leaky_relu(w, x, neg=0.01):
    d = jnp.einsum('oi,nid->nod', w, x)
    dot = jnp.sum(x * d, axis=-1, keepdims=True)
    mask = (dot >= 0).astype(x.dtype)
    dsq = jnp.sum(d * d, axis=-1, keepdims=True)
    return neg * x + (1.0 - neg) * (mask * x + (1.0 - mask) * (x - (dot / (dsq + EPS)) * d))

def gvp_apply(p, sca, vec):
    s, v = gvlinear_apply(p['gv'], sca, vec)
    return jax.nn.leaky_relu(s, 0.01), vn_leaky_relu(p['vn_dir'], v)

def gaussian_smearing(dist):
    offset = jnp.linspace(0.0, CUTOFF, EDGE_DIM)
    coeff = -0.5 / (offset[1] - offset[0]) ** 2
    d = dist[:, None] - offset[None, :]
    return jnp.exp(coeff * d * d)

def edge_expansion(w, ev):
    evn = ev / (jnp.sqrt(jnp.sum(ev * ev, axis=1, keepdims=True) + 1e-12) + 1e-7)
    return jnp.einsum('eji,ci->ecj', evn[..., None], w)

def message_apply(p, node_sca, node_vec, edge_sca, edge_vec, idx, dist):
    ns, nv = gvlinear_apply(p['node_gv'], node_sca, node_vec)
    ns = ns[idx]
    nv = nv[idx]
    es, ev = gvp_apply(p['edge_gvp'], edge_sca, edge_vec)
    y_sca = ns * (es @ p['sca_linear']['w'].T + p['sca_linear']['b'])
    y_nv = (es @ p['e2n']['w'].T + p['e2n']['b'])[..., None] * nv
    ev2 = jnp.einsum('oi,nid->nod', p['edge_vn']['w'], ev)
    y_ev = (ns @ p['n2e']['w'].T + p['n2e']['b'])[..., None] * ev2
    os_, ov = gvlinear_apply(p['out_gv'], y_sca, y_nv + y_ev)
    C = 0.5 * (jnp.cos(dist * jnp.pi / CUTOFF) + 1.0)
    C = C * (dist <= CUTOFF).astype(os_.dtype) * (dist >= 0.0).astype(os_.dtype)
    return os_ * C[:, None], ov * C[:, None, None]

def _forward(x_src, pos_src, x_dst, pos_dst, edge_attr, params, edge_index):
    ps3 = pos_src[:, :3].reshape(-1, 1, 3)
    pd3 = pos_dst[:, :3].reshape(-1, 1, 3)
    xs, psv = gvp_apply(params['per1_src'], x_src, ps3)
    xd, pdv = gvp_apply(params['per1_dst'], x_dst, pd3)
    row, col = edge_index[0], edge_index[1]
    ev = (ps3[row] - pd3[col]).reshape(-1, 3)
    ed = jnp.sqrt(jnp.sum(ev * ev, axis=-1) + 1e-12)
    e_sca = jnp.concatenate([gaussian_smearing(ed), edge_attr], axis=-1)
    e_vec = edge_expansion(params['vec_exp_w'], ev)
    m1s, m1v = message_apply(params['msg1'], xd, pdv, e_sca, e_vec, col, ed)
    m2s, m2v = message_apply(params['msg1'], xs, psv, e_sca, e_vec, row, ed)
    ms = jax.nn.elu((m1s + m2s) * 0.5)
    mv = jax.nn.elu((m1v + m2v) * 0.5)
    aggr_s = jax.ops.segment_sum(ms, row, num_segments=N_SRC)
    aggr_v = jax.ops.segment_sum(mv, row, num_segments=N_SRC)
    cs, cv = gvlinear_apply(params['centroid'], xs, psv)
    out_s = cs + aggr_s
    out_v = cv + aggr_v
    m = jnp.mean(out_s, axis=-1, keepdims=True)
    va = jnp.var(out_s, axis=-1, keepdims=True)
    out_s = (out_s - m) / jnp.sqrt(va + 1e-5) * params['ln_sca']['g'] + params['ln_sca']['b']
    mv2 = jnp.mean(out_v, axis=(-2, -1), keepdims=True)
    vv2 = jnp.var(out_v, axis=(-2, -1), keepdims=True)
    out_v = (out_v - mv2) / jnp.sqrt(vv2 + 1e-5) * params['ln_vec']['g'] + params['ln_vec']['b']
    out_s = jax.nn.leaky_relu(out_s, 0.01)
    out_v = vn_leaky_relu(params['act_vec_w'], out_v)
    return gvlinear_apply(params['out_transform'], out_s, out_v)

def setup_inputs(seed: int = 0):
    key = jax.random.key(seed)
    ks = jax.random.split(key, 7)
    return {'x_src': jax.random.normal(ks[0], (N_SRC, IN_SRC), dtype=jnp.float32), 'pos_src': jax.random.normal(ks[1], (N_SRC, 3), dtype=jnp.float32), 'x_dst': jax.random.normal(ks[2], (N_DST, IN_DST), dtype=jnp.float32), 'pos_dst': jax.random.normal(ks[3], (N_DST, 3), dtype=jnp.float32), 'edge_index': jax.random.randint(ks[4], (2, E), 0, N_SRC, dtype=jnp.int32), 'edge_attr': jax.random.uniform(ks[5], (E, EDGE_DIM), dtype=jnp.float32), 'params': _make_params(ks[6])}

def reference(x_src, pos_src, x_dst, pos_dst, edge_index, edge_attr, params):
    return _forward(x_src, pos_src, x_dst, pos_dst, edge_attr, params, edge_index)

if __name__ == "__main__":
    import jax
    _d = setup_inputs()
    print(jax.jit(kernel)(*tuple(_d.values())))

</pallas_src>

<mosaic_0001>
#map = affine_map<(d0, d1) -> (0, 0)>
#map1 = affine_map<(d0, d1) -> (0)>
module attributes {stable_mosaic.version = 14 : i64} {
  func.func @gather_k(%arg0: i32, %arg1: i32, %arg2: memref<10000x256xf32, #tpu.memory_space<hbm>>, %arg3: memref<10000x256xf32, #tpu.memory_space<hbm>>, %arg4: memref<160000xi32, #tpu.memory_space<hbm>>, %arg5: memref<160000xi32, #tpu.memory_space<hbm>>, %arg6: memref<160000x256xf32, #tpu.memory_space<hbm>>, %arg7: memref<160000x256xf32, #tpu.memory_space<hbm>>, %arg8: memref<5000xi32, #tpu.memory_space<vmem>>, %arg9: memref<5000xi32, #tpu.memory_space<vmem>>, %arg10: memref<40x256xf32, #tpu.memory_space<vmem>>, %arg11: memref<40x256xf32, #tpu.memory_space<vmem>>, %arg12: memref<40x256xf32, #tpu.memory_space<vmem>>, %arg13: memref<40x256xf32, #tpu.memory_space<vmem>>, %arg14: memref<!tpu.dma_semaphore, #tpu.memory_space<semaphore_mem>>, %arg15: memref<!tpu.dma_semaphore, #tpu.memory_space<semaphore_mem>>, %arg16: memref<!tpu.dma_semaphore, #tpu.memory_space<semaphore_mem>>, %arg17: memref<!tpu.dma_semaphore, #tpu.memory_space<semaphore_mem>>, %arg18: memref<!tpu.dma_semaphore, #tpu.memory_space<semaphore_mem>>, %arg19: memref<!tpu.dma_semaphore, #tpu.memory_space<semaphore_mem>>, %arg20: memref<!tpu.dma_semaphore, #tpu.memory_space<semaphore_mem>>, %arg21: memref<!tpu.dma_semaphore, #tpu.memory_space<semaphore_mem>>) attributes {dimension_semantics = [#tpu.dimension_semantics<core_parallel>, #tpu.dimension_semantics<subcore_parallel>], iteration_bounds = array<i64: 2, 16>, scalar_prefetch = 0 : i64, scratch_operands = 14 : i64, tpu.core_type = #tpu.core_type<sc_vector_subcore>, window_params = [{transform_indices = #map}, {transform_indices = #map}, {transform_indices = #map1}, {transform_indices = #map1}, {transform_indices = #map}, {transform_indices = #map}]} {
    %mul3A = arith.constant 2 : i32
    %mul3A_0 = arith.muli %arg1, %mul3A : i32
    %add3A = arith.addi %mul3A_0, %arg0 : i32
    %mul3A_1 = arith.constant 5000 : i32
    %mul3A_2 = arith.muli %add3A, %mul3A_1 : i32
    "tpu.region"() ({
      %run_scoped3A = tpu.sem_alloc : memref<!tpu.dma_semaphore, #tpu.memory_space<semaphore_mem>>
      %dma_start3A_49 = tpu.memref_slice %arg4[%mul3A_2] : memref<160000xi32, #tpu.memory_space<hbm>> -> memref<5000xi32, #tpu.memory_space<hbm>>
      %dma_start3A_50 = tpu.memref_slice %arg4[%mul3A_2] : memref<160000xi32, #tpu.memory_space<hbm>> -> memref<5000xi32, #tpu.memory_space<hbm>>
      tpu.enqueue_dma source(%dma_start3A_50 : memref<5000xi32, #tpu.memory_space<hbm>>) target(%arg8 : memref<5000xi32, #tpu.memory_space<vmem>>) target_semaphore(%run_scoped3A : memref<!tpu.dma_semaphore, #tpu.memory_space<semaphore_mem>>)
      %dma_wait3A_51 = tpu.memref_slice %arg4[%mul3A_2] : memref<160000xi32, #tpu.memory_space<hbm>> -> memref<5000xi32, #tpu.memory_space<hbm>>
      %dma_wait3A_52 = tpu.memref_slice %arg4[%mul3A_2] : memref<160000xi32, #tpu.memory_space<hbm>> -> memref<5000xi32, #tpu.memory_space<hbm>>
      tpu.wait_dma2 semaphore(%run_scoped3A : memref<!tpu.dma_semaphore, #tpu.memory_space<semaphore_mem>>) src(%dma_wait3A_52 : memref<5000xi32, #tpu.memory_space<hbm>>) dst(%arg8 : memref<5000xi32, #tpu.memory_space<vmem>>)
      tpu.yield
    }) : () -> ()
    "tpu.region"() ({
      %run_scoped3A = tpu.sem_alloc : memref<!tpu.dma_semaphore, #tpu.memory_space<semaphore_mem>>
      %dma_start3A_49 = tpu.memref_slice %arg5[%mul3A_2] : memref<160000xi32, #tpu.memory_space<hbm>> -> memref<5000xi32, #tpu.memory_space<hbm>>
      %dma_start3A_50 = tpu.memref_slice %arg5[%mul3A_2] : memref<160000xi32, #tpu.memory_space<hbm>> -> memref<5000xi32, #tpu.memory_space<hbm>>
      tpu.enqueue_dma source(%dma_start3A_50 : memref<5000xi32, #tpu.memory_space<hbm>>) target(%arg9 : memref<5000xi32, #tpu.memory_space<vmem>>) target_semaphore(%run_scoped3A : memref<!tpu.dma_semaphore, #tpu.memory_space<semaphore_mem>>)
      %dma_wait3A_51 = tpu.memref_slice %arg5[%mul3A_2] : memref<160000xi32, #tpu.memory_space<hbm>> -> memref<5000xi32, #tpu.memory_space<hbm>>
      %dma_wait3A_52 = tpu.memref_slice %arg5[%mul3A_2] : memref<160000xi32, #tpu.memory_space<hbm>> -> memref<5000xi32, #tpu.memory_space<hbm>>
      tpu.wait_dma2 semaphore(%run_scoped3A : memref<!tpu.dma_semaphore, #tpu.memory_space<semaphore_mem>>) src(%dma_wait3A_52 : memref<5000xi32, #tpu.memory_space<hbm>>) dst(%arg9 : memref<5000xi32, #tpu.memory_space<vmem>>)
      tpu.yield
    }) : () -> ()
    %scan3A = arith.constant 0 : i32
    %scan3A_3 = arith.constant 0 : i32
    %scan3A_4 = arith.constant 62 : i32
    %scan3A_5 = arith.addi %scan3A_3, %scan3A_4 : i32
    %scan3A_6 = arith.constant 1 : i32
    %scan3A_7 = scf.for %scan3A_49 = %scan3A_3 to %scan3A_5 step %scan3A_6 iter_args(%scan3A_50 = %scan3A) -> (i32)  : i32 {
      %gt3A = arith.constant 0 : i32
      %gt3A_51 = arith.cmpi sgt, %scan3A_49, %gt3A : i32
      %convert_element_type3A = arith.extui %gt3A_51 : i1 to i32
      %cond3A = arith.constant 0 : i32
      %cond3A_52 = arith.cmpi ne, %convert_element_type3A, %cond3A : i32
      scf.if %cond3A_52 {
        %mul3A_120 = arith.constant 2 : i32
        %mul3A_121 = arith.muli %mul3A_120, %scan3A_49 : i32
        %sub3A = arith.constant 2 : i32
        %sub3A_122 = arith.subi %mul3A_121, %sub3A : i32
        %mul3A_123 = arith.constant 40 : i32
        %mul3A_124 = arith.muli %sub3A_122, %mul3A_123 : i32
        %add3A_125 = arith.addi %mul3A_2, %mul3A_124 : i32
        %dma_wait3A_126 = arith.constant 0 : i32
        %dma_wait3A_127 = tpu.memref_slice %arg6[%add3A_125, %dma_wait3A_126] : memref<160000x256xf32, #tpu.memory_space<hbm>> -> memref<40x256xf32, #tpu.memory_space<hbm>>
        %dma_wait3A_128 = arith.constant 0 : i32
        %dma_wait3A_129 = tpu.memref_slice %arg6[%add3A_125, %dma_wait3A_128] : memref<160000x256xf32, #tpu.memory_space<hbm>> -> memref<40x256xf32, #tpu.memory_space<hbm>>
        tpu.wait_dma2 semaphore(%arg18 : memref<!tpu.dma_semaphore, #tpu.memory_space<semaphore_mem>>) src(%arg10 : memref<40x256xf32, #tpu.memory_space<vmem>>) dst(%dma_wait3A_129 : memref<40x256xf32, #tpu.memory_space<hbm>>)
        %dma_wait3A_130 = arith.constant 0 : i32
        %dma_wait3A_131 = tpu.memref_slice %arg7[%add3A_125, %dma_wait3A_130] : memref<160000x256xf32, #tpu.memory_space<hbm>> -> memref<40x256xf32, #tpu.memory_space<hbm>>
        %dma_wait3A_132 = arith.constant 0 : i32
        %dma_wait3A_133 = tpu.memref_slice %arg7[%add3A_125, %dma_wait3A_132] : memref<160000x256xf32, #tpu.memory_space<hbm>> -> memref<40x256xf32, #tpu.memory_space<hbm>>
        tpu.wait_dma2 semaphore(%arg19 : memref<!tpu.dma_semaphore, #tpu.memory_space<semaphore_mem>>) src(%arg11 : memref<40x256xf32, #tpu.memory_space<vmem>>) dst(%dma_wait3A_133 : memref<40x256xf32, #tpu.memory_space<hbm>>)
        %add3A_134 = arith.constant 80 : i32
        %add3A_135 = arith.addi %add3A_125, %add3A_134 : i32
        %dma_wait3A_136 = arith.constant 0 : i32
        %dma_wait3A_137 = tpu.memref_slice %arg6[%add3A_135, %dma_wait3A_136] : memref<160000x256xf32, #tpu.memory_space<hbm>> -> memref<40x256xf32, #tpu.memory_space<hbm>>
        %dma_wait3A_138 = arith.constant 0 : i32
        %dma_wait3A_139 = tpu.memref_slice %arg6[%add3A_135, %dma_wait3A_138] : memref<160000x256xf32, #tpu.memory_space<hbm>> -> memref<40x256xf32, #tpu.memory_space<hbm>>
        tpu.wait_dma2 semaphore(%arg20 : memref<!tpu.dma_semaphore, #tpu.memory_space<semaphore_mem>>) src(%arg12 : memref<40x256xf32, #tpu.memory_space<vmem>>) dst(%dma_wait3A_139 : memref<40x256xf32, #tpu.memory_space<hbm>>)
        %dma_wait3A_140 = arith.constant 0 : i32
        %dma_wait3A_141 = tpu.memref_slice %arg7[%add3A_135, %dma_wait3A_140] : memref<160000x256xf32, #tpu.memory_space<hbm>> -> memref<40x256xf32, #tpu.memory_space<hbm>>
        %dma_wait3A_142 = arith.constant 0 : i32
        %dma_wait3A_143 = tpu.memref_slice %arg7[%add3A_135, %dma_wait3A_142] : memref<160000x256xf32, #tpu.memory_space<hbm>> -> memref<40x256xf32, #tpu.memory_space<hbm>>
        tpu.wait_dma2 semaphore(%arg21 : memref<!tpu.dma_semaphore, #tpu.memory_space<semaphore_mem>>) src(%arg13 : memref<40x256xf32, #tpu.memory_space<vmem>>) dst(%dma_wait3A_143 : memref<40x256xf32, #tpu.memory_space<hbm>>)
      } else {
      }
      %mul3A_53 = arith.constant 2 : i32
      %mul3A_54 = arith.muli %mul3A_53, %scan3A_49 : i32
      %add3A_55 = arith.constant 1 : i32
      %add3A_56 = arith.addi %mul3A_54, %add3A_55 : i32
      %mul3A_57 = arith.constant 40 : i32
      %mul3A_58 = arith.muli %mul3A_54, %mul3A_57 : i32
      %add3A_59 = arith.addi %mul3A_2, %mul3A_58 : i32
      %mul3A_60 = arith.constant 40 : i32
      %mul3A_61 = arith.muli %add3A_56, %mul3A_60 : i32
      %add3A_62 = arith.addi %mul3A_2, %mul3A_61 : i32
      %mul3A_63 = arith.constant 40 : i32
      %mul3A_64 = arith.muli %mul3A_54, %mul3A_63 : i32
      %dma_start3A_65 = tpu.memref_slice %arg8[%mul3A_64] : memref<5000xi32, #tpu.memory_space<vmem>> -> memref<40xi32, #tpu.memory_space<vmem>>
      %dma_start3A_66 = arith.constant 0 : i32
      %dma_start3A_67 = arith.constant 0 : i32
      %dma_start3A_68 = tpu.memref_slice %arg2[%dma_start3A_66, %dma_start3A_67] : memref<10000x256xf32, #tpu.memory_space<hbm>> -> memref<10000x256xf32, #tpu.memory_space<hbm>>
      tpu.enqueue_indirect_dma source(%dma_start3A_68 : memref<10000x256xf32, #tpu.memory_space<hbm>>) target(%arg10 : memref<40x256xf32, #tpu.memory_space<vmem>>) offsets(%dma_start3A_65 : memref<40xi32, #tpu.memory_space<vmem>>) semaphore(%arg14 : memref<!tpu.dma_semaphore, #tpu.memory_space<semaphore_mem>>)
      %mul3A_69 = arith.constant 40 : i32
      %mul3A_70 = arith.muli %mul3A_54, %mul3A_69 : i32
      %dma_start3A_71 = tpu.memref_slice %arg9[%mul3A_70] : memref<5000xi32, #tpu.memory_space<vmem>> -> memref<40xi32, #tpu.memory_space<vmem>>
      %dma_start3A_72 = arith.constant 0 : i32
      %dma_start3A_73 = arith.constant 0 : i32
      %dma_start3A_74 = tpu.memref_slice %arg3[%dma_start3A_72, %dma_start3A_73] : memref<10000x256xf32, #tpu.memory_space<hbm>> -> memref<10000x256xf32, #tpu.memory_space<hbm>>
      tpu.enqueue_indirect_dma source(%dma_start3A_74 : memref<10000x256xf32, #tpu.memory_space<hbm>>) target(%arg11 : memref<40x256xf32, #tpu.memory_space<vmem>>) offsets(%dma_start3A_71 : memref<40xi32, #tpu.memory_space<vmem>>) semaphore(%arg15 : memref<!tpu.dma_semaphore, #tpu.memory_space<semaphore_mem>>)
      %mul3A_75 = arith.constant 40 : i32
      %mul3A_76 = arith.muli %add3A_56, %mul3A_75 : i32
      %dma_start3A_77 = tpu.memref_slice %arg8[%mul3A_76] : memref<5000xi32, #tpu.memory_space<vmem>> -> memref<40xi32, #tpu.memory_space<vmem>>
      %dma_start3A_78 = arith.constant 0 : i32
      %dma_start3A_79 = arith.constant 0 : i32
      %dma_start3A_80 = tpu.memref_slice %arg2[%dma_start3A_78, %dma_start3A_79] : memref<10000x256xf32, #tpu.memory_space<hbm>> -> memref<10000x256xf32, #tpu.memory_space<hbm>>
      tpu.enqueue_indirect_dma source(%dma_start3A_80 : memref<10000x256xf32, #tpu.memory_space<hbm>>) target(%arg12 : memref<40x256xf32, #tpu.memory_space<vmem>>) offsets(%dma_start3A_77 : memref<40xi32, #tpu.memory_space<vmem>>) semaphore(%arg16 : memref<!tpu.dma_semaphore, #tpu.memory_space<semaphore_mem>>)
      %mul3A_81 = arith.constant 40 : i32
      %mul3A_82 = arith.muli %add3A_56, %mul3A_81 : i32
      %dma_start3A_83 = tpu.memref_slice %arg9[%mul3A_82] : memref<5000xi32, #tpu.memory_space<vmem>> -> memref<40xi32, #tpu.memory_space<vmem>>
      %dma_start3A_84 = arith.constant 0 : i32
      %dma_start3A_85 = arith.constant 0 : i32
      %dma_start3A_86 = tpu.memref_slice %arg3[%dma_start3A_84, %dma_start3A_85] : memref<10000x256xf32, #tpu.memory_space<hbm>> -> memref<10000x256xf32, #tpu.memory_space<hbm>>
      tpu.enqueue_indirect_dma source(%dma_start3A_86 : memref<10000x256xf32, #tpu.memory_space<hbm>>) target(%arg13 : memref<40x256xf32, #tpu.memory_space<vmem>>) offsets(%dma_start3A_83 : memref<40xi32, #tpu.memory_space<vmem>>) semaphore(%arg17 : memref<!tpu.dma_semaphore, #tpu.memory_space<semaphore_mem>>)
      %dma_wait3A_87 = tpu.memref_slice %arg8[%mul3A_64] : memref<5000xi32, #tpu.memory_space<vmem>> -> memref<40xi32, #tpu.memory_space<vmem>>
      %dma_wait3A_88 = arith.constant 0 : i32
      %dma_wait3A_89 = arith.constant 0 : i32
      %dma_wait3A_90 = tpu.memref_slice %arg2[%dma_wait3A_88, %dma_wait3A_89] : memref<10000x256xf32, #tpu.memory_space<hbm>> -> memref<10000x256xf32, #tpu.memory_space<hbm>>
      tpu.wait_indirect_dma semaphore(%arg14 : memref<!tpu.dma_semaphore, #tpu.memory_space<semaphore_mem>>) src(%dma_wait3A_90 : memref<10000x256xf32, #tpu.memory_space<hbm>>) dst(%arg10 : memref<40x256xf32, #tpu.memory_space<vmem>>)
      %dma_start3A_91 = arith.constant 0 : i32
      %dma_start3A_92 = tpu.memref_slice %arg6[%add3A_59, %dma_start3A_91] : memref<160000x256xf32, #tpu.memory_space<hbm>> -> memref<40x256xf32, #tpu.memory_space<hbm>>
      %dma_start3A_93 = arith.constant 0 : i32
      %dma_start3A_94 = tpu.memref_slice %arg6[%add3A_59, %dma_start3A_93] : memref<160000x256xf32, #tpu.memory_space<hbm>> -> memref<40x256xf32, #tpu.memory_space<hbm>>
      tpu.enqueue_dma source(%arg10 : memref<40x256xf32, #tpu.memory_space<vmem>>) target(%dma_start3A_94 : memref<40x256xf32, #tpu.memory_space<hbm>>) target_semaphore(%arg18 : memref<!tpu.dma_semaphore, #tpu.memory_space<semaphore_mem>>)
      %dma_wait3A_95 = tpu.memref_slice %arg9[%mul3A_70] : memref<5000xi32, #tpu.memory_space<vmem>> -> memref<40xi32, #tpu.memory_space<vmem>>
      %dma_wait3A_96 = arith.constant 0 : i32
      %dma_wait3A_97 = arith.constant 0 : i32
      %dma_wait3A_98 = tpu.memref_slice %arg3[%dma_wait3A_96, %dma_wait3A_97] : memref<10000x256xf32, #tpu.memory_space<hbm>> -> memref<10000x256xf32, #tpu.memory_space<hbm>>
      tpu.wait_indirect_dma semaphore(%arg15 : memref<!tpu.dma_semaphore, #tpu.memory_space<semaphore_mem>>) src(%dma_wait3A_98 : memref<10000x256xf32, #tpu.memory_space<hbm>>) dst(%arg11 : memref<40x256xf32, #tpu.memory_space<vmem>>)
      %dma_start3A_99 = arith.constant 0 : i32
      %dma_start3A_100 = tpu.memref_slice %arg7[%add3A_59, %dma_start3A_99] : memref<160000x256xf32, #tpu.memory_space<hbm>> -> memref<40x256xf32, #tpu.memory_space<hbm>>
      %dma_start3A_101 = arith.constant 0 : i32
      %dma_start3A_102 = tpu.memref_slice %arg7[%add3A_59, %dma_start3A_101] : memref<160000x256xf32, #tpu.memory_space<hbm>> -> memref<40x256xf32, #tpu.memory_space<hbm>>
      tpu.enqueue_dma source(%arg11 : memref<40x256xf32, #tpu.memory_space<vmem>>) target(%dma_start3A_102 : memref<40x256xf32, #tpu.memory_space<hbm>>) target_semaphore(%arg19 : memref<!tpu.dma_semaphore, #tpu.memory_space<semaphore_mem>>)
      %dma_wait3A_103 = tpu.memref_slice %arg8[%mul3A_76] : memref<5000xi32, #tpu.memory_space<vmem>> -> memref<40xi32, #tpu.memory_space<vmem>>
      %dma_wait3A_104 = arith.constant 0 : i32
      %dma_wait3A_105 = arith.constant 0 : i32
      %dma_wait3A_106 = tpu.memref_slice %arg2[%dma_wait3A_104, %dma_wait3A_105] : memref<10000x256xf32, #tpu.memory_space<hbm>> -> memref<10000x256xf32, #tpu.memory_space<hbm>>
      tpu.wait_indirect_dma semaphore(%arg16 : memref<!tpu.dma_semaphore, #tpu.memory_space<semaphore_mem>>) src(%dma_wait3A_106 : memref<10000x256xf32, #tpu.memory_space<hbm>>) dst(%arg12 : memref<40x256xf32, #tpu.memory_space<vmem>>)
      %dma_start3A_107 = arith.constant 0 : i32
      %dma_start3A_108 = tpu.memref_slice %arg6[%add3A_62, %dma_start3A_107] : memref<160000x256xf32, #tpu.memory_space<hbm>> -> memref<40x256xf32, #tpu.memory_space<hbm>>
      %dma_start3A_109 = arith.constant 0 : i32
      %dma_start3A_110 = tpu.memref_slice %arg6[%add3A_62, %dma_start3A_109] : memref<160000x256xf32, #tpu.memory_space<hbm>> -> memref<40x256xf32, #tpu.memory_space<hbm>>
      tpu.enqueue_dma source(%arg12 : memref<40x256xf32, #tpu.memory_space<vmem>>) target(%dma_start3A_110 : memref<40x256xf32, #tpu.memory_space<hbm>>) target_semaphore(%arg20 : memref<!tpu.dma_semaphore, #tpu.memory_space<semaphore_mem>>)
      %dma_wait3A_111 = tpu.memref_slice %arg9[%mul3A_82] : memref<5000xi32, #tpu.memory_space<vmem>> -> memref<40xi32, #tpu.memory_space<vmem>>
      %dma_wait3A_112 = arith.constant 0 : i32
      %dma_wait3A_113 = arith.constant 0 : i32
      %dma_wait3A_114 = tpu.memref_slice %arg3[%dma_wait3A_112, %dma_wait3A_113] : memref<10000x256xf32, #tpu.memory_space<hbm>> -> memref<10000x256xf32, #tpu.memory_space<hbm>>
      tpu.wait_indirect_dma semaphore(%arg17 : memref<!tpu.dma_semaphore, #tpu.memory_space<semaphore_mem>>) src(%dma_wait3A_114 : memref<10000x256xf32, #tpu.memory_space<hbm>>) dst(%arg13 : memref<40x256xf32, #tpu.memory_space<vmem>>)
      %dma_start3A_115 = arith.constant 0 : i32
      %dma_start3A_116 = tpu.memref_slice %arg7[%add3A_62, %dma_start3A_115] : memref<160000x256xf32, #tpu.memory_space<hbm>> -> memref<40x256xf32, #tpu.memory_space<hbm>>
      %dma_start3A_117 = arith.constant 0 : i32
      %dma_start3A_118 = tpu.memref_slice %arg7[%add3A_62, %dma_start3A_117] : memref<160000x256xf32, #tpu.memory_space<hbm>> -> memref<40x256xf32, #tpu.memory_space<hbm>>
      tpu.enqueue_dma source(%arg13 : memref<40x256xf32, #tpu.memory_space<vmem>>) target(%dma_start3A_118 : memref<40x256xf32, #tpu.memory_space<hbm>>) target_semaphore(%arg21 : memref<!tpu.dma_semaphore, #tpu.memory_space<semaphore_mem>>)
      %scan3A_119 = arith.constant 0 : i32
      scf.yield %scan3A_119 : i32
    }
    %scan3A_8 = arith.constant 62 : i32
    %add3A_9 = arith.constant 4880 : i32
    %add3A_10 = arith.addi %mul3A_2, %add3A_9 : i32
    %dma_wait3A = arith.constant 0 : i32
    %dma_wait3A_11 = tpu.memref_slice %arg6[%add3A_10, %dma_wait3A] : memref<160000x256xf32, #tpu.memory_space<hbm>> -> memref<40x256xf32, #tpu.memory_space<hbm>>
    %dma_wait3A_12 = arith.constant 0 : i32
    %dma_wait3A_13 = tpu.memref_slice %arg6[%add3A_10, %dma_wait3A_12] : memref<160000x256xf32, #tpu.memory_space<hbm>> -> memref<40x256xf32, #tpu.memory_space<hbm>>
    tpu.wait_dma2 semaphore(%arg18 : memref<!tpu.dma_semaphore, #tpu.memory_space<semaphore_mem>>) src(%arg10 : memref<40x256xf32, #tpu.memory_space<vmem>>) dst(%dma_wait3A_13 : memref<40x256xf32, #tpu.memory_space<hbm>>)
    %dma_wait3A_14 = arith.constant 0 : i32
    %dma_wait3A_15 = tpu.memref_slice %arg7[%add3A_10, %dma_wait3A_14] : memref<160000x256xf32, #tpu.memory_space<hbm>> -> memref<40x256xf32, #tpu.memory_space<hbm>>
    %dma_wait3A_16 = arith.constant 0 : i32
    %dma_wait3A_17 = tpu.memref_slice %arg7[%add3A_10, %dma_wait3A_16] : memref<160000x256xf32, #tpu.memory_space<hbm>> -> memref<40x256xf32, #tpu.memory_space<hbm>>
    tpu.wait_dma2 semaphore(%arg19 : memref<!tpu.dma_semaphore, #tpu.memory_space<semaphore_mem>>) src(%arg11 : memref<40x256xf32, #tpu.memory_space<vmem>>) dst(%dma_wait3A_17 : memref<40x256xf32, #tpu.memory_space<hbm>>)
    %add3A_18 = arith.constant 80 : i32
    %add3A_19 = arith.addi %add3A_10, %add3A_18 : i32
    %dma_wait3A_20 = arith.constant 0 : i32
    %dma_wait3A_21 = tpu.memref_slice %arg6[%add3A_19, %dma_wait3A_20] : memref<160000x256xf32, #tpu.memory_space<hbm>> -> memref<40x256xf32, #tpu.memory_space<hbm>>
    %dma_wait3A_22 = arith.constant 0 : i32
    %dma_wait3A_23 = tpu.memref_slice %arg6[%add3A_19, %dma_wait3A_22] : memref<160000x256xf32, #tpu.memory_space<hbm>> -> memref<40x256xf32, #tpu.memory_space<hbm>>
    tpu.wait_dma2 semaphore(%arg20 : memref<!tpu.dma_semaphore, #tpu.memory_space<semaphore_mem>>) src(%arg12 : memref<40x256xf32, #tpu.memory_space<vmem>>) dst(%dma_wait3A_23 : memref<40x256xf32, #tpu.memory_space<hbm>>)
    %dma_wait3A_24 = arith.constant 0 : i32
    %dma_wait3A_25 = tpu.memref_slice %arg7[%add3A_19, %dma_wait3A_24] : memref<160000x256xf32, #tpu.memory_space<hbm>> -> memref<40x256xf32, #tpu.memory_space<hbm>>
    %dma_wait3A_26 = arith.constant 0 : i32
    %dma_wait3A_27 = tpu.memref_slice %arg7[%add3A_19, %dma_wait3A_26] : memref<160000x256xf32, #tpu.memory_space<hbm>> -> memref<40x256xf32, #tpu.memory_space<hbm>>
    tpu.wait_dma2 semaphore(%arg21 : memref<!tpu.dma_semaphore, #tpu.memory_space<semaphore_mem>>) src(%arg13 : memref<40x256xf32, #tpu.memory_space<vmem>>) dst(%dma_wait3A_27 : memref<40x256xf32, #tpu.memory_space<hbm>>)
    %add3A_28 = arith.constant 4960 : i32
    %add3A_29 = arith.addi %mul3A_2, %add3A_28 : i32
    %dma_start3A = arith.constant 4960 : i32
    %dma_start3A_30 = tpu.memref_slice %arg8[%dma_start3A] : memref<5000xi32, #tpu.memory_space<vmem>> -> memref<40xi32, #tpu.memory_space<vmem>>
    %dma_start3A_31 = arith.constant 0 : i32
    %dma_start3A_32 = arith.constant 0 : i32
    %dma_start3A_33 = tpu.memref_slice %arg2[%dma_start3A_31, %dma_start3A_32] : memref<10000x256xf32, #tpu.memory_space<hbm>> -> memref<10000x256xf32, #tpu.memory_space<hbm>>
    tpu.enqueue_indirect_dma source(%dma_start3A_33 : memref<10000x256xf32, #tpu.memory_space<hbm>>) target(%arg10 : memref<40x256xf32, #tpu.memory_space<vmem>>) offsets(%dma_start3A_30 : memref<40xi32, #tpu.memory_space<vmem>>) semaphore(%arg14 : memref<!tpu.dma_semaphore, #tpu.memory_space<semaphore_mem>>)
    %dma_start3A_34 = arith.constant 4960 : i32
    %dma_start3A_35 = tpu.memref_slice %arg9[%dma_start3A_34] : memref<5000xi32, #tpu.memory_space<vmem>> -> memref<40xi32, #tpu.memory_space<vmem>>
    %dma_start3A_36 = arith.constant 0 : i32
    %dma_start3A_37 = arith.constant 0 : i32
    %dma_start3A_38 = tpu.memref_slice %arg3[%dma_start3A_36, %dma_start3A_37] : memref<10000x256xf32, #tpu.memory_space<hbm>> -> memref<10000x256xf32, #tpu.memory_space<hbm>>
    tpu.enqueue_indirect_dma source(%dma_start3A_38 : memref<10000x256xf32, #tpu.memory_space<hbm>>) target(%arg11 : memref<40x256xf32, #tpu.memory_space<vmem>>) offsets(%dma_start3A_35 : memref<40xi32, #tpu.memory_space<vmem>>) semaphore(%arg15 : memref<!tpu.dma_semaphore, #tpu.memory_space<semaphore_mem>>)
    %dma_wait3A_39 = arith.constant 4960 : i32
    %dma_wait3A_40 = tpu.memref_slice %arg8[%dma_wait3A_39] : memref<5000xi32, #tpu.memory_space<vmem>> -> memref<40xi32, #tpu.memory_space<vmem>>
    %dma_wait3A_41 = arith.constant 0 : i32
    %dma_wait3A_42 = arith.constant 0 : i32
    %dma_wait3A_43 = tpu.memref_slice %arg2[%dma_wait3A_41, %dma_wait3A_42] : memref<10000x256xf32, #tpu.memory_space<hbm>> -> memref<10000x256xf32, #tpu.memory_space<hbm>>
    tpu.wait_indirect_dma semaphore(%arg14 : memref<!tpu.dma_semaphore, #tpu.memory_space<semaphore_mem>>) src(%dma_wait3A_43 : memref<10000x256xf32, #tpu.memory_space<hbm>>) dst(%arg10 : memref<40x256xf32, #tpu.memory_space<vmem>>)
    "tpu.region"() ({
      %run_scoped3A = tpu.sem_alloc : memref<!tpu.dma_semaphore, #tpu.memory_space<semaphore_mem>>
      %dma_start3A_49 = arith.constant 0 : i32
      %dma_start3A_50 = tpu.memref_slice %arg6[%add3A_29, %dma_start3A_49] : memref<160000x256xf32, #tpu.memory_space<hbm>> -> memref<40x256xf32, #tpu.memory_space<hbm>>
      %dma_start3A_51 = arith.constant 0 : i32
      %dma_start3A_52 = tpu.memref_slice %arg6[%add3A_29, %dma_start3A_51] : memref<160000x256xf32, #tpu.memory_space<hbm>> -> memref<40x256xf32, #tpu.memory_space<hbm>>
      tpu.enqueue_dma source(%arg10 : memref<40x256xf32, #tpu.memory_space<vmem>>) target(%dma_start3A_52 : memref<40x256xf32, #tpu.memory_space<hbm>>) target_semaphore(%run_scoped3A : memref<!tpu.dma_semaphore, #tpu.memory_space<semaphore_mem>>)
      %dma_wait3A_53 = arith.constant 0 : i32
      %dma_wait3A_54 = tpu.memref_slice %arg6[%add3A_29, %dma_wait3A_53] : memref<160000x256xf32, #tpu.memory_space<hbm>> -> memref<40x256xf32, #tpu.memory_space<hbm>>
      %dma_wait3A_55 = arith.constant 0 : i32
      %dma_wait3A_56 = tpu.memref_slice %arg6[%add3A_29, %dma_wait3A_55] : memref<160000x256xf32, #tpu.memory_space<hbm>> -> memref<40x256xf32, #tpu.memory_space<hbm>>
      tpu.wait_dma2 semaphore(%run_scoped3A : memref<!tpu.dma_semaphore, #tpu.memory_space<semaphore_mem>>) src(%arg10 : memref<40x256xf32, #tpu.memory_space<vmem>>) dst(%dma_wait3A_56 : memref<40x256xf32, #tpu.memory_space<hbm>>)
      tpu.yield
    }) : () -> ()
    %dma_wait3A_44 = arith.constant 4960 : i32
    %dma_wait3A_45 = tpu.memref_slice %arg9[%dma_wait3A_44] : memref<5000xi32, #tpu.memory_space<vmem>> -> memref<40xi32, #tpu.memory_space<vmem>>
    %dma_wait3A_46 = arith.constant 0 : i32
    %dma_wait3A_47 = arith.constant 0 : i32
    %dma_wait3A_48 = tpu.memref_slice %arg3[%dma_wait3A_46, %dma_wait3A_47] : memref<10000x256xf32, #tpu.memory_space<hbm>> -> memref<10000x256xf32, #tpu.memory_space<hbm>>
    tpu.wait_indirect_dma semaphore(%arg15 : memref<!tpu.dma_semaphore, #tpu.memory_space<semaphore_mem>>) src(%dma_wait3A_48 : memref<10000x256xf32, #tpu.memory_space<hbm>>) dst(%arg11 : memref<40x256xf32, #tpu.memory_space<vmem>>)
    "tpu.region"() ({
      %run_scoped3A = tpu.sem_alloc : memref<!tpu.dma_semaphore, #tpu.memory_space<semaphore_mem>>
      %dma_start3A_49 = arith.constant 0 : i32
      %dma_start3A_50 = tpu.memref_slice %arg7[%add3A_29, %dma_start3A_49] : memref<160000x256xf32, #tpu.memory_space<hbm>> -> memref<40x256xf32, #tpu.memory_space<hbm>>
      %dma_start3A_51 = arith.constant 0 : i32
      %dma_start3A_52 = tpu.memref_slice %arg7[%add3A_29, %dma_start3A_51] : memref<160000x256xf32, #tpu.memory_space<hbm>> -> memref<40x256xf32, #tpu.memory_space<hbm>>
      tpu.enqueue_dma source(%arg11 : memref<40x256xf32, #tpu.memory_space<vmem>>) target(%dma_start3A_52 : memref<40x256xf32, #tpu.memory_space<hbm>>) target_semaphore(%run_scoped3A : memref<!tpu.dma_semaphore, #tpu.memory_space<semaphore_mem>>)
      %dma_wait3A_53 = arith.constant 0 : i32
      %dma_wait3A_54 = tpu.memref_slice %arg7[%add3A_29, %dma_wait3A_53] : memref<160000x256xf32, #tpu.memory_space<hbm>> -> memref<40x256xf32, #tpu.memory_space<hbm>>
      %dma_wait3A_55 = arith.constant 0 : i32
      %dma_wait3A_56 = tpu.memref_slice %arg7[%add3A_29, %dma_wait3A_55] : memref<160000x256xf32, #tpu.memory_space<hbm>> -> memref<40x256xf32, #tpu.memory_space<hbm>>
      tpu.wait_dma2 semaphore(%run_scoped3A : memref<!tpu.dma_semaphore, #tpu.memory_space<semaphore_mem>>) src(%arg11 : memref<40x256xf32, #tpu.memory_space<vmem>>) dst(%dma_wait3A_56 : memref<40x256xf32, #tpu.memory_space<hbm>>)
      tpu.yield
    }) : () -> ()
    return
  }
}

#map = affine_map<(d0, d1) -> (0, 0)>
#map1 = affine_map<(d0, d1) -> (0)>
#map2 = affine_map<(d0, d1) -> (0, 0, 0)>
module attributes {stable_mosaic.version = 14 : i64} {
  func.func @scatter_k(%arg0: i32, %arg1: i32, %arg2: memref<160000x128xf32, #tpu.memory_space<hbm>>, %arg3: memref<160000x128xf32, #tpu.memory_space<hbm>>, %arg4: memref<160000x128xf32, #tpu.memory_space<hbm>>, %arg5: memref<160000x128xf32, #tpu.memory_space<hbm>>, %arg6: memref<320000xi32, #tpu.memory_space<hbm>>, %arg7: memref<2x10000x128xf32, #tpu.memory_space<hbm>>, %arg8: memref<128xi32, #tpu.memory_space<vmem>>, %arg9: memref<128xi32, #tpu.memory_space<vmem>>, %arg10: memref<128x128xf32, #tpu.memory_space<vmem>>, %arg11: memref<128x128xf32, #tpu.memory_space<vmem>>, %arg12: memref<8x128xf32, #tpu.memory_space<vmem>>, %arg13: memref<10000x128xf32, #tpu.memory_space<vmem_shared>>, %arg14: memref<!tpu.dma_semaphore, #tpu.memory_space<semaphore_mem>>, %arg15: memref<!tpu.dma_semaphore, #tpu.memory_space<semaphore_mem>>) attributes {dimension_semantics = [#tpu.dimension_semantics<core_parallel>, #tpu.dimension_semantics<subcore_parallel>], iteration_bounds = array<i64: 2, 16>, scalar_prefetch = 0 : i64, scratch_operands = 8 : i64, tpu.core_type = #tpu.core_type<sc_vector_subcore>, window_params = [{transform_indices = #map}, {transform_indices = #map}, {transform_indices = #map}, {transform_indices = #map}, {transform_indices = #map1}, {transform_indices = #map2}]} {
    %broadcast_in_dim3A = arith.constant 0.000000e+00 : f32
    %broadcast_in_dim3A_0 = vector.broadcast %broadcast_in_dim3A : f32 to vector<16xf32>
    %scan3A = arith.constant 0 : i32
    %scan3A_1 = arith.constant 0 : i32
    %scan3A_2 = arith.constant 8 : i32
    %scan3A_3 = arith.addi %scan3A_1, %scan3A_2 : i32
    %scan3A_4 = arith.constant 1 : i32
    %scan3A_5 = scf.for %scan3A_101 = %scan3A_1 to %scan3A_3 step %scan3A_4 iter_args(%scan3A_102 = %scan3A) -> (i32)  : i32 {
      %swap3A = arith.index_cast %scan3A_101 : i32 to index
      %swap3A_103 = arith.constant 0 : index
      %swap3A_104 = tpu.vector_load %arg12[%swap3A, %swap3A_103] {strides = array<i32>} : memref<8x128xf32, #tpu.memory_space<vmem>>, vector<1x16xf32>,
      %swap3A_105 = vector.shape_cast %swap3A_104 : vector<1x16xf32> to vector<16xf32>
      %swap3A_106 = vector.shape_cast %broadcast_in_dim3A_0 : vector<16xf32> to vector<1x16xf32>
      tpu.vector_store %arg12[%swap3A, %swap3A_103], %swap3A_106 {strides = array<i32>} : memref<8x128xf32, #tpu.memory_space<vmem>>, vector<1x16xf32>,
      %swap3A_107 = arith.index_cast %scan3A_101 : i32 to index
      %swap3A_108 = arith.constant 16 : index
      %swap3A_109 = tpu.vector_load %arg12[%swap3A_107, %swap3A_108] {strides = array<i32>} : memref<8x128xf32, #tpu.memory_space<vmem>>, vector<1x16xf32>,
      %swap3A_110 = vector.shape_cast %swap3A_109 : vector<1x16xf32> to vector<16xf32>
      %swap3A_111 = vector.shape_cast %broadcast_in_dim3A_0 : vector<16xf32> to vector<1x16xf32>
      tpu.vector_store %arg12[%swap3A_107, %swap3A_108], %swap3A_111 {strides = array<i32>} : memref<8x128xf32, #tpu.memory_space<vmem>>, vector<1x16xf32>,
      %swap3A_112 = arith.index_cast %scan3A_101 : i32 to index
      %swap3A_113 = arith.constant 32 : index
      %swap3A_114 = tpu.vector_load %arg12[%swap3A_112, %swap3A_113] {strides = array<i32>} : memref<8x128xf32, #tpu.memory_space<vmem>>, vector<1x16xf32>,
      %swap3A_115 = vector.shape_cast %swap3A_114 : vector<1x16xf32> to vector<16xf32>
      %swap3A_116 = vector.shape_cast %broadcast_in_dim3A_0 : vector<16xf32> to vector<1x16xf32>
      tpu.vector_store %arg12[%swap3A_112, %swap3A_113], %swap3A_116 {strides = array<i32>} : memref<8x128xf32, #tpu.memory_space<vmem>>, vector<1x16xf32>,
      %swap3A_117 = arith.index_cast %scan3A_101 : i32 to index
      %swap3A_118 = arith.constant 48 : index
      %swap3A_119 = tpu.vector_load %arg12[%swap3A_117, %swap3A_118] {strides = array<i32>} : memref<8x128xf32, #tpu.memory_space<vmem>>, vector<1x16xf32>,
      %swap3A_120 = vector.shape_cast %swap3A_119 : vector<1x16xf32> to vector<16xf32>
      %swap3A_121 = vector.shape_cast %broadcast_in_dim3A_0 : vector<16xf32> to vector<1x16xf32>
      tpu.vector_store %arg12[%swap3A_117, %swap3A_118], %swap3A_121 {strides = array<i32>} : memref<8x128xf32, #tpu.memory_space<vmem>>, vector<1x16xf32>,
      %swap3A_122 = arith.index_cast %scan3A_101 : i32 to index
      %swap3A_123 = arith.constant 64 : index
      %swap3A_124 = tpu.vector_load %arg12[%swap3A_122, %swap3A_123] {strides = array<i32>} : memref<8x128xf32, #tpu.memory_space<vmem>>, vector<1x16xf32>,
      %swap3A_125 = vector.shape_cast %swap3A_124 : vector<1x16xf32> to vector<16xf32>
      %swap3A_126 = vector.shape_cast %broadcast_in_dim3A_0 : vector<16xf32> to vector<1x16xf32>
      tpu.vector_store %arg12[%swap3A_122, %swap3A_123], %swap3A_126 {strides = array<i32>} : memref<8x128xf32, #tpu.memory_space<vmem>>, vector<1x16xf32>,
      %swap3A_127 = arith.index_cast %scan3A_101 : i32 to index
      %swap3A_128 = arith.constant 80 : index
      %swap3A_129 = tpu.vector_load %arg12[%swap3A_127, %swap3A_128] {strides = array<i32>} : memref<8x128xf32, #tpu.memory_space<vmem>>, vector<1x16xf32>,
      %swap3A_130 = vector.shape_cast %swap3A_129 : vector<1x16xf32> to vector<16xf32>
      %swap3A_131 = vector.shape_cast %broadcast_in_dim3A_0 : vector<16xf32> to vector<1x16xf32>
      tpu.vector_store %arg12[%swap3A_127, %swap3A_128], %swap3A_131 {strides = array<i32>} : memref<8x128xf32, #tpu.memory_space<vmem>>, vector<1x16xf32>,
      %swap3A_132 = arith.index_cast %scan3A_101 : i32 to index
      %swap3A_133 = arith.constant 96 : index
      %swap3A_134 = tpu.vector_load %arg12[%swap3A_132, %swap3A_133] {strides = array<i32>} : memref<8x128xf32, #tpu.memory_space<vmem>>, vector<1x16xf32>,
      %swap3A_135 = vector.shape_cast %swap3A_134 : vector<1x16xf32> to vector<16xf32>
      %swap3A_136 = vector.shape_cast %broadcast_in_dim3A_0 : vector<16xf32> to vector<1x16xf32>
      tpu.vector_store %arg12[%swap3A_132, %swap3A_133], %swap3A_136 {strides = array<i32>} : memref<8x128xf32, #tpu.memory_space<vmem>>, vector<1x16xf32>,
      %swap3A_137 = arith.index_cast %scan3A_101 : i32 to index
      %swap3A_138 = arith.constant 112 : index
      %swap3A_139 = tpu.vector_load %arg12[%swap3A_137, %swap3A_138] {strides = array<i32>} : memref<8x128xf32, #tpu.memory_space<vmem>>, vector<1x16xf32>,
      %swap3A_140 = vector.shape_cast %swap3A_139 : vector<1x16xf32> to vector<16xf32>
      %swap3A_141 = vector.shape_cast %broadcast_in_dim3A_0 : vector<16xf32> to vector<1x16xf32>
      tpu.vector_store %arg12[%swap3A_137, %swap3A_138], %swap3A_141 {strides = array<i32>} : memref<8x128xf32, #tpu.memory_space<vmem>>, vector<1x16xf32>,
      %scan3A_142 = arith.constant 0 : i32
      scf.yield %scan3A_142 : i32
    }
    %scan3A_6 = arith.constant 8 : i32
    %lt3A = arith.constant 2 : i32
    %lt3A_7 = arith.cmpi slt, %arg1, %lt3A : i32
    %jit3A = arith.constant 1 : i32
    %jit3A_8 = arith.constant 0 : i32
    %select_n3A = arith.select %lt3A_7, %jit3A, %jit3A_8 : i32
    %add3A = arith.constant 78 : i32
    %add3A_9 = arith.addi %add3A, %select_n3A : i32
    %mul3A = arith.constant 624 : i32
    %mul3A_10 = arith.muli %arg1, %mul3A : i32
    %min3A = arith.constant 2 : i32
    %min3A_11 = arith.minsi %arg1, %min3A : i32
    %mul3A_12 = arith.constant 8 : i32
    %mul3A_13 = arith.muli %mul3A_12, %min3A_11 : i32
    %add3A_14 = arith.addi %mul3A_10, %mul3A_13 : i32
    %while3A = arith.constant 0 : i32
    %while3A_15 = arith.constant 0 : i32
    %while3A_16 = arith.subi %add3A_9, %while3A : i32
    %while3A_17 = arith.addi %while3A, %while3A_16 : i32
    %while3A_18 = arith.constant 1 : i32
    %while3A_19 = arith.divsi %while3A_16, %while3A_18 : i32
    %while3A_20 = arith.muli %while3A_19, %while3A_18 : i32
    %while3A_21 = arith.addi %while3A, %while3A_20 : i32
    %while3A_22 = arith.constant 1 : i32
    %while3A_23 = scf.for %while3A_101 = %while3A to %while3A_21 step %while3A_22 iter_args(%while3A_102 = %while3A_15) -> (i32)  : i32 {
      %mul3A_103 = arith.constant 8 : i32
      %mul3A_104 = arith.muli %mul3A_103, %while3A_101 : i32
      %add3A_105 = arith.addi %add3A_14, %mul3A_104 : i32
      "tpu.region"() ({
        %run_scoped3A = tpu.sem_alloc : memref<!tpu.dma_semaphore, #tpu.memory_space<semaphore_mem>>
        %dma_start3A = arith.constant 0 : i32
        %dma_start3A_107 = tpu.memref_slice %arg13[%add3A_105, %dma_start3A] : memref<10000x128xf32, #tpu.memory_space<vmem_shared>> -> memref<8x128xf32, #tpu.memory_space<vmem_shared>>
        %dma_start3A_108 = arith.constant 0 : i32
        %dma_start3A_109 = tpu.memref_slice %arg13[%add3A_105, %dma_start3A_108] : memref<10000x128xf32, #tpu.memory_space<vmem_shared>> -> memref<8x128xf32, #tpu.memory_space<vmem_shared>>
        tpu.enqueue_dma source(%arg12 : memref<8x128xf32, #tpu.memory_space<vmem>>) target(%dma_start3A_109 : memref<8x128xf32, #tpu.memory_space<vmem_shared>>) target_semaphore(%run_scoped3A : memref<!tpu.dma_semaphore, #tpu.memory_space<semaphore_mem>>)
        %dma_wait3A = arith.constant 0 : i32
        %dma_wait3A_110 = tpu.memref_slice %arg13[%add3A_105, %dma_wait3A] : memref<10000x128xf32, #tpu.memory_space<vmem_shared>> -> memref<8x128xf32, #tpu.memory_space<vmem_shared>>
        %dma_wait3A_111 = arith.constant 0 : i32
        %dma_wait3A_112 = tpu.memref_slice %arg13[%add3A_105, %dma_wait3A_111] : memref<10000x128xf32, #tpu.memory_space<vmem_shared>> -> memref<8x128xf32, #tpu.memory_space<vmem_shared>>
        tpu.wait_dma2 semaphore(%run_scoped3A : memref<!tpu.dma_semaphore, #tpu.memory_space<semaphore_mem>>) src(%arg12 : memref<8x128xf32, #tpu.memory_space<vmem>>) dst(%dma_wait3A_112 : memref<8x128xf32, #tpu.memory_space<vmem_shared>>)
        tpu.yield
      }) : () -> ()
      %while3A_106 = arith.constant 0 : i32
      scf.yield %while3A_106 : i32
    }
    %while3A_24 = arith.constant 1 : i32
    %while3A_25 = scf.for %while3A_101 = %while3A_21 to %while3A_17 step %while3A_24 iter_args(%while3A_102 = %while3A_23) -> (i32)  : i32 {
      %mul3A_103 = arith.constant 8 : i32
      %mul3A_104 = arith.muli %mul3A_103, %while3A_101 : i32
      %add3A_105 = arith.addi %add3A_14, %mul3A_104 : i32
      "tpu.region"() ({
        %run_scoped3A = tpu.sem_alloc : memref<!tpu.dma_semaphore, #tpu.memory_space<semaphore_mem>>
        %dma_start3A = arith.constant 0 : i32
        %dma_start3A_107 = tpu.memref_slice %arg13[%add3A_105, %dma_start3A] : memref<10000x128xf32, #tpu.memory_space<vmem_shared>> -> memref<8x128xf32, #tpu.memory_space<vmem_shared>>
        %dma_start3A_108 = arith.constant 0 : i32
        %dma_start3A_109 = tpu.memref_slice %arg13[%add3A_105, %dma_start3A_108] : memref<10000x128xf32, #tpu.memory_space<vmem_shared>> -> memref<8x128xf32, #tpu.memory_space<vmem_shared>>
        tpu.enqueue_dma source(%arg12 : memref<8x128xf32, #tpu.memory_space<vmem>>) target(%dma_start3A_109 : memref<8x128xf32, #tpu.memory_space<vmem_shared>>) target_semaphore(%run_scoped3A : memref<!tpu.dma_semaphore, #tpu.memory_space<semaphore_mem>>)
        %dma_wait3A = arith.constant 0 : i32
        %dma_wait3A_110 = tpu.memref_slice %arg13[%add3A_105, %dma_wait3A] : memref<10000x128xf32, #tpu.memory_space<vmem_shared>> -> memref<8x128xf32, #tpu.memory_space<vmem_shared>>
        %dma_wait3A_111 = arith.constant 0 : i32
        %dma_wait3A_112 = tpu.memref_slice %arg13[%add3A_105, %dma_wait3A_111] : memref<10000x128xf32, #tpu.memory_space<vmem_shared>> -> memref<8x128xf32, #tpu.memory_space<vmem_shared>>
        tpu.wait_dma2 semaphore(%run_scoped3A : memref<!tpu.dma_semaphore, #tpu.memory_space<semaphore_mem>>) src(%arg12 : memref<8x128xf32, #tpu.memory_space<vmem>>) dst(%dma_wait3A_112 : memref<8x128xf32, #tpu.memory_space<vmem_shared>>)
        tpu.yield
      }) : () -> ()
      %while3A_106 = arith.constant 0 : i32
      scf.yield %while3A_106 : i32
    }
    %barrier3A = arith.constant 0 : index
    tpu.barrier barrier_id(%barrier3A)
    %rem3A = arith.constant 8 : i32
    %rem3A_26 = arith.remsi %arg1, %rem3A : i32
    %lt3A_27 = arith.constant 2 : i32
    %lt3A_28 = arith.cmpi slt, %rem3A_26, %lt3A_27 : i32
    %jit3A_29 = arith.constant 1 : i32
    %jit3A_30 = arith.constant 0 : i32
    %select_n3A_31 = arith.select %lt3A_28, %jit3A_29, %jit3A_30 : i32
    %add3A_32 = arith.constant 156 : i32
    %add3A_33 = arith.addi %add3A_32, %select_n3A_31 : i32
    %mul3A_34 = arith.constant 156 : i32
    %mul3A_35 = arith.muli %rem3A_26, %mul3A_34 : i32
    %min3A_36 = arith.constant 2 : i32
    %min3A_37 = arith.minsi %rem3A_26, %min3A_36 : i32
    %add3A_38 = arith.addi %mul3A_35, %min3A_37 : i32
    %add3A_39 = arith.constant 1 : i32
    %add3A_40 = arith.addi %add3A_33, %add3A_39 : i32
    %jit3A_41 = arith.constant 2 : i32
    %div3A = arith.divsi %add3A_40, %jit3A_41 : i32
    %sign3A = arith.constant 0 : i32
    %sign3A_42 = arith.cmpi sgt, %add3A_40, %sign3A : i32
    %sign3A_43 = arith.extui %sign3A_42 : i1 to i32
    %sign3A_44 = arith.constant 0 : i32
    %sign3A_45 = arith.cmpi slt, %add3A_40, %sign3A_44 : i32
    %sign3A_46 = arith.extui %sign3A_45 : i1 to i32
    %sign3A_47 = arith.subi %sign3A_43, %sign3A_46 : i32
    %sign3A_48 = arith.constant 0 : i32
    %sign3A_49 = arith.cmpi sgt, %jit3A_41, %sign3A_48 : i32
    %sign3A_50 = arith.extui %sign3A_49 : i1 to i32
    %sign3A_51 = arith.constant 0 : i32
    %sign3A_52 = arith.cmpi slt, %jit3A_41, %sign3A_51 : i32
    %sign3A_53 = arith.extui %sign3A_52 : i1 to i32
    %sign3A_54 = arith.subi %sign3A_50, %sign3A_53 : i32
    %ne3A = arith.cmpi ne, %sign3A_47, %sign3A_54 : i32
    %rem3A_55 = arith.remsi %add3A_40, %jit3A_41 : i32
    %ne3A_56 = arith.constant 0 : i32
    %ne3A_57 = arith.cmpi ne, %rem3A_55, %ne3A_56 : i32
    %and3A = arith.andi %ne3A, %ne3A_57 : i1
    %sub3A = arith.constant 1 : i32
    %sub3A_58 = arith.subi %div3A, %sub3A : i32
    %select_n3A_59 = arith.select %and3A, %sub3A_58, %div3A : i32
    %eq3A = arith.constant 0 : i32
    %eq3A_60 = arith.cmpi eq, %arg0, %eq3A : i32
    %lt3A_61 = arith.constant 8 : i32
    %lt3A_62 = arith.cmpi slt, %arg1, %lt3A_61 : i32
    %and3A_63 = arith.andi %eq3A_60, %lt3A_62 : i1
    %convert_element_type3A = arith.extui %and3A_63 : i1 to i32
    %cond3A = arith.constant 0 : i32
    %cond3A_64 = arith.cmpi ne, %convert_element_type3A, %cond3A : i32
    scf.if %cond3A_64 {
      %while3A_101 = arith.constant 0 : i32
      %while3A_102 = arith.constant 0 : i32
      %while3A_103 = arith.subi %select_n3A_59, %while3A_101 : i32
      %while3A_104 = arith.addi %while3A_101, %while3A_103 : i32
      %while3A_105 = arith.constant 1 : i32
      %while3A_106 = arith.divsi %while3A_103, %while3A_105 : i32
      %while3A_107 = arith.muli %while3A_106, %while3A_105 : i32
      %while3A_108 = arith.addi %while3A_101, %while3A_107 : i32
      %while3A_109 = arith.constant 1 : i32
      %while3A_110 = scf.for %while3A_113 = %while3A_101 to %while3A_108 step %while3A_109 iter_args(%while3A_114 = %while3A_102) -> (i32)  : i32 {
        %mul3A_115 = arith.constant 2 : i32
        %mul3A_116 = arith.muli %mul3A_115, %while3A_113 : i32
        %add3A_117 = arith.constant 1 : i32
        %add3A_118 = arith.addi %mul3A_116, %add3A_117 : i32
        %sub3A_119 = arith.constant 1 : i32
        %sub3A_120 = arith.subi %add3A_33, %sub3A_119 : i32
        %min3A_121 = arith.minsi %add3A_118, %sub3A_120 : i32
        %add3A_122 = arith.addi %add3A_38, %mul3A_116 : i32
        %mul3A_123 = arith.constant 128 : i32
        %mul3A_124 = arith.muli %add3A_122, %mul3A_123 : i32
        %add3A_125 = arith.addi %add3A_38, %min3A_121 : i32
        %mul3A_126 = arith.constant 128 : i32
        %mul3A_127 = arith.muli %add3A_125, %mul3A_126 : i32
        %dma_start3A = arith.constant 0 : i32
        %dma_start3A_128 = tpu.memref_slice %arg2[%mul3A_124, %dma_start3A] : memref<160000x128xf32, #tpu.memory_space<hbm>> -> memref<128x128xf32, #tpu.memory_space<hbm>>
        %dma_start3A_129 = arith.constant 0 : i32
        %dma_start3A_130 = tpu.memref_slice %arg2[%mul3A_124, %dma_start3A_129] : memref<160000x128xf32, #tpu.memory_space<hbm>> -> memref<128x128xf32, #tpu.memory_space<hbm>>
        tpu.enqueue_dma source(%dma_start3A_130 : memref<128x128xf32, #tpu.memory_space<hbm>>) target(%arg10 : memref<128x128xf32, #tpu.memory_space<vmem>>) target_semaphore(%arg14 : memref<!tpu.dma_semaphore, #tpu.memory_space<semaphore_mem>>)
        %dma_start3A_131 = arith.constant 0 : i32
        %dma_start3A_132 = tpu.memref_slice %arg2[%mul3A_127, %dma_start3A_131] : memref<160000x128xf32, #tpu.memory_space<hbm>> -> memref<128x128xf32, #tpu.memory_space<hbm>>
        %dma_start3A_133 = arith.constant 0 : i32
        %dma_start3A_134 = tpu.memref_slice %arg2[%mul3A_127, %dma_start3A_133] : memref<160000x128xf32, #tpu.memory_space<hbm>> -> memref<128x128xf32, #tpu.memory_space<hbm>>
        tpu.enqueue_dma source(%dma_start3A_134 : memref<128x128xf32, #tpu.memory_space<hbm>>) target(%arg11 : memref<128x128xf32, #tpu.memory_space<vmem>>) target_semaphore(%arg15 : memref<!tpu.dma_semaphore, #tpu.memory_space<semaphore_mem>>)
        %add3A_135 = arith.constant 0 : i32
        %add3A_136 = arith.addi %add3A_135, %mul3A_124 : i32
        "tpu.region"() ({
          %run_scoped3A = tpu.sem_alloc : memref<!tpu.dma_semaphore, #tpu.memory_space<semaphore_mem>>
          %dma_start3A_151 = tpu.memref_slice %arg6[%add3A_136] : memref<320000xi32, #tpu.memory_space<hbm>> -> memref<128xi32, #tpu.memory_space<hbm>>
          %dma_start3A_152 = tpu.memref_slice %arg6[%add3A_136] : memref<320000xi32, #tpu.memory_space<hbm>> -> memref<128xi32, #tpu.memory_space<hbm>>
          tpu.enqueue_dma source(%dma_start3A_152 : memref<128xi32, #tpu.memory_space<hbm>>) target(%arg8 : memref<128xi32, #tpu.memory_space<vmem>>) target_semaphore(%run_scoped3A : memref<!tpu.dma_semaphore, #tpu.memory_space<semaphore_mem>>)
          %dma_wait3A_153 = tpu.memref_slice %arg6[%add3A_136] : memref<320000xi32, #tpu.memory_space<hbm>> -> memref<128xi32, #tpu.memory_space<hbm>>
          %dma_wait3A_154 = tpu.memref_slice %arg6[%add3A_136] : memref<320000xi32, #tpu.memory_space<hbm>> -> memref<128xi32, #tpu.memory_space<hbm>>
          tpu.wait_dma2 semaphore(%run_scoped3A : memref<!tpu.dma_semaphore, #tpu.memory_space<semaphore_mem>>) src(%dma_wait3A_154 : memref<128xi32, #tpu.memory_space<hbm>>) dst(%arg8 : memref<128xi32, #tpu.memory_space<vmem>>)
          tpu.yield
        }) : () -> ()
        %add3A_137 = arith.constant 0 : i32
        %add3A_138 = arith.addi %add3A_137, %mul3A_127 : i32
        "tpu.region"() ({
          %run_scoped3A = tpu.sem_alloc : memref<!tpu.dma_semaphore, #tpu.memory_space<semaphore_mem>>
          %dma_start3A_151 = tpu.memref_slice %arg6[%add3A_138] : memref<320000xi32, #tpu.memory_space<hbm>> -> memref<128xi32, #tpu.memory_space<hbm>>
          %dma_start3A_152 = tpu.memref_slice %arg6[%add3A_138] : memref<320000xi32, #tpu.memory_space<hbm>> -> memref<128xi32, #tpu.memory_space<hbm>>
          tpu.enqueue_dma source(%dma_start3A_152 : memref<128xi32, #tpu.memory_space<hbm>>) target(%arg9 : memref<128xi32, #tpu.memory_space<vmem>>) target_semaphore(%run_scoped3A : memref<!tpu.dma_semaphore, #tpu.memory_space<semaphore_mem>>)
          %dma_wait3A_153 = tpu.memref_slice %arg6[%add3A_138] : memref<320000xi32, #tpu.memory_space<hbm>> -> memref<128xi32, #tpu.memory_space<hbm>>
          %dma_wait3A_154 = tpu.memref_slice %arg6[%add3A_138] : memref<320000xi32, #tpu.memory_space<hbm>> -> memref<128xi32, #tpu.memory_space<hbm>>
          tpu.wait_dma2 semaphore(%run_scoped3A : memref<!tpu.dma_semaphore, #tpu.memory_space<semaphore_mem>>) src(%dma_wait3A_154 : memref<128xi32, #tpu.memory_space<hbm>>) dst(%arg9 : memref<128xi32, #tpu.memory_space<vmem>>)
          tpu.yield
        }) : () -> ()
        %dma_wait3A = arith.constant 0 : i32
        %dma_wait3A_139 = tpu.memref_slice %arg2[%mul3A_124, %dma_wait3A] : memref<160000x128xf32, #tpu.memory_space<hbm>> -> memref<128x128xf32, #tpu.memory_space<hbm>>
        %dma_wait3A_140 = arith.constant 0 : i32
        %dma_wait3A_141 = tpu.memref_slice %arg2[%mul3A_124, %dma_wait3A_140] : memref<160000x128xf32, #tpu.memory_space<hbm>> -> memref<128x128xf32, #tpu.memory_space<hbm>>
        tpu.wait_dma2 semaphore(%arg14 : memref<!tpu.dma_semaphore, #tpu.memory_space<semaphore_mem>>) src(%dma_wait3A_141 : memref<128x128xf32, #tpu.memory_space<hbm>>) dst(%arg10 : memref<128x128xf32, #tpu.memory_space<vmem>>)
        "tpu.region"() ({
          %run_scoped3A = tpu.sem_alloc : memref<!tpu.dma_semaphore, #tpu.memory_space<semaphore_mem>>
          %dma_start3A_151 = arith.constant 0 : i32
          %dma_start3A_152 = arith.constant 0 : i32
          %dma_start3A_153 = tpu.memref_slice %arg13[%dma_start3A_151, %dma_start3A_152] : memref<10000x128xf32, #tpu.memory_space<vmem_shared>> -> memref<10000x128xf32, #tpu.memory_space<vmem_shared>>
          tpu.enqueue_indirect_dma source(%arg10 : memref<128x128xf32, #tpu.memory_space<vmem>>) target(%dma_start3A_153 : memref<10000x128xf32, #tpu.memory_space<vmem_shared>>) offsets(%arg8 : memref<128xi32, #tpu.memory_space<vmem>>) semaphore(%run_scoped3A : memref<!tpu.dma_semaphore, #tpu.memory_space<semaphore_mem>>) {add = true}
          %dma_wait3A_154 = arith.constant 0 : i32
          %dma_wait3A_155 = arith.constant 0 : i32
          %dma_wait3A_156 = tpu.memref_slice %arg13[%dma_wait3A_154, %dma_wait3A_155] : memref<10000x128xf32, #tpu.memory_space<vmem_shared>> -> memref<10000x128xf32, #tpu.memory_space<vmem_shared>>
          tpu.wait_indirect_dma semaphore(%run_scoped3A : memref<!tpu.dma_semaphore, #tpu.memory_space<semaphore_mem>>) src(%arg10 : memref<128x128xf32, #tpu.memory_space<vmem>>) dst(%dma_wait3A_156 : memref<10000x128xf32, #tpu.memory_space<vmem_shared>>)
          tpu.yield
        }) : () -> ()
        %dma_wait3A_142 = arith.constant 0 : i32
        %dma_wait3A_143 = tpu.memref_slice %arg2[%mul3A_127, %dma_wait3A_142] : memref<160000x128xf32, #tpu.memory_space<hbm>> -> memref<128x128xf32, #tpu.memory_space<hbm>>
        %dma_wait3A_144 = arith.constant 0 : i32
        %dma_wait3A_145 = tpu.memref_slice %arg2[%mul3A_127, %dma_wait3A_144] : memref<160000x128xf32, #tpu.memory_space<hbm>> -> memref<128x128xf32, #tpu.memory_space<hbm>>
        tpu.wait_dma2 semaphore(%arg15 : memref<!tpu.dma_semaphore, #tpu.memory_space<semaphore_mem>>) src(%dma_wait3A_145 : memref<128x128xf32, #tpu.memory_space<hbm>>) dst(%arg11 : memref<128x128xf32, #tpu.memory_space<vmem>>)
        %lt3A_146 = arith.cmpi slt, %add3A_118, %add3A_33 : i32
        %convert_element_type3A_147 = arith.extui %lt3A_146 : i1 to i32
        %cond3A_148 = arith.constant 0 : i32
        %cond3A_149 = arith.cmpi ne, %convert_element_type3A_147, %cond3A_148 : i32
        scf.if %cond3A_149 {
          "tpu.region"() ({
            %run_scoped3A = tpu.sem_alloc : memref<!tpu.dma_semaphore, #tpu.memory_space<semaphore_mem>>
            %dma_start3A_151 = arith.constant 0 : i32
            %dma_start3A_152 = arith.constant 0 : i32
            %dma_start3A_153 = tpu.memref_slice %arg13[%dma_start3A_151, %dma_start3A_152] : memref<10000x128xf32, #tpu.memory_space<vmem_shared>> -> memref<10000x128xf32, #tpu.memory_space<vmem_shared>>
            tpu.enqueue_indirect_dma source(%arg11 : memref<128x128xf32, #tpu.memory_space<vmem>>) target(%dma_start3A_153 : memref<10000x128xf32, #tpu.memory_space<vmem_shared>>) offsets(%arg9 : memref<128xi32, #tpu.memory_space<vmem>>) semaphore(%run_scoped3A : memref<!tpu.dma_semaphore, #tpu.memory_space<semaphore_mem>>) {add = true}
            %dma_wait3A_154 = arith.constant 0 : i32
            %dma_wait3A_155 = arith.constant 0 : i32
            %dma_wait3A_156 = tpu.memref_slice %arg13[%dma_wait3A_154, %dma_wait3A_155] : memref<10000x128xf32, #tpu.memory_space<vmem_shared>> -> memref<10000x128xf32, #tpu.memory_space<vmem_shared>>
            tpu.wait_indirect_dma semaphore(%run_scoped3A : memref<!tpu.dma_semaphore, #tpu.memory_space<semaphore_mem>>) src(%arg11 : memref<128x128xf32, #tpu.memory_space<vmem>>) dst(%dma_wait3A_156 : memref<10000x128xf32, #tpu.memory_space<vmem_shared>>)
            tpu.yield
          }) : () -> ()
        } else {
        }
        %while3A_150 = arith.constant 0 : i32
        scf.yield %while3A_150 : i32
      }
      %while3A_111 = arith.constant 1 : i32
      %while3A_112 = scf.for %while3A_113 = %while3A_108 to %while3A_104 step %while3A_111 iter_args(%while3A_114 = %while3A_110) -> (i32)  : i32 {
        %mul3A_115 = arith.constant 2 : i32
        %mul3A_116 = arith.muli %mul3A_115, %while3A_113 : i32
        %add3A_117 = arith.constant 1 : i32
        %add3A_118 = arith.addi %mul3A_116, %add3A_117 : i32
        %sub3A_119 = arith.constant 1 : i32
        %sub3A_120 = arith.subi %add3A_33, %sub3A_119 : i32
        %min3A_121 = arith.minsi %add3A_118, %sub3A_120 : i32
        %add3A_122 = arith.addi %add3A_38, %mul3A_116 : i32
        %mul3A_123 = arith.constant 128 : i32
        %mul3A_124 = arith.muli %add3A_122, %mul3A_123 : i32
        %add3A_125 = arith.addi %add3A_38, %min3A_121 : i32
        %mul3A_126 = arith.constant 128 : i32
        %mul3A_127 = arith.muli %add3A_125, %mul3A_126 : i32
        %dma_start3A = arith.constant 0 : i32
        %dma_start3A_128 = tpu.memref_slice %arg2[%mul3A_124, %dma_start3A] : memref<160000x128xf32, #tpu.memory_space<hbm>> -> memref<128x128xf32, #tpu.memory_space<hbm>>
        %dma_start3A_129 = arith.constant 0 : i32
        %dma_start3A_130 = tpu.memref_slice %arg2[%mul3A_124, %dma_start3A_129] : memref<160000x128xf32, #tpu.memory_space<hbm>> -> memref<128x128xf32, #tpu.memory_space<hbm>>
        tpu.enqueue_dma source(%dma_start3A_130 : memref<128x128xf32, #tpu.memory_space<hbm>>) target(%arg10 : memref<128x128xf32, #tpu.memory_space<vmem>>) target_semaphore(%arg14 : memref<!tpu.dma_semaphore, #tpu.memory_space<semaphore_mem>>)
        %dma_start3A_131 = arith.constant 0 : i32
        %dma_start3A_132 = tpu.memref_slice %arg2[%mul3A_127, %dma_start3A_131] : memref<160000x128xf32, #tpu.memory_space<hbm>> -> memref<128x128xf32, #tpu.memory_space<hbm>>
        %dma_start3A_133 = arith.constant 0 : i32
        %dma_start3A_134 = tpu.memref_slice %arg2[%mul3A_127, %dma_start3A_133] : memref<160000x128xf32, #tpu.memory_space<hbm>> -> memref<128x128xf32, #tpu.memory_space<hbm>>
        tpu.enqueue_dma source(%dma_start3A_134 : memref<128x128xf32, #tpu.memory_space<hbm>>) target(%arg11 : memref<128x128xf32, #tpu.memory_space<vmem>>) target_semaphore(%arg15 : memref<!tpu.dma_semaphore, #tpu.memory_space<semaphore_mem>>)
        %add3A_135 = arith.constant 0 : i32
        %add3A_136 = arith.addi %add3A_135, %mul3A_124 : i32
        "tpu.region"() ({
          %run_scoped3A = tpu.sem_alloc : memref<!tpu.dma_semaphore, #tpu.memory_space<semaphore_mem>>
          %dma_start3A_151 = tpu.memref_slice %arg6[%add3A_136] : memref<320000xi32, #tpu.memory_space<hbm>> -> memref<128xi32, #tpu.memory_space<hbm>>
          %dma_start3A_152 = tpu.memref_slice %arg6[%add3A_136] : memref<320000xi32, #tpu.memory_space<hbm>> -> memref<128xi32, #tpu.memory_space<hbm>>
          tpu.enqueue_dma source(%dma_start3A_152 : memref<128xi32, #tpu.memory_space<hbm>>) target(%arg8 : memref<128xi32, #tpu.memory_space<vmem>>) target_semaphore(%run_scoped3A : memref<!tpu.dma_semaphore, #tpu.memory_space<semaphore_mem>>)
          %dma_wait3A_153 = tpu.memref_slice %arg6[%add3A_136] : memref<320000xi32, #tpu.memory_space<hbm>> -> memref<128xi32, #tpu.memory_space<hbm>>
          %dma_wait3A_154 = tpu.memref_slice %arg6[%add3A_136] : memref<320000xi32, #tpu.memory_space<hbm>> -> memref<128xi32, #tpu.memory_space<hbm>>
          tpu.wait_dma2 semaphore(%run_scoped3A : memref<!tpu.dma_semaphore, #tpu.memory_space<semaphore_mem>>) src(%dma_wait3A_154 : memref<128xi32, #tpu.memory_space<hbm>>) dst(%arg8 : memref<128xi32, #tpu.memory_space<vmem>>)
          tpu.yield
        }) : () -> ()
        %add3A_137 = arith.constant 0 : i32
        %add3A_138 = arith.addi %add3A_137, %mul3A_127 : i32
        "tpu.region"() ({
          %run_scoped3A = tpu.sem_alloc : memref<!tpu.dma_semaphore, #tpu.memory_space<semaphore_mem>>
          %dma_start3A_151 = tpu.memref_slice %arg6[%add3A_138] : memref<320000xi32, #tpu.memory_space<hbm>> -> memref<128xi32, #tpu.memory_space<hbm>>
          %dma_start3A_152 = tpu.memref_slice %arg6[%add3A_138] : memref<320000xi32, #tpu.memory_space<hbm>> -> memref<128xi32, #tpu.memory_space<hbm>>
          tpu.enqueue_dma source(%dma_start3A_152 : memref<128xi32, #tpu.memory_space<hbm>>) target(%arg9 : memref<128xi32, #tpu.memory_space<vmem>>) target_semaphore(%run_scoped3A : memref<!tpu.dma_semaphore, #tpu.memory_space<semaphore_mem>>)
          %dma_wait3A_153 = tpu.memref_slice %arg6[%add3A_138] : memref<320000xi32, #tpu.memory_space<hbm>> -> memref<128xi32, #tpu.memory_space<hbm>>
          %dma_wait3A_154 = tpu.memref_slice %arg6[%add3A_138] : memref<320000xi32, #tpu.memory_space<hbm>> -> memref<128xi32, #tpu.memory_space<hbm>>
          tpu.wait_dma2 semaphore(%run_scoped3A : memref<!tpu.dma_semaphore, #tpu.memory_space<semaphore_mem>>) src(%dma_wait3A_154 : memref<128xi32, #tpu.memory_space<hbm>>) dst(%arg9 : memref<128xi32, #tpu.memory_space<vmem>>)
          tpu.yield
        }) : () -> ()
        %dma_wait3A = arith.constant 0 : i32
        %dma_wait3A_139 = tpu.memref_slice %arg2[%mul3A_124, %dma_wait3A] : memref<160000x128xf32, #tpu.memory_space<hbm>> -> memref<128x128xf32, #tpu.memory_space<hbm>>
        %dma_wait3A_140 = arith.constant 0 : i32
        %dma_wait3A_141 = tpu.memref_slice %arg2[%mul3A_124, %dma_wait3A_140] : memref<160000x128xf32, #tpu.memory_space<hbm>> -> memref<128x128xf32, #tpu.memory_space<hbm>>
        tpu.wait_dma2 semaphore(%arg14 : memref<!tpu.dma_semaphore, #tpu.memory_space<semaphore_mem>>) src(%dma_wait3A_141 : memref<128x128xf32, #tpu.memory_space<hbm>>) dst(%arg10 : memref<128x128xf32, #tpu.memory_space<vmem>>)
        "tpu.region"() ({
          %run_scoped3A = tpu.sem_alloc : memref<!tpu.dma_semaphore, #tpu.memory_space<semaphore_mem>>
          %dma_start3A_151 = arith.constant 0 : i32
          %dma_start3A_152 = arith.constant 0 : i32
          %dma_start3A_153 = tpu.memref_slice %arg13[%dma_start3A_151, %dma_start3A_152] : memref<10000x128xf32, #tpu.memory_space<vmem_shared>> -> memref<10000x128xf32, #tpu.memory_space<vmem_shared>>
          tpu.enqueue_indirect_dma source(%arg10 : memref<128x128xf32, #tpu.memory_space<vmem>>) target(%dma_start3A_153 : memref<10000x128xf32, #tpu.memory_space<vmem_shared>>) offsets(%arg8 : memref<128xi32, #tpu.memory_space<vmem>>) semaphore(%run_scoped3A : memref<!tpu.dma_semaphore, #tpu.memory_space<semaphore_mem>>) {add = true}
          %dma_wait3A_154 = arith.constant 0 : i32
          %dma_wait3A_155 = arith.constant 0 : i32
          %dma_wait3A_156 = tpu.memref_slice %arg13[%dma_wait3A_154, %dma_wait3A_155] : memref<10000x128xf32, #tpu.memory_space<vmem_shared>> -> memref<10000x128xf32, #tpu.memory_space<vmem_shared>>
          tpu.wait_indirect_dma semaphore(%run_scoped3A : memref<!tpu.dma_semaphore, #tpu.memory_space<semaphore_mem>>) src(%arg10 : memref<128x128xf32, #tpu.memory_space<vmem>>) dst(%dma_wait3A_156 : memref<10000x128xf32, #tpu.memory_space<vmem_shared>>)
          tpu.yield
        }) : () -> ()
        %dma_wait3A_142 = arith.constant 0 : i32
        %dma_wait3A_143 = tpu.memref_slice %arg2[%mul3A_127, %dma_wait3A_142] : memref<160000x128xf32, #tpu.memory_space<hbm>> -> memref<128x128xf32, #tpu.memory_space<hbm>>
        %dma_wait3A_144 = arith.constant 0 : i32
        %dma_wait3A_145 = tpu.memref_slice %arg2[%mul3A_127, %dma_wait3A_144] : memref<160000x128xf32, #tpu.memory_space<hbm>> -> memref<128x128xf32, #tpu.memory_space<hbm>>
        tpu.wait_dma2 semaphore(%arg15 : memref<!tpu.dma_semaphore, #tpu.memory_space<semaphore_mem>>) src(%dma_wait3A_145 : memref<128x128xf32, #tpu.memory_space<hbm>>) dst(%arg11 : memref<128x128xf32, #tpu.memory_space<vmem>>)
        %lt3A_146 = arith.cmpi slt, %add3A_118, %add3A_33 : i32
        %convert_element_type3A_147 = arith.extui %lt3A_146 : i1 to i32
        %cond3A_148 = arith.constant 0 : i32
        %cond3A_149 = arith.cmpi ne, %convert_element_type3A_147, %cond3A_148 : i32
        scf.if %cond3A_149 {
          "tpu.region"() ({
            %run_scoped3A = tpu.sem_alloc : memref<!tpu.dma_semaphore, #tpu.memory_space<semaphore_mem>>
            %dma_start3A_151 = arith.constant 0 : i32
            %dma_start3A_152 = arith.constant 0 : i32
            %dma_start3A_153 = tpu.memref_slice %arg13[%dma_start3A_151, %dma_start3A_152] : memref<10000x128xf32, #tpu.memory_space<vmem_shared>> -> memref<10000x128xf32, #tpu.memory_space<vmem_shared>>
            tpu.enqueue_indirect_dma source(%arg11 : memref<128x128xf32, #tpu.memory_space<vmem>>) target(%dma_start3A_153 : memref<10000x128xf32, #tpu.memory_space<vmem_shared>>) offsets(%arg9 : memref<128xi32, #tpu.memory_space<vmem>>) semaphore(%run_scoped3A : memref<!tpu.dma_semaphore, #tpu.memory_space<semaphore_mem>>) {add = true}
            %dma_wait3A_154 = arith.constant 0 : i32
            %dma_wait3A_155 = arith.constant 0 : i32
            %dma_wait3A_156 = tpu.memref_slice %arg13[%dma_wait3A_154, %dma_wait3A_155] : memref<10000x128xf32, #tpu.memory_space<vmem_shared>> -> memref<10000x128xf32, #tpu.memory_space<vmem_shared>>
            tpu.wait_indirect_dma semaphore(%run_scoped3A : memref<!tpu.dma_semaphore, #tpu.memory_space<semaphore_mem>>) src(%arg11 : memref<128x128xf32, #tpu.memory_space<vmem>>) dst(%dma_wait3A_156 : memref<10000x128xf32, #tpu.memory_space<vmem_shared>>)
            tpu.yield
          }) : () -> ()
        } else {
        }
        %while3A_150 = arith.constant 0 : i32
        scf.yield %while3A_150 : i32
      }
    } else {
    }
    %eq3A_65 = arith.constant 0 : i32
    %eq3A_66 = arith.cmpi eq, %arg0, %eq3A_65 : i32
    %ge3A = arith.constant 8 : i32
    %ge3A_67 = arith.cmpi sge, %arg1, %ge3A : i32
    %and3A_68 = arith.andi %eq3A_66, %ge3A_67 : i1
    %convert_element_type3A_69 = arith.extui %and3A_68 : i1 to i32
    %cond3A_70 = arith.constant 0 : i32
    %cond3A_71 = arith.cmpi ne, %convert_element_type3A_69, %cond3A_70 : i32
    scf.if %cond3A_71 {
      %while3A_101 = arith.constant 0 : i32
      %while3A_102 = arith.constant 0 : i32
      %while3A_103 = arith.subi %select_n3A_59, %while3A_101 : i32
      %while3A_104 = arith.addi %while3A_101, %while3A_103 : i32
      %while3A_105 = arith.constant 1 : i32
      %while3A_106 = arith.divsi %while3A_103, %while3A_105 : i32
      %while3A_107 = arith.muli %while3A_106, %while3A_105 : i32
      %while3A_108 = arith.addi %while3A_101, %while3A_107 : i32
      %while3A_109 = arith.constant 1 : i32
      %while3A_110 = scf.for %while3A_113 = %while3A_101 to %while3A_108 step %while3A_109 iter_args(%while3A_114 = %while3A_102) -> (i32)  : i32 {
        %mul3A_115 = arith.constant 2 : i32
        %mul3A_116 = arith.muli %mul3A_115, %while3A_113 : i32
        %add3A_117 = arith.constant 1 : i32
        %add3A_118 = arith.addi %mul3A_116, %add3A_117 : i32
        %sub3A_119 = arith.constant 1 : i32
        %sub3A_120 = arith.subi %add3A_33, %sub3A_119 : i32
        %min3A_121 = arith.minsi %add3A_118, %sub3A_120 : i32
        %add3A_122 = arith.addi %add3A_38, %mul3A_116 : i32
        %mul3A_123 = arith.constant 128 : i32
        %mul3A_124 = arith.muli %add3A_122, %mul3A_123 : i32
        %add3A_125 = arith.addi %add3A_38, %min3A_121 : i32
        %mul3A_126 = arith.constant 128 : i32
        %mul3A_127 = arith.muli %add3A_125, %mul3A_126 : i32
        %dma_start3A = arith.constant 0 : i32
        %dma_start3A_128 = tpu.memref_slice %arg3[%mul3A_124, %dma_start3A] : memref<160000x128xf32, #tpu.memory_space<hbm>> -> memref<128x128xf32, #tpu.memory_space<hbm>>
        %dma_start3A_129 = arith.constant 0 : i32
        %dma_start3A_130 = tpu.memref_slice %arg3[%mul3A_124, %dma_start3A_129] : memref<160000x128xf32, #tpu.memory_space<hbm>> -> memref<128x128xf32, #tpu.memory_space<hbm>>
        tpu.enqueue_dma source(%dma_start3A_130 : memref<128x128xf32, #tpu.memory_space<hbm>>) target(%arg10 : memref<128x128xf32, #tpu.memory_space<vmem>>) target_semaphore(%arg14 : memref<!tpu.dma_semaphore, #tpu.memory_space<semaphore_mem>>)
        %dma_start3A_131 = arith.constant 0 : i32
        %dma_start3A_132 = tpu.memref_slice %arg3[%mul3A_127, %dma_start3A_131] : memref<160000x128xf32, #tpu.memory_space<hbm>> -> memref<128x128xf32, #tpu.memory_space<hbm>>
        %dma_start3A_133 = arith.constant 0 : i32
        %dma_start3A_134 = tpu.memref_slice %arg3[%mul3A_127, %dma_start3A_133] : memref<160000x128xf32, #tpu.memory_space<hbm>> -> memref<128x128xf32, #tpu.memory_space<hbm>>
        tpu.enqueue_dma source(%dma_start3A_134 : memref<128x128xf32, #tpu.memory_space<hbm>>) target(%arg11 : memref<128x128xf32, #tpu.memory_space<vmem>>) target_semaphore(%arg15 : memref<!tpu.dma_semaphore, #tpu.memory_space<semaphore_mem>>)
        %add3A_135 = arith.constant 160000 : i32
        %add3A_136 = arith.addi %add3A_135, %mul3A_124 : i32
        "tpu.region"() ({
          %run_scoped3A = tpu.sem_alloc : memref<!tpu.dma_semaphore, #tpu.memory_space<semaphore_mem>>
          %dma_start3A_151 = tpu.memref_slice %arg6[%add3A_136] : memref<320000xi32, #tpu.memory_space<hbm>> -> memref<128xi32, #tpu.memory_space<hbm>>
          %dma_start3A_152 = tpu.memref_slice %arg6[%add3A_136] : memref<320000xi32, #tpu.memory_space<hbm>> -> memref<128xi32, #tpu.memory_space<hbm>>
          tpu.enqueue_dma source(%dma_start3A_152 : memref<128xi32, #tpu.memory_space<hbm>>) target(%arg8 : memref<128xi32, #tpu.memory_space<vmem>>) target_semaphore(%run_scoped3A : memref<!tpu.dma_semaphore, #tpu.memory_space<semaphore_mem>>)
          %dma_wait3A_153 = tpu.memref_slice %arg6[%add3A_136] : memref<320000xi32, #tpu.memory_space<hbm>> -> memref<128xi32, #tpu.memory_space<hbm>>
          %dma_wait3A_154 = tpu.memref_slice %arg6[%add3A_136] : memref<320000xi32, #tpu.memory_space<hbm>> -> memref<128xi32, #tpu.memory_space<hbm>>
          tpu.wait_dma2 semaphore(%run_scoped3A : memref<!tpu.dma_semaphore, #tpu.memory_space<semaphore_mem>>) src(%dma_wait3A_154 : memref<128xi32, #tpu.memory_space<hbm>>) dst(%arg8 : memref<128xi32, #tpu.memory_space<vmem>>)
          tpu.yield
        }) : () -> ()
        %add3A_137 = arith.constant 160000 : i32
        %add3A_138 = arith.addi %add3A_137, %mul3A_127 : i32
        "tpu.region"() ({
          %run_scoped3A = tpu.sem_alloc : memref<!tpu.dma_semaphore, #tpu.memory_space<semaphore_mem>>
          %dma_start3A_151 = tpu.memref_slice %arg6[%add3A_138] : memref<320000xi32, #tpu.memory_space<hbm>> -> memref<128xi32, #tpu.memory_space<hbm>>
          %dma_start3A_152 = tpu.memref_slice %arg6[%add3A_138] : memref<320000xi32, #tpu.memory_space<hbm>> -> memref<128xi32, #tpu.memory_space<hbm>>
          tpu.enqueue_dma source(%dma_start3A_152 : memref<128xi32, #tpu.memory_space<hbm>>) target(%arg9 : memref<128xi32, #tpu.memory_space<vmem>>) target_semaphore(%run_scoped3A : memref<!tpu.dma_semaphore, #tpu.memory_space<semaphore_mem>>)
          %dma_wait3A_153 = tpu.memref_slice %arg6[%add3A_138] : memref<320000xi32, #tpu.memory_space<hbm>> -> memref<128xi32, #tpu.memory_space<hbm>>
          %dma_wait3A_154 = tpu.memref_slice %arg6[%add3A_138] : memref<320000xi32, #tpu.memory_space<hbm>> -> memref<128xi32, #tpu.memory_space<hbm>>
          tpu.wait_dma2 semaphore(%run_scoped3A : memref<!tpu.dma_semaphore, #tpu.memory_space<semaphore_mem>>) src(%dma_wait3A_154 : memref<128xi32, #tpu.memory_space<hbm>>) dst(%arg9 : memref<128xi32, #tpu.memory_space<vmem>>)
          tpu.yield
        }) : () -> ()
        %dma_wait3A = arith.constant 0 : i32
        %dma_wait3A_139 = tpu.memref_slice %arg3[%mul3A_124, %dma_wait3A] : memref<160000x128xf32, #tpu.memory_space<hbm>> -> memref<128x128xf32, #tpu.memory_space<hbm>>
        %dma_wait3A_140 = arith.constant 0 : i32
        %dma_wait3A_141 = tpu.memref_slice %arg3[%mul3A_124, %dma_wait3A_140] : memref<160000x128xf32, #tpu.memory_space<hbm>> -> memref<128x128xf32, #tpu.memory_space<hbm>>
        tpu.wait_dma2 semaphore(%arg14 : memref<!tpu.dma_semaphore, #tpu.memory_space<semaphore_mem>>) src(%dma_wait3A_141 : memref<128x128xf32, #tpu.memory_space<hbm>>) dst(%arg10 : memref<128x128xf32, #tpu.memory_space<vmem>>)
        "tpu.region"() ({
          %run_scoped3A = tpu.sem_alloc : memref<!tpu.dma_semaphore, #tpu.memory_space<semaphore_mem>>
          %dma_start3A_151 = arith.constant 0 : i32
          %dma_start3A_152 = arith.constant 0 : i32
          %dma_start3A_153 = tpu.memref_slice %arg13[%dma_start3A_151, %dma_start3A_152] : memref<10000x128xf32, #tpu.memory_space<vmem_shared>> -> memref<10000x128xf32, #tpu.memory_space<vmem_shared>>
          tpu.enqueue_indirect_dma source(%arg10 : memref<128x128xf32, #tpu.memory_space<vmem>>) target(%dma_start3A_153 : memref<10000x128xf32, #tpu.memory_space<vmem_shared>>) offsets(%arg8 : memref<128xi32, #tpu.memory_space<vmem>>) semaphore(%run_scoped3A : memref<!tpu.dma_semaphore, #tpu.memory_space<semaphore_mem>>) {add = true}
          %dma_wait3A_154 = arith.constant 0 : i32
          %dma_wait3A_155 = arith.constant 0 : i32
          %dma_wait3A_156 = tpu.memref_slice %arg13[%dma_wait3A_154, %dma_wait3A_155] : memref<10000x128xf32, #tpu.memory_space<vmem_shared>> -> memref<10000x128xf32, #tpu.memory_space<vmem_shared>>
          tpu.wait_indirect_dma semaphore(%run_scoped3A : memref<!tpu.dma_semaphore, #tpu.memory_space<semaphore_mem>>) src(%arg10 : memref<128x128xf32, #tpu.memory_space<vmem>>) dst(%dma_wait3A_156 : memref<10000x128xf32, #tpu.memory_space<vmem_shared>>)
          tpu.yield
        }) : () -> ()
        %dma_wait3A_142 = arith.constant 0 : i32
        %dma_wait3A_143 = tpu.memref_slice %arg3[%mul3A_127, %dma_wait3A_142] : memref<160000x128xf32, #tpu.memory_space<hbm>> -> memref<128x128xf32, #tpu.memory_space<hbm>>
        %dma_wait3A_144 = arith.constant 0 : i32
        %dma_wait3A_145 = tpu.memref_slice %arg3[%mul3A_127, %dma_wait3A_144] : memref<160000x128xf32, #tpu.memory_space<hbm>> -> memref<128x128xf32, #tpu.memory_space<hbm>>
        tpu.wait_dma2 semaphore(%arg15 : memref<!tpu.dma_semaphore, #tpu.memory_space<semaphore_mem>>) src(%dma_wait3A_145 : memref<128x128xf32, #tpu.memory_space<hbm>>) dst(%arg11 : memref<128x128xf32, #tpu.memory_space<vmem>>)
        %lt3A_146 = arith.cmpi slt, %add3A_118, %add3A_33 : i32
        %convert_element_type3A_147 = arith.extui %lt3A_146 : i1 to i32
        %cond3A_148 = arith.constant 0 : i32
        %cond3A_149 = arith.cmpi ne, %convert_element_type3A_147, %cond3A_148 : i32
        scf.if %cond3A_149 {
          "tpu.region"() ({
            %run_scoped3A = tpu.sem_alloc : memref<!tpu.dma_semaphore, #tpu.memory_space<semaphore_mem>>
            %dma_start3A_151 = arith.constant 0 : i32
            %dma_start3A_152 = arith.constant 0 : i32
            %dma_start3A_153 = tpu.memref_slice %arg13[%dma_start3A_151, %dma_start3A_152] : memref<10000x128xf32, #tpu.memory_space<vmem_shared>> -> memref<10000x128xf32, #tpu.memory_space<vmem_shared>>
            tpu.enqueue_indirect_dma source(%arg11 : memref<128x128xf32, #tpu.memory_space<vmem>>) target(%dma_start3A_153 : memref<10000x128xf32, #tpu.memory_space<vmem_shared>>) offsets(%arg9 : memref<128xi32, #tpu.memory_space<vmem>>) semaphore(%run_scoped3A : memref<!tpu.dma_semaphore, #tpu.memory_space<semaphore_mem>>) {add = true}
            %dma_wait3A_154 = arith.constant 0 : i32
            %dma_wait3A_155 = arith.constant 0 : i32
            %dma_wait3A_156 = tpu.memref_slice %arg13[%dma_wait3A_154, %dma_wait3A_155] : memref<10000x128xf32, #tpu.memory_space<vmem_shared>> -> memref<10000x128xf32, #tpu.memory_space<vmem_shared>>
            tpu.wait_indirect_dma semaphore(%run_scoped3A : memref<!tpu.dma_semaphore, #tpu.memory_space<semaphore_mem>>) src(%arg11 : memref<128x128xf32, #tpu.memory_space<vmem>>) dst(%dma_wait3A_156 : memref<10000x128xf32, #tpu.memory_space<vmem_shared>>)
            tpu.yield
          }) : () -> ()
        } else {
        }
        %while3A_150 = arith.constant 0 : i32
        scf.yield %while3A_150 : i32
      }
      %while3A_111 = arith.constant 1 : i32
      %while3A_112 = scf.for %while3A_113 = %while3A_108 to %while3A_104 step %while3A_111 iter_args(%while3A_114 = %while3A_110) -> (i32)  : i32 {
        %mul3A_115 = arith.constant 2 : i32
        %mul3A_116 = arith.muli %mul3A_115, %while3A_113 : i32
        %add3A_117 = arith.constant 1 : i32
        %add3A_118 = arith.addi %mul3A_116, %add3A_117 : i32
        %sub3A_119 = arith.constant 1 : i32
        %sub3A_120 = arith.subi %add3A_33, %sub3A_119 : i32
        %min3A_121 = arith.minsi %add3A_118, %sub3A_120 : i32
        %add3A_122 = arith.addi %add3A_38, %mul3A_116 : i32
        %mul3A_123 = arith.constant 128 : i32
        %mul3A_124 = arith.muli %add3A_122, %mul3A_123 : i32
        %add3A_125 = arith.addi %add3A_38, %min3A_121 : i32
        %mul3A_126 = arith.constant 128 : i32
        %mul3A_127 = arith.muli %add3A_125, %mul3A_126 : i32
        %dma_start3A = arith.constant 0 : i32
        %dma_start3A_128 = tpu.memref_slice %arg3[%mul3A_124, %dma_start3A] : memref<160000x128xf32, #tpu.memory_space<hbm>> -> memref<128x128xf32, #tpu.memory_space<hbm>>
        %dma_start3A_129 = arith.constant 0 : i32
        %dma_start3A_130 = tpu.memref_slice %arg3[%mul3A_124, %dma_start3A_129] : memref<160000x128xf32, #tpu.memory_space<hbm>> -> memref<128x128xf32, #tpu.memory_space<hbm>>
        tpu.enqueue_dma source(%dma_start3A_130 : memref<128x128xf32, #tpu.memory_space<hbm>>) target(%arg10 : memref<128x128xf32, #tpu.memory_space<vmem>>) target_semaphore(%arg14 : memref<!tpu.dma_semaphore, #tpu.memory_space<semaphore_mem>>)
        %dma_start3A_131 = arith.constant 0 : i32
        %dma_start3A_132 = tpu.memref_slice %arg3[%mul3A_127, %dma_start3A_131] : memref<160000x128xf32, #tpu.memory_space<hbm>> -> memref<128x128xf32, #tpu.memory_space<hbm>>
        %dma_start3A_133 = arith.constant 0 : i32
        %dma_start3A_134 = tpu.memref_slice %arg3[%mul3A_127, %dma_start3A_133] : memref<160000x128xf32, #tpu.memory_space<hbm>> -> memref<128x128xf32, #tpu.memory_space<hbm>>
        tpu.enqueue_dma source(%dma_start3A_134 : memref<128x128xf32, #tpu.memory_space<hbm>>) target(%arg11 : memref<128x128xf32, #tpu.memory_space<vmem>>) target_semaphore(%arg15 : memref<!tpu.dma_semaphore, #tpu.memory_space<semaphore_mem>>)
        %add3A_135 = arith.constant 160000 : i32
        %add3A_136 = arith.addi %add3A_135, %mul3A_124 : i32
        "tpu.region"() ({
          %run_scoped3A = tpu.sem_alloc : memref<!tpu.dma_semaphore, #tpu.memory_space<semaphore_mem>>
          %dma_start3A_151 = tpu.memref_slice %arg6[%add3A_136] : memref<320000xi32, #tpu.memory_space<hbm>> -> memref<128xi32, #tpu.memory_space<hbm>>
          %dma_start3A_152 = tpu.memref_slice %arg6[%add3A_136] : memref<320000xi32, #tpu.memory_space<hbm>> -> memref<128xi32, #tpu.memory_space<hbm>>
          tpu.enqueue_dma source(%dma_start3A_152 : memref<128xi32, #tpu.memory_space<hbm>>) target(%arg8 : memref<128xi32, #tpu.memory_space<vmem>>) target_semaphore(%run_scoped3A : memref<!tpu.dma_semaphore, #tpu.memory_space<semaphore_mem>>)
          %dma_wait3A_153 = tpu.memref_slice %arg6[%add3A_136] : memref<320000xi32, #tpu.memory_space<hbm>> -> memref<128xi32, #tpu.memory_space<hbm>>
          %dma_wait3A_154 = tpu.memref_slice %arg6[%add3A_136] : memref<320000xi32, #tpu.memory_space<hbm>> -> memref<128xi32, #tpu.memory_space<hbm>>
          tpu.wait_dma2 semaphore(%run_scoped3A : memref<!tpu.dma_semaphore, #tpu.memory_space<semaphore_mem>>) src(%dma_wait3A_154 : memref<128xi32, #tpu.memory_space<hbm>>) dst(%arg8 : memref<128xi32, #tpu.memory_space<vmem>>)
          tpu.yield
        }) : () -> ()
        %add3A_137 = arith.constant 160000 : i32
        %add3A_138 = arith.addi %add3A_137, %mul3A_127 : i32
        "tpu.region"() ({
          %run_scoped3A = tpu.sem_alloc : memref<!tpu.dma_semaphore, #tpu.memory_space<semaphore_mem>>
          %dma_start3A_151 = tpu.memref_slice %arg6[%add3A_138] : memref<320000xi32, #tpu.memory_space<hbm>> -> memref<128xi32, #tpu.memory_space<hbm>>
          %dma_start3A_152 = tpu.memref_slice %arg6[%add3A_138] : memref<320000xi32, #tpu.memory_space<hbm>> -> memref<128xi32, #tpu.memory_space<hbm>>
          tpu.enqueue_dma source(%dma_start3A_152 : memref<128xi32, #tpu.memory_space<hbm>>) target(%arg9 : memref<128xi32, #tpu.memory_space<vmem>>) target_semaphore(%run_scoped3A : memref<!tpu.dma_semaphore, #tpu.memory_space<semaphore_mem>>)
          %dma_wait3A_153 = tpu.memref_slice %arg6[%add3A_138] : memref<320000xi32, #tpu.memory_space<hbm>> -> memref<128xi32, #tpu.memory_space<hbm>>
          %dma_wait3A_154 = tpu.memref_slice %arg6[%add3A_138] : memref<320000xi32, #tpu.memory_space<hbm>> -> memref<128xi32, #tpu.memory_space<hbm>>
          tpu.wait_dma2 semaphore(%run_scoped3A : memref<!tpu.dma_semaphore, #tpu.memory_space<semaphore_mem>>) src(%dma_wait3A_154 : memref<128xi32, #tpu.memory_space<hbm>>) dst(%arg9 : memref<128xi32, #tpu.memory_space<vmem>>)
          tpu.yield
        }) : () -> ()
        %dma_wait3A = arith.constant 0 : i32
        %dma_wait3A_139 = tpu.memref_slice %arg3[%mul3A_124, %dma_wait3A] : memref<160000x128xf32, #tpu.memory_space<hbm>> -> memref<128x128xf32, #tpu.memory_space<hbm>>
        %dma_wait3A_140 = arith.constant 0 : i32
        %dma_wait3A_141 = tpu.memref_slice %arg3[%mul3A_124, %dma_wait3A_140] : memref<160000x128xf32, #tpu.memory_space<hbm>> -> memref<128x128xf32, #tpu.memory_space<hbm>>
        tpu.wait_dma2 semaphore(%arg14 : memref<!tpu.dma_semaphore, #tpu.memory_space<semaphore_mem>>) src(%dma_wait3A_141 : memref<128x128xf32, #tpu.memory_space<hbm>>) dst(%arg10 : memref<128x128xf32, #tpu.memory_space<vmem>>)
        "tpu.region"() ({
          %run_scoped3A = tpu.sem_alloc : memref<!tpu.dma_semaphore, #tpu.memory_space<semaphore_mem>>
          %dma_start3A_151 = arith.constant 0 : i32
          %dma_start3A_152 = arith.constant 0 : i32
          %dma_start3A_153 = tpu.memref_slice %arg13[%dma_start3A_151, %dma_start3A_152] : memref<10000x128xf32, #tpu.memory_space<vmem_shared>> -> memref<10000x128xf32, #tpu.memory_space<vmem_shared>>
          tpu.enqueue_indirect_dma source(%arg10 : memref<128x128xf32, #tpu.memory_space<vmem>>) target(%dma_start3A_153 : memref<10000x128xf32, #tpu.memory_space<vmem_shared>>) offsets(%arg8 : memref<128xi32, #tpu.memory_space<vmem>>) semaphore(%run_scoped3A : memref<!tpu.dma_semaphore, #tpu.memory_space<semaphore_mem>>) {add = true}
          %dma_wait3A_154 = arith.constant 0 : i32
          %dma_wait3A_155 = arith.constant 0 : i32
          %dma_wait3A_156 = tpu.memref_slice %arg13[%dma_wait3A_154, %dma_wait3A_155] : memref<10000x128xf32, #tpu.memory_space<vmem_shared>> -> memref<10000x128xf32, #tpu.memory_space<vmem_shared>>
          tpu.wait_indirect_dma semaphore(%run_scoped3A : memref<!tpu.dma_semaphore, #tpu.memory_space<semaphore_mem>>) src(%arg10 : memref<128x128xf32, #tpu.memory_space<vmem>>) dst(%dma_wait3A_156 : memref<10000x128xf32, #tpu.memory_space<vmem_shared>>)
          tpu.yield
        }) : () -> ()
        %dma_wait3A_142 = arith.constant 0 : i32
        %dma_wait3A_143 = tpu.memref_slice %arg3[%mul3A_127, %dma_wait3A_142] : memref<160000x128xf32, #tpu.memory_space<hbm>> -> memref<128x128xf32, #tpu.memory_space<hbm>>
        %dma_wait3A_144 = arith.constant 0 : i32
        %dma_wait3A_145 = tpu.memref_slice %arg3[%mul3A_127, %dma_wait3A_144] : memref<160000x128xf32, #tpu.memory_space<hbm>> -> memref<128x128xf32, #tpu.memory_space<hbm>>
        tpu.wait_dma2 semaphore(%arg15 : memref<!tpu.dma_semaphore, #tpu.memory_space<semaphore_mem>>) src(%dma_wait3A_145 : memref<128x128xf32, #tpu.memory_space<hbm>>) dst(%arg11 : memref<128x128xf32, #tpu.memory_space<vmem>>)
        %lt3A_146 = arith.cmpi slt, %add3A_118, %add3A_33 : i32
        %convert_element_type3A_147 = arith.extui %lt3A_146 : i1 to i32
        %cond3A_148 = arith.constant 0 : i32
        %cond3A_149 = arith.cmpi ne, %convert_element_type3A_147, %cond3A_148 : i32
        scf.if %cond3A_149 {
          "tpu.region"() ({
            %run_scoped3A = tpu.sem_alloc : memref<!tpu.dma_semaphore, #tpu.memory_space<semaphore_mem>>
            %dma_start3A_151 = arith.constant 0 : i32
            %dma_start3A_152 = arith.constant 0 : i32
            %dma_start3A_153 = tpu.memref_slice %arg13[%dma_start3A_151, %dma_start3A_152] : memref<10000x128xf32, #tpu.memory_space<vmem_shared>> -> memref<10000x128xf32, #tpu.memory_space<vmem_shared>>
            tpu.enqueue_indirect_dma source(%arg11 : memref<128x128xf32, #tpu.memory_space<vmem>>) target(%dma_start3A_153 : memref<10000x128xf32, #tpu.memory_space<vmem_shared>>) offsets(%arg9 : memref<128xi32, #tpu.memory_space<vmem>>) semaphore(%run_scoped3A : memref<!tpu.dma_semaphore, #tpu.memory_space<semaphore_mem>>) {add = true}
            %dma_wait3A_154 = arith.constant 0 : i32
            %dma_wait3A_155 = arith.constant 0 : i32
            %dma_wait3A_156 = tpu.memref_slice %arg13[%dma_wait3A_154, %dma_wait3A_155] : memref<10000x128xf32, #tpu.memory_space<vmem_shared>> -> memref<10000x128xf32, #tpu.memory_space<vmem_shared>>
            tpu.wait_indirect_dma semaphore(%run_scoped3A : memref<!tpu.dma_semaphore, #tpu.memory_space<semaphore_mem>>) src(%arg11 : memref<128x128xf32, #tpu.memory_space<vmem>>) dst(%dma_wait3A_156 : memref<10000x128xf32, #tpu.memory_space<vmem_shared>>)
            tpu.yield
          }) : () -> ()
        } else {
        }
        %while3A_150 = arith.constant 0 : i32
        scf.yield %while3A_150 : i32
      }
    } else {
    }
    %eq3A_72 = arith.constant 1 : i32
    %eq3A_73 = arith.cmpi eq, %arg0, %eq3A_72 : i32
    %lt3A_74 = arith.constant 8 : i32
    %lt3A_75 = arith.cmpi slt, %arg1, %lt3A_74 : i32
    %and3A_76 = arith.andi %eq3A_73, %lt3A_75 : i1
    %convert_element_type3A_77 = arith.extui %and3A_76 : i1 to i32
    %cond3A_78 = arith.constant 0 : i32
    %cond3A_79 = arith.cmpi ne, %convert_element_type3A_77, %cond3A_78 : i32
    scf.if %cond3A_79 {
      %while3A_101 = arith.constant 0 : i32
      %while3A_102 = arith.constant 0 : i32
      %while3A_103 = arith.subi %select_n3A_59, %while3A_101 : i32
      %while3A_104 = arith.addi %while3A_101, %while3A_103 : i32
      %while3A_105 = arith.constant 1 : i32
      %while3A_106 = arith.divsi %while3A_103, %while3A_105 : i32
      %while3A_107 = arith.muli %while3A_106, %while3A_105 : i32
      %while3A_108 = arith.addi %while3A_101, %while3A_107 : i32
      %while3A_109 = arith.constant 1 : i32
      %while3A_110 = scf.for %while3A_113 = %while3A_101 to %while3A_108 step %while3A_109 iter_args(%while3A_114 = %while3A_102) -> (i32)  : i32 {
        %mul3A_115 = arith.constant 2 : i32
        %mul3A_116 = arith.muli %mul3A_115, %while3A_113 : i32
        %add3A_117 = arith.constant 1 : i32
        %add3A_118 = arith.addi %mul3A_116, %add3A_117 : i32
        %sub3A_119 = arith.constant 1 : i32
        %sub3A_120 = arith.subi %add3A_33, %sub3A_119 : i32
        %min3A_121 = arith.minsi %add3A_118, %sub3A_120 : i32
        %add3A_122 = arith.addi %add3A_38, %mul3A_116 : i32
        %mul3A_123 = arith.constant 128 : i32
        %mul3A_124 = arith.muli %add3A_122, %mul3A_123 : i32
        %add3A_125 = arith.addi %add3A_38, %min3A_121 : i32
        %mul3A_126 = arith.constant 128 : i32
        %mul3A_127 = arith.muli %add3A_125, %mul3A_126 : i32
        %dma_start3A = arith.constant 0 : i32
        %dma_start3A_128 = tpu.memref_slice %arg4[%mul3A_124, %dma_start3A] : memref<160000x128xf32, #tpu.memory_space<hbm>> -> memref<128x128xf32, #tpu.memory_space<hbm>>
        %dma_start3A_129 = arith.constant 0 : i32
        %dma_start3A_130 = tpu.memref_slice %arg4[%mul3A_124, %dma_start3A_129] : memref<160000x128xf32, #tpu.memory_space<hbm>> -> memref<128x128xf32, #tpu.memory_space<hbm>>
        tpu.enqueue_dma source(%dma_start3A_130 : memref<128x128xf32, #tpu.memory_space<hbm>>) target(%arg10 : memref<128x128xf32, #tpu.memory_space<vmem>>) target_semaphore(%arg14 : memref<!tpu.dma_semaphore, #tpu.memory_space<semaphore_mem>>)
        %dma_start3A_131 = arith.constant 0 : i32
        %dma_start3A_132 = tpu.memref_slice %arg4[%mul3A_127, %dma_start3A_131] : memref<160000x128xf32, #tpu.memory_space<hbm>> -> memref<128x128xf32, #tpu.memory_space<hbm>>
        %dma_start3A_133 = arith.constant 0 : i32
        %dma_start3A_134 = tpu.memref_slice %arg4[%mul3A_127, %dma_start3A_133] : memref<160000x128xf32, #tpu.memory_space<hbm>> -> memref<128x128xf32, #tpu.memory_space<hbm>>
        tpu.enqueue_dma source(%dma_start3A_134 : memref<128x128xf32, #tpu.memory_space<hbm>>) target(%arg11 : memref<128x128xf32, #tpu.memory_space<vmem>>) target_semaphore(%arg15 : memref<!tpu.dma_semaphore, #tpu.memory_space<semaphore_mem>>)
        %add3A_135 = arith.constant 0 : i32
        %add3A_136 = arith.addi %add3A_135, %mul3A_124 : i32
        "tpu.region"() ({
          %run_scoped3A = tpu.sem_alloc : memref<!tpu.dma_semaphore, #tpu.memory_space<semaphore_mem>>
          %dma_start3A_151 = tpu.memref_slice %arg6[%add3A_136] : memref<320000xi32, #tpu.memory_space<hbm>> -> memref<128xi32, #tpu.memory_space<hbm>>
          %dma_start3A_152 = tpu.memref_slice %arg6[%add3A_136] : memref<320000xi32, #tpu.memory_space<hbm>> -> memref<128xi32, #tpu.memory_space<hbm>>
          tpu.enqueue_dma source(%dma_start3A_152 : memref<128xi32, #tpu.memory_space<hbm>>) target(%arg8 : memref<128xi32, #tpu.memory_space<vmem>>) target_semaphore(%run_scoped3A : memref<!tpu.dma_semaphore, #tpu.memory_space<semaphore_mem>>)
          %dma_wait3A_153 = tpu.memref_slice %arg6[%add3A_136] : memref<320000xi32, #tpu.memory_space<hbm>> -> memref<128xi32, #tpu.memory_space<hbm>>
          %dma_wait3A_154 = tpu.memref_slice %arg6[%add3A_136] : memref<320000xi32, #tpu.memory_space<hbm>> -> memref<128xi32, #tpu.memory_space<hbm>>
          tpu.wait_dma2 semaphore(%run_scoped3A : memref<!tpu.dma_semaphore, #tpu.memory_space<semaphore_mem>>) src(%dma_wait3A_154 : memref<128xi32, #tpu.memory_space<hbm>>) dst(%arg8 : memref<128xi32, #tpu.memory_space<vmem>>)
          tpu.yield
        }) : () -> ()
        %add3A_137 = arith.constant 0 : i32
        %add3A_138 = arith.addi %add3A_137, %mul3A_127 : i32
        "tpu.region"() ({
          %run_scoped3A = tpu.sem_alloc : memref<!tpu.dma_semaphore, #tpu.memory_space<semaphore_mem>>
          %dma_start3A_151 = tpu.memref_slice %arg6[%add3A_138] : memref<320000xi32, #tpu.memory_space<hbm>> -> memref<128xi32, #tpu.memory_space<hbm>>
          %dma_start3A_152 = tpu.memref_slice %arg6[%add3A_138] : memref<320000xi32, #tpu.memory_space<hbm>> -> memref<128xi32, #tpu.memory_space<hbm>>
          tpu.enqueue_dma source(%dma_start3A_152 : memref<128xi32, #tpu.memory_space<hbm>>) target(%arg9 : memref<128xi32, #tpu.memory_space<vmem>>) target_semaphore(%run_scoped3A : memref<!tpu.dma_semaphore, #tpu.memory_space<semaphore_mem>>)
          %dma_wait3A_153 = tpu.memref_slice %arg6[%add3A_138] : memref<320000xi32, #tpu.memory_space<hbm>> -> memref<128xi32, #tpu.memory_space<hbm>>
          %dma_wait3A_154 = tpu.memref_slice %arg6[%add3A_138] : memref<320000xi32, #tpu.memory_space<hbm>> -> memref<128xi32, #tpu.memory_space<hbm>>
          tpu.wait_dma2 semaphore(%run_scoped3A : memref<!tpu.dma_semaphore, #tpu.memory_space<semaphore_mem>>) src(%dma_wait3A_154 : memref<128xi32, #tpu.memory_space<hbm>>) dst(%arg9 : memref<128xi32, #tpu.memory_space<vmem>>)
          tpu.yield
        }) : () -> ()
        %dma_wait3A = arith.constant 0 : i32
        %dma_wait3A_139 = tpu.memref_slice %arg4[%mul3A_124, %dma_wait3A] : memref<160000x128xf32, #tpu.memory_space<hbm>> -> memref<128x128xf32, #tpu.memory_space<hbm>>
        %dma_wait3A_140 = arith.constant 0 : i32
        %dma_wait3A_141 = tpu.memref_slice %arg4[%mul3A_124, %dma_wait3A_140] : memref<160000x128xf32, #tpu.memory_space<hbm>> -> memref<128x128xf32, #tpu.memory_space<hbm>>
        tpu.wait_dma2 semaphore(%arg14 : memref<!tpu.dma_semaphore, #tpu.memory_space<semaphore_mem>>) src(%dma_wait3A_141 : memref<128x128xf32, #tpu.memory_space<hbm>>) dst(%arg10 : memref<128x128xf32, #tpu.memory_space<vmem>>)
        "tpu.region"() ({
          %run_scoped3A = tpu.sem_alloc : memref<!tpu.dma_semaphore, #tpu.memory_space<semaphore_mem>>
          %dma_start3A_151 = arith.constant 0 : i32
          %dma_start3A_152 = arith.constant 0 : i32
          %dma_start3A_153 = tpu.memref_slice %arg13[%dma_start3A_151, %dma_start3A_152] : memref<10000x128xf32, #tpu.memory_space<vmem_shared>> -> memref<10000x128xf32, #tpu.memory_space<vmem_shared>>
          tpu.enqueue_indirect_dma source(%arg10 : memref<128x128xf32, #tpu.memory_space<vmem>>) target(%dma_start3A_153 : memref<10000x128xf32, #tpu.memory_space<vmem_shared>>) offsets(%arg8 : memref<128xi32, #tpu.memory_space<vmem>>) semaphore(%run_scoped3A : memref<!tpu.dma_semaphore, #tpu.memory_space<semaphore_mem>>) {add = true}
          %dma_wait3A_154 = arith.constant 0 : i32
          %dma_wait3A_155 = arith.constant 0 : i32
          %dma_wait3A_156 = tpu.memref_slice %arg13[%dma_wait3A_154, %dma_wait3A_155] : memref<10000x128xf32, #tpu.memory_space<vmem_shared>> -> memref<10000x128xf32, #tpu.memory_space<vmem_shared>>
          tpu.wait_indirect_dma semaphore(%run_scoped3A : memref<!tpu.dma_semaphore, #tpu.memory_space<semaphore_mem>>) src(%arg10 : memref<128x128xf32, #tpu.memory_space<vmem>>) dst(%dma_wait3A_156 : memref<10000x128xf32, #tpu.memory_space<vmem_shared>>)
          tpu.yield
        }) : () -> ()
        %dma_wait3A_142 = arith.constant 0 : i32
        %dma_wait3A_143 = tpu.memref_slice %arg4[%mul3A_127, %dma_wait3A_142] : memref<160000x128xf32, #tpu.memory_space<hbm>> -> memref<128x128xf32, #tpu.memory_space<hbm>>
        %dma_wait3A_144 = arith.constant 0 : i32
        %dma_wait3A_145 = tpu.memref_slice %arg4[%mul3A_127, %dma_wait3A_144] : memref<160000x128xf32, #tpu.memory_space<hbm>> -> memref<128x128xf32, #tpu.memory_space<hbm>>
        tpu.wait_dma2 semaphore(%arg15 : memref<!tpu.dma_semaphore, #tpu.memory_space<semaphore_mem>>) src(%dma_wait3A_145 : memref<128x128xf32, #tpu.memory_space<hbm>>) dst(%arg11 : memref<128x128xf32, #tpu.memory_space<vmem>>)
        %lt3A_146 = arith.cmpi slt, %add3A_118, %add3A_33 : i32
        %convert_element_type3A_147 = arith.extui %lt3A_146 : i1 to i32
        %cond3A_148 = arith.constant 0 : i32
        %cond3A_149 = arith.cmpi ne, %convert_element_type3A_147, %cond3A_148 : i32
        scf.if %cond3A_149 {
          "tpu.region"() ({
            %run_scoped3A = tpu.sem_alloc : memref<!tpu.dma_semaphore, #tpu.memory_space<semaphore_mem>>
            %dma_start3A_151 = arith.constant 0 : i32
            %dma_start3A_152 = arith.constant 0 : i32
            %dma_start3A_153 = tpu.memref_slice %arg13[%dma_start3A_151, %dma_start3A_152] : memref<10000x128xf32, #tpu.memory_space<vmem_shared>> -> memref<10000x128xf32, #tpu.memory_space<vmem_shared>>
            tpu.enqueue_indirect_dma source(%arg11 : memref<128x128xf32, #tpu.memory_space<vmem>>) target(%dma_start3A_153 : memref<10000x128xf32, #tpu.memory_space<vmem_shared>>) offsets(%arg9 : memref<128xi32, #tpu.memory_space<vmem>>) semaphore(%run_scoped3A : memref<!tpu.dma_semaphore, #tpu.memory_space<semaphore_mem>>) {add = true}
            %dma_wait3A_154 = arith.constant 0 : i32
            %dma_wait3A_155 = arith.constant 0 : i32
            %dma_wait3A_156 = tpu.memref_slice %arg13[%dma_wait3A_154, %dma_wait3A_155] : memref<10000x128xf32, #tpu.memory_space<vmem_shared>> -> memref<10000x128xf32, #tpu.memory_space<vmem_shared>>
            tpu.wait_indirect_dma semaphore(%run_scoped3A : memref<!tpu.dma_semaphore, #tpu.memory_space<semaphore_mem>>) src(%arg11 : memref<128x128xf32, #tpu.memory_space<vmem>>) dst(%dma_wait3A_156 : memref<10000x128xf32, #tpu.memory_space<vmem_shared>>)
            tpu.yield
          }) : () -> ()
        } else {
        }
        %while3A_150 = arith.constant 0 : i32
        scf.yield %while3A_150 : i32
      }
      %while3A_111 = arith.constant 1 : i32
      %while3A_112 = scf.for %while3A_113 = %while3A_108 to %while3A_104 step %while3A_111 iter_args(%while3A_114 = %while3A_110) -> (i32)  : i32 {
        %mul3A_115 = arith.constant 2 : i32
        %mul3A_116 = arith.muli %mul3A_115, %while3A_113 : i32
        %add3A_117 = arith.constant 1 : i32
        %add3A_118 = arith.addi %mul3A_116, %add3A_117 : i32
        %sub3A_119 = arith.constant 1 : i32
        %sub3A_120 = arith.subi %add3A_33, %sub3A_119 : i32
        %min3A_121 = arith.minsi %add3A_118, %sub3A_120 : i32
        %add3A_122 = arith.addi %add3A_38, %mul3A_116 : i32
        %mul3A_123 = arith.constant 128 : i32
        %mul3A_124 = arith.muli %add3A_122, %mul3A_123 : i32
        %add3A_125 = arith.addi %add3A_38, %min3A_121 : i32
        %mul3A_126 = arith.constant 128 : i32
        %mul3A_127 = arith.muli %add3A_125, %mul3A_126 : i32
        %dma_start3A = arith.constant 0 : i32
        %dma_start3A_128 = tpu.memref_slice %arg4[%mul3A_124, %dma_start3A] : memref<160000x128xf32, #tpu.memory_space<hbm>> -> memref<128x128xf32, #tpu.memory_space<hbm>>
        %dma_start3A_129 = arith.constant 0 : i32
        %dma_start3A_130 = tpu.memref_slice %arg4[%mul3A_124, %dma_start3A_129] : memref<160000x128xf32, #tpu.memory_space<hbm>> -> memref<128x128xf32, #tpu.memory_space<hbm>>
        tpu.enqueue_dma source(%dma_start3A_130 : memref<128x128xf32, #tpu.memory_space<hbm>>) target(%arg10 : memref<128x128xf32, #tpu.memory_space<vmem>>) target_semaphore(%arg14 : memref<!tpu.dma_semaphore, #tpu.memory_space<semaphore_mem>>)
        %dma_start3A_131 = arith.constant 0 : i32
        %dma_start3A_132 = tpu.memref_slice %arg4[%mul3A_127, %dma_start3A_131] : memref<160000x128xf32, #tpu.memory_space<hbm>> -> memref<128x128xf32, #tpu.memory_space<hbm>>
        %dma_start3A_133 = arith.constant 0 : i32
        %dma_start3A_134 = tpu.memref_slice %arg4[%mul3A_127, %dma_start3A_133] : memref<160000x128xf32, #tpu.memory_space<hbm>> -> memref<128x128xf32, #tpu.memory_space<hbm>>
        tpu.enqueue_dma source(%dma_start3A_134 : memref<128x128xf32, #tpu.memory_space<hbm>>) target(%arg11 : memref<128x128xf32, #tpu.memory_space<vmem>>) target_semaphore(%arg15 : memref<!tpu.dma_semaphore, #tpu.memory_space<semaphore_mem>>)
        %add3A_135 = arith.constant 0 : i32
        %add3A_136 = arith.addi %add3A_135, %mul3A_124 : i32
        "tpu.region"() ({
          %run_scoped3A = tpu.sem_alloc : memref<!tpu.dma_semaphore, #tpu.memory_space<semaphore_mem>>
          %dma_start3A_151 = tpu.memref_slice %arg6[%add3A_136] : memref<320000xi32, #tpu.memory_space<hbm>> -> memref<128xi32, #tpu.memory_space<hbm>>
          %dma_start3A_152 = tpu.memref_slice %arg6[%add3A_136] : memref<320000xi32, #tpu.memory_space<hbm>> -> memref<128xi32, #tpu.memory_space<hbm>>
          tpu.enqueue_dma source(%dma_start3A_152 : memref<128xi32, #tpu.memory_space<hbm>>) target(%arg8 : memref<128xi32, #tpu.memory_space<vmem>>) target_semaphore(%run_scoped3A : memref<!tpu.dma_semaphore, #tpu.memory_space<semaphore_mem>>)
          %dma_wait3A_153 = tpu.memref_slice %arg6[%add3A_136] : memref<320000xi32, #tpu.memory_space<hbm>> -> memref<128xi32, #tpu.memory_space<hbm>>
          %dma_wait3A_154 = tpu.memref_slice %arg6[%add3A_136] : memref<320000xi32, #tpu.memory_space<hbm>> -> memref<128xi32, #tpu.memory_space<hbm>>
          tpu.wait_dma2 semaphore(%run_scoped3A : memref<!tpu.dma_semaphore, #tpu.memory_space<semaphore_mem>>) src(%dma_wait3A_154 : memref<128xi32, #tpu.memory_space<hbm>>) dst(%arg8 : memref<128xi32, #tpu.memory_space<vmem>>)
          tpu.yield
        }) : () -> ()
        %add3A_137 = arith.constant 0 : i32
        %add3A_138 = arith.addi %add3A_137, %mul3A_127 : i32
        "tpu.region"() ({
          %run_scoped3A = tpu.sem_alloc : memref<!tpu.dma_semaphore, #tpu.memory_space<semaphore_mem>>
          %dma_start3A_151 = tpu.memref_slice %arg6[%add3A_138] : memref<320000xi32, #tpu.memory_space<hbm>> -> memref<128xi32, #tpu.memory_space<hbm>>
          %dma_start3A_152 = tpu.memref_slice %arg6[%add3A_138] : memref<320000xi32, #tpu.memory_space<hbm>> -> memref<128xi32, #tpu.memory_space<hbm>>
          tpu.enqueue_dma source(%dma_start3A_152 : memref<128xi32, #tpu.memory_space<hbm>>) target(%arg9 : memref<128xi32, #tpu.memory_space<vmem>>) target_semaphore(%run_scoped3A : memref<!tpu.dma_semaphore, #tpu.memory_space<semaphore_mem>>)
          %dma_wait3A_153 = tpu.memref_slice %arg6[%add3A_138] : memref<320000xi32, #tpu.memory_space<hbm>> -> memref<128xi32, #tpu.memory_space<hbm>>
          %dma_wait3A_154 = tpu.memref_slice %arg6[%add3A_138] : memref<320000xi32, #tpu.memory_space<hbm>> -> memref<128xi32, #tpu.memory_space<hbm>>
          tpu.wait_dma2 semaphore(%run_scoped3A : memref<!tpu.dma_semaphore, #tpu.memory_space<semaphore_mem>>) src(%dma_wait3A_154 : memref<128xi32, #tpu.memory_space<hbm>>) dst(%arg9 : memref<128xi32, #tpu.memory_space<vmem>>)
          tpu.yield
        }) : () -> ()
        %dma_wait3A = arith.constant 0 : i32
        %dma_wait3A_139 = tpu.memref_slice %arg4[%mul3A_124, %dma_wait3A] : memref<160000x128xf32, #tpu.memory_space<hbm>> -> memref<128x128xf32, #tpu.memory_space<hbm>>
        %dma_wait3A_140 = arith.constant 0 : i32
        %dma_wait3A_141 = tpu.memref_slice %arg4[%mul3A_124, %dma_wait3A_140] : memref<160000x128xf32, #tpu.memory_space<hbm>> -> memref<128x128xf32, #tpu.memory_space<hbm>>
        tpu.wait_dma2 semaphore(%arg14 : memref<!tpu.dma_semaphore, #tpu.memory_space<semaphore_mem>>) src(%dma_wait3A_141 : memref<128x128xf32, #tpu.memory_space<hbm>>) dst(%arg10 : memref<128x128xf32, #tpu.memory_space<vmem>>)
        "tpu.region"() ({
          %run_scoped3A = tpu.sem_alloc : memref<!tpu.dma_semaphore, #tpu.memory_space<semaphore_mem>>
          %dma_start3A_151 = arith.constant 0 : i32
          %dma_start3A_152 = arith.constant 0 : i32
          %dma_start3A_153 = tpu.memref_slice %arg13[%dma_start3A_151, %dma_start3A_152] : memref<10000x128xf32, #tpu.memory_space<vmem_shared>> -> memref<10000x128xf32, #tpu.memory_space<vmem_shared>>
          tpu.enqueue_indirect_dma source(%arg10 : memref<128x128xf32, #tpu.memory_space<vmem>>) target(%dma_start3A_153 : memref<10000x128xf32, #tpu.memory_space<vmem_shared>>) offsets(%arg8 : memref<128xi32, #tpu.memory_space<vmem>>) semaphore(%run_scoped3A : memref<!tpu.dma_semaphore, #tpu.memory_space<semaphore_mem>>) {add = true}
          %dma_wait3A_154 = arith.constant 0 : i32
          %dma_wait3A_155 = arith.constant 0 : i32
          %dma_wait3A_156 = tpu.memref_slice %arg13[%dma_wait3A_154, %dma_wait3A_155] : memref<10000x128xf32, #tpu.memory_space<vmem_shared>> -> memref<10000x128xf32, #tpu.memory_space<vmem_shared>>
          tpu.wait_indirect_dma semaphore(%run_scoped3A : memref<!tpu.dma_semaphore, #tpu.memory_space<semaphore_mem>>) src(%arg10 : memref<128x128xf32, #tpu.memory_space<vmem>>) dst(%dma_wait3A_156 : memref<10000x128xf32, #tpu.memory_space<vmem_shared>>)
          tpu.yield
        }) : () -> ()
        %dma_wait3A_142 = arith.constant 0 : i32
        %dma_wait3A_143 = tpu.memref_slice %arg4[%mul3A_127, %dma_wait3A_142] : memref<160000x128xf32, #tpu.memory_space<hbm>> -> memref<128x128xf32, #tpu.memory_space<hbm>>
        %dma_wait3A_144 = arith.constant 0 : i32
        %dma_wait3A_145 = tpu.memref_slice %arg4[%mul3A_127, %dma_wait3A_144] : memref<160000x128xf32, #tpu.memory_space<hbm>> -> memref<128x128xf32, #tpu.memory_space<hbm>>
        tpu.wait_dma2 semaphore(%arg15 : memref<!tpu.dma_semaphore, #tpu.memory_space<semaphore_mem>>) src(%dma_wait3A_145 : memref<128x128xf32, #tpu.memory_space<hbm>>) dst(%arg11 : memref<128x128xf32, #tpu.memory_space<vmem>>)
        %lt3A_146 = arith.cmpi slt, %add3A_118, %add3A_33 : i32
        %convert_element_type3A_147 = arith.extui %lt3A_146 : i1 to i32
        %cond3A_148 = arith.constant 0 : i32
        %cond3A_149 = arith.cmpi ne, %convert_element_type3A_147, %cond3A_148 : i32
        scf.if %cond3A_149 {
          "tpu.region"() ({
            %run_scoped3A = tpu.sem_alloc : memref<!tpu.dma_semaphore, #tpu.memory_space<semaphore_mem>>
            %dma_start3A_151 = arith.constant 0 : i32
            %dma_start3A_152 = arith.constant 0 : i32
            %dma_start3A_153 = tpu.memref_slice %arg13[%dma_start3A_151, %dma_start3A_152] : memref<10000x128xf32, #tpu.memory_space<vmem_shared>> -> memref<10000x128xf32, #tpu.memory_space<vmem_shared>>
            tpu.enqueue_indirect_dma source(%arg11 : memref<128x128xf32, #tpu.memory_space<vmem>>) target(%dma_start3A_153 : memref<10000x128xf32, #tpu.memory_space<vmem_shared>>) offsets(%arg9 : memref<128xi32, #tpu.memory_space<vmem>>) semaphore(%run_scoped3A : memref<!tpu.dma_semaphore, #tpu.memory_space<semaphore_mem>>) {add = true}
            %dma_wait3A_154 = arith.constant 0 : i32
            %dma_wait3A_155 = arith.constant 0 : i32
            %dma_wait3A_156 = tpu.memref_slice %arg13[%dma_wait3A_154, %dma_wait3A_155] : memref<10000x128xf32, #tpu.memory_space<vmem_shared>> -> memref<10000x128xf32, #tpu.memory_space<vmem_shared>>
            tpu.wait_indirect_dma semaphore(%run_scoped3A : memref<!tpu.dma_semaphore, #tpu.memory_space<semaphore_mem>>) src(%arg11 : memref<128x128xf32, #tpu.memory_space<vmem>>) dst(%dma_wait3A_156 : memref<10000x128xf32, #tpu.memory_space<vmem_shared>>)
            tpu.yield
          }) : () -> ()
        } else {
        }
        %while3A_150 = arith.constant 0 : i32
        scf.yield %while3A_150 : i32
      }
    } else {
    }
    %eq3A_80 = arith.constant 1 : i32
    %eq3A_81 = arith.cmpi eq, %arg0, %eq3A_80 : i32
    %ge3A_82 = arith.constant 8 : i32
    %ge3A_83 = arith.cmpi sge, %arg1, %ge3A_82 : i32
    %and3A_84 = arith.andi %eq3A_81, %ge3A_83 : i1
    %convert_element_type3A_85 = arith.extui %and3A_84 : i1 to i32
    %cond3A_86 = arith.constant 0 : i32
    %cond3A_87 = arith.cmpi ne, %convert_element_type3A_85, %cond3A_86 : i32
    scf.if %cond3A_87 {
      %while3A_101 = arith.constant 0 : i32
      %while3A_102 = arith.constant 0 : i32
      %while3A_103 = arith.subi %select_n3A_59, %while3A_101 : i32
      %while3A_104 = arith.addi %while3A_101, %while3A_103 : i32
      %while3A_105 = arith.constant 1 : i32
      %while3A_106 = arith.divsi %while3A_103, %while3A_105 : i32
      %while3A_107 = arith.muli %while3A_106, %while3A_105 : i32
      %while3A_108 = arith.addi %while3A_101, %while3A_107 : i32
      %while3A_109 = arith.constant 1 : i32
      %while3A_110 = scf.for %while3A_113 = %while3A_101 to %while3A_108 step %while3A_109 iter_args(%while3A_114 = %while3A_102) -> (i32)  : i32 {
        %mul3A_115 = arith.constant 2 : i32
        %mul3A_116 = arith.muli %mul3A_115, %while3A_113 : i32
        %add3A_117 = arith.constant 1 : i32
        %add3A_118 = arith.addi %mul3A_116, %add3A_117 : i32
        %sub3A_119 = arith.constant 1 : i32
        %sub3A_120 = arith.subi %add3A_33, %sub3A_119 : i32
        %min3A_121 = arith.minsi %add3A_118, %sub3A_120 : i32
        %add3A_122 = arith.addi %add3A_38, %mul3A_116 : i32
        %mul3A_123 = arith.constant 128 : i32
        %mul3A_124 = arith.muli %add3A_122, %mul3A_123 : i32
        %add3A_125 = arith.addi %add3A_38, %min3A_121 : i32
        %mul3A_126 = arith.constant 128 : i32
        %mul3A_127 = arith.muli %add3A_125, %mul3A_126 : i32
        %dma_start3A = arith.constant 0 : i32
        %dma_start3A_128 = tpu.memref_slice %arg5[%mul3A_124, %dma_start3A] : memref<160000x128xf32, #tpu.memory_space<hbm>> -> memref<128x128xf32, #tpu.memory_space<hbm>>
        %dma_start3A_129 = arith.constant 0 : i32
        %dma_start3A_130 = tpu.memref_slice %arg5[%mul3A_124, %dma_start3A_129] : memref<160000x128xf32, #tpu.memory_space<hbm>> -> memref<128x128xf32, #tpu.memory_space<hbm>>
        tpu.enqueue_dma source(%dma_start3A_130 : memref<128x128xf32, #tpu.memory_space<hbm>>) target(%arg10 : memref<128x128xf32, #tpu.memory_space<vmem>>) target_semaphore(%arg14 : memref<!tpu.dma_semaphore, #tpu.memory_space<semaphore_mem>>)
        %dma_start3A_131 = arith.constant 0 : i32
        %dma_start3A_132 = tpu.memref_slice %arg5[%mul3A_127, %dma_start3A_131] : memref<160000x128xf32, #tpu.memory_space<hbm>> -> memref<128x128xf32, #tpu.memory_space<hbm>>
        %dma_start3A_133 = arith.constant 0 : i32
        %dma_start3A_134 = tpu.memref_slice %arg5[%mul3A_127, %dma_start3A_133] : memref<160000x128xf32, #tpu.memory_space<hbm>> -> memref<128x128xf32, #tpu.memory_space<hbm>>
        tpu.enqueue_dma source(%dma_start3A_134 : memref<128x128xf32, #tpu.memory_space<hbm>>) target(%arg11 : memref<128x128xf32, #tpu.memory_space<vmem>>) target_semaphore(%arg15 : memref<!tpu.dma_semaphore, #tpu.memory_space<semaphore_mem>>)
        %add3A_135 = arith.constant 160000 : i32
        %add3A_136 = arith.addi %add3A_135, %mul3A_124 : i32
        "tpu.region"() ({
          %run_scoped3A = tpu.sem_alloc : memref<!tpu.dma_semaphore, #tpu.memory_space<semaphore_mem>>
          %dma_start3A_151 = tpu.memref_slice %arg6[%add3A_136] : memref<320000xi32, #tpu.memory_space<hbm>> -> memref<128xi32, #tpu.memory_space<hbm>>
          %dma_start3A_152 = tpu.memref_slice %arg6[%add3A_136] : memref<320000xi32, #tpu.memory_space<hbm>> -> memref<128xi32, #tpu.memory_space<hbm>>
          tpu.enqueue_dma source(%dma_start3A_152 : memref<128xi32, #tpu.memory_space<hbm>>) target(%arg8 : memref<128xi32, #tpu.memory_space<vmem>>) target_semaphore(%run_scoped3A : memref<!tpu.dma_semaphore, #tpu.memory_space<semaphore_mem>>)
          %dma_wait3A_153 = tpu.memref_slice %arg6[%add3A_136] : memref<320000xi32, #tpu.memory_space<hbm>> -> memref<128xi32, #tpu.memory_space<hbm>>
          %dma_wait3A_154 = tpu.memref_slice %arg6[%add3A_136] : memref<320000xi32, #tpu.memory_space<hbm>> -> memref<128xi32, #tpu.memory_space<hbm>>
          tpu.wait_dma2 semaphore(%run_scoped3A : memref<!tpu.dma_semaphore, #tpu.memory_space<semaphore_mem>>) src(%dma_wait3A_154 : memref<128xi32, #tpu.memory_space<hbm>>) dst(%arg8 : memref<128xi32, #tpu.memory_space<vmem>>)
          tpu.yield
        }) : () -> ()
        %add3A_137 = arith.constant 160000 : i32
        %add3A_138 = arith.addi %add3A_137, %mul3A_127 : i32
        "tpu.region"() ({
          %run_scoped3A = tpu.sem_alloc : memref<!tpu.dma_semaphore, #tpu.memory_space<semaphore_mem>>
          %dma_start3A_151 = tpu.memref_slice %arg6[%add3A_138] : memref<320000xi32, #tpu.memory_space<hbm>> -> memref<128xi32, #tpu.memory_space<hbm>>
          %dma_start3A_152 = tpu.memref_slice %arg6[%add3A_138] : memref<320000xi32, #tpu.memory_space<hbm>> -> memref<128xi32, #tpu.memory_space<hbm>>
          tpu.enqueue_dma source(%dma_start3A_152 : memref<128xi32, #tpu.memory_space<hbm>>) target(%arg9 : memref<128xi32, #tpu.memory_space<vmem>>) target_semaphore(%run_scoped3A : memref<!tpu.dma_semaphore, #tpu.memory_space<semaphore_mem>>)
          %dma_wait3A_153 = tpu.memref_slice %arg6[%add3A_138] : memref<320000xi32, #tpu.memory_space<hbm>> -> memref<128xi32, #tpu.memory_space<hbm>>
          %dma_wait3A_154 = tpu.memref_slice %arg6[%add3A_138] : memref<320000xi32, #tpu.memory_space<hbm>> -> memref<128xi32, #tpu.memory_space<hbm>>
          tpu.wait_dma2 semaphore(%run_scoped3A : memref<!tpu.dma_semaphore, #tpu.memory_space<semaphore_mem>>) src(%dma_wait3A_154 : memref<128xi32, #tpu.memory_space<hbm>>) dst(%arg9 : memref<128xi32, #tpu.memory_space<vmem>>)
          tpu.yield
        }) : () -> ()
        %dma_wait3A = arith.constant 0 : i32
        %dma_wait3A_139 = tpu.memref_slice %arg5[%mul3A_124, %dma_wait3A] : memref<160000x128xf32, #tpu.memory_space<hbm>> -> memref<128x128xf32, #tpu.memory_space<hbm>>
        %dma_wait3A_140 = arith.constant 0 : i32
        %dma_wait3A_141 = tpu.memref_slice %arg5[%mul3A_124, %dma_wait3A_140] : memref<160000x128xf32, #tpu.memory_space<hbm>> -> memref<128x128xf32, #tpu.memory_space<hbm>>
        tpu.wait_dma2 semaphore(%arg14 : memref<!tpu.dma_semaphore, #tpu.memory_space<semaphore_mem>>) src(%dma_wait3A_141 : memref<128x128xf32, #tpu.memory_space<hbm>>) dst(%arg10 : memref<128x128xf32, #tpu.memory_space<vmem>>)
        "tpu.region"() ({
          %run_scoped3A = tpu.sem_alloc : memref<!tpu.dma_semaphore, #tpu.memory_space<semaphore_mem>>
          %dma_start3A_151 = arith.constant 0 : i32
          %dma_start3A_152 = arith.constant 0 : i32
          %dma_start3A_153 = tpu.memref_slice %arg13[%dma_start3A_151, %dma_start3A_152] : memref<10000x128xf32, #tpu.memory_space<vmem_shared>> -> memref<10000x128xf32, #tpu.memory_space<vmem_shared>>
          tpu.enqueue_indirect_dma source(%arg10 : memref<128x128xf32, #tpu.memory_space<vmem>>) target(%dma_start3A_153 : memref<10000x128xf32, #tpu.memory_space<vmem_shared>>) offsets(%arg8 : memref<128xi32, #tpu.memory_space<vmem>>) semaphore(%run_scoped3A : memref<!tpu.dma_semaphore, #tpu.memory_space<semaphore_mem>>) {add = true}
          %dma_wait3A_154 = arith.constant 0 : i32
          %dma_wait3A_155 = arith.constant 0 : i32
          %dma_wait3A_156 = tpu.memref_slice %arg13[%dma_wait3A_154, %dma_wait3A_155] : memref<10000x128xf32, #tpu.memory_space<vmem_shared>> -> memref<10000x128xf32, #tpu.memory_space<vmem_shared>>
          tpu.wait_indirect_dma semaphore(%run_scoped3A : memref<!tpu.dma_semaphore, #tpu.memory_space<semaphore_mem>>) src(%arg10 : memref<128x128xf32, #tpu.memory_space<vmem>>) dst(%dma_wait3A_156 : memref<10000x128xf32, #tpu.memory_space<vmem_shared>>)
          tpu.yield
        }) : () -> ()
        %dma_wait3A_142 = arith.constant 0 : i32
        %dma_wait3A_143 = tpu.memref_slice %arg5[%mul3A_127, %dma_wait3A_142] : memref<160000x128xf32, #tpu.memory_space<hbm>> -> memref<128x128xf32, #tpu.memory_space<hbm>>
        %dma_wait3A_144 = arith.constant 0 : i32
        %dma_wait3A_145 = tpu.memref_slice %arg5[%mul3A_127, %dma_wait3A_144] : memref<160000x128xf32, #tpu.memory_space<hbm>> -> memref<128x128xf32, #tpu.memory_space<hbm>>
        tpu.wait_dma2 semaphore(%arg15 : memref<!tpu.dma_semaphore, #tpu.memory_space<semaphore_mem>>) src(%dma_wait3A_145 : memref<128x128xf32, #tpu.memory_space<hbm>>) dst(%arg11 : memref<128x128xf32, #tpu.memory_space<vmem>>)
        %lt3A_146 = arith.cmpi slt, %add3A_118, %add3A_33 : i32
        %convert_element_type3A_147 = arith.extui %lt3A_146 : i1 to i32
        %cond3A_148 = arith.constant 0 : i32
        %cond3A_149 = arith.cmpi ne, %convert_element_type3A_147, %cond3A_148 : i32
        scf.if %cond3A_149 {
          "tpu.region"() ({
            %run_scoped3A = tpu.sem_alloc : memref<!tpu.dma_semaphore, #tpu.memory_space<semaphore_mem>>
            %dma_start3A_151 = arith.constant 0 : i32
            %dma_start3A_152 = arith.constant 0 : i32
            %dma_start3A_153 = tpu.memref_slice %arg13[%dma_start3A_151, %dma_start3A_152] : memref<10000x128xf32, #tpu.memory_space<vmem_shared>> -> memref<10000x128xf32, #tpu.memory_space<vmem_shared>>
            tpu.enqueue_indirect_dma source(%arg11 : memref<128x128xf32, #tpu.memory_space<vmem>>) target(%dma_start3A_153 : memref<10000x128xf32, #tpu.memory_space<vmem_shared>>) offsets(%arg9 : memref<128xi32, #tpu.memory_space<vmem>>) semaphore(%run_scoped3A : memref<!tpu.dma_semaphore, #tpu.memory_space<semaphore_mem>>) {add = true}
            %dma_wait3A_154 = arith.constant 0 : i32
            %dma_wait3A_155 = arith.constant 0 : i32
            %dma_wait3A_156 = tpu.memref_slice %arg13[%dma_wait3A_154, %dma_wait3A_155] : memref<10000x128xf32, #tpu.memory_space<vmem_shared>> -> memref<10000x128xf32, #tpu.memory_space<vmem_shared>>
            tpu.wait_indirect_dma semaphore(%run_scoped3A : memref<!tpu.dma_semaphore, #tpu.memory_space<semaphore_mem>>) src(%arg11 : memref<128x128xf32, #tpu.memory_space<vmem>>) dst(%dma_wait3A_156 : memref<10000x128xf32, #tpu.memory_space<vmem_shared>>)
            tpu.yield
          }) : () -> ()
        } else {
        }
        %while3A_150 = arith.constant 0 : i32
        scf.yield %while3A_150 : i32
      }
      %while3A_111 = arith.constant 1 : i32
      %while3A_112 = scf.for %while3A_113 = %while3A_108 to %while3A_104 step %while3A_111 iter_args(%while3A_114 = %while3A_110) -> (i32)  : i32 {
        %mul3A_115 = arith.constant 2 : i32
        %mul3A_116 = arith.muli %mul3A_115, %while3A_113 : i32
        %add3A_117 = arith.constant 1 : i32
        %add3A_118 = arith.addi %mul3A_116, %add3A_117 : i32
        %sub3A_119 = arith.constant 1 : i32
        %sub3A_120 = arith.subi %add3A_33, %sub3A_119 : i32
        %min3A_121 = arith.minsi %add3A_118, %sub3A_120 : i32
        %add3A_122 = arith.addi %add3A_38, %mul3A_116 : i32
        %mul3A_123 = arith.constant 128 : i32
        %mul3A_124 = arith.muli %add3A_122, %mul3A_123 : i32
        %add3A_125 = arith.addi %add3A_38, %min3A_121 : i32
        %mul3A_126 = arith.constant 128 : i32
        %mul3A_127 = arith.muli %add3A_125, %mul3A_126 : i32
        %dma_start3A = arith.constant 0 : i32
        %dma_start3A_128 = tpu.memref_slice %arg5[%mul3A_124, %dma_start3A] : memref<160000x128xf32, #tpu.memory_space<hbm>> -> memref<128x128xf32, #tpu.memory_space<hbm>>
        %dma_start3A_129 = arith.constant 0 : i32
        %dma_start3A_130 = tpu.memref_slice %arg5[%mul3A_124, %dma_start3A_129] : memref<160000x128xf32, #tpu.memory_space<hbm>> -> memref<128x128xf32, #tpu.memory_space<hbm>>
        tpu.enqueue_dma source(%dma_start3A_130 : memref<128x128xf32, #tpu.memory_space<hbm>>) target(%arg10 : memref<128x128xf32, #tpu.memory_space<vmem>>) target_semaphore(%arg14 : memref<!tpu.dma_semaphore, #tpu.memory_space<semaphore_mem>>)
        %dma_start3A_131 = arith.constant 0 : i32
        %dma_start3A_132 = tpu.memref_slice %arg5[%mul3A_127, %dma_start3A_131] : memref<160000x128xf32, #tpu.memory_space<hbm>> -> memref<128x128xf32, #tpu.memory_space<hbm>>
        %dma_start3A_133 = arith.constant 0 : i32
        %dma_start3A_134 = tpu.memref_slice %arg5[%mul3A_127, %dma_start3A_133] : memref<160000x128xf32, #tpu.memory_space<hbm>> -> memref<128x128xf32, #tpu.memory_space<hbm>>
        tpu.enqueue_dma source(%dma_start3A_134 : memref<128x128xf32, #tpu.memory_space<hbm>>) target(%arg11 : memref<128x128xf32, #tpu.memory_space<vmem>>) target_semaphore(%arg15 : memref<!tpu.dma_semaphore, #tpu.memory_space<semaphore_mem>>)
        %add3A_135 = arith.constant 160000 : i32
        %add3A_136 = arith.addi %add3A_135, %mul3A_124 : i32
        "tpu.region"() ({
          %run_scoped3A = tpu.sem_alloc : memref<!tpu.dma_semaphore, #tpu.memory_space<semaphore_mem>>
          %dma_start3A_151 = tpu.memref_slice %arg6[%add3A_136] : memref<320000xi32, #tpu.memory_space<hbm>> -> memref<128xi32, #tpu.memory_space<hbm>>
          %dma_start3A_152 = tpu.memref_slice %arg6[%add3A_136] : memref<320000xi32, #tpu.memory_space<hbm>> -> memref<128xi32, #tpu.memory_space<hbm>>
          tpu.enqueue_dma source(%dma_start3A_152 : memref<128xi32, #tpu.memory_space<hbm>>) target(%arg8 : memref<128xi32, #tpu.memory_space<vmem>>) target_semaphore(%run_scoped3A : memref<!tpu.dma_semaphore, #tpu.memory_space<semaphore_mem>>)
          %dma_wait3A_153 = tpu.memref_slice %arg6[%add3A_136] : memref<320000xi32, #tpu.memory_space<hbm>> -> memref<128xi32, #tpu.memory_space<hbm>>
          %dma_wait3A_154 = tpu.memref_slice %arg6[%add3A_136] : memref<320000xi32, #tpu.memory_space<hbm>> -> memref<128xi32, #tpu.memory_space<hbm>>
          tpu.wait_dma2 semaphore(%run_scoped3A : memref<!tpu.dma_semaphore, #tpu.memory_space<semaphore_mem>>) src(%dma_wait3A_154 : memref<128xi32, #tpu.memory_space<hbm>>) dst(%arg8 : memref<128xi32, #tpu.memory_space<vmem>>)
          tpu.yield
        }) : () -> ()
        %add3A_137 = arith.constant 160000 : i32
        %add3A_138 = arith.addi %add3A_137, %mul3A_127 : i32
        "tpu.region"() ({
          %run_scoped3A = tpu.sem_alloc : memref<!tpu.dma_semaphore, #tpu.memory_space<semaphore_mem>>
          %dma_start3A_151 = tpu.memref_slice %arg6[%add3A_138] : memref<320000xi32, #tpu.memory_space<hbm>> -> memref<128xi32, #tpu.memory_space<hbm>>
          %dma_start3A_152 = tpu.memref_slice %arg6[%add3A_138] : memref<320000xi32, #tpu.memory_space<hbm>> -> memref<128xi32, #tpu.memory_space<hbm>>
          tpu.enqueue_dma source(%dma_start3A_152 : memref<128xi32, #tpu.memory_space<hbm>>) target(%arg9 : memref<128xi32, #tpu.memory_space<vmem>>) target_semaphore(%run_scoped3A : memref<!tpu.dma_semaphore, #tpu.memory_space<semaphore_mem>>)
          %dma_wait3A_153 = tpu.memref_slice %arg6[%add3A_138] : memref<320000xi32, #tpu.memory_space<hbm>> -> memref<128xi32, #tpu.memory_space<hbm>>
          %dma_wait3A_154 = tpu.memref_slice %arg6[%add3A_138] : memref<320000xi32, #tpu.memory_space<hbm>> -> memref<128xi32, #tpu.memory_space<hbm>>
          tpu.wait_dma2 semaphore(%run_scoped3A : memref<!tpu.dma_semaphore, #tpu.memory_space<semaphore_mem>>) src(%dma_wait3A_154 : memref<128xi32, #tpu.memory_space<hbm>>) dst(%arg9 : memref<128xi32, #tpu.memory_space<vmem>>)
          tpu.yield
        }) : () -> ()
        %dma_wait3A = arith.constant 0 : i32
        %dma_wait3A_139 = tpu.memref_slice %arg5[%mul3A_124, %dma_wait3A] : memref<160000x128xf32, #tpu.memory_space<hbm>> -> memref<128x128xf32, #tpu.memory_space<hbm>>
        %dma_wait3A_140 = arith.constant 0 : i32
        %dma_wait3A_141 = tpu.memref_slice %arg5[%mul3A_124, %dma_wait3A_140] : memref<160000x128xf32, #tpu.memory_space<hbm>> -> memref<128x128xf32, #tpu.memory_space<hbm>>
        tpu.wait_dma2 semaphore(%arg14 : memref<!tpu.dma_semaphore, #tpu.memory_space<semaphore_mem>>) src(%dma_wait3A_141 : memref<128x128xf32, #tpu.memory_space<hbm>>) dst(%arg10 : memref<128x128xf32, #tpu.memory_space<vmem>>)
        "tpu.region"() ({
          %run_scoped3A = tpu.sem_alloc : memref<!tpu.dma_semaphore, #tpu.memory_space<semaphore_mem>>
          %dma_start3A_151 = arith.constant 0 : i32
          %dma_start3A_152 = arith.constant 0 : i32
          %dma_start3A_153 = tpu.memref_slice %arg13[%dma_start3A_151, %dma_start3A_152] : memref<10000x128xf32, #tpu.memory_space<vmem_shared>> -> memref<10000x128xf32, #tpu.memory_space<vmem_shared>>
          tpu.enqueue_indirect_dma source(%arg10 : memref<128x128xf32, #tpu.memory_space<vmem>>) target(%dma_start3A_153 : memref<10000x128xf32, #tpu.memory_space<vmem_shared>>) offsets(%arg8 : memref<128xi32, #tpu.memory_space<vmem>>) semaphore(%run_scoped3A : memref<!tpu.dma_semaphore, #tpu.memory_space<semaphore_mem>>) {add = true}
          %dma_wait3A_154 = arith.constant 0 : i32
          %dma_wait3A_155 = arith.constant 0 : i32
          %dma_wait3A_156 = tpu.memref_slice %arg13[%dma_wait3A_154, %dma_wait3A_155] : memref<10000x128xf32, #tpu.memory_space<vmem_shared>> -> memref<10000x128xf32, #tpu.memory_space<vmem_shared>>
          tpu.wait_indirect_dma semaphore(%run_scoped3A : memref<!tpu.dma_semaphore, #tpu.memory_space<semaphore_mem>>) src(%arg10 : memref<128x128xf32, #tpu.memory_space<vmem>>) dst(%dma_wait3A_156 : memref<10000x128xf32, #tpu.memory_space<vmem_shared>>)
          tpu.yield
        }) : () -> ()
        %dma_wait3A_142 = arith.constant 0 : i32
        %dma_wait3A_143 = tpu.memref_slice %arg5[%mul3A_127, %dma_wait3A_142] : memref<160000x128xf32, #tpu.memory_space<hbm>> -> memref<128x128xf32, #tpu.memory_space<hbm>>
        %dma_wait3A_144 = arith.constant 0 : i32
        %dma_wait3A_145 = tpu.memref_slice %arg5[%mul3A_127, %dma_wait3A_144] : memref<160000x128xf32, #tpu.memory_space<hbm>> -> memref<128x128xf32, #tpu.memory_space<hbm>>
        tpu.wait_dma2 semaphore(%arg15 : memref<!tpu.dma_semaphore, #tpu.memory_space<semaphore_mem>>) src(%dma_wait3A_145 : memref<128x128xf32, #tpu.memory_space<hbm>>) dst(%arg11 : memref<128x128xf32, #tpu.memory_space<vmem>>)
        %lt3A_146 = arith.cmpi slt, %add3A_118, %add3A_33 : i32
        %convert_element_type3A_147 = arith.extui %lt3A_146 : i1 to i32
        %cond3A_148 = arith.constant 0 : i32
        %cond3A_149 = arith.cmpi ne, %convert_element_type3A_147, %cond3A_148 : i32
        scf.if %cond3A_149 {
          "tpu.region"() ({
            %run_scoped3A = tpu.sem_alloc : memref<!tpu.dma_semaphore, #tpu.memory_space<semaphore_mem>>
            %dma_start3A_151 = arith.constant 0 : i32
            %dma_start3A_152 = arith.constant 0 : i32
            %dma_start3A_153 = tpu.memref_slice %arg13[%dma_start3A_151, %dma_start3A_152] : memref<10000x128xf32, #tpu.memory_space<vmem_shared>> -> memref<10000x128xf32, #tpu.memory_space<vmem_shared>>
            tpu.enqueue_indirect_dma source(%arg11 : memref<128x128xf32, #tpu.memory_space<vmem>>) target(%dma_start3A_153 : memref<10000x128xf32, #tpu.memory_space<vmem_shared>>) offsets(%arg9 : memref<128xi32, #tpu.memory_space<vmem>>) semaphore(%run_scoped3A : memref<!tpu.dma_semaphore, #tpu.memory_space<semaphore_mem>>) {add = true}
            %dma_wait3A_154 = arith.constant 0 : i32
            %dma_wait3A_155 = arith.constant 0 : i32
            %dma_wait3A_156 = tpu.memref_slice %arg13[%dma_wait3A_154, %dma_wait3A_155] : memref<10000x128xf32, #tpu.memory_space<vmem_shared>> -> memref<10000x128xf32, #tpu.memory_space<vmem_shared>>
            tpu.wait_indirect_dma semaphore(%run_scoped3A : memref<!tpu.dma_semaphore, #tpu.memory_space<semaphore_mem>>) src(%arg11 : memref<128x128xf32, #tpu.memory_space<vmem>>) dst(%dma_wait3A_156 : memref<10000x128xf32, #tpu.memory_space<vmem_shared>>)
            tpu.yield
          }) : () -> ()
        } else {
        }
        %while3A_150 = arith.constant 0 : i32
        scf.yield %while3A_150 : i32
      }
    } else {
    }
    %barrier3A_88 = arith.constant 0 : index
    tpu.barrier barrier_id(%barrier3A_88)
    %while3A_89 = arith.constant 0 : i32
    %while3A_90 = arith.constant 0 : i32
    %while3A_91 = arith.subi %add3A_9, %while3A_89 : i32
    %while3A_92 = arith.addi %while3A_89, %while3A_91 : i32
    %while3A_93 = arith.constant 1 : i32
    %while3A_94 = arith.divsi %while3A_91, %while3A_93 : i32
    %while3A_95 = arith.muli %while3A_94, %while3A_93 : i32
    %while3A_96 = arith.addi %while3A_89, %while3A_95 : i32
    %while3A_97 = arith.constant 1 : i32
    %while3A_98 = scf.for %while3A_101 = %while3A_89 to %while3A_96 step %while3A_97 iter_args(%while3A_102 = %while3A_90) -> (i32)  : i32 {
      %mul3A_103 = arith.constant 8 : i32
      %mul3A_104 = arith.muli %mul3A_103, %while3A_101 : i32
      %add3A_105 = arith.addi %add3A_14, %mul3A_104 : i32
      "tpu.region"() ({
        %run_scoped3A = tpu.sem_alloc : memref<!tpu.dma_semaphore, #tpu.memory_space<semaphore_mem>>
        %dma_start3A = arith.constant 0 : i32
        %dma_start3A_107 = tpu.memref_slice %arg13[%add3A_105, %dma_start3A] : memref<10000x128xf32, #tpu.memory_space<vmem_shared>> -> memref<8x128xf32, #tpu.memory_space<vmem_shared>>
        %dma_start3A_108 = arith.constant 0 : i32
        %dma_start3A_109 = tpu.memref_slice %arg13[%add3A_105, %dma_start3A_108] : memref<10000x128xf32, #tpu.memory_space<vmem_shared>> -> memref<8x128xf32, #tpu.memory_space<vmem_shared>>
        tpu.enqueue_dma source(%dma_start3A_109 : memref<8x128xf32, #tpu.memory_space<vmem_shared>>) target(%arg12 : memref<8x128xf32, #tpu.memory_space<vmem>>) target_semaphore(%run_scoped3A : memref<!tpu.dma_semaphore, #tpu.memory_space<semaphore_mem>>)
        %dma_wait3A = arith.constant 0 : i32
        %dma_wait3A_110 = tpu.memref_slice %arg13[%add3A_105, %dma_wait3A] : memref<10000x128xf32, #tpu.memory_space<vmem_shared>> -> memref<8x128xf32, #tpu.memory_space<vmem_shared>>
        %dma_wait3A_111 = arith.constant 0 : i32
        %dma_wait3A_112 = tpu.memref_slice %arg13[%add3A_105, %dma_wait3A_111] : memref<10000x128xf32, #tpu.memory_space<vmem_shared>> -> memref<8x128xf32, #tpu.memory_space<vmem_shared>>
        tpu.wait_dma2 semaphore(%run_scoped3A : memref<!tpu.dma_semaphore, #tpu.memory_space<semaphore_mem>>) src(%dma_wait3A_112 : memref<8x128xf32, #tpu.memory_space<vmem_shared>>) dst(%arg12 : memref<8x128xf32, #tpu.memory_space<vmem>>)
        tpu.yield
      }) : () -> ()
      "tpu.region"() ({
        %run_scoped3A = tpu.sem_alloc : memref<!tpu.dma_semaphore, #tpu.memory_space<semaphore_mem>>
        %dma_start3A = arith.constant 0 : i32
        %dma_start3A_107 = tpu.memref_slice %arg7[%arg0, %add3A_105, %dma_start3A] : memref<2x10000x128xf32, #tpu.memory_space<hbm>> -> memref<1x8x128xf32, #tpu.memory_space<hbm>>
        %dma_start3A_108 = tpu.memref_squeeze %dma_start3A_107 : memref<1x8x128xf32, #tpu.memory_space<hbm>> -> memref<8x128xf32, #tpu.memory_space<hbm>>
        %dma_start3A_109 = arith.constant 0 : i32
        %dma_start3A_110 = tpu.memref_slice %arg7[%arg0, %add3A_105, %dma_start3A_109] : memref<2x10000x128xf32, #tpu.memory_space<hbm>> -> memref<1x8x128xf32, #tpu.memory_space<hbm>>
        %dma_start3A_111 = tpu.memref_squeeze %dma_start3A_110 : memref<1x8x128xf32, #tpu.memory_space<hbm>> -> memref<8x128xf32, #tpu.memory_space<hbm>>
        tpu.enqueue_dma source(%arg12 : memref<8x128xf32, #tpu.memory_space<vmem>>) target(%dma_start3A_111 : memref<8x128xf32, #tpu.memory_space<hbm>>) target_semaphore(%run_scoped3A : memref<!tpu.dma_semaphore, #tpu.memory_space<semaphore_mem>>)
        %dma_wait3A = arith.constant 0 : i32
        %dma_wait3A_112 = tpu.memref_slice %arg7[%arg0, %add3A_105, %dma_wait3A] : memref<2x10000x128xf32, #tpu.memory_space<hbm>> -> memref<1x8x128xf32, #tpu.memory_space<hbm>>
        %dma_wait3A_113 = tpu.memref_squeeze %dma_wait3A_112 : memref<1x8x128xf32, #tpu.memory_space<hbm>> -> memref<8x128xf32, #tpu.memory_space<hbm>>
        %dma_wait3A_114 = arith.constant 0 : i32
        %dma_wait3A_115 = tpu.memref_slice %arg7[%arg0, %add3A_105, %dma_wait3A_114] : memref<2x10000x128xf32, #tpu.memory_space<hbm>> -> memref<1x8x128xf32, #tpu.memory_space<hbm>>
        %dma_wait3A_116 = tpu.memref_squeeze %dma_wait3A_115 : memref<1x8x128xf32, #tpu.memory_space<hbm>> -> memref<8x128xf32, #tpu.memory_space<hbm>>
        tpu.wait_dma2 semaphore(%run_scoped3A : memref<!tpu.dma_semaphore, #tpu.memory_space<semaphore_mem>>) src(%arg12 : memref<8x128xf32, #tpu.memory_space<vmem>>) dst(%dma_wait3A_116 : memref<8x128xf32, #tpu.memory_space<hbm>>)
        tpu.yield
      }) : () -> ()
      %while3A_106 = arith.constant 0 : i32
      scf.yield %while3A_106 : i32
    }
    %while3A_99 = arith.constant 1 : i32
    %while3A_100 = scf.for %while3A_101 = %while3A_96 to %while3A_92 step %while3A_99 iter_args(%while3A_102 = %while3A_98) -> (i32)  : i32 {
      %mul3A_103 = arith.constant 8 : i32
      %mul3A_104 = arith.muli %mul3A_103, %while3A_101 : i32
      %add3A_105 = arith.addi %add3A_14, %mul3A_104 : i32
      "tpu.region"() ({
        %run_scoped3A = tpu.sem_alloc : memref<!tpu.dma_semaphore, #tpu.memory_space<semaphore_mem>>
        %dma_start3A = arith.constant 0 : i32
        %dma_start3A_107 = tpu.memref_slice %arg13[%add3A_105, %dma_start3A] : memref<10000x128xf32, #tpu.memory_space<vmem_shared>> -> memref<8x128xf32, #tpu.memory_space<vmem_shared>>
        %dma_start3A_108 = arith.constant 0 : i32
        %dma_start3A_109 = tpu.memref_slice %arg13[%add3A_105, %dma_start3A_108] : memref<10000x128xf32, #tpu.memory_space<vmem_shared>> -> memref<8x128xf32, #tpu.memory_space<vmem_shared>>
        tpu.enqueue_dma source(%dma_start3A_109 : memref<8x128xf32, #tpu.memory_space<vmem_shared>>) target(%arg12 : memref<8x128xf32, #tpu.memory_space<vmem>>) target_semaphore(%run_scoped3A : memref<!tpu.dma_semaphore, #tpu.memory_space<semaphore_mem>>)
        %dma_wait3A = arith.constant 0 : i32
        %dma_wait3A_110 = tpu.memref_slice %arg13[%add3A_105, %dma_wait3A] : memref<10000x128xf32, #tpu.memory_space<vmem_shared>> -> memref<8x128xf32, #tpu.memory_space<vmem_shared>>
        %dma_wait3A_111 = arith.constant 0 : i32
        %dma_wait3A_112 = tpu.memref_slice %arg13[%add3A_105, %dma_wait3A_111] : memref<10000x128xf32, #tpu.memory_space<vmem_shared>> -> memref<8x128xf32, #tpu.memory_space<vmem_shared>>
        tpu.wait_dma2 semaphore(%run_scoped3A : memref<!tpu.dma_semaphore, #tpu.memory_space<semaphore_mem>>) src(%dma_wait3A_112 : memref<8x128xf32, #tpu.memory_space<vmem_shared>>) dst(%arg12 : memref<8x128xf32, #tpu.memory_space<vmem>>)
        tpu.yield
      }) : () -> ()
      "tpu.region"() ({
        %run_scoped3A = tpu.sem_alloc : memref<!tpu.dma_semaphore, #tpu.memory_space<semaphore_mem>>
        %dma_start3A = arith.constant 0 : i32
        %dma_start3A_107 = tpu.memref_slice %arg7[%arg0, %add3A_105, %dma_start3A] : memref<2x10000x128xf32, #tpu.memory_space<hbm>> -> memref<1x8x128xf32, #tpu.memory_space<hbm>>
        %dma_start3A_108 = tpu.memref_squeeze %dma_start3A_107 : memref<1x8x128xf32, #tpu.memory_space<hbm>> -> memref<8x128xf32, #tpu.memory_space<hbm>>
        %dma_start3A_109 = arith.constant 0 : i32
        %dma_start3A_110 = tpu.memref_slice %arg7[%arg0, %add3A_105, %dma_start3A_109] : memref<2x10000x128xf32, #tpu.memory_space<hbm>> -> memref<1x8x128xf32, #tpu.memory_space<hbm>>
        %dma_start3A_111 = tpu.memref_squeeze %dma_start3A_110 : memref<1x8x128xf32, #tpu.memory_space<hbm>> -> memref<8x128xf32, #tpu.memory_space<hbm>>
        tpu.enqueue_dma source(%arg12 : memref<8x128xf32, #tpu.memory_space<vmem>>) target(%dma_start3A_111 : memref<8x128xf32, #tpu.memory_space<hbm>>) target_semaphore(%run_scoped3A : memref<!tpu.dma_semaphore, #tpu.memory_space<semaphore_mem>>)
        %dma_wait3A = arith.constant 0 : i32
        %dma_wait3A_112 = tpu.memref_slice %arg7[%arg0, %add3A_105, %dma_wait3A] : memref<2x10000x128xf32, #tpu.memory_space<hbm>> -> memref<1x8x128xf32, #tpu.memory_space<hbm>>
        %dma_wait3A_113 = tpu.memref_squeeze %dma_wait3A_112 : memref<1x8x128xf32, #tpu.memory_space<hbm>> -> memref<8x128xf32, #tpu.memory_space<hbm>>
        %dma_wait3A_114 = arith.constant 0 : i32
        %dma_wait3A_115 = tpu.memref_slice %arg7[%arg0, %add3A_105, %dma_wait3A_114] : memref<2x10000x128xf32, #tpu.memory_space<hbm>> -> memref<1x8x128xf32, #tpu.memory_space<hbm>>
        %dma_wait3A_116 = tpu.memref_squeeze %dma_wait3A_115 : memref<1x8x128xf32, #tpu.memory_space<hbm>> -> memref<8x128xf32, #tpu.memory_space<hbm>>
        tpu.wait_dma2 semaphore(%run_scoped3A : memref<!tpu.dma_semaphore, #tpu.memory_space<semaphore_mem>>) src(%arg12 : memref<8x128xf32, #tpu.memory_space<vmem>>) dst(%dma_wait3A_116 : memref<8x128xf32, #tpu.memory_space<hbm>>)
        tpu.yield
      }) : () -> ()
      %while3A_106 = arith.constant 0 : i32
      scf.yield %while3A_106 : i32
    }
    return
  }
}

#map = affine_map<(d0, d1) -> (0, 0)>
#map1 = affine_map<(d0, d1) -> (0)>
module attributes {stable_mosaic.version = 14 : i64} {
  func.func @gather_k(%arg0: i32, %arg1: i32, %arg2: memref<10000x256xf32, #tpu.memory_space<hbm>>, %arg3: memref<10000x256xf32, #tpu.memory_space<hbm>>, %arg4: memref<160000xi32, #tpu.memory_space<hbm>>, %arg5: memref<160000xi32, #tpu.memory_space<hbm>>, %arg6: memref<160000x256xf32, #tpu.memory_space<hbm>>, %arg7: memref<160000x256xf32, #tpu.memory_space<hbm>>, %arg8: memref<5000xi32, #tpu.memory_space<vmem>>, %arg9: memref<5000xi32, #tpu.memory_space<vmem>>, %arg10: memref<40x256xf32, #tpu.memory_space<vmem>>, %arg11: memref<40x256xf32, #tpu.memory_space<vmem>>, %arg12: memref<40x256xf32, #tpu.memory_space<vmem>>, %arg13: memref<40x256xf32, #tpu.memory_space<vmem>>, %arg14: memref<!tpu.dma_semaphore, #tpu.memory_space<semaphore_mem>>, %arg15: memref<!tpu.dma_semaphore, #tpu.memory_space<semaphore_mem>>, %arg16: memref<!tpu.dma_semaphore, #tpu.memory_space<semaphore_mem>>, %arg17: memref<!tpu.dma_semaphore, #tpu.memory_space<semaphore_mem>>, %arg18: memref<!tpu.dma_semaphore, #tpu.memory_space<semaphore_mem>>, %arg19: memref<!tpu.dma_semaphore, #tpu.memory_space<semaphore_mem>>, %arg20: memref<!tpu.dma_semaphore, #tpu.memory_space<semaphore_mem>>, %arg21: memref<!tpu.dma_semaphore, #tpu.memory_space<semaphore_mem>>) attributes {dimension_semantics = [#tpu.dimension_semantics<core_parallel>, #tpu.dimension_semantics<subcore_parallel>], iteration_bounds = array<i64: 2, 16>, scalar_prefetch = 0 : i64, scratch_operands = 14 : i64, tpu.core_type = #tpu.core_type<sc_vector_subcore>, window_params = [{transform_indices = #map}, {transform_indices = #map}, {transform_indices = #map1}, {transform_indices = #map1}, {transform_indices = #map}, {transform_indices = #map}]} {
    %mul3A = arith.constant 2 : i32
    %mul3A_0 = arith.muli %arg1, %mul3A : i32
    %add3A = arith.addi %mul3A_0, %arg0 : i32
    %mul3A_1 = arith.constant 5000 : i32
    %mul3A_2 = arith.muli %add3A, %mul3A_1 : i32
    "tpu.region"() ({
      %run_scoped3A = tpu.sem_alloc : memref<!tpu.dma_semaphore, #tpu.memory_space<semaphore_mem>>
      %dma_start3A_49 = tpu.memref_slice %arg4[%mul3A_2] : memref<160000xi32, #tpu.memory_space<hbm>> -> memref<5000xi32, #tpu.memory_space<hbm>>
      %dma_start3A_50 = tpu.memref_slice %arg4[%mul3A_2] : memref<160000xi32, #tpu.memory_space<hbm>> -> memref<5000xi32, #tpu.memory_space<hbm>>
      tpu.enqueue_dma source(%dma_start3A_50 : memref<5000xi32, #tpu.memory_space<hbm>>) target(%arg8 : memref<5000xi32, #tpu.memory_space<vmem>>) target_semaphore(%run_scoped3A : memref<!tpu.dma_semaphore, #tpu.memory_space<semaphore_mem>>)
      %dma_wait3A_51 = tpu.memref_slice %arg4[%mul3A_2] : memref<160000xi32, #tpu.memory_space<hbm>> -> memref<5000xi32, #tpu.memory_space<hbm>>
      %dma_wait3A_52 = tpu.memref_slice %arg4[%mul3A_2] : memref<160000xi32, #tpu.memory_space<hbm>> -> memref<5000xi32, #tpu.memory_space<hbm>>
      tpu.wait_dma2 semaphore(%run_scoped3A : memref<!tpu.dma_semaphore, #tpu.memory_space<semaphore_mem>>) src(%dma_wait3A_52 : memref<5000xi32, #tpu.memory_space<hbm>>) dst(%arg8 : memref<5000xi32, #tpu.memory_space<vmem>>)
      tpu.yield
    }) : () -> ()
    "tpu.region"() ({
      %run_scoped3A = tpu.sem_alloc : memref<!tpu.dma_semaphore, #tpu.memory_space<semaphore_mem>>
      %dma_start3A_49 = tpu.memref_slice %arg5[%mul3A_2] : memref<160000xi32, #tpu.memory_space<hbm>> -> memref<5000xi32, #tpu.memory_space<hbm>>
      %dma_start3A_50 = tpu.memref_slice %arg5[%mul3A_2] : memref<160000xi32, #tpu.memory_space<hbm>> -> memref<5000xi32, #tpu.memory_space<hbm>>
      tpu.enqueue_dma source(%dma_start3A_50 : memref<5000xi32, #tpu.memory_space<hbm>>) target(%arg9 : memref<5000xi32, #tpu.memory_space<vmem>>) target_semaphore(%run_scoped3A : memref<!tpu.dma_semaphore, #tpu.memory_space<semaphore_mem>>)
      %dma_wait3A_51 = tpu.memref_slice %arg5[%mul3A_2] : memref<160000xi32, #tpu.memory_space<hbm>> -> memref<5000xi32, #tpu.memory_space<hbm>>
      %dma_wait3A_52 = tpu.memref_slice %arg5[%mul3A_2] : memref<160000xi32, #tpu.memory_space<hbm>> -> memref<5000xi32, #tpu.memory_space<hbm>>
      tpu.wait_dma2 semaphore(%run_scoped3A : memref<!tpu.dma_semaphore, #tpu.memory_space<semaphore_mem>>) src(%dma_wait3A_52 : memref<5000xi32, #tpu.memory_space<hbm>>) dst(%arg9 : memref<5000xi32, #tpu.memory_space<vmem>>)
      tpu.yield
    }) : () -> ()
    %scan3A = arith.constant 0 : i32
    %scan3A_3 = arith.constant 0 : i32
    %scan3A_4 = arith.constant 62 : i32
    %scan3A_5 = arith.addi %scan3A_3, %scan3A_4 : i32
    %scan3A_6 = arith.constant 1 : i32
    %scan3A_7 = scf.for %scan3A_49 = %scan3A_3 to %scan3A_5 step %scan3A_6 iter_args(%scan3A_50 = %scan3A) -> (i32)  : i32 {
      %gt3A = arith.constant 0 : i32
      %gt3A_51 = arith.cmpi sgt, %scan3A_49, %gt3A : i32
      %convert_element_type3A = arith.extui %gt3A_51 : i1 to i32
      %cond3A = arith.constant 0 : i32
      %cond3A_52 = arith.cmpi ne, %convert_element_type3A, %cond3A : i32
      scf.if %cond3A_52 {
        %mul3A_120 = arith.constant 2 : i32
        %mul3A_121 = arith.muli %mul3A_120, %scan3A_49 : i32
        %sub3A = arith.constant 2 : i32
        %sub3A_122 = arith.subi %mul3A_121, %sub3A : i32
        %mul3A_123 = arith.constant 40 : i32
        %mul3A_124 = arith.muli %sub3A_122, %mul3A_123 : i32
        %add3A_125 = arith.addi %mul3A_2, %mul3A_124 : i32
        %dma_wait3A_126 = arith.constant 0 : i32
        %dma_wait3A_127 = tpu.memref_slice %arg6[%add3A_125, %dma_wait3A_126] : memref<160000x256xf32, #tpu.memory_space<hbm>> -> memref<40x256xf32, #tpu.memory_space<hbm>>
        %dma_wait3A_128 = arith.constant 0 : i32
        %dma_wait3A_129 = tpu.memref_slice %arg6[%add3A_125, %dma_wait3A_128] : memref<160000x256xf32, #tpu.memory_space<hbm>> -> memref<40x256xf32, #tpu.memory_space<hbm>>
        tpu.wait_dma2 semaphore(%arg18 : memref<!tpu.dma_semaphore, #tpu.memory_space<semaphore_mem>>) src(%arg10 : memref<40x256xf32, #tpu.memory_space<vmem>>) dst(%dma_wait3A_129 : memref<40x256xf32, #tpu.memory_space<hbm>>)
        %dma_wait3A_130 = arith.constant 0 : i32
        %dma_wait3A_131 = tpu.memref_slice %arg7[%add3A_125, %dma_wait3A_130] : memref<160000x256xf32, #tpu.memory_space<hbm>> -> memref<40x256xf32, #tpu.memory_space<hbm>>
        %dma_wait3A_132 = arith.constant 0 : i32
        %dma_wait3A_133 = tpu.memref_slice %arg7[%add3A_125, %dma_wait3A_132] : memref<160000x256xf32, #tpu.memory_space<hbm>> -> memref<40x256xf32, #tpu.memory_space<hbm>>
        tpu.wait_dma2 semaphore(%arg19 : memref<!tpu.dma_semaphore, #tpu.memory_space<semaphore_mem>>) src(%arg11 : memref<40x256xf32, #tpu.memory_space<vmem>>) dst(%dma_wait3A_133 : memref<40x256xf32, #tpu.memory_space<hbm>>)
        %add3A_134 = arith.constant 80 : i32
        %add3A_135 = arith.addi %add3A_125, %add3A_134 : i32
        %dma_wait3A_136 = arith.constant 0 : i32
        %dma_wait3A_137 = tpu.memref_slice %arg6[%add3A_135, %dma_wait3A_136] : memref<160000x256xf32, #tpu.memory_space<hbm>> -> memref<40x256xf32, #tpu.memory_space<hbm>>
        %dma_wait3A_138 = arith.constant 0 : i32
        %dma_wait3A_139 = tpu.memref_slice %arg6[%add3A_135, %dma_wait3A_138] : memref<160000x256xf32, #tpu.memory_space<hbm>> -> memref<40x256xf32, #tpu.memory_space<hbm>>
        tpu.wait_dma2 semaphore(%arg20 : memref<!tpu.dma_semaphore, #tpu.memory_space<semaphore_mem>>) src(%arg12 : memref<40x256xf32, #tpu.memory_space<vmem>>) dst(%dma_wait3A_139 : memref<40x256xf32, #tpu.memory_space<hbm>>)
        %dma_wait3A_140 = arith.constant 0 : i32
        %dma_wait3A_141 = tpu.memref_slice %arg7[%add3A_135, %dma_wait3A_140] : memref<160000x256xf32, #tpu.memory_space<hbm>> -> memref<40x256xf32, #tpu.memory_space<hbm>>
        %dma_wait3A_142 = arith.constant 0 : i32
        %dma_wait3A_143 = tpu.memref_slice %arg7[%add3A_135, %dma_wait3A_142] : memref<160000x256xf32, #tpu.memory_space<hbm>> -> memref<40x256xf32, #tpu.memory_space<hbm>>
        tpu.wait_dma2 semaphore(%arg21 : memref<!tpu.dma_semaphore, #tpu.memory_space<semaphore_mem>>) src(%arg13 : memref<40x256xf32, #tpu.memory_space<vmem>>) dst(%dma_wait3A_143 : memref<40x256xf32, #tpu.memory_space<hbm>>)
      } else {
      }
      %mul3A_53 = arith.constant 2 : i32
      %mul3A_54 = arith.muli %mul3A_53, %scan3A_49 : i32
      %add3A_55 = arith.constant 1 : i32
      %add3A_56 = arith.addi %mul3A_54, %add3A_55 : i32
      %mul3A_57 = arith.constant 40 : i32
      %mul3A_58 = arith.muli %mul3A_54, %mul3A_57 : i32
      %add3A_59 = arith.addi %mul3A_2, %mul3A_58 : i32
      %mul3A_60 = arith.constant 40 : i32
      %mul3A_61 = arith.muli %add3A_56, %mul3A_60 : i32
      %add3A_62 = arith.addi %mul3A_2, %mul3A_61 : i32
      %mul3A_63 = arith.constant 40 : i32
      %mul3A_64 = arith.muli %mul3A_54, %mul3A_63 : i32
      %dma_start3A_65 = tpu.memref_slice %arg8[%mul3A_64] : memref<5000xi32, #tpu.memory_space<vmem>> -> memref<40xi32, #tpu.memory_space<vmem>>
      %dma_start3A_66 = arith.constant 0 : i32
      %dma_start3A_67 = arith.constant 0 : i32
      %dma_start3A_68 = tpu.memref_slice %arg2[%dma_start3A_66, %dma_start3A_67] : memref<10000x256xf32, #tpu.memory_space<hbm>> -> memref<10000x256xf32, #tpu.memory_space<hbm>>
      tpu.enqueue_indirect_dma source(%dma_start3A_68 : memref<10000x256xf32, #tpu.memory_space<hbm>>) target(%arg10 : memref<40x256xf32, #tpu.memory_space<vmem>>) offsets(%dma_start3A_65 : memref<40xi32, #tpu.memory_space<vmem>>) semaphore(%arg14 : memref<!tpu.dma_semaphore, #tpu.memory_space<semaphore_mem>>)
      %mul3A_69 = arith.constant 40 : i32
      %mul3A_70 = arith.muli %mul3A_54, %mul3A_69 : i32
      %dma_start3A_71 = tpu.memref_slice %arg9[%mul3A_70] : memref<5000xi32, #tpu.memory_space<vmem>> -> memref<40xi32, #tpu.memory_space<vmem>>
      %dma_start3A_72 = arith.constant 0 : i32
      %dma_start3A_73 = arith.constant 0 : i32
      %dma_start3A_74 = tpu.memref_slice %arg3[%dma_start3A_72, %dma_start3A_73] : memref<10000x256xf32, #tpu.memory_space<hbm>> -> memref<10000x256xf32, #tpu.memory_space<hbm>>
      tpu.enqueue_indirect_dma source(%dma_start3A_74 : memref<10000x256xf32, #tpu.memory_space<hbm>>) target(%arg11 : memref<40x256xf32, #tpu.memory_space<vmem>>) offsets(%dma_start3A_71 : memref<40xi32, #tpu.memory_space<vmem>>) semaphore(%arg15 : memref<!tpu.dma_semaphore, #tpu.memory_space<semaphore_mem>>)
      %mul3A_75 = arith.constant 40 : i32
      %mul3A_76 = arith.muli %add3A_56, %mul3A_75 : i32
      %dma_start3A_77 = tpu.memref_slice %arg8[%mul3A_76] : memref<5000xi32, #tpu.memory_space<vmem>> -> memref<40xi32, #tpu.memory_space<vmem>>
      %dma_start3A_78 = arith.constant 0 : i32
      %dma_start3A_79 = arith.constant 0 : i32
      %dma_start3A_80 = tpu.memref_slice %arg2[%dma_start3A_78, %dma_start3A_79] : memref<10000x256xf32, #tpu.memory_space<hbm>> -> memref<10000x256xf32, #tpu.memory_space<hbm>>
      tpu.enqueue_indirect_dma source(%dma_start3A_80 : memref<10000x256xf32, #tpu.memory_space<hbm>>) target(%arg12 : memref<40x256xf32, #tpu.memory_space<vmem>>) offsets(%dma_start3A_77 : memref<40xi32, #tpu.memory_space<vmem>>) semaphore(%arg16 : memref<!tpu.dma_semaphore, #tpu.memory_space<semaphore_mem>>)
      %mul3A_81 = arith.constant 40 : i32
      %mul3A_82 = arith.muli %add3A_56, %mul3A_81 : i32
      %dma_start3A_83 = tpu.memref_slice %arg9[%mul3A_82] : memref<5000xi32, #tpu.memory_space<vmem>> -> memref<40xi32, #tpu.memory_space<vmem>>
      %dma_start3A_84 = arith.constant 0 : i32
      %dma_start3A_85 = arith.constant 0 : i32
      %dma_start3A_86 = tpu.memref_slice %arg3[%dma_start3A_84, %dma_start3A_85] : memref<10000x256xf32, #tpu.memory_space<hbm>> -> memref<10000x256xf32, #tpu.memory_space<hbm>>
      tpu.enqueue_indirect_dma source(%dma_start3A_86 : memref<10000x256xf32, #tpu.memory_space<hbm>>) target(%arg13 : memref<40x256xf32, #tpu.memory_space<vmem>>) offsets(%dma_start3A_83 : memref<40xi32, #tpu.memory_space<vmem>>) semaphore(%arg17 : memref<!tpu.dma_semaphore, #tpu.memory_space<semaphore_mem>>)
      %dma_wait3A_87 = tpu.memref_slice %arg8[%mul3A_64] : memref<5000xi32, #tpu.memory_space<vmem>> -> memref<40xi32, #tpu.memory_space<vmem>>
      %dma_wait3A_88 = arith.constant 0 : i32
      %dma_wait3A_89 = arith.constant 0 : i32
      %dma_wait3A_90 = tpu.memref_slice %arg2[%dma_wait3A_88, %dma_wait3A_89] : memref<10000x256xf32, #tpu.memory_space<hbm>> -> memref<10000x256xf32, #tpu.memory_space<hbm>>
      tpu.wait_indirect_dma semaphore(%arg14 : memref<!tpu.dma_semaphore, #tpu.memory_space<semaphore_mem>>) src(%dma_wait3A_90 : memref<10000x256xf32, #tpu.memory_space<hbm>>) dst(%arg10 : memref<40x256xf32, #tpu.memory_space<vmem>>)
      %dma_start3A_91 = arith.constant 0 : i32
      %dma_start3A_92 = tpu.memref_slice %arg6[%add3A_59, %dma_start3A_91] : memref<160000x256xf32, #tpu.memory_space<hbm>> -> memref<40x256xf32, #tpu.memory_space<hbm>>
      %dma_start3A_93 = arith.constant 0 : i32
      %dma_start3A_94 = tpu.memref_slice %arg6[%add3A_59, %dma_start3A_93] : memref<160000x256xf32, #tpu.memory_space<hbm>> -> memref<40x256xf32, #tpu.memory_space<hbm>>
      tpu.enqueue_dma source(%arg10 : memref<40x256xf32, #tpu.memory_space<vmem>>) target(%dma_start3A_94 : memref<40x256xf32, #tpu.memory_space<hbm>>) target_semaphore(%arg18 : memref<!tpu.dma_semaphore, #tpu.memory_space<semaphore_mem>>)
      %dma_wait3A_95 = tpu.memref_slice %arg9[%mul3A_70] : memref<5000xi32, #tpu.memory_space<vmem>> -> memref<40xi32, #tpu.memory_space<vmem>>
      %dma_wait3A_96 = arith.constant 0 : i32
      %dma_wait3A_97 = arith.constant 0 : i32
      %dma_wait3A_98 = tpu.memref_slice %arg3[%dma_wait3A_96, %dma_wait3A_97] : memref<10000x256xf32, #tpu.memory_space<hbm>> -> memref<10000x256xf32, #tpu.memory_space<hbm>>
      tpu.wait_indirect_dma semaphore(%arg15 : memref<!tpu.dma_semaphore, #tpu.memory_space<semaphore_mem>>) src(%dma_wait3A_98 : memref<10000x256xf32, #tpu.memory_space<hbm>>) dst(%arg11 : memref<40x256xf32, #tpu.memory_space<vmem>>)
      %dma_start3A_99 = arith.constant 0 : i32
      %dma_start3A_100 = tpu.memref_slice %arg7[%add3A_59, %dma_start3A_99] : memref<160000x256xf32, #tpu.memory_space<hbm>> -> memref<40x256xf32, #tpu.memory_space<hbm>>
      %dma_start3A_101 = arith.constant 0 : i32
      %dma_start3A_102 = tpu.memref_slice %arg7[%add3A_59, %dma_start3A_101] : memref<160000x256xf32, #tpu.memory_space<hbm>> -> memref<40x256xf32, #tpu.memory_space<hbm>>
      tpu.enqueue_dma source(%arg11 : memref<40x256xf32, #tpu.memory_space<vmem>>) target(%dma_start3A_102 : memref<40x256xf32, #tpu.memory_space<hbm>>) target_semaphore(%arg19 : memref<!tpu.dma_semaphore, #tpu.memory_space<semaphore_mem>>)
      %dma_wait3A_103 = tpu.memref_slice %arg8[%mul3A_76] : memref<5000xi32, #tpu.memory_space<vmem>> -> memref<40xi32, #tpu.memory_space<vmem>>
      %dma_wait3A_104 = arith.constant 0 : i32
      %dma_wait3A_105 = arith.constant 0 : i32
      %dma_wait3A_106 = tpu.memref_slice %arg2[%dma_wait3A_104, %dma_wait3A_105] : memref<10000x256xf32, #tpu.memory_space<hbm>> -> memref<10000x256xf32, #tpu.memory_space<hbm>>
      tpu.wait_indirect_dma semaphore(%arg16 : memref<!tpu.dma_semaphore, #tpu.memory_space<semaphore_mem>>) src(%dma_wait3A_106 : memref<10000x256xf32, #tpu.memory_space<hbm>>) dst(%arg12 : memref<40x256xf32, #tpu.memory_space<vmem>>)
      %dma_start3A_107 = arith.constant 0 : i32
      %dma_start3A_108 = tpu.memref_slice %arg6[%add3A_62, %dma_start3A_107] : memref<160000x256xf32, #tpu.memory_space<hbm>> -> memref<40x256xf32, #tpu.memory_space<hbm>>
      %dma_start3A_109 = arith.constant 0 : i32
      %dma_start3A_110 = tpu.memref_slice %arg6[%add3A_62, %dma_start3A_109] : memref<160000x256xf32, #tpu.memory_space<hbm>> -> memref<40x256xf32, #tpu.memory_space<hbm>>
      tpu.enqueue_dma source(%arg12 : memref<40x256xf32, #tpu.memory_space<vmem>>) target(%dma_start3A_110 : memref<40x256xf32, #tpu.memory_space<hbm>>) target_semaphore(%arg20 : memref<!tpu.dma_semaphore, #tpu.memory_space<semaphore_mem>>)
      %dma_wait3A_111 = tpu.memref_slice %arg9[%mul3A_82] : memref<5000xi32, #tpu.memory_space<vmem>> -> memref<40xi32, #tpu.memory_space<vmem>>
      %dma_wait3A_112 = arith.constant 0 : i32
      %dma_wait3A_113 = arith.constant 0 : i32
      %dma_wait3A_114 = tpu.memref_slice %arg3[%dma_wait3A_112, %dma_wait3A_113] : memref<10000x256xf32, #tpu.memory_space<hbm>> -> memref<10000x256xf32, #tpu.memory_space<hbm>>
      tpu.wait_indirect_dma semaphore(%arg17 : memref<!tpu.dma_semaphore, #tpu.memory_space<semaphore_mem>>) src(%dma_wait3A_114 : memref<10000x256xf32, #tpu.memory_space<hbm>>) dst(%arg13 : memref<40x256xf32, #tpu.memory_space<vmem>>)
      %dma_start3A_115 = arith.constant 0 : i32
      %dma_start3A_116 = tpu.memref_slice %arg7[%add3A_62, %dma_start3A_115] : memref<160000x256xf32, #tpu.memory_space<hbm>> -> memref<40x256xf32, #tpu.memory_space<hbm>>
      %dma_start3A_117 = arith.constant 0 : i32
      %dma_start3A_118 = tpu.memref_slice %arg7[%add3A_62, %dma_start3A_117] : memref<160000x256xf32, #tpu.memory_space<hbm>> -> memref<40x256xf32, #tpu.memory_space<hbm>>
      tpu.enqueue_dma source(%arg13 : memref<40x256xf32, #tpu.memory_space<vmem>>) target(%dma_start3A_118 : memref<40x256xf32, #tpu.memory_space<hbm>>) target_semaphore(%arg21 : memref<!tpu.dma_semaphore, #tpu.memory_space<semaphore_mem>>)
      %scan3A_119 = arith.constant 0 : i32
      scf.yield %scan3A_119 : i32
    }
    %scan3A_8 = arith.constant 62 : i32
    %add3A_9 = arith.constant 4880 : i32
    %add3A_10 = arith.addi %mul3A_2, %add3A_9 : i32
    %dma_wait3A = arith.constant 0 : i32
    %dma_wait3A_11 = tpu.memref_slice %arg6[%add3A_10, %dma_wait3A] : memref<160000x256xf32, #tpu.memory_space<hbm>> -> memref<40x256xf32, #tpu.memory_space<hbm>>
    %dma_wait3A_12 = arith.constant 0 : i32
    %dma_wait3A_13 = tpu.memref_slice %arg6[%add3A_10, %dma_wait3A_12] : memref<160000x256xf32, #tpu.memory_space<hbm>> -> memref<40x256xf32, #tpu.memory_space<hbm>>
    tpu.wait_dma2 semaphore(%arg18 : memref<!tpu.dma_semaphore, #tpu.memory_space<semaphore_mem>>) src(%arg10 : memref<40x256xf32, #tpu.memory_space<vmem>>) dst(%dma_wait3A_13 : memref<40x256xf32, #tpu.memory_space<hbm>>)
    %dma_wait3A_14 = arith.constant 0 : i32
    %dma_wait3A_15 = tpu.memref_slice %arg7[%add3A_10, %dma_wait3A_14] : memref<160000x256xf32, #tpu.memory_space<hbm>> -> memref<40x256xf32, #tpu.memory_space<hbm>>
    %dma_wait3A_16 = arith.constant 0 : i32
    %dma_wait3A_17 = tpu.memref_slice %arg7[%add3A_10, %dma_wait3A_16] : memref<160000x256xf32, #tpu.memory_space<hbm>> -> memref<40x256xf32, #tpu.memory_space<hbm>>
    tpu.wait_dma2 semaphore(%arg19 : memref<!tpu.dma_semaphore, #tpu.memory_space<semaphore_mem>>) src(%arg11 : memref<40x256xf32, #tpu.memory_space<vmem>>) dst(%dma_wait3A_17 : memref<40x256xf32, #tpu.memory_space<hbm>>)
    %add3A_18 = arith.constant 80 : i32
    %add3A_19 = arith.addi %add3A_10, %add3A_18 : i32
    %dma_wait3A_20 = arith.constant 0 : i32
    %dma_wait3A_21 = tpu.memref_slice %arg6[%add3A_19, %dma_wait3A_20] : memref<160000x256xf32, #tpu.memory_space<hbm>> -> memref<40x256xf32, #tpu.memory_space<hbm>>
    %dma_wait3A_22 = arith.constant 0 : i32
    %dma_wait3A_23 = tpu.memref_slice %arg6[%add3A_19, %dma_wait3A_22] : memref<160000x256xf32, #tpu.memory_space<hbm>> -> memref<40x256xf32, #tpu.memory_space<hbm>>
    tpu.wait_dma2 semaphore(%arg20 : memref<!tpu.dma_semaphore, #tpu.memory_space<semaphore_mem>>) src(%arg12 : memref<40x256xf32, #tpu.memory_space<vmem>>) dst(%dma_wait3A_23 : memref<40x256xf32, #tpu.memory_space<hbm>>)
    %dma_wait3A_24 = arith.constant 0 : i32
    %dma_wait3A_25 = tpu.memref_slice %arg7[%add3A_19, %dma_wait3A_24] : memref<160000x256xf32, #tpu.memory_space<hbm>> -> memref<40x256xf32, #tpu.memory_space<hbm>>
    %dma_wait3A_26 = arith.constant 0 : i32
    %dma_wait3A_27 = tpu.memref_slice %arg7[%add3A_19, %dma_wait3A_26] : memref<160000x256xf32, #tpu.memory_space<hbm>> -> memref<40x256xf32, #tpu.memory_space<hbm>>
    tpu.wait_dma2 semaphore(%arg21 : memref<!tpu.dma_semaphore, #tpu.memory_space<semaphore_mem>>) src(%arg13 : memref<40x256xf32, #tpu.memory_space<vmem>>) dst(%dma_wait3A_27 : memref<40x256xf32, #tpu.memory_space<hbm>>)
    %add3A_28 = arith.constant 4960 : i32
    %add3A_29 = arith.addi %mul3A_2, %add3A_28 : i32
    %dma_start3A = arith.constant 4960 : i32
    %dma_start3A_30 = tpu.memref_slice %arg8[%dma_start3A] : memref<5000xi32, #tpu.memory_space<vmem>> -> memref<40xi32, #tpu.memory_space<vmem>>
    %dma_start3A_31 = arith.constant 0 : i32
    %dma_start3A_32 = arith.constant 0 : i32
    %dma_start3A_33 = tpu.memref_slice %arg2[%dma_start3A_31, %dma_start3A_32] : memref<10000x256xf32, #tpu.memory_space<hbm>> -> memref<10000x256xf32, #tpu.memory_space<hbm>>
    tpu.enqueue_indirect_dma source(%dma_start3A_33 : memref<10000x256xf32, #tpu.memory_space<hbm>>) target(%arg10 : memref<40x256xf32, #tpu.memory_space<vmem>>) offsets(%dma_start3A_30 : memref<40xi32, #tpu.memory_space<vmem>>) semaphore(%arg14 : memref<!tpu.dma_semaphore, #tpu.memory_space<semaphore_mem>>)
    %dma_start3A_34 = arith.constant 4960 : i32
    %dma_start3A_35 = tpu.memref_slice %arg9[%dma_start3A_34] : memref<5000xi32, #tpu.memory_space<vmem>> -> memref<40xi32, #tpu.memory_space<vmem>>
    %dma_start3A_36 = arith.constant 0 : i32
    %dma_start3A_37 = arith.constant 0 : i32
    %dma_start3A_38 = tpu.memref_slice %arg3[%dma_start3A_36, %dma_start3A_37] : memref<10000x256xf32, #tpu.memory_space<hbm>> -> memref<10000x256xf32, #tpu.memory_space<hbm>>
    tpu.enqueue_indirect_dma source(%dma_start3A_38 : memref<10000x256xf32, #tpu.memory_space<hbm>>) target(%arg11 : memref<40x256xf32, #tpu.memory_space<vmem>>) offsets(%dma_start3A_35 : memref<40xi32, #tpu.memory_space<vmem>>) semaphore(%arg15 : memref<!tpu.dma_semaphore, #tpu.memory_space<semaphore_mem>>)
    %dma_wait3A_39 = arith.constant 4960 : i32
    %dma_wait3A_40 = tpu.memref_slice %arg8[%dma_wait3A_39] : memref<5000xi32, #tpu.memory_space<vmem>> -> memref<40xi32, #tpu.memory_space<vmem>>
    %dma_wait3A_41 = arith.constant 0 : i32
    %dma_wait3A_42 = arith.constant 0 : i32
    %dma_wait3A_43 = tpu.memref_slice %arg2[%dma_wait3A_41, %dma_wait3A_42] : memref<10000x256xf32, #tpu.memory_space<hbm>> -> memref<10000x256xf32, #tpu.memory_space<hbm>>
    tpu.wait_indirect_dma semaphore(%arg14 : memref<!tpu.dma_semaphore, #tpu.memory_space<semaphore_mem>>) src(%dma_wait3A_43 : memref<10000x256xf32, #tpu.memory_space<hbm>>) dst(%arg10 : memref<40x256xf32, #tpu.memory_space<vmem>>)
    "tpu.region"() ({
      %run_scoped3A = tpu.sem_alloc : memref<!tpu.dma_semaphore, #tpu.memory_space<semaphore_mem>>
      %dma_start3A_49 = arith.constant 0 : i32
      %dma_start3A_50 = tpu.memref_slice %arg6[%add3A_29, %dma_start3A_49] : memref<160000x256xf32, #tpu.memory_space<hbm>> -> memref<40x256xf32, #tpu.memory_space<hbm>>
      %dma_start3A_51 = arith.constant 0 : i32
      %dma_start3A_52 = tpu.memref_slice %arg6[%add3A_29, %dma_start3A_51] : memref<160000x256xf32, #tpu.memory_space<hbm>> -> memref<40x256xf32, #tpu.memory_space<hbm>>
      tpu.enqueue_dma source(%arg10 : memref<40x256xf32, #tpu.memory_space<vmem>>) target(%dma_start3A_52 : memref<40x256xf32, #tpu.memory_space<hbm>>) target_semaphore(%run_scoped3A : memref<!tpu.dma_semaphore, #tpu.memory_space<semaphore_mem>>)
      %dma_wait3A_53 = arith.constant 0 : i32
      %dma_wait3A_54 = tpu.memref_slice %arg6[%add3A_29, %dma_wait3A_53] : memref<160000x256xf32, #tpu.memory_space<hbm>> -> memref<40x256xf32, #tpu.memory_space<hbm>>
      %dma_wait3A_55 = arith.constant 0 : i32
      %dma_wait3A_56 = tpu.memref_slice %arg6[%add3A_29, %dma_wait3A_55] : memref<160000x256xf32, #tpu.memory_space<hbm>> -> memref<40x256xf32, #tpu.memory_space<hbm>>
      tpu.wait_dma2 semaphore(%run_scoped3A : memref<!tpu.dma_semaphore, #tpu.memory_space<semaphore_mem>>) src(%arg10 : memref<40x256xf32, #tpu.memory_space<vmem>>) dst(%dma_wait3A_56 : memref<40x256xf32, #tpu.memory_space<hbm>>)
      tpu.yield
    }) : () -> ()
    %dma_wait3A_44 = arith.constant 4960 : i32
    %dma_wait3A_45 = tpu.memref_slice %arg9[%dma_wait3A_44] : memref<5000xi32, #tpu.memory_space<vmem>> -> memref<40xi32, #tpu.memory_space<vmem>>
    %dma_wait3A_46 = arith.constant 0 : i32
    %dma_wait3A_47 = arith.constant 0 : i32
    %dma_wait3A_48 = tpu.memref_slice %arg3[%dma_wait3A_46, %dma_wait3A_47] : memref<10000x256xf32, #tpu.memory_space<hbm>> -> memref<10000x256xf32, #tpu.memory_space<hbm>>
    tpu.wait_indirect_dma semaphore(%arg15 : memref<!tpu.dma_semaphore, #tpu.memory_space<semaphore_mem>>) src(%dma_wait3A_48 : memref<10000x256xf32, #tpu.memory_space<hbm>>) dst(%arg11 : memref<40x256xf32, #tpu.memory_space<vmem>>)
    "tpu.region"() ({
      %run_scoped3A = tpu.sem_alloc : memref<!tpu.dma_semaphore, #tpu.memory_space<semaphore_mem>>
      %dma_start3A_49 = arith.constant 0 : i32
      %dma_start3A_50 = tpu.memref_slice %arg7[%add3A_29, %dma_start3A_49] : memref<160000x256xf32, #tpu.memory_space<hbm>> -> memref<40x256xf32, #tpu.memory_space<hbm>>
      %dma_start3A_51 = arith.constant 0 : i32
      %dma_start3A_52 = tpu.memref_slice %arg7[%add3A_29, %dma_start3A_51] : memref<160000x256xf32, #tpu.memory_space<hbm>> -> memref<40x256xf32, #tpu.memory_space<hbm>>
      tpu.enqueue_dma source(%arg11 : memref<40x256xf32, #tpu.memory_space<vmem>>) target(%dma_start3A_52 : memref<40x256xf32, #tpu.memory_space<hbm>>) target_semaphore(%run_scoped3A : memref<!tpu.dma_semaphore, #tpu.memory_space<semaphore_mem>>)
      %dma_wait3A_53 = arith.constant 0 : i32
      %dma_wait3A_54 = tpu.memref_slice %arg7[%add3A_29, %dma_wait3A_53] : memref<160000x256xf32, #tpu.memory_space<hbm>> -> memref<40x256xf32, #tpu.memory_space<hbm>>
      %dma_wait3A_55 = arith.constant 0 : i32
      %dma_wait3A_56 = tpu.memref_slice %arg7[%add3A_29, %dma_wait3A_55] : memref<160000x256xf32, #tpu.memory_space<hbm>> -> memref<40x256xf32, #tpu.memory_space<hbm>>
      tpu.wait_dma2 semaphore(%run_scoped3A : memref<!tpu.dma_semaphore, #tpu.memory_space<semaphore_mem>>) src(%arg11 : memref<40x256xf32, #tpu.memory_space<vmem>>) dst(%dma_wait3A_56 : memref<40x256xf32, #tpu.memory_space<hbm>>)
      tpu.yield
    }) : () -> ()
    return
  }
}

module attributes {stable_mosaic.version = 14 : i64} {
  func.func @_node_pre_body(%arg0: i32, %arg1: memref<22xf32, #tpu.memory_space<smem>>, %arg2: memref<2000x128xf32, #tpu.memory_space<vmem>>, %arg3: memref<2000x8xf32, #tpu.memory_space<vmem>>, %arg4: memref<2000x128xf32, #tpu.memory_space<vmem>>, %arg5: memref<2000x8xf32, #tpu.memory_space<vmem>>, %arg6: memref<128x128xf32, #tpu.memory_space<vmem>>, %arg7: memref<1x128xf32, #tpu.memory_space<vmem>>, %arg8: memref<1x128xf32, #tpu.memory_space<vmem>>, %arg9: memref<128x1xf32, #tpu.memory_space<vmem>>, %arg10: memref<128x128xf32, #tpu.memory_space<vmem>>, %arg11: memref<1x128xf32, #tpu.memory_space<vmem>>, %arg12: memref<1x128xf32, #tpu.memory_space<vmem>>, %arg13: memref<128x1xf32, #tpu.memory_space<vmem>>, %arg14: memref<128x128xf32, #tpu.memory_space<vmem>>, %arg15: memref<1x128xf32, #tpu.memory_space<vmem>>, %arg16: memref<1x128xf32, #tpu.memory_space<vmem>>, %arg17: memref<128x1xf32, #tpu.memory_space<vmem>>, %arg18: memref<128x128xf32, #tpu.memory_space<vmem>>, %arg19: memref<1x128xf32, #tpu.memory_space<vmem>>, %arg20: memref<1x128xf32, #tpu.memory_space<vmem>>, %arg21: memref<128x1xf32, #tpu.memory_space<vmem>>, %arg22: memref<2000x256xf32, #tpu.memory_space<vmem>>, %arg23: memref<2000x256xf32, #tpu.memory_space<vmem>>, %arg24: memref<2000x128xf32, #tpu.memory_space<vmem>>, %arg25: memref<2000x8xf32, #tpu.memory_space<vmem>>) attributes {dimension_semantics = [#tpu.dimension_semantics<arbitrary>], iteration_bounds = array<i64: 5>, scalar_prefetch = 0 : i64, scratch_operands = 0 : i64, tpu.core_type = #tpu.core_type<tc>, window_params = [{transform_indices = @transform_0, window_bounds = array<i64: 22>}, {transform_indices = @transform_1, window_bounds = array<i64: 2000, 128>}, {transform_indices = @transform_2, window_bounds = array<i64: 2000, 8>}, {transform_indices = @transform_3, window_bounds = array<i64: 2000, 128>}, {transform_indices = @transform_4, window_bounds = array<i64: 2000, 8>}, {pipeline_mode = #tpu.pipeline_mode<synchronous>, transform_indices = @transform_5, window_bounds = array<i64: 128, 128>}, {pipeline_mode = #tpu.pipeline_mode<synchronous>, transform_indices = @transform_6, window_bounds = array<i64: 1, 128>}, {pipeline_mode = #tpu.pipeline_mode<synchronous>, transform_indices = @transform_7, window_bounds = array<i64: 1, 128>}, {pipeline_mode = #tpu.pipeline_mode<synchronous>, transform_indices = @transform_8, window_bounds = array<i64: 128, 1>}, {pipeline_mode = #tpu.pipeline_mode<synchronous>, transform_indices = @transform_9, window_bounds = array<i64: 128, 128>}, {pipeline_mode = #tpu.pipeline_mode<synchronous>, transform_indices = @transform_10, window_bounds = array<i64: 1, 128>}, {pipeline_mode = #tpu.pipeline_mode<synchronous>, transform_indices = @transform_11, window_bounds = array<i64: 1, 128>}, {pipeline_mode = #tpu.pipeline_mode<synchronous>, transform_indices = @transform_12, window_bounds = array<i64: 128, 1>}, {pipeline_mode = #tpu.pipeline_mode<synchronous>, transform_indices = @transform_13, window_bounds = array<i64: 128, 128>}, {pipeline_mode = #tpu.pipeline_mode<synchronous>, transform_indices = @transform_14, window_bounds = array<i64: 1, 128>}, {pipeline_mode = #tpu.pipeline_mode<synchronous>, transform_indices = @transform_15, window_bounds = array<i64: 1, 128>}, {pipeline_mode = #tpu.pipeline_mode<synchronous>, transform_indices = @transform_16, window_bounds = array<i64: 128, 1>}, {pipeline_mode = #tpu.pipeline_mode<synchronous>, transform_indices = @transform_17, window_bounds = array<i64: 128, 128>}, {pipeline_mode = #tpu.pipeline_mode<synchronous>, transform_indices = @transform_18, window_bounds = array<i64: 1, 128>}, {pipeline_mode = #tpu.pipeline_mode<synchronous>, transform_indices = @transform_19, window_bounds = array<i64: 1, 128>}, {pipeline_mode = #tpu.pipeline_mode<synchronous>, transform_indices = @transform_20, window_bounds = array<i64: 128, 1>}, {transform_indices = @transform_21, window_bounds = array<i64: 2000, 256>}, {transform_indices = @transform_22, window_bounds = array<i64: 2000, 256>}, {transform_indices = @transform_23, window_bounds = array<i64: 2000, 128>}, {transform_indices = @transform_24, window_bounds = array<i64: 2000, 8>}]} {
    %get3A = arith.constant 0 : index
    %get3A_0 = arith.constant 0 : index
    %get3A_1 = vector.load %arg2[%get3A, %get3A_0] : memref<2000x128xf32, #tpu.memory_space<vmem>>, vector<2000x128xf32>
    %get3A_2 = arith.constant 0 : index
    %get3A_3 = arith.constant 0 : index
    %get3A_4 = vector.load %arg3[%get3A_2, %get3A_3] : memref<2000x8xf32, #tpu.memory_space<vmem>>, vector<2000x3xf32>
    %get3A_5 = arith.constant 0 : index
    %get3A_6 = memref.load %arg1[%get3A_5] : memref<22xf32, #tpu.memory_space<smem>>
    %get3A_7 = arith.constant 1 : index
    %get3A_8 = memref.load %arg1[%get3A_7] : memref<22xf32, #tpu.memory_space<smem>>
    %get3A_9 = arith.constant 2 : index
    %get3A_10 = memref.load %arg1[%get3A_9] : memref<22xf32, #tpu.memory_space<smem>>
    %get3A_11 = arith.constant 3 : index
    %get3A_12 = memref.load %arg1[%get3A_11] : memref<22xf32, #tpu.memory_space<smem>>
    %get3A_13 = arith.constant 4 : index
    %get3A_14 = memref.load %arg1[%get3A_13] : memref<22xf32, #tpu.memory_space<smem>>
    %mul3A = vector.broadcast %get3A_6 : f32 to vector<2000x3xf32>
    %mul3A_15 = arith.mulf %mul3A, %get3A_4 : vector<2000x3xf32>
    %add3A = vector.broadcast %get3A_8 : f32 to vector<2000x3xf32>
    %add3A_16 = arith.addf %mul3A_15, %add3A : vector<2000x3xf32>
    %mul3A_17 = arith.mulf %add3A_16, %add3A_16 : vector<2000x3xf32>
    %reduce_sum3A = arith.constant dense<0.000000e+00> : vector<2000xf32>
    %reduce_sum3A_18 = vector.multi_reduction <add>, %mul3A_17, %reduce_sum3A [1] : vector<2000x3xf32> to vector<2000xf32>
    %broadcast_in_dim3A = vector.shape_cast %reduce_sum3A_18 : vector<2000xf32> to vector<2000x1xf32>
    %add3A_19 = arith.constant 9.99999996E-13 : f32
    %add3A_20 = vector.broadcast %add3A_19 : f32 to vector<2000x1xf32>
    %add3A_21 = arith.addf %broadcast_in_dim3A, %add3A_20 : vector<2000x1xf32>
    %sqrt3A = math.sqrt %add3A_21 : vector<2000x1xf32>
    %get3A_22 = arith.constant 0 : index
    %get3A_23 = arith.constant 0 : index
    %get3A_24 = vector.load %arg6[%get3A_22, %get3A_23] : memref<128x128xf32, #tpu.memory_space<vmem>>, vector<128x128xf32>
    %dot_general3A = arith.constant dense<0.000000e+00> : vector<2000x128xf32>
    %dot_general3A_25 = tpu.matmul %get3A_1, %get3A_24, %dot_general3A {dimension_numbers = #tpu.dot_dimension_numbers<[1], [0], [0], [1], [0, 0, 1, 1], [], []>, transpose_lhs_hint = false} : vector<2000x128xf32>, vector<128x128xf32>, vector<2000x128xf32> -> vector<2000x128xf32>
    %get3A_26 = arith.constant 0 : index
    %get3A_27 = arith.constant 0 : index
    %get3A_28 = vector.load %arg7[%get3A_26, %get3A_27] : memref<1x128xf32, #tpu.memory_space<vmem>>, vector<1x128xf32>
    %mul3A_29 = vector.broadcast %sqrt3A : vector<2000x1xf32> to vector<2000x128xf32>
    %mul3A_30 = vector.broadcast %get3A_28 : vector<1x128xf32> to vector<2000x128xf32>
    %mul3A_31 = arith.mulf %mul3A_29, %mul3A_30 : vector<2000x128xf32>
    %add3A_32 = arith.addf %dot_general3A_25, %mul3A_31 : vector<2000x128xf32>
    %get3A_33 = arith.constant 0 : index
    %get3A_34 = arith.constant 0 : index
    %get3A_35 = vector.load %arg8[%get3A_33, %get3A_34] : memref<1x128xf32, #tpu.memory_space<vmem>>, vector<1x128xf32>
    %add3A_36 = vector.broadcast %get3A_35 : vector<1x128xf32> to vector<2000x128xf32>
    %add3A_37 = arith.addf %add3A_32, %add3A_36 : vector<2000x128xf32>
    %get3A_38 = arith.constant 0 : index
    %get3A_39 = arith.constant 0 : index
    %get3A_40 = vector.load %arg9[%get3A_38, %get3A_39] : memref<128x1xf32, #tpu.memory_space<vmem>>, vector<128x1xf32>
    %dot_general3A_41 = arith.constant dense<0.000000e+00> : vector<2000x1xf32>
    %dot_general3A_42 = tpu.matmul %add3A_37, %get3A_40, %dot_general3A_41 {dimension_numbers = #tpu.dot_dimension_numbers<[1], [0], [0], [1], [0, 0, 1, 1], [], []>, transpose_lhs_hint = false} : vector<2000x128xf32>, vector<128x1xf32>, vector<2000x1xf32> -> vector<2000x1xf32>
    %add3A_43 = vector.broadcast %get3A_14 : f32 to vector<2000x1xf32>
    %add3A_44 = arith.addf %dot_general3A_42, %add3A_43 : vector<2000x1xf32>
    %logistic3A = arith.negf %add3A_44 : vector<2000x1xf32>
    %logistic3A_45 = math.exp %logistic3A : vector<2000x1xf32>
    %logistic3A_46 = arith.constant 1.000000e+00 : f32
    %logistic3A_47 = vector.broadcast %logistic3A_46 : f32 to vector<2000x1xf32>
    %logistic3A_48 = arith.addf %logistic3A_47, %logistic3A_45 : vector<2000x1xf32>
    %logistic3A_49 = arith.divf %logistic3A_47, %logistic3A_48 : vector<2000x1xf32>
    %mul3A_50 = vector.broadcast %get3A_10 : f32 to vector<2000x3xf32>
    %mul3A_51 = arith.mulf %mul3A_50, %add3A_16 : vector<2000x3xf32>
    %add3A_52 = vector.broadcast %get3A_12 : f32 to vector<2000x3xf32>
    %add3A_53 = arith.addf %mul3A_51, %add3A_52 : vector<2000x3xf32>
    %mul3A_54 = vector.broadcast %logistic3A_49 : vector<2000x1xf32> to vector<2000x3xf32>
    %mul3A_55 = arith.mulf %mul3A_54, %add3A_53 : vector<2000x3xf32>
    %ge3A = arith.constant 0.000000e+00 : f32
    %ge3A_56 = vector.broadcast %ge3A : f32 to vector<2000x128xf32>
    %ge3A_57 = arith.cmpf oge, %add3A_37, %ge3A_56 : vector<2000x128xf32>
    %mul3A_58 = arith.constant 0.00999999977 : f32
    %mul3A_59 = vector.broadcast %mul3A_58 : f32 to vector<2000x128xf32>
    %mul3A_60 = arith.mulf %mul3A_59, %add3A_37 : vector<2000x128xf32>
    %select_n3A = arith.select %ge3A_57, %add3A_37, %mul3A_60 : vector<2000x128xi1>, vector<2000x128xf32>
    %get3A_61 = arith.constant 10 : index
    %get3A_62 = memref.load %arg1[%get3A_61] : memref<22xf32, #tpu.memory_space<smem>>
    %mul3A_63 = arith.mulf %mul3A_55, %mul3A_55 : vector<2000x3xf32>
    %broadcast_in_dim3A_64 = arith.constant 1.000000e+00 : f32
    %broadcast_in_dim3A_65 = vector.broadcast %broadcast_in_dim3A_64 : f32 to vector<3x1xf32>
    %dot_general3A_66 = arith.constant dense<0.000000e+00> : vector<2000x1xf32>
    %dot_general3A_67 = tpu.matmul %mul3A_63, %broadcast_in_dim3A_65, %dot_general3A_66 {dimension_numbers = #tpu.dot_dimension_numbers<[1], [0], [0], [1], [0, 0, 1, 1], [], []>, transpose_lhs_hint = false} : vector<2000x3xf32>, vector<3x1xf32>, vector<2000x1xf32> -> vector<2000x1xf32>
    %mul3A_68 = vector.broadcast %get3A_62 : f32 to vector<2000x1xf32>
    %mul3A_69 = arith.mulf %mul3A_68, %dot_general3A_67 : vector<2000x1xf32>
    %mul3A_70 = arith.mulf %get3A_62, %get3A_62 : f32
    %mul3A_71 = vector.broadcast %mul3A_70 : f32 to vector<2000x1xf32>
    %mul3A_72 = arith.mulf %mul3A_71, %dot_general3A_67 : vector<2000x1xf32>
    %ge3A_73 = arith.constant 0.000000e+00 : f32
    %ge3A_74 = vector.broadcast %ge3A_73 : f32 to vector<2000x1xf32>
    %ge3A_75 = arith.cmpf oge, %mul3A_69, %ge3A_74 : vector<2000x1xf32>
    %add3A_76 = arith.constant 9.99999997E-7 : f32
    %add3A_77 = vector.broadcast %add3A_76 : f32 to vector<2000x1xf32>
    %add3A_78 = arith.addf %mul3A_72, %add3A_77 : vector<2000x1xf32>
    %div3A = arith.constant 9.99999997E-7 : f32
    %div3A_79 = vector.broadcast %div3A : f32 to vector<2000x1xf32>
    %div3A_80 = arith.divf %div3A_79, %add3A_78 : vector<2000x1xf32>
    %jit3A = arith.constant 1.000000e+00 : f32
    %broadcast_in_dim3A_81 = vector.broadcast %jit3A : f32 to vector<2000x1xf32>
    %select_n3A_82 = arith.select %ge3A_75, %broadcast_in_dim3A_81, %div3A_80 : vector<2000x1xi1>, vector<2000x1xf32>
    %mul3A_83 = arith.constant 9.900000e-01 : f32
    %mul3A_84 = vector.broadcast %mul3A_83 : f32 to vector<2000x1xf32>
    %mul3A_85 = arith.mulf %mul3A_84, %select_n3A_82 : vector<2000x1xf32>
    %add3A_86 = arith.constant 0.00999999977 : f32
    %add3A_87 = vector.broadcast %add3A_86 : f32 to vector<2000x1xf32>
    %add3A_88 = arith.addf %add3A_87, %mul3A_85 : vector<2000x1xf32>
    %mul3A_89 = vector.broadcast %add3A_88 : vector<2000x1xf32> to vector<2000x3xf32>
    %mul3A_90 = arith.mulf %mul3A_55, %mul3A_89 : vector<2000x3xf32>
    %get3A_91 = arith.constant 12 : index
    %get3A_92 = memref.load %arg1[%get3A_91] : memref<22xf32, #tpu.memory_space<smem>>
    %get3A_93 = arith.constant 13 : index
    %get3A_94 = memref.load %arg1[%get3A_93] : memref<22xf32, #tpu.memory_space<smem>>
    %get3A_95 = arith.constant 14 : index
    %get3A_96 = memref.load %arg1[%get3A_95] : memref<22xf32, #tpu.memory_space<smem>>
    %get3A_97 = arith.constant 15 : index
    %get3A_98 = memref.load %arg1[%get3A_97] : memref<22xf32, #tpu.memory_space<smem>>
    %get3A_99 = arith.constant 16 : index
    %get3A_100 = memref.load %arg1[%get3A_99] : memref<22xf32, #tpu.memory_space<smem>>
    %mul3A_101 = vector.broadcast %get3A_92 : f32 to vector<2000x3xf32>
    %mul3A_102 = arith.mulf %mul3A_101, %mul3A_90 : vector<2000x3xf32>
    %add3A_103 = vector.broadcast %get3A_94 : f32 to vector<2000x3xf32>
    %add3A_104 = arith.addf %mul3A_102, %add3A_103 : vector<2000x3xf32>
    %mul3A_105 = arith.mulf %add3A_104, %add3A_104 : vector<2000x3xf32>
    %reduce_sum3A_106 = arith.constant dense<0.000000e+00> : vector<2000xf32>
    %reduce_sum3A_107 = vector.multi_reduction <add>, %mul3A_105, %reduce_sum3A_106 [1] : vector<2000x3xf32> to vector<2000xf32>
    %broadcast_in_dim3A_108 = vector.shape_cast %reduce_sum3A_107 : vector<2000xf32> to vector<2000x1xf32>
    %add3A_109 = arith.constant 9.99999996E-13 : f32
    %add3A_110 = vector.broadcast %add3A_109 : f32 to vector<2000x1xf32>
    %add3A_111 = arith.addf %broadcast_in_dim3A_108, %add3A_110 : vector<2000x1xf32>
    %sqrt3A_112 = math.sqrt %add3A_111 : vector<2000x1xf32>
    %get3A_113 = arith.constant 0 : index
    %get3A_114 = arith.constant 0 : index
    %get3A_115 = vector.load %arg14[%get3A_113, %get3A_114] : memref<128x128xf32, #tpu.memory_space<vmem>>, vector<128x128xf32>
    %dot_general3A_116 = arith.constant dense<0.000000e+00> : vector<2000x128xf32>
    %dot_general3A_117 = tpu.matmul %select_n3A, %get3A_115, %dot_general3A_116 {dimension_numbers = #tpu.dot_dimension_numbers<[1], [0], [0], [1], [0, 0, 1, 1], [], []>, transpose_lhs_hint = false} : vector<2000x128xf32>, vector<128x128xf32>, vector<2000x128xf32> -> vector<2000x128xf32>
    %get3A_118 = arith.constant 0 : index
    %get3A_119 = arith.constant 0 : index
    %get3A_120 = vector.load %arg15[%get3A_118, %get3A_119] : memref<1x128xf32, #tpu.memory_space<vmem>>, vector<1x128xf32>
    %mul3A_121 = vector.broadcast %sqrt3A_112 : vector<2000x1xf32> to vector<2000x128xf32>
    %mul3A_122 = vector.broadcast %get3A_120 : vector<1x128xf32> to vector<2000x128xf32>
    %mul3A_123 = arith.mulf %mul3A_121, %mul3A_122 : vector<2000x128xf32>
    %add3A_124 = arith.addf %dot_general3A_117, %mul3A_123 : vector<2000x128xf32>
    %get3A_125 = arith.constant 0 : index
    %get3A_126 = arith.constant 0 : index
    %get3A_127 = vector.load %arg16[%get3A_125, %get3A_126] : memref<1x128xf32, #tpu.memory_space<vmem>>, vector<1x128xf32>
    %add3A_128 = vector.broadcast %get3A_127 : vector<1x128xf32> to vector<2000x128xf32>
    %add3A_129 = arith.addf %add3A_124, %add3A_128 : vector<2000x128xf32>
    %get3A_130 = arith.constant 0 : index
    %get3A_131 = arith.constant 0 : index
    %get3A_132 = vector.load %arg17[%get3A_130, %get3A_131] : memref<128x1xf32, #tpu.memory_space<vmem>>, vector<128x1xf32>
    %dot_general3A_133 = arith.constant dense<0.000000e+00> : vector<2000x1xf32>
    %dot_general3A_134 = tpu.matmul %add3A_129, %get3A_132, %dot_general3A_133 {dimension_numbers = #tpu.dot_dimension_numbers<[1], [0], [0], [1], [0, 0, 1, 1], [], []>, transpose_lhs_hint = false} : vector<2000x128xf32>, vector<128x1xf32>, vector<2000x1xf32> -> vector<2000x1xf32>
    %add3A_135 = vector.broadcast %get3A_100 : f32 to vector<2000x1xf32>
    %add3A_136 = arith.addf %dot_general3A_134, %add3A_135 : vector<2000x1xf32>
    %logistic3A_137 = arith.negf %add3A_136 : vector<2000x1xf32>
    %logistic3A_138 = math.exp %logistic3A_137 : vector<2000x1xf32>
    %logistic3A_139 = arith.constant 1.000000e+00 : f32
    %logistic3A_140 = vector.broadcast %logistic3A_139 : f32 to vector<2000x1xf32>
    %logistic3A_141 = arith.addf %logistic3A_140, %logistic3A_138 : vector<2000x1xf32>
    %logistic3A_142 = arith.divf %logistic3A_140, %logistic3A_141 : vector<2000x1xf32>
    %mul3A_143 = vector.broadcast %get3A_96 : f32 to vector<2000x3xf32>
    %mul3A_144 = arith.mulf %mul3A_143, %add3A_104 : vector<2000x3xf32>
    %add3A_145 = vector.broadcast %get3A_98 : f32 to vector<2000x3xf32>
    %add3A_146 = arith.addf %mul3A_144, %add3A_145 : vector<2000x3xf32>
    %mul3A_147 = vector.broadcast %logistic3A_142 : vector<2000x1xf32> to vector<2000x3xf32>
    %mul3A_148 = arith.mulf %mul3A_147, %add3A_146 : vector<2000x3xf32>
    %swap3A = arith.constant 0 : index
    %swap3A_149 = arith.constant 0 : index
    %swap3A_150 = vector.load %arg22[%swap3A, %swap3A_149] : memref<2000x256xf32, #tpu.memory_space<vmem>>, vector<2000x128xf32>
    tpu.vector_store %arg22[%swap3A, %swap3A_149], %add3A_129 {strides = array<i32>} : memref<2000x256xf32, #tpu.memory_space<vmem>>, vector<2000x128xf32>,
    %swap3A_151 = arith.constant 0 : index
    %swap3A_152 = arith.constant 128 : index
    %swap3A_153 = vector.load %arg22[%swap3A_151, %swap3A_152] : memref<2000x256xf32, #tpu.memory_space<vmem>>, vector<2000x3xf32>
    tpu.vector_store %arg22[%swap3A_151, %swap3A_152], %mul3A_148 {strides = array<i32>} : memref<2000x256xf32, #tpu.memory_space<vmem>>, vector<2000x3xf32>,
    %swap3A_154 = arith.constant 0 : index
    %swap3A_155 = arith.constant 131 : index
    %swap3A_156 = vector.load %arg22[%swap3A_154, %swap3A_155] : memref<2000x256xf32, #tpu.memory_space<vmem>>, vector<2000x3xf32>
    tpu.vector_store %arg22[%swap3A_154, %swap3A_155], %get3A_4 {strides = array<i32>} : memref<2000x256xf32, #tpu.memory_space<vmem>>, vector<2000x3xf32>,
    %broadcast_in_dim3A_157 = arith.constant 0.000000e+00 : f32
    %broadcast_in_dim3A_158 = vector.broadcast %broadcast_in_dim3A_157 : f32 to vector<2000x122xf32>
    %swap3A_159 = arith.constant 0 : index
    %swap3A_160 = arith.constant 134 : index
    %swap3A_161 = vector.load %arg22[%swap3A_159, %swap3A_160] : memref<2000x256xf32, #tpu.memory_space<vmem>>, vector<2000x122xf32>
    tpu.vector_store %arg22[%swap3A_159, %swap3A_160], %broadcast_in_dim3A_158 {strides = array<i32>} : memref<2000x256xf32, #tpu.memory_space<vmem>>, vector<2000x122xf32>,
    %get3A_162 = arith.constant 17 : index
    %get3A_163 = memref.load %arg1[%get3A_162] : memref<22xf32, #tpu.memory_space<smem>>
    %get3A_164 = arith.constant 18 : index
    %get3A_165 = memref.load %arg1[%get3A_164] : memref<22xf32, #tpu.memory_space<smem>>
    %get3A_166 = arith.constant 19 : index
    %get3A_167 = memref.load %arg1[%get3A_166] : memref<22xf32, #tpu.memory_space<smem>>
    %get3A_168 = arith.constant 20 : index
    %get3A_169 = memref.load %arg1[%get3A_168] : memref<22xf32, #tpu.memory_space<smem>>
    %get3A_170 = arith.constant 21 : index
    %get3A_171 = memref.load %arg1[%get3A_170] : memref<22xf32, #tpu.memory_space<smem>>
    %mul3A_172 = vector.broadcast %get3A_163 : f32 to vector<2000x3xf32>
    %mul3A_173 = arith.mulf %mul3A_172, %mul3A_90 : vector<2000x3xf32>
    %add3A_174 = vector.broadcast %get3A_165 : f32 to vector<2000x3xf32>
    %add3A_175 = arith.addf %mul3A_173, %add3A_174 : vector<2000x3xf32>
    %mul3A_176 = arith.mulf %add3A_175, %add3A_175 : vector<2000x3xf32>
    %reduce_sum3A_177 = arith.constant dense<0.000000e+00> : vector<2000xf32>
    %reduce_sum3A_178 = vector.multi_reduction <add>, %mul3A_176, %reduce_sum3A_177 [1] : vector<2000x3xf32> to vector<2000xf32>
    %broadcast_in_dim3A_179 = vector.shape_cast %reduce_sum3A_178 : vector<2000xf32> to vector<2000x1xf32>
    %add3A_180 = arith.constant 9.99999996E-13 : f32
    %add3A_181 = vector.broadcast %add3A_180 : f32 to vector<2000x1xf32>
    %add3A_182 = arith.addf %broadcast_in_dim3A_179, %add3A_181 : vector<2000x1xf32>
    %sqrt3A_183 = math.sqrt %add3A_182 : vector<2000x1xf32>
    %get3A_184 = arith.constant 0 : index
    %get3A_185 = arith.constant 0 : index
    %get3A_186 = vector.load %arg18[%get3A_184, %get3A_185] : memref<128x128xf32, #tpu.memory_space<vmem>>, vector<128x128xf32>
    %dot_general3A_187 = arith.constant dense<0.000000e+00> : vector<2000x128xf32>
    %dot_general3A_188 = tpu.matmul %select_n3A, %get3A_186, %dot_general3A_187 {dimension_numbers = #tpu.dot_dimension_numbers<[1], [0], [0], [1], [0, 0, 1, 1], [], []>, transpose_lhs_hint = false} : vector<2000x128xf32>, vector<128x128xf32>, vector<2000x128xf32> -> vector<2000x128xf32>
    %get3A_189 = arith.constant 0 : index
    %get3A_190 = arith.constant 0 : index
    %get3A_191 = vector.load %arg19[%get3A_189, %get3A_190] : memref<1x128xf32, #tpu.memory_space<vmem>>, vector<1x128xf32>
    %mul3A_192 = vector.broadcast %sqrt3A_183 : vector<2000x1xf32> to vector<2000x128xf32>
    %mul3A_193 = vector.broadcast %get3A_191 : vector<1x128xf32> to vector<2000x128xf32>
    %mul3A_194 = arith.mulf %mul3A_192, %mul3A_193 : vector<2000x128xf32>
    %add3A_195 = arith.addf %dot_general3A_188, %mul3A_194 : vector<2000x128xf32>
    %get3A_196 = arith.constant 0 : index
    %get3A_197 = arith.constant 0 : index
    %get3A_198 = vector.load %arg20[%get3A_196, %get3A_197] : memref<1x128xf32, #tpu.memory_space<vmem>>, vector<1x128xf32>
    %add3A_199 = vector.broadcast %get3A_198 : vector<1x128xf32> to vector<2000x128xf32>
    %add3A_200 = arith.addf %add3A_195, %add3A_199 : vector<2000x128xf32>
    %get3A_201 = arith.constant 0 : index
    %get3A_202 = arith.constant 0 : index
    %get3A_203 = vector.load %arg21[%get3A_201, %get3A_202] : memref<128x1xf32, #tpu.memory_space<vmem>>, vector<128x1xf32>
    %dot_general3A_204 = arith.constant dense<0.000000e+00> : vector<2000x1xf32>
    %dot_general3A_205 = tpu.matmul %add3A_200, %get3A_203, %dot_general3A_204 {dimension_numbers = #tpu.dot_dimension_numbers<[1], [0], [0], [1], [0, 0, 1, 1], [], []>, transpose_lhs_hint = false} : vector<2000x128xf32>, vector<128x1xf32>, vector<2000x1xf32> -> vector<2000x1xf32>
    %add3A_206 = vector.broadcast %get3A_171 : f32 to vector<2000x1xf32>
    %add3A_207 = arith.addf %dot_general3A_205, %add3A_206 : vector<2000x1xf32>
    %logistic3A_208 = arith.negf %add3A_207 : vector<2000x1xf32>
    %logistic3A_209 = math.exp %logistic3A_208 : vector<2000x1xf32>
    %logistic3A_210 = arith.constant 1.000000e+00 : f32
    %logistic3A_211 = vector.broadcast %logistic3A_210 : f32 to vector<2000x1xf32>
    %logistic3A_212 = arith.addf %logistic3A_211, %logistic3A_209 : vector<2000x1xf32>
    %logistic3A_213 = arith.divf %logistic3A_211, %logistic3A_212 : vector<2000x1xf32>
    %mul3A_214 = vector.broadcast %get3A_167 : f32 to vector<2000x3xf32>
    %mul3A_215 = arith.mulf %mul3A_214, %add3A_175 : vector<2000x3xf32>
    %add3A_216 = vector.broadcast %get3A_169 : f32 to vector<2000x3xf32>
    %add3A_217 = arith.addf %mul3A_215, %add3A_216 : vector<2000x3xf32>
    %mul3A_218 = vector.broadcast %logistic3A_213 : vector<2000x1xf32> to vector<2000x3xf32>
    %mul3A_219 = arith.mulf %mul3A_218, %add3A_217 : vector<2000x3xf32>
    %swap3A_220 = arith.constant 0 : index
    %swap3A_221 = arith.constant 0 : index
    %swap3A_222 = vector.load %arg24[%swap3A_220, %swap3A_221] : memref<2000x128xf32, #tpu.memory_space<vmem>>, vector<2000x128xf32>
    tpu.vector_store %arg24[%swap3A_220, %swap3A_221], %add3A_200 {strides = array<i32>} : memref<2000x128xf32, #tpu.memory_space<vmem>>, vector<2000x128xf32>,
    %swap3A_223 = arith.constant 0 : index
    %swap3A_224 = arith.constant 0 : index
    %swap3A_225 = vector.load %arg25[%swap3A_223, %swap3A_224] : memref<2000x8xf32, #tpu.memory_space<vmem>>, vector<2000x3xf32>
    tpu.vector_store %arg25[%swap3A_223, %swap3A_224], %mul3A_219 {strides = array<i32>} : memref<2000x8xf32, #tpu.memory_space<vmem>>, vector<2000x3xf32>,
    %broadcast_in_dim3A_226 = arith.constant 0.000000e+00 : f32
    %broadcast_in_dim3A_227 = vector.broadcast %broadcast_in_dim3A_226 : f32 to vector<2000x5xf32>
    %swap3A_228 = arith.constant 0 : index
    %swap3A_229 = arith.constant 3 : index
    %swap3A_230 = vector.load %arg25[%swap3A_228, %swap3A_229] : memref<2000x8xf32, #tpu.memory_space<vmem>>, vector<2000x5xf32>
    tpu.vector_store %arg25[%swap3A_228, %swap3A_229], %broadcast_in_dim3A_227 {strides = array<i32>} : memref<2000x8xf32, #tpu.memory_space<vmem>>, vector<2000x5xf32>,
    %get3A_231 = arith.constant 0 : index
    %get3A_232 = arith.constant 0 : index
    %get3A_233 = vector.load %arg4[%get3A_231, %get3A_232] : memref<2000x128xf32, #tpu.memory_space<vmem>>, vector<2000x128xf32>
    %get3A_234 = arith.constant 0 : index
    %get3A_235 = arith.constant 0 : index
    %get3A_236 = vector.load %arg5[%get3A_234, %get3A_235] : memref<2000x8xf32, #tpu.memory_space<vmem>>, vector<2000x3xf32>
    %get3A_237 = arith.constant 5 : index
    %get3A_238 = memref.load %arg1[%get3A_237] : memref<22xf32, #tpu.memory_space<smem>>
    %get3A_239 = arith.constant 6 : index
    %get3A_240 = memref.load %arg1[%get3A_239] : memref<22xf32, #tpu.memory_space<smem>>
    %get3A_241 = arith.constant 7 : index
    %get3A_242 = memref.load %arg1[%get3A_241] : memref<22xf32, #tpu.memory_space<smem>>
    %get3A_243 = arith.constant 8 : index
    %get3A_244 = memref.load %arg1[%get3A_243] : memref<22xf32, #tpu.memory_space<smem>>
    %get3A_245 = arith.constant 9 : index
    %get3A_246 = memref.load %arg1[%get3A_245] : memref<22xf32, #tpu.memory_space<smem>>
    %mul3A_247 = vector.broadcast %get3A_238 : f32 to vector<2000x3xf32>
    %mul3A_248 = arith.mulf %mul3A_247, %get3A_236 : vector<2000x3xf32>
    %add3A_249 = vector.broadcast %get3A_240 : f32 to vector<2000x3xf32>
    %add3A_250 = arith.addf %mul3A_248, %add3A_249 : vector<2000x3xf32>
    %mul3A_251 = arith.mulf %add3A_250, %add3A_250 : vector<2000x3xf32>
    %reduce_sum3A_252 = arith.constant dense<0.000000e+00> : vector<2000xf32>
    %reduce_sum3A_253 = vector.multi_reduction <add>, %mul3A_251, %reduce_sum3A_252 [1] : vector<2000x3xf32> to vector<2000xf32>
    %broadcast_in_dim3A_254 = vector.shape_cast %reduce_sum3A_253 : vector<2000xf32> to vector<2000x1xf32>
    %add3A_255 = arith.constant 9.99999996E-13 : f32
    %add3A_256 = vector.broadcast %add3A_255 : f32 to vector<2000x1xf32>
    %add3A_257 = arith.addf %broadcast_in_dim3A_254, %add3A_256 : vector<2000x1xf32>
    %sqrt3A_258 = math.sqrt %add3A_257 : vector<2000x1xf32>
    %get3A_259 = arith.constant 0 : index
    %get3A_260 = arith.constant 0 : index
    %get3A_261 = vector.load %arg10[%get3A_259, %get3A_260] : memref<128x128xf32, #tpu.memory_space<vmem>>, vector<128x128xf32>
    %dot_general3A_262 = arith.constant dense<0.000000e+00> : vector<2000x128xf32>
    %dot_general3A_263 = tpu.matmul %get3A_233, %get3A_261, %dot_general3A_262 {dimension_numbers = #tpu.dot_dimension_numbers<[1], [0], [0], [1], [0, 0, 1, 1], [], []>, transpose_lhs_hint = false} : vector<2000x128xf32>, vector<128x128xf32>, vector<2000x128xf32> -> vector<2000x128xf32>
    %get3A_264 = arith.constant 0 : index
    %get3A_265 = arith.constant 0 : index
    %get3A_266 = vector.load %arg11[%get3A_264, %get3A_265] : memref<1x128xf32, #tpu.memory_space<vmem>>, vector<1x128xf32>
    %mul3A_267 = vector.broadcast %sqrt3A_258 : vector<2000x1xf32> to vector<2000x128xf32>
    %mul3A_268 = vector.broadcast %get3A_266 : vector<1x128xf32> to vector<2000x128xf32>
    %mul3A_269 = arith.mulf %mul3A_267, %mul3A_268 : vector<2000x128xf32>
    %add3A_270 = arith.addf %dot_general3A_263, %mul3A_269 : vector<2000x128xf32>
    %get3A_271 = arith.constant 0 : index
    %get3A_272 = arith.constant 0 : index
    %get3A_273 = vector.load %arg12[%get3A_271, %get3A_272] : memref<1x128xf32, #tpu.memory_space<vmem>>, vector<1x128xf32>
    %add3A_274 = vector.broadcast %get3A_273 : vector<1x128xf32> to vector<2000x128xf32>
    %add3A_275 = arith.addf %add3A_270, %add3A_274 : vector<2000x128xf32>
    %get3A_276 = arith.constant 0 : index
    %get3A_277 = arith.constant 0 : index
    %get3A_278 = vector.load %arg13[%get3A_276, %get3A_277] : memref<128x1xf32, #tpu.memory_space<vmem>>, vector<128x1xf32>
    %dot_general3A_279 = arith.constant dense<0.000000e+00> : vector<2000x1xf32>
    %dot_general3A_280 = tpu.matmul %add3A_275, %get3A_278, %dot_general3A_279 {dimension_numbers = #tpu.dot_dimension_numbers<[1], [0], [0], [1], [0, 0, 1, 1], [], []>, transpose_lhs_hint = false} : vector<2000x128xf32>, vector<128x1xf32>, vector<2000x1xf32> -> vector<2000x1xf32>
    %add3A_281 = vector.broadcast %get3A_246 : f32 to vector<2000x1xf32>
    %add3A_282 = arith.addf %dot_general3A_280, %add3A_281 : vector<2000x1xf32>
    %logistic3A_283 = arith.negf %add3A_282 : vector<2000x1xf32>
    %logistic3A_284 = math.exp %logistic3A_283 : vector<2000x1xf32>
    %logistic3A_285 = arith.constant 1.000000e+00 : f32
    %logistic3A_286 = vector.broadcast %logistic3A_285 : f32 to vector<2000x1xf32>
    %logistic3A_287 = arith.addf %logistic3A_286, %logistic3A_284 : vector<2000x1xf32>
    %logistic3A_288 = arith.divf %logistic3A_286, %logistic3A_287 : vector<2000x1xf32>
    %mul3A_289 = vector.broadcast %get3A_242 : f32 to vector<2000x3xf32>
    %mul3A_290 = arith.mulf %mul3A_289, %add3A_250 : vector<2000x3xf32>
    %add3A_291 = vector.broadcast %get3A_244 : f32 to vector<2000x3xf32>
    %add3A_292 = arith.addf %mul3A_290, %add3A_291 : vector<2000x3xf32>
    %mul3A_293 = vector.broadcast %logistic3A_288 : vector<2000x1xf32> to vector<2000x3xf32>
    %mul3A_294 = arith.mulf %mul3A_293, %add3A_292 : vector<2000x3xf32>
    %ge3A_295 = arith.constant 0.000000e+00 : f32
    %ge3A_296 = vector.broadcast %ge3A_295 : f32 to vector<2000x128xf32>
    %ge3A_297 = arith.cmpf oge, %add3A_275, %ge3A_296 : vector<2000x128xf32>
    %mul3A_298 = arith.constant 0.00999999977 : f32
    %mul3A_299 = vector.broadcast %mul3A_298 : f32 to vector<2000x128xf32>
    %mul3A_300 = arith.mulf %mul3A_299, %add3A_275 : vector<2000x128xf32>
    %select_n3A_301 = arith.select %ge3A_297, %add3A_275, %mul3A_300 : vector<2000x128xi1>, vector<2000x128xf32>
    %get3A_302 = arith.constant 11 : index
    %get3A_303 = memref.load %arg1[%get3A_302] : memref<22xf32, #tpu.memory_space<smem>>
    %mul3A_304 = arith.mulf %mul3A_294, %mul3A_294 : vector<2000x3xf32>
    %broadcast_in_dim3A_305 = arith.constant 1.000000e+00 : f32
    %broadcast_in_dim3A_306 = vector.broadcast %broadcast_in_dim3A_305 : f32 to vector<3x1xf32>
    %dot_general3A_307 = arith.constant dense<0.000000e+00> : vector<2000x1xf32>
    %dot_general3A_308 = tpu.matmul %mul3A_304, %broadcast_in_dim3A_306, %dot_general3A_307 {dimension_numbers = #tpu.dot_dimension_numbers<[1], [0], [0], [1], [0, 0, 1, 1], [], []>, transpose_lhs_hint = false} : vector<2000x3xf32>, vector<3x1xf32>, vector<2000x1xf32> -> vector<2000x1xf32>
    %mul3A_309 = vector.broadcast %get3A_303 : f32 to vector<2000x1xf32>
    %mul3A_310 = arith.mulf %mul3A_309, %dot_general3A_308 : vector<2000x1xf32>
    %mul3A_311 = arith.mulf %get3A_303, %get3A_303 : f32
    %mul3A_312 = vector.broadcast %mul3A_311 : f32 to vector<2000x1xf32>
    %mul3A_313 = arith.mulf %mul3A_312, %dot_general3A_308 : vector<2000x1xf32>
    %ge3A_314 = arith.constant 0.000000e+00 : f32
    %ge3A_315 = vector.broadcast %ge3A_314 : f32 to vector<2000x1xf32>
    %ge3A_316 = arith.cmpf oge, %mul3A_310, %ge3A_315 : vector<2000x1xf32>
    %add3A_317 = arith.constant 9.99999997E-7 : f32
    %add3A_318 = vector.broadcast %add3A_317 : f32 to vector<2000x1xf32>
    %add3A_319 = arith.addf %mul3A_313, %add3A_318 : vector<2000x1xf32>
    %div3A_320 = arith.constant 9.99999997E-7 : f32
    %div3A_321 = vector.broadcast %div3A_320 : f32 to vector<2000x1xf32>
    %div3A_322 = arith.divf %div3A_321, %add3A_319 : vector<2000x1xf32>
    %jit3A_323 = arith.constant 1.000000e+00 : f32
    %broadcast_in_dim3A_324 = vector.broadcast %jit3A_323 : f32 to vector<2000x1xf32>
    %select_n3A_325 = arith.select %ge3A_316, %broadcast_in_dim3A_324, %div3A_322 : vector<2000x1xi1>, vector<2000x1xf32>
    %mul3A_326 = arith.constant 9.900000e-01 : f32
    %mul3A_327 = vector.broadcast %mul3A_326 : f32 to vector<2000x1xf32>
    %mul3A_328 = arith.mulf %mul3A_327, %select_n3A_325 : vector<2000x1xf32>
    %add3A_329 = arith.constant 0.00999999977 : f32
    %add3A_330 = vector.broadcast %add3A_329 : f32 to vector<2000x1xf32>
    %add3A_331 = arith.addf %add3A_330, %mul3A_328 : vector<2000x1xf32>
    %mul3A_332 = vector.broadcast %add3A_331 : vector<2000x1xf32> to vector<2000x3xf32>
    %mul3A_333 = arith.mulf %mul3A_294, %mul3A_332 : vector<2000x3xf32>
    %get3A_334 = arith.constant 12 : index
    %get3A_335 = memref.load %arg1[%get3A_334] : memref<22xf32, #tpu.memory_space<smem>>
    %get3A_336 = arith.constant 13 : index
    %get3A_337 = memref.load %arg1[%get3A_336] : memref<22xf32, #tpu.memory_space<smem>>
    %get3A_338 = arith.constant 14 : index
    %get3A_339 = memref.load %arg1[%get3A_338] : memref<22xf32, #tpu.memory_space<smem>>
    %get3A_340 = arith.constant 15 : index
    %get3A_341 = memref.load %arg1[%get3A_340] : memref<22xf32, #tpu.memory_space<smem>>
    %get3A_342 = arith.constant 16 : index
    %get3A_343 = memref.load %arg1[%get3A_342] : memref<22xf32, #tpu.memory_space<smem>>
    %mul3A_344 = vector.broadcast %get3A_335 : f32 to vector<2000x3xf32>
    %mul3A_345 = arith.mulf %mul3A_344, %mul3A_333 : vector<2000x3xf32>
    %add3A_346 = vector.broadcast %get3A_337 : f32 to vector<2000x3xf32>
    %add3A_347 = arith.addf %mul3A_345, %add3A_346 : vector<2000x3xf32>
    %mul3A_348 = arith.mulf %add3A_347, %add3A_347 : vector<2000x3xf32>
    %reduce_sum3A_349 = arith.constant dense<0.000000e+00> : vector<2000xf32>
    %reduce_sum3A_350 = vector.multi_reduction <add>, %mul3A_348, %reduce_sum3A_349 [1] : vector<2000x3xf32> to vector<2000xf32>
    %broadcast_in_dim3A_351 = vector.shape_cast %reduce_sum3A_350 : vector<2000xf32> to vector<2000x1xf32>
    %add3A_352 = arith.constant 9.99999996E-13 : f32
    %add3A_353 = vector.broadcast %add3A_352 : f32 to vector<2000x1xf32>
    %add3A_354 = arith.addf %broadcast_in_dim3A_351, %add3A_353 : vector<2000x1xf32>
    %sqrt3A_355 = math.sqrt %add3A_354 : vector<2000x1xf32>
    %get3A_356 = arith.constant 0 : index
    %get3A_357 = arith.constant 0 : index
    %get3A_358 = vector.load %arg14[%get3A_356, %get3A_357] : memref<128x128xf32, #tpu.memory_space<vmem>>, vector<128x128xf32>
    %dot_general3A_359 = arith.constant dense<0.000000e+00> : vector<2000x128xf32>
    %dot_general3A_360 = tpu.matmul %select_n3A_301, %get3A_358, %dot_general3A_359 {dimension_numbers = #tpu.dot_dimension_numbers<[1], [0], [0], [1], [0, 0, 1, 1], [], []>, transpose_lhs_hint = false} : vector<2000x128xf32>, vector<128x128xf32>, vector<2000x128xf32> -> vector<2000x128xf32>
    %get3A_361 = arith.constant 0 : index
    %get3A_362 = arith.constant 0 : index
    %get3A_363 = vector.load %arg15[%get3A_361, %get3A_362] : memref<1x128xf32, #tpu.memory_space<vmem>>, vector<1x128xf32>
    %mul3A_364 = vector.broadcast %sqrt3A_355 : vector<2000x1xf32> to vector<2000x128xf32>
    %mul3A_365 = vector.broadcast %get3A_363 : vector<1x128xf32> to vector<2000x128xf32>
    %mul3A_366 = arith.mulf %mul3A_364, %mul3A_365 : vector<2000x128xf32>
    %add3A_367 = arith.addf %dot_general3A_360, %mul3A_366 : vector<2000x128xf32>
    %get3A_368 = arith.constant 0 : index
    %get3A_369 = arith.constant 0 : index
    %get3A_370 = vector.load %arg16[%get3A_368, %get3A_369] : memref<1x128xf32, #tpu.memory_space<vmem>>, vector<1x128xf32>
    %add3A_371 = vector.broadcast %get3A_370 : vector<1x128xf32> to vector<2000x128xf32>
    %add3A_372 = arith.addf %add3A_367, %add3A_371 : vector<2000x128xf32>
    %get3A_373 = arith.constant 0 : index
    %get3A_374 = arith.constant 0 : index
    %get3A_375 = vector.load %arg17[%get3A_373, %get3A_374] : memref<128x1xf32, #tpu.memory_space<vmem>>, vector<128x1xf32>
    %dot_general3A_376 = arith.constant dense<0.000000e+00> : vector<2000x1xf32>
    %dot_general3A_377 = tpu.matmul %add3A_372, %get3A_375, %dot_general3A_376 {dimension_numbers = #tpu.dot_dimension_numbers<[1], [0], [0], [1], [0, 0, 1, 1], [], []>, transpose_lhs_hint = false} : vector<2000x128xf32>, vector<128x1xf32>, vector<2000x1xf32> -> vector<2000x1xf32>
    %add3A_378 = vector.broadcast %get3A_343 : f32 to vector<2000x1xf32>
    %add3A_379 = arith.addf %dot_general3A_377, %add3A_378 : vector<2000x1xf32>
    %logistic3A_380 = arith.negf %add3A_379 : vector<2000x1xf32>
    %logistic3A_381 = math.exp %logistic3A_380 : vector<2000x1xf32>
    %logistic3A_382 = arith.constant 1.000000e+00 : f32
    %logistic3A_383 = vector.broadcast %logistic3A_382 : f32 to vector<2000x1xf32>
    %logistic3A_384 = arith.addf %logistic3A_383, %logistic3A_381 : vector<2000x1xf32>
    %logistic3A_385 = arith.divf %logistic3A_383, %logistic3A_384 : vector<2000x1xf32>
    %mul3A_386 = vector.broadcast %get3A_339 : f32 to vector<2000x3xf32>
    %mul3A_387 = arith.mulf %mul3A_386, %add3A_347 : vector<2000x3xf32>
    %add3A_388 = vector.broadcast %get3A_341 : f32 to vector<2000x3xf32>
    %add3A_389 = arith.addf %mul3A_387, %add3A_388 : vector<2000x3xf32>
    %mul3A_390 = vector.broadcast %logistic3A_385 : vector<2000x1xf32> to vector<2000x3xf32>
    %mul3A_391 = arith.mulf %mul3A_390, %add3A_389 : vector<2000x3xf32>
    %swap3A_392 = arith.constant 0 : index
    %swap3A_393 = arith.constant 0 : index
    %swap3A_394 = vector.load %arg23[%swap3A_392, %swap3A_393] : memref<2000x256xf32, #tpu.memory_space<vmem>>, vector<2000x128xf32>
    tpu.vector_store %arg23[%swap3A_392, %swap3A_393], %add3A_372 {strides = array<i32>} : memref<2000x256xf32, #tpu.memory_space<vmem>>, vector<2000x128xf32>,
    %swap3A_395 = arith.constant 0 : index
    %swap3A_396 = arith.constant 128 : index
    %swap3A_397 = vector.load %arg23[%swap3A_395, %swap3A_396] : memref<2000x256xf32, #tpu.memory_space<vmem>>, vector<2000x3xf32>
    tpu.vector_store %arg23[%swap3A_395, %swap3A_396], %mul3A_391 {strides = array<i32>} : memref<2000x256xf32, #tpu.memory_space<vmem>>, vector<2000x3xf32>,
    %swap3A_398 = arith.constant 0 : index
    %swap3A_399 = arith.constant 131 : index
    %swap3A_400 = vector.load %arg23[%swap3A_398, %swap3A_399] : memref<2000x256xf32, #tpu.memory_space<vmem>>, vector<2000x3xf32>
    tpu.vector_store %arg23[%swap3A_398, %swap3A_399], %get3A_236 {strides = array<i32>} : memref<2000x256xf32, #tpu.memory_space<vmem>>, vector<2000x3xf32>,
    %broadcast_in_dim3A_401 = arith.constant 0.000000e+00 : f32
    %broadcast_in_dim3A_402 = vector.broadcast %broadcast_in_dim3A_401 : f32 to vector<2000x122xf32>
    %swap3A_403 = arith.constant 0 : index
    %swap3A_404 = arith.constant 134 : index
    %swap3A_405 = vector.load %arg23[%swap3A_403, %swap3A_404] : memref<2000x256xf32, #tpu.memory_space<vmem>>, vector<2000x122xf32>
    tpu.vector_store %arg23[%swap3A_403, %swap3A_404], %broadcast_in_dim3A_402 {strides = array<i32>} : memref<2000x256xf32, #tpu.memory_space<vmem>>, vector<2000x122xf32>,
    return
  }
  func.func @transform_0(%arg0: i32) -> i32 {
    %c0_i32 = arith.constant 0 : i32
    %c0_i32_0 = arith.constant 0 : i32
    return %c0_i32 : i32
  }
  func.func @transform_1(%arg0: i32) -> (i32, i32) {
    %c0_i32 = arith.constant 0 : i32
    %c0_i32_0 = arith.constant 0 : i32
    return %arg0, %c0_i32 : i32, i32
  }
  func.func @transform_2(%arg0: i32) -> (i32, i32) {
    %c0_i32 = arith.constant 0 : i32
    %c0_i32_0 = arith.constant 0 : i32
    return %arg0, %c0_i32 : i32, i32
  }
  func.func @transform_3(%arg0: i32) -> (i32, i32) {
    %c0_i32 = arith.constant 0 : i32
    %c0_i32_0 = arith.constant 0 : i32
    return %arg0, %c0_i32 : i32, i32
  }
  func.func @transform_4(%arg0: i32) -> (i32, i32) {
    %c0_i32 = arith.constant 0 : i32
    %c0_i32_0 = arith.constant 0 : i32
    return %arg0, %c0_i32 : i32, i32
  }
  func.func @transform_5(%arg0: i32) -> (i32, i32) {
    %c0_i32 = arith.constant 0 : i32
    %c0_i32_0 = arith.constant 0 : i32
    %c0_i32_1 = arith.constant 0 : i32
    return %c0_i32, %c0_i32_0 : i32, i32
  }
  func.func @transform_6(%arg0: i32) -> (i32, i32) {
    %c0_i32 = arith.constant 0 : i32
    %c0_i32_0 = arith.constant 0 : i32
    %c0_i32_1 = arith.constant 0 : i32
    return %c0_i32, %c0_i32_0 : i32, i32
  }
  func.func @transform_7(%arg0: i32) -> (i32, i32) {
    %c0_i32 = arith.constant 0 : i32
    %c0_i32_0 = arith.constant 0 : i32
    %c0_i32_1 = arith.constant 0 : i32
    return %c0_i32, %c0_i32_0 : i32, i32
  }
  func.func @transform_8(%arg0: i32) -> (i32, i32) {
    %c0_i32 = arith.constant 0 : i32
    %c0_i32_0 = arith.constant 0 : i32
    %c0_i32_1 = arith.constant 0 : i32
    return %c0_i32, %c0_i32_0 : i32, i32
  }
  func.func @transform_9(%arg0: i32) -> (i32, i32) {
    %c0_i32 = arith.constant 0 : i32
    %c0_i32_0 = arith.constant 0 : i32
    %c0_i32_1 = arith.constant 0 : i32
    return %c0_i32, %c0_i32_0 : i32, i32
  }
  func.func @transform_10(%arg0: i32) -> (i32, i32) {
    %c0_i32 = arith.constant 0 : i32
    %c0_i32_0 = arith.constant 0 : i32
    %c0_i32_1 = arith.constant 0 : i32
    return %c0_i32, %c0_i32_0 : i32, i32
  }
  func.func @transform_11(%arg0: i32) -> (i32, i32) {
    %c0_i32 = arith.constant 0 : i32
    %c0_i32_0 = arith.constant 0 : i32
    %c0_i32_1 = arith.constant 0 : i32
    return %c0_i32, %c0_i32_0 : i32, i32
  }
  func.func @transform_12(%arg0: i32) -> (i32, i32) {
    %c0_i32 = arith.constant 0 : i32
    %c0_i32_0 = arith.constant 0 : i32
    %c0_i32_1 = arith.constant 0 : i32
    return %c0_i32, %c0_i32_0 : i32, i32
  }
  func.func @transform_13(%arg0: i32) -> (i32, i32) {
    %c0_i32 = arith.constant 0 : i32
    %c0_i32_0 = arith.constant 0 : i32
    %c0_i32_1 = arith.constant 0 : i32
    return %c0_i32, %c0_i32_0 : i32, i32
  }
  func.func @transform_14(%arg0: i32) -> (i32, i32) {
    %c0_i32 = arith.constant 0 : i32
    %c0_i32_0 = arith.constant 0 : i32
    %c0_i32_1 = arith.constant 0 : i32
    return %c0_i32, %c0_i32_0 : i32, i32
  }
  func.func @transform_15(%arg0: i32) -> (i32, i32) {
    %c0_i32 = arith.constant 0 : i32
    %c0_i32_0 = arith.constant 0 : i32
    %c0_i32_1 = arith.constant 0 : i32
    return %c0_i32, %c0_i32_0 : i32, i32
  }
  func.func @transform_16(%arg0: i32) -> (i32, i32) {
    %c0_i32 = arith.constant 0 : i32
    %c0_i32_0 = arith.constant 0 : i32
    %c0_i32_1 = arith.constant 0 : i32
    return %c0_i32, %c0_i32_0 : i32, i32
  }
  func.func @transform_17(%arg0: i32) -> (i32, i32) {
    %c0_i32 = arith.constant 0 : i32
    %c0_i32_0 = arith.constant 0 : i32
    %c0_i32_1 = arith.constant 0 : i32
    return %c0_i32, %c0_i32_0 : i32, i32
  }
  func.func @transform_18(%arg0: i32) -> (i32, i32) {
    %c0_i32 = arith.constant 0 : i32
    %c0_i32_0 = arith.constant 0 : i32
    %c0_i32_1 = arith.constant 0 : i32
    return %c0_i32, %c0_i32_0 : i32, i32
  }
  func.func @transform_19(%arg0: i32) -> (i32, i32) {
    %c0_i32 = arith.constant 0 : i32
    %c0_i32_0 = arith.constant 0 : i32
    %c0_i32_1 = arith.constant 0 : i32
    return %c0_i32, %c0_i32_0 : i32, i32
  }
  func.func @transform_20(%arg0: i32) -> (i32, i32) {
    %c0_i32 = arith.constant 0 : i32
    %c0_i32_0 = arith.constant 0 : i32
    %c0_i32_1 = arith.constant 0 : i32
    return %c0_i32, %c0_i32_0 : i32, i32
  }
  func.func @transform_21(%arg0: i32) -> (i32, i32) {
    %c0_i32 = arith.constant 0 : i32
    %c0_i32_0 = arith.constant 0 : i32
    return %arg0, %c0_i32 : i32, i32
  }
  func.func @transform_22(%arg0: i32) -> (i32, i32) {
    %c0_i32 = arith.constant 0 : i32
    %c0_i32_0 = arith.constant 0 : i32
    return %arg0, %c0_i32 : i32, i32
  }
  func.func @transform_23(%arg0: i32) -> (i32, i32) {
    %c0_i32 = arith.constant 0 : i32
    %c0_i32_0 = arith.constant 0 : i32
    return %arg0, %c0_i32 : i32, i32
  }
  func.func @transform_24(%arg0: i32) -> (i32, i32) {
    %c0_i32 = arith.constant 0 : i32
    %c0_i32_0 = arith.constant 0 : i32
    return %arg0, %c0_i32 : i32, i32
  }
}

module attributes {stable_mosaic.version = 14 : i64} {
  func.func @_edge_body(%arg0: i32, %arg1: memref<15xf32, #tpu.memory_space<smem>>, %arg2: memref<2000x256xf32, #tpu.memory_space<vmem>>, %arg3: memref<2000x256xf32, #tpu.memory_space<vmem>>, %arg4: memref<2000x16xf32, #tpu.memory_space<vmem>>, %arg5: memref<16x32xf32, #tpu.memory_space<vmem>>, %arg6: memref<16x32xf32, #tpu.memory_space<vmem>>, %arg7: memref<1x32xf32, #tpu.memory_space<vmem>>, %arg8: memref<1x32xf32, #tpu.memory_space<vmem>>, %arg9: memref<32x1xf32, #tpu.memory_space<vmem>>, %arg10: memref<32x128xf32, #tpu.memory_space<vmem>>, %arg11: memref<1x128xf32, #tpu.memory_space<vmem>>, %arg12: memref<32x1xf32, #tpu.memory_space<vmem>>, %arg13: memref<128x1xf32, #tpu.memory_space<vmem>>, %arg14: memref<128x128xf32, #tpu.memory_space<vmem>>, %arg15: memref<1x128xf32, #tpu.memory_space<vmem>>, %arg16: memref<1x128xf32, #tpu.memory_space<vmem>>, %arg17: memref<128x1xf32, #tpu.memory_space<vmem>>, %arg18: memref<2000x128xf32, #tpu.memory_space<vmem>>, %arg19: memref<2000x128xf32, #tpu.memory_space<vmem>>) attributes {dimension_semantics = [#tpu.dimension_semantics<arbitrary>], iteration_bounds = array<i64: 80>, scalar_prefetch = 0 : i64, scratch_operands = 0 : i64, tpu.core_type = #tpu.core_type<tc>, window_params = [{transform_indices = @transform_0, window_bounds = array<i64: 15>}, {transform_indices = @transform_1, window_bounds = array<i64: 2000, 256>}, {transform_indices = @transform_2, window_bounds = array<i64: 2000, 256>}, {transform_indices = @transform_3, window_bounds = array<i64: 2000, 16>}, {pipeline_mode = #tpu.pipeline_mode<synchronous>, transform_indices = @transform_4, window_bounds = array<i64: 16, 32>}, {pipeline_mode = #tpu.pipeline_mode<synchronous>, transform_indices = @transform_5, window_bounds = array<i64: 16, 32>}, {pipeline_mode = #tpu.pipeline_mode<synchronous>, transform_indices = @transform_6, window_bounds = array<i64: 1, 32>}, {pipeline_mode = #tpu.pipeline_mode<synchronous>, transform_indices = @transform_7, window_bounds = array<i64: 1, 32>}, {pipeline_mode = #tpu.pipeline_mode<synchronous>, transform_indices = @transform_8, window_bounds = array<i64: 32, 1>}, {pipeline_mode = #tpu.pipeline_mode<synchronous>, transform_indices = @transform_9, window_bounds = array<i64: 32, 128>}, {pipeline_mode = #tpu.pipeline_mode<synchronous>, transform_indices = @transform_10, window_bounds = array<i64: 1, 128>}, {pipeline_mode = #tpu.pipeline_mode<synchronous>, transform_indices = @transform_11, window_bounds = array<i64: 32, 1>}, {pipeline_mode = #tpu.pipeline_mode<synchronous>, transform_indices = @transform_12, window_bounds = array<i64: 128, 1>}, {pipeline_mode = #tpu.pipeline_mode<synchronous>, transform_indices = @transform_13, window_bounds = array<i64: 128, 128>}, {pipeline_mode = #tpu.pipeline_mode<synchronous>, transform_indices = @transform_14, window_bounds = array<i64: 1, 128>}, {pipeline_mode = #tpu.pipeline_mode<synchronous>, transform_indices = @transform_15, window_bounds = array<i64: 1, 128>}, {pipeline_mode = #tpu.pipeline_mode<synchronous>, transform_indices = @transform_16, window_bounds = array<i64: 128, 1>}, {transform_indices = @transform_17, window_bounds = array<i64: 2000, 128>}, {transform_indices = @transform_18, window_bounds = array<i64: 2000, 128>}]} {
    %get3A = arith.constant 0 : index
    %get3A_0 = memref.load %arg1[%get3A] : memref<15xf32, #tpu.memory_space<smem>>
    %get3A_1 = arith.constant 1 : index
    %get3A_2 = memref.load %arg1[%get3A_1] : memref<15xf32, #tpu.memory_space<smem>>
    %get3A_3 = arith.constant 2 : index
    %get3A_4 = memref.load %arg1[%get3A_3] : memref<15xf32, #tpu.memory_space<smem>>
    %get3A_5 = arith.constant 3 : index
    %get3A_6 = memref.load %arg1[%get3A_5] : memref<15xf32, #tpu.memory_space<smem>>
    %get3A_7 = arith.constant 4 : index
    %get3A_8 = memref.load %arg1[%get3A_7] : memref<15xf32, #tpu.memory_space<smem>>
    %get3A_9 = arith.constant 5 : index
    %get3A_10 = memref.load %arg1[%get3A_9] : memref<15xf32, #tpu.memory_space<smem>>
    %get3A_11 = arith.constant 6 : index
    %get3A_12 = memref.load %arg1[%get3A_11] : memref<15xf32, #tpu.memory_space<smem>>
    %get3A_13 = arith.constant 7 : index
    %get3A_14 = memref.load %arg1[%get3A_13] : memref<15xf32, #tpu.memory_space<smem>>
    %get3A_15 = arith.constant 8 : index
    %get3A_16 = memref.load %arg1[%get3A_15] : memref<15xf32, #tpu.memory_space<smem>>
    %get3A_17 = arith.constant 9 : index
    %get3A_18 = memref.load %arg1[%get3A_17] : memref<15xf32, #tpu.memory_space<smem>>
    %get3A_19 = arith.constant 10 : index
    %get3A_20 = memref.load %arg1[%get3A_19] : memref<15xf32, #tpu.memory_space<smem>>
    %get3A_21 = arith.constant 11 : index
    %get3A_22 = memref.load %arg1[%get3A_21] : memref<15xf32, #tpu.memory_space<smem>>
    %get3A_23 = arith.constant 12 : index
    %get3A_24 = memref.load %arg1[%get3A_23] : memref<15xf32, #tpu.memory_space<smem>>
    %get3A_25 = arith.constant 13 : index
    %get3A_26 = memref.load %arg1[%get3A_25] : memref<15xf32, #tpu.memory_space<smem>>
    %get3A_27 = arith.constant 14 : index
    %get3A_28 = memref.load %arg1[%get3A_27] : memref<15xf32, #tpu.memory_space<smem>>
    %get3A_29 = arith.constant 0 : index
    %get3A_30 = arith.constant 131 : index
    %get3A_31 = vector.load %arg2[%get3A_29, %get3A_30] : memref<2000x256xf32, #tpu.memory_space<vmem>>, vector<2000x3xf32>
    %get3A_32 = arith.constant 0 : index
    %get3A_33 = arith.constant 131 : index
    %get3A_34 = vector.load %arg3[%get3A_32, %get3A_33] : memref<2000x256xf32, #tpu.memory_space<vmem>>, vector<2000x3xf32>
    %sub3A = arith.subf %get3A_34, %get3A_31 : vector<2000x3xf32>
    %mul3A = arith.mulf %sub3A, %sub3A : vector<2000x3xf32>
    %broadcast_in_dim3A = arith.constant 1.000000e+00 : f32
    %broadcast_in_dim3A_35 = vector.broadcast %broadcast_in_dim3A : f32 to vector<3x1xf32>
    %dot_general3A = arith.constant dense<0.000000e+00> : vector<2000x1xf32>
    %dot_general3A_36 = tpu.matmul %mul3A, %broadcast_in_dim3A_35, %dot_general3A {dimension_numbers = #tpu.dot_dimension_numbers<[1], [0], [0], [1], [0, 0, 1, 1], [], []>, transpose_lhs_hint = false} : vector<2000x3xf32>, vector<3x1xf32>, vector<2000x1xf32> -> vector<2000x1xf32>
    %add3A = arith.constant 9.99999996E-13 : f32
    %add3A_37 = vector.broadcast %add3A : f32 to vector<2000x1xf32>
    %add3A_38 = arith.addf %dot_general3A_36, %add3A_37 : vector<2000x1xf32>
    %sqrt3A = math.sqrt %add3A_38 : vector<2000x1xf32>
    %iota3A = tpu.iota {dimensions = array<i32: 1>} : vector<1x16xi32>
    %convert_element_type3A = arith.sitofp %iota3A : vector<1x16xi32> to vector<1x16xf32>
    %mul3A_39 = arith.constant 0.666666686 : f32
    %mul3A_40 = vector.broadcast %mul3A_39 : f32 to vector<1x16xf32>
    %mul3A_41 = arith.mulf %convert_element_type3A, %mul3A_40 : vector<1x16xf32>
    %sub3A_42 = vector.broadcast %sqrt3A : vector<2000x1xf32> to vector<2000x16xf32>
    %sub3A_43 = vector.broadcast %mul3A_41 : vector<1x16xf32> to vector<2000x16xf32>
    %sub3A_44 = arith.subf %sub3A_42, %sub3A_43 : vector<2000x16xf32>
    %mul3A_45 = arith.constant -1.125000e+00 : f32
    %mul3A_46 = vector.broadcast %mul3A_45 : f32 to vector<2000x16xf32>
    %mul3A_47 = arith.mulf %mul3A_46, %sub3A_44 : vector<2000x16xf32>
    %mul3A_48 = arith.mulf %mul3A_47, %sub3A_44 : vector<2000x16xf32>
    %exp3A = math.exp %mul3A_48 : vector<2000x16xf32>
    %add3A_49 = arith.constant 1.000000e-07 : f32
    %add3A_50 = vector.broadcast %add3A_49 : f32 to vector<2000x1xf32>
    %add3A_51 = arith.addf %sqrt3A, %add3A_50 : vector<2000x1xf32>
    %div3A = arith.constant 1.000000e+00 : f32
    %div3A_52 = vector.broadcast %div3A : f32 to vector<2000x1xf32>
    %div3A_53 = arith.divf %div3A_52, %add3A_51 : vector<2000x1xf32>
    %mul3A_54 = vector.broadcast %get3A_12 : f32 to vector<2000x1xf32>
    %mul3A_55 = arith.mulf %div3A_53, %mul3A_54 : vector<2000x1xf32>
    %mul3A_56 = vector.broadcast %mul3A_55 : vector<2000x1xf32> to vector<2000x3xf32>
    %mul3A_57 = arith.mulf %sub3A, %mul3A_56 : vector<2000x3xf32>
    %mul3A_58 = vector.broadcast %get3A_0 : f32 to vector<2000x3xf32>
    %mul3A_59 = arith.mulf %mul3A_58, %mul3A_57 : vector<2000x3xf32>
    %add3A_60 = vector.broadcast %get3A_2 : f32 to vector<2000x3xf32>
    %add3A_61 = arith.addf %mul3A_59, %add3A_60 : vector<2000x3xf32>
    %mul3A_62 = arith.mulf %add3A_61, %add3A_61 : vector<2000x3xf32>
    %broadcast_in_dim3A_63 = arith.constant 1.000000e+00 : f32
    %broadcast_in_dim3A_64 = vector.broadcast %broadcast_in_dim3A_63 : f32 to vector<3x1xf32>
    %dot_general3A_65 = arith.constant dense<0.000000e+00> : vector<2000x1xf32>
    %dot_general3A_66 = tpu.matmul %mul3A_62, %broadcast_in_dim3A_64, %dot_general3A_65 {dimension_numbers = #tpu.dot_dimension_numbers<[1], [0], [0], [1], [0, 0, 1, 1], [], []>, transpose_lhs_hint = false} : vector<2000x3xf32>, vector<3x1xf32>, vector<2000x1xf32> -> vector<2000x1xf32>
    %add3A_67 = arith.constant 9.99999996E-13 : f32
    %add3A_68 = vector.broadcast %add3A_67 : f32 to vector<2000x1xf32>
    %add3A_69 = arith.addf %dot_general3A_66, %add3A_68 : vector<2000x1xf32>
    %sqrt3A_70 = math.sqrt %add3A_69 : vector<2000x1xf32>
    %get3A_71 = arith.constant 0 : index
    %get3A_72 = arith.constant 0 : index
    %get3A_73 = vector.load %arg5[%get3A_71, %get3A_72] : memref<16x32xf32, #tpu.memory_space<vmem>>, vector<16x32xf32>
    %dot_general3A_74 = arith.constant dense<0.000000e+00> : vector<2000x32xf32>
    %dot_general3A_75 = tpu.matmul %exp3A, %get3A_73, %dot_general3A_74 {dimension_numbers = #tpu.dot_dimension_numbers<[1], [0], [0], [1], [0, 0, 1, 1], [], []>, transpose_lhs_hint = false} : vector<2000x16xf32>, vector<16x32xf32>, vector<2000x32xf32> -> vector<2000x32xf32>
    %get3A_76 = arith.constant 0 : index
    %get3A_77 = arith.constant 0 : index
    %get3A_78 = vector.load %arg4[%get3A_76, %get3A_77] : memref<2000x16xf32, #tpu.memory_space<vmem>>, vector<2000x16xf32>
    %get3A_79 = arith.constant 0 : index
    %get3A_80 = arith.constant 0 : index
    %get3A_81 = vector.load %arg6[%get3A_79, %get3A_80] : memref<16x32xf32, #tpu.memory_space<vmem>>, vector<16x32xf32>
    %dot_general3A_82 = arith.constant dense<0.000000e+00> : vector<2000x32xf32>
    %dot_general3A_83 = tpu.matmul %get3A_78, %get3A_81, %dot_general3A_82 {dimension_numbers = #tpu.dot_dimension_numbers<[1], [0], [0], [1], [0, 0, 1, 1], [], []>, transpose_lhs_hint = false} : vector<2000x16xf32>, vector<16x32xf32>, vector<2000x32xf32> -> vector<2000x32xf32>
    %add3A_84 = arith.addf %dot_general3A_75, %dot_general3A_83 : vector<2000x32xf32>
    %get3A_85 = arith.constant 0 : index
    %get3A_86 = arith.constant 0 : index
    %get3A_87 = vector.load %arg7[%get3A_85, %get3A_86] : memref<1x32xf32, #tpu.memory_space<vmem>>, vector<1x32xf32>
    %mul3A_88 = vector.broadcast %sqrt3A_70 : vector<2000x1xf32> to vector<2000x32xf32>
    %mul3A_89 = vector.broadcast %get3A_87 : vector<1x32xf32> to vector<2000x32xf32>
    %mul3A_90 = arith.mulf %mul3A_88, %mul3A_89 : vector<2000x32xf32>
    %add3A_91 = arith.addf %add3A_84, %mul3A_90 : vector<2000x32xf32>
    %get3A_92 = arith.constant 0 : index
    %get3A_93 = arith.constant 0 : index
    %get3A_94 = vector.load %arg8[%get3A_92, %get3A_93] : memref<1x32xf32, #tpu.memory_space<vmem>>, vector<1x32xf32>
    %add3A_95 = vector.broadcast %get3A_94 : vector<1x32xf32> to vector<2000x32xf32>
    %add3A_96 = arith.addf %add3A_91, %add3A_95 : vector<2000x32xf32>
    %get3A_97 = arith.constant 0 : index
    %get3A_98 = arith.constant 0 : index
    %get3A_99 = vector.load %arg9[%get3A_97, %get3A_98] : memref<32x1xf32, #tpu.memory_space<vmem>>, vector<32x1xf32>
    %dot_general3A_100 = arith.constant dense<0.000000e+00> : vector<2000x1xf32>
    %dot_general3A_101 = tpu.matmul %add3A_96, %get3A_99, %dot_general3A_100 {dimension_numbers = #tpu.dot_dimension_numbers<[1], [0], [0], [1], [0, 0, 1, 1], [], []>, transpose_lhs_hint = false} : vector<2000x32xf32>, vector<32x1xf32>, vector<2000x1xf32> -> vector<2000x1xf32>
    %add3A_102 = vector.broadcast %get3A_8 : f32 to vector<2000x1xf32>
    %add3A_103 = arith.addf %dot_general3A_101, %add3A_102 : vector<2000x1xf32>
    %logistic3A = arith.negf %add3A_103 : vector<2000x1xf32>
    %logistic3A_104 = math.exp %logistic3A : vector<2000x1xf32>
    %logistic3A_105 = arith.constant 1.000000e+00 : f32
    %logistic3A_106 = vector.broadcast %logistic3A_105 : f32 to vector<2000x1xf32>
    %logistic3A_107 = arith.addf %logistic3A_106, %logistic3A_104 : vector<2000x1xf32>
    %logistic3A_108 = arith.divf %logistic3A_106, %logistic3A_107 : vector<2000x1xf32>
    %mul3A_109 = vector.broadcast %get3A_4 : f32 to vector<2000x3xf32>
    %mul3A_110 = arith.mulf %mul3A_109, %add3A_61 : vector<2000x3xf32>
    %add3A_111 = vector.broadcast %get3A_6 : f32 to vector<2000x3xf32>
    %add3A_112 = arith.addf %mul3A_110, %add3A_111 : vector<2000x3xf32>
    %mul3A_113 = vector.broadcast %logistic3A_108 : vector<2000x1xf32> to vector<2000x3xf32>
    %mul3A_114 = arith.mulf %mul3A_113, %add3A_112 : vector<2000x3xf32>
    %ge3A = arith.constant 0.000000e+00 : f32
    %ge3A_115 = vector.broadcast %ge3A : f32 to vector<2000x32xf32>
    %ge3A_116 = arith.cmpf oge, %add3A_96, %ge3A_115 : vector<2000x32xf32>
    %mul3A_117 = arith.constant 0.00999999977 : f32
    %mul3A_118 = vector.broadcast %mul3A_117 : f32 to vector<2000x32xf32>
    %mul3A_119 = arith.mulf %mul3A_118, %add3A_96 : vector<2000x32xf32>
    %select_n3A = arith.select %ge3A_116, %add3A_96, %mul3A_119 : vector<2000x32xi1>, vector<2000x32xf32>
    %mul3A_120 = arith.mulf %mul3A_114, %mul3A_114 : vector<2000x3xf32>
    %broadcast_in_dim3A_121 = arith.constant 1.000000e+00 : f32
    %broadcast_in_dim3A_122 = vector.broadcast %broadcast_in_dim3A_121 : f32 to vector<3x1xf32>
    %dot_general3A_123 = arith.constant dense<0.000000e+00> : vector<2000x1xf32>
    %dot_general3A_124 = tpu.matmul %mul3A_120, %broadcast_in_dim3A_122, %dot_general3A_123 {dimension_numbers = #tpu.dot_dimension_numbers<[1], [0], [0], [1], [0, 0, 1, 1], [], []>, transpose_lhs_hint = false} : vector<2000x3xf32>, vector<3x1xf32>, vector<2000x1xf32> -> vector<2000x1xf32>
    %mul3A_125 = vector.broadcast %get3A_10 : f32 to vector<2000x1xf32>
    %mul3A_126 = arith.mulf %mul3A_125, %dot_general3A_124 : vector<2000x1xf32>
    %mul3A_127 = arith.mulf %get3A_10, %get3A_10 : f32
    %mul3A_128 = vector.broadcast %mul3A_127 : f32 to vector<2000x1xf32>
    %mul3A_129 = arith.mulf %mul3A_128, %dot_general3A_124 : vector<2000x1xf32>
    %ge3A_130 = arith.constant 0.000000e+00 : f32
    %ge3A_131 = vector.broadcast %ge3A_130 : f32 to vector<2000x1xf32>
    %ge3A_132 = arith.cmpf oge, %mul3A_126, %ge3A_131 : vector<2000x1xf32>
    %add3A_133 = arith.constant 9.99999997E-7 : f32
    %add3A_134 = vector.broadcast %add3A_133 : f32 to vector<2000x1xf32>
    %add3A_135 = arith.addf %mul3A_129, %add3A_134 : vector<2000x1xf32>
    %div3A_136 = arith.constant 9.99999997E-7 : f32
    %div3A_137 = vector.broadcast %div3A_136 : f32 to vector<2000x1xf32>
    %div3A_138 = arith.divf %div3A_137, %add3A_135 : vector<2000x1xf32>
    %jit3A = arith.constant 1.000000e+00 : f32
    %broadcast_in_dim3A_139 = vector.broadcast %jit3A : f32 to vector<2000x1xf32>
    %select_n3A_140 = arith.select %ge3A_132, %broadcast_in_dim3A_139, %div3A_138 : vector<2000x1xi1>, vector<2000x1xf32>
    %mul3A_141 = arith.constant 9.900000e-01 : f32
    %mul3A_142 = vector.broadcast %mul3A_141 : f32 to vector<2000x1xf32>
    %mul3A_143 = arith.mulf %mul3A_142, %select_n3A_140 : vector<2000x1xf32>
    %add3A_144 = arith.constant 0.00999999977 : f32
    %add3A_145 = vector.broadcast %add3A_144 : f32 to vector<2000x1xf32>
    %add3A_146 = arith.addf %add3A_145, %mul3A_143 : vector<2000x1xf32>
    %mul3A_147 = vector.broadcast %add3A_146 : vector<2000x1xf32> to vector<2000x3xf32>
    %mul3A_148 = arith.mulf %mul3A_114, %mul3A_147 : vector<2000x3xf32>
    %get3A_149 = arith.constant 0 : index
    %get3A_150 = arith.constant 0 : index
    %get3A_151 = vector.load %arg10[%get3A_149, %get3A_150] : memref<32x128xf32, #tpu.memory_space<vmem>>, vector<32x128xf32>
    %dot_general3A_152 = arith.constant dense<0.000000e+00> : vector<2000x128xf32>
    %dot_general3A_153 = tpu.matmul %select_n3A, %get3A_151, %dot_general3A_152 {dimension_numbers = #tpu.dot_dimension_numbers<[1], [0], [0], [1], [0, 0, 1, 1], [], []>, transpose_lhs_hint = false} : vector<2000x32xf32>, vector<32x128xf32>, vector<2000x128xf32> -> vector<2000x128xf32>
    %get3A_154 = arith.constant 0 : index
    %get3A_155 = arith.constant 0 : index
    %get3A_156 = vector.load %arg11[%get3A_154, %get3A_155] : memref<1x128xf32, #tpu.memory_space<vmem>>, vector<1x128xf32>
    %add3A_157 = vector.broadcast %get3A_156 : vector<1x128xf32> to vector<2000x128xf32>
    %add3A_158 = arith.addf %dot_general3A_153, %add3A_157 : vector<2000x128xf32>
    %get3A_159 = arith.constant 0 : index
    %get3A_160 = arith.constant 0 : index
    %get3A_161 = vector.load %arg12[%get3A_159, %get3A_160] : memref<32x1xf32, #tpu.memory_space<vmem>>, vector<32x1xf32>
    %dot_general3A_162 = arith.constant dense<0.000000e+00> : vector<2000x1xf32>
    %dot_general3A_163 = tpu.matmul %select_n3A, %get3A_161, %dot_general3A_162 {dimension_numbers = #tpu.dot_dimension_numbers<[1], [0], [0], [1], [0, 0, 1, 1], [], []>, transpose_lhs_hint = false} : vector<2000x32xf32>, vector<32x1xf32>, vector<2000x1xf32> -> vector<2000x1xf32>
    %add3A_164 = vector.broadcast %get3A_16 : f32 to vector<2000x1xf32>
    %add3A_165 = arith.addf %dot_general3A_163, %add3A_164 : vector<2000x1xf32>
    %mul3A_166 = vector.broadcast %get3A_14 : f32 to vector<2000x3xf32>
    %mul3A_167 = arith.mulf %mul3A_166, %mul3A_148 : vector<2000x3xf32>
    %mul3A_168 = arith.constant 0.0986960455 : f32
    %mul3A_169 = vector.broadcast %mul3A_168 : f32 to vector<2000x1xf32>
    %mul3A_170 = arith.mulf %dot_general3A_36, %mul3A_169 : vector<2000x1xf32>
    %mul3A_171 = arith.constant 1.61173759E-24 : f32
    %mul3A_172 = vector.broadcast %mul3A_171 : f32 to vector<2000x1xf32>
    %mul3A_173 = arith.mulf %mul3A_172, %mul3A_170 : vector<2000x1xf32>
    %add3A_174 = arith.constant -8.89679095E-22 : f32
    %add3A_175 = vector.broadcast %add3A_174 : f32 to vector<2000x1xf32>
    %add3A_176 = arith.addf %mul3A_173, %add3A_175 : vector<2000x1xf32>
    %mul3A_177 = arith.mulf %add3A_176, %mul3A_170 : vector<2000x1xf32>
    %add3A_178 = arith.constant 4.11031759E-19 : f32
    %add3A_179 = vector.broadcast %add3A_178 : f32 to vector<2000x1xf32>
    %add3A_180 = arith.addf %mul3A_177, %add3A_179 : vector<2000x1xf32>
    %mul3A_181 = arith.mulf %add3A_180, %mul3A_170 : vector<2000x1xf32>
    %add3A_182 = arith.constant -1.56192068E-16 : f32
    %add3A_183 = vector.broadcast %add3A_182 : f32 to vector<2000x1xf32>
    %add3A_184 = arith.addf %mul3A_181, %add3A_183 : vector<2000x1xf32>
    %mul3A_185 = arith.mulf %add3A_184, %mul3A_170 : vector<2000x1xf32>
    %add3A_186 = arith.constant 4.77947726E-14 : f32
    %add3A_187 = vector.broadcast %add3A_186 : f32 to vector<2000x1xf32>
    %add3A_188 = arith.addf %mul3A_185, %add3A_187 : vector<2000x1xf32>
    %mul3A_189 = arith.mulf %add3A_188, %mul3A_170 : vector<2000x1xf32>
    %add3A_190 = arith.constant -1.14707454E-11 : f32
    %add3A_191 = vector.broadcast %add3A_190 : f32 to vector<2000x1xf32>
    %add3A_192 = arith.addf %mul3A_189, %add3A_191 : vector<2000x1xf32>
    %mul3A_193 = arith.mulf %add3A_192, %mul3A_170 : vector<2000x1xf32>
    %add3A_194 = arith.constant 2.08767559E-9 : f32
    %add3A_195 = vector.broadcast %add3A_194 : f32 to vector<2000x1xf32>
    %add3A_196 = arith.addf %mul3A_193, %add3A_195 : vector<2000x1xf32>
    %mul3A_197 = arith.mulf %add3A_196, %mul3A_170 : vector<2000x1xf32>
    %add3A_198 = arith.constant -2.755732E-7 : f32
    %add3A_199 = vector.broadcast %add3A_198 : f32 to vector<2000x1xf32>
    %add3A_200 = arith.addf %mul3A_197, %add3A_199 : vector<2000x1xf32>
    %mul3A_201 = arith.mulf %add3A_200, %mul3A_170 : vector<2000x1xf32>
    %add3A_202 = arith.constant 2.48015876E-5 : f32
    %add3A_203 = vector.broadcast %add3A_202 : f32 to vector<2000x1xf32>
    %add3A_204 = arith.addf %mul3A_201, %add3A_203 : vector<2000x1xf32>
    %mul3A_205 = arith.mulf %add3A_204, %mul3A_170 : vector<2000x1xf32>
    %add3A_206 = arith.constant -0.00138888892 : f32
    %add3A_207 = vector.broadcast %add3A_206 : f32 to vector<2000x1xf32>
    %add3A_208 = arith.addf %mul3A_205, %add3A_207 : vector<2000x1xf32>
    %mul3A_209 = arith.mulf %add3A_208, %mul3A_170 : vector<2000x1xf32>
    %add3A_210 = arith.constant 0.0416666679 : f32
    %add3A_211 = vector.broadcast %add3A_210 : f32 to vector<2000x1xf32>
    %add3A_212 = arith.addf %mul3A_209, %add3A_211 : vector<2000x1xf32>
    %mul3A_213 = arith.mulf %add3A_212, %mul3A_170 : vector<2000x1xf32>
    %add3A_214 = arith.constant -5.000000e-01 : f32
    %add3A_215 = vector.broadcast %add3A_214 : f32 to vector<2000x1xf32>
    %add3A_216 = arith.addf %mul3A_213, %add3A_215 : vector<2000x1xf32>
    %mul3A_217 = arith.mulf %add3A_216, %mul3A_170 : vector<2000x1xf32>
    %add3A_218 = arith.constant 1.000000e+00 : f32
    %add3A_219 = vector.broadcast %add3A_218 : f32 to vector<2000x1xf32>
    %add3A_220 = arith.addf %mul3A_217, %add3A_219 : vector<2000x1xf32>
    %add3A_221 = arith.constant 1.000000e+00 : f32
    %add3A_222 = vector.broadcast %add3A_221 : f32 to vector<2000x1xf32>
    %add3A_223 = arith.addf %add3A_222, %add3A_220 : vector<2000x1xf32>
    %mul3A_224 = arith.constant 5.000000e-01 : f32
    %mul3A_225 = vector.broadcast %mul3A_224 : f32 to vector<2000x1xf32>
    %mul3A_226 = arith.mulf %mul3A_225, %add3A_223 : vector<2000x1xf32>
    %le3A = arith.constant 1.000000e+01 : f32
    %le3A_227 = vector.broadcast %le3A : f32 to vector<2000x1xf32>
    %le3A_228 = arith.cmpf ole, %sqrt3A, %le3A_227 : vector<2000x1xf32>
    %convert_element_type3A_229 = arith.extui %le3A_228 : vector<2000x1xi1> to vector<2000x1xi32>
    %convert_element_type3A_230 = arith.sitofp %convert_element_type3A_229 : vector<2000x1xi32> to vector<2000x1xf32>
    %mul3A_231 = arith.mulf %mul3A_226, %convert_element_type3A_230 : vector<2000x1xf32>
    %ge3A_232 = arith.constant 0.000000e+00 : f32
    %ge3A_233 = vector.broadcast %ge3A_232 : f32 to vector<2000x1xf32>
    %ge3A_234 = arith.cmpf oge, %sqrt3A, %ge3A_233 : vector<2000x1xf32>
    %convert_element_type3A_235 = arith.extui %ge3A_234 : vector<2000x1xi1> to vector<2000x1xi32>
    %convert_element_type3A_236 = arith.sitofp %convert_element_type3A_235 : vector<2000x1xi32> to vector<2000x1xf32>
    %mul3A_237 = arith.mulf %mul3A_231, %convert_element_type3A_236 : vector<2000x1xf32>
    %get3A_238 = arith.constant 0 : index
    %get3A_239 = arith.constant 0 : index
    %get3A_240 = vector.load %arg2[%get3A_238, %get3A_239] : memref<2000x256xf32, #tpu.memory_space<vmem>>, vector<2000x128xf32>
    %get3A_241 = arith.constant 0 : index
    %get3A_242 = arith.constant 128 : index
    %get3A_243 = vector.load %arg2[%get3A_241, %get3A_242] : memref<2000x256xf32, #tpu.memory_space<vmem>>, vector<2000x3xf32>
    %mul3A_244 = arith.mulf %get3A_240, %add3A_158 : vector<2000x128xf32>
    %get3A_245 = arith.constant 0 : index
    %get3A_246 = arith.constant 0 : index
    %get3A_247 = vector.load %arg13[%get3A_245, %get3A_246] : memref<128x1xf32, #tpu.memory_space<vmem>>, vector<128x1xf32>
    %dot_general3A_248 = arith.constant dense<0.000000e+00> : vector<2000x1xf32>
    %dot_general3A_249 = tpu.matmul %get3A_240, %get3A_247, %dot_general3A_248 {dimension_numbers = #tpu.dot_dimension_numbers<[1], [0], [0], [1], [0, 0, 1, 1], [], []>, transpose_lhs_hint = false} : vector<2000x128xf32>, vector<128x1xf32>, vector<2000x1xf32> -> vector<2000x1xf32>
    %add3A_250 = vector.broadcast %get3A_18 : f32 to vector<2000x1xf32>
    %add3A_251 = arith.addf %dot_general3A_249, %add3A_250 : vector<2000x1xf32>
    %mul3A_252 = vector.broadcast %add3A_165 : vector<2000x1xf32> to vector<2000x3xf32>
    %mul3A_253 = arith.mulf %mul3A_252, %get3A_243 : vector<2000x3xf32>
    %mul3A_254 = vector.broadcast %add3A_251 : vector<2000x1xf32> to vector<2000x3xf32>
    %mul3A_255 = arith.mulf %mul3A_254, %mul3A_167 : vector<2000x3xf32>
    %add3A_256 = arith.addf %mul3A_253, %mul3A_255 : vector<2000x3xf32>
    %mul3A_257 = vector.broadcast %get3A_20 : f32 to vector<2000x3xf32>
    %mul3A_258 = arith.mulf %mul3A_257, %add3A_256 : vector<2000x3xf32>
    %add3A_259 = vector.broadcast %get3A_22 : f32 to vector<2000x3xf32>
    %add3A_260 = arith.addf %mul3A_258, %add3A_259 : vector<2000x3xf32>
    %mul3A_261 = arith.mulf %add3A_260, %add3A_260 : vector<2000x3xf32>
    %broadcast_in_dim3A_262 = arith.constant 1.000000e+00 : f32
    %broadcast_in_dim3A_263 = vector.broadcast %broadcast_in_dim3A_262 : f32 to vector<3x1xf32>
    %dot_general3A_264 = arith.constant dense<0.000000e+00> : vector<2000x1xf32>
    %dot_general3A_265 = tpu.matmul %mul3A_261, %broadcast_in_dim3A_263, %dot_general3A_264 {dimension_numbers = #tpu.dot_dimension_numbers<[1], [0], [0], [1], [0, 0, 1, 1], [], []>, transpose_lhs_hint = false} : vector<2000x3xf32>, vector<3x1xf32>, vector<2000x1xf32> -> vector<2000x1xf32>
    %add3A_266 = arith.constant 9.99999996E-13 : f32
    %add3A_267 = vector.broadcast %add3A_266 : f32 to vector<2000x1xf32>
    %add3A_268 = arith.addf %dot_general3A_265, %add3A_267 : vector<2000x1xf32>
    %sqrt3A_269 = math.sqrt %add3A_268 : vector<2000x1xf32>
    %get3A_270 = arith.constant 0 : index
    %get3A_271 = arith.constant 0 : index
    %get3A_272 = vector.load %arg14[%get3A_270, %get3A_271] : memref<128x128xf32, #tpu.memory_space<vmem>>, vector<128x128xf32>
    %dot_general3A_273 = arith.constant dense<0.000000e+00> : vector<2000x128xf32>
    %dot_general3A_274 = tpu.matmul %mul3A_244, %get3A_272, %dot_general3A_273 {dimension_numbers = #tpu.dot_dimension_numbers<[1], [0], [0], [1], [0, 0, 1, 1], [], []>, transpose_lhs_hint = false} : vector<2000x128xf32>, vector<128x128xf32>, vector<2000x128xf32> -> vector<2000x128xf32>
    %get3A_275 = arith.constant 0 : index
    %get3A_276 = arith.constant 0 : index
    %get3A_277 = vector.load %arg15[%get3A_275, %get3A_276] : memref<1x128xf32, #tpu.memory_space<vmem>>, vector<1x128xf32>
    %mul3A_278 = vector.broadcast %sqrt3A_269 : vector<2000x1xf32> to vector<2000x128xf32>
    %mul3A_279 = vector.broadcast %get3A_277 : vector<1x128xf32> to vector<2000x128xf32>
    %mul3A_280 = arith.mulf %mul3A_278, %mul3A_279 : vector<2000x128xf32>
    %add3A_281 = arith.addf %dot_general3A_274, %mul3A_280 : vector<2000x128xf32>
    %get3A_282 = arith.constant 0 : index
    %get3A_283 = arith.constant 0 : index
    %get3A_284 = vector.load %arg16[%get3A_282, %get3A_283] : memref<1x128xf32, #tpu.memory_space<vmem>>, vector<1x128xf32>
    %add3A_285 = vector.broadcast %get3A_284 : vector<1x128xf32> to vector<2000x128xf32>
    %add3A_286 = arith.addf %add3A_281, %add3A_285 : vector<2000x128xf32>
    %get3A_287 = arith.constant 0 : index
    %get3A_288 = arith.constant 0 : index
    %get3A_289 = vector.load %arg17[%get3A_287, %get3A_288] : memref<128x1xf32, #tpu.memory_space<vmem>>, vector<128x1xf32>
    %dot_general3A_290 = arith.constant dense<0.000000e+00> : vector<2000x1xf32>
    %dot_general3A_291 = tpu.matmul %add3A_286, %get3A_289, %dot_general3A_290 {dimension_numbers = #tpu.dot_dimension_numbers<[1], [0], [0], [1], [0, 0, 1, 1], [], []>, transpose_lhs_hint = false} : vector<2000x128xf32>, vector<128x1xf32>, vector<2000x1xf32> -> vector<2000x1xf32>
    %add3A_292 = vector.broadcast %get3A_28 : f32 to vector<2000x1xf32>
    %add3A_293 = arith.addf %dot_general3A_291, %add3A_292 : vector<2000x1xf32>
    %logistic3A_294 = arith.negf %add3A_293 : vector<2000x1xf32>
    %logistic3A_295 = math.exp %logistic3A_294 : vector<2000x1xf32>
    %logistic3A_296 = arith.constant 1.000000e+00 : f32
    %logistic3A_297 = vector.broadcast %logistic3A_296 : f32 to vector<2000x1xf32>
    %logistic3A_298 = arith.addf %logistic3A_297, %logistic3A_295 : vector<2000x1xf32>
    %logistic3A_299 = arith.divf %logistic3A_297, %logistic3A_298 : vector<2000x1xf32>
    %mul3A_300 = vector.broadcast %get3A_24 : f32 to vector<2000x3xf32>
    %mul3A_301 = arith.mulf %mul3A_300, %add3A_260 : vector<2000x3xf32>
    %add3A_302 = vector.broadcast %get3A_26 : f32 to vector<2000x3xf32>
    %add3A_303 = arith.addf %mul3A_301, %add3A_302 : vector<2000x3xf32>
    %mul3A_304 = vector.broadcast %logistic3A_299 : vector<2000x1xf32> to vector<2000x3xf32>
    %mul3A_305 = arith.mulf %mul3A_304, %add3A_303 : vector<2000x3xf32>
    %mul3A_306 = vector.broadcast %mul3A_237 : vector<2000x1xf32> to vector<2000x128xf32>
    %mul3A_307 = arith.mulf %add3A_286, %mul3A_306 : vector<2000x128xf32>
    %mul3A_308 = vector.broadcast %mul3A_237 : vector<2000x1xf32> to vector<2000x3xf32>
    %mul3A_309 = arith.mulf %mul3A_305, %mul3A_308 : vector<2000x3xf32>
    %get3A_310 = arith.constant 0 : index
    %get3A_311 = arith.constant 0 : index
    %get3A_312 = vector.load %arg3[%get3A_310, %get3A_311] : memref<2000x256xf32, #tpu.memory_space<vmem>>, vector<2000x128xf32>
    %get3A_313 = arith.constant 0 : index
    %get3A_314 = arith.constant 128 : index
    %get3A_315 = vector.load %arg3[%get3A_313, %get3A_314] : memref<2000x256xf32, #tpu.memory_space<vmem>>, vector<2000x3xf32>
    %mul3A_316 = arith.mulf %get3A_312, %add3A_158 : vector<2000x128xf32>
    %get3A_317 = arith.constant 0 : index
    %get3A_318 = arith.constant 0 : index
    %get3A_319 = vector.load %arg13[%get3A_317, %get3A_318] : memref<128x1xf32, #tpu.memory_space<vmem>>, vector<128x1xf32>
    %dot_general3A_320 = arith.constant dense<0.000000e+00> : vector<2000x1xf32>
    %dot_general3A_321 = tpu.matmul %get3A_312, %get3A_319, %dot_general3A_320 {dimension_numbers = #tpu.dot_dimension_numbers<[1], [0], [0], [1], [0, 0, 1, 1], [], []>, transpose_lhs_hint = false} : vector<2000x128xf32>, vector<128x1xf32>, vector<2000x1xf32> -> vector<2000x1xf32>
    %add3A_322 = vector.broadcast %get3A_18 : f32 to vector<2000x1xf32>
    %add3A_323 = arith.addf %dot_general3A_321, %add3A_322 : vector<2000x1xf32>
    %mul3A_324 = vector.broadcast %add3A_165 : vector<2000x1xf32> to vector<2000x3xf32>
    %mul3A_325 = arith.mulf %mul3A_324, %get3A_315 : vector<2000x3xf32>
    %mul3A_326 = vector.broadcast %add3A_323 : vector<2000x1xf32> to vector<2000x3xf32>
    %mul3A_327 = arith.mulf %mul3A_326, %mul3A_167 : vector<2000x3xf32>
    %add3A_328 = arith.addf %mul3A_325, %mul3A_327 : vector<2000x3xf32>
    %mul3A_329 = vector.broadcast %get3A_20 : f32 to vector<2000x3xf32>
    %mul3A_330 = arith.mulf %mul3A_329, %add3A_328 : vector<2000x3xf32>
    %add3A_331 = vector.broadcast %get3A_22 : f32 to vector<2000x3xf32>
    %add3A_332 = arith.addf %mul3A_330, %add3A_331 : vector<2000x3xf32>
    %mul3A_333 = arith.mulf %add3A_332, %add3A_332 : vector<2000x3xf32>
    %broadcast_in_dim3A_334 = arith.constant 1.000000e+00 : f32
    %broadcast_in_dim3A_335 = vector.broadcast %broadcast_in_dim3A_334 : f32 to vector<3x1xf32>
    %dot_general3A_336 = arith.constant dense<0.000000e+00> : vector<2000x1xf32>
    %dot_general3A_337 = tpu.matmul %mul3A_333, %broadcast_in_dim3A_335, %dot_general3A_336 {dimension_numbers = #tpu.dot_dimension_numbers<[1], [0], [0], [1], [0, 0, 1, 1], [], []>, transpose_lhs_hint = false} : vector<2000x3xf32>, vector<3x1xf32>, vector<2000x1xf32> -> vector<2000x1xf32>
    %add3A_338 = arith.constant 9.99999996E-13 : f32
    %add3A_339 = vector.broadcast %add3A_338 : f32 to vector<2000x1xf32>
    %add3A_340 = arith.addf %dot_general3A_337, %add3A_339 : vector<2000x1xf32>
    %sqrt3A_341 = math.sqrt %add3A_340 : vector<2000x1xf32>
    %get3A_342 = arith.constant 0 : index
    %get3A_343 = arith.constant 0 : index
    %get3A_344 = vector.load %arg14[%get3A_342, %get3A_343] : memref<128x128xf32, #tpu.memory_space<vmem>>, vector<128x128xf32>
    %dot_general3A_345 = arith.constant dense<0.000000e+00> : vector<2000x128xf32>
    %dot_general3A_346 = tpu.matmul %mul3A_316, %get3A_344, %dot_general3A_345 {dimension_numbers = #tpu.dot_dimension_numbers<[1], [0], [0], [1], [0, 0, 1, 1], [], []>, transpose_lhs_hint = false} : vector<2000x128xf32>, vector<128x128xf32>, vector<2000x128xf32> -> vector<2000x128xf32>
    %get3A_347 = arith.constant 0 : index
    %get3A_348 = arith.constant 0 : index
    %get3A_349 = vector.load %arg15[%get3A_347, %get3A_348] : memref<1x128xf32, #tpu.memory_space<vmem>>, vector<1x128xf32>
    %mul3A_350 = vector.broadcast %sqrt3A_341 : vector<2000x1xf32> to vector<2000x128xf32>
    %mul3A_351 = vector.broadcast %get3A_349 : vector<1x128xf32> to vector<2000x128xf32>
    %mul3A_352 = arith.mulf %mul3A_350, %mul3A_351 : vector<2000x128xf32>
    %add3A_353 = arith.addf %dot_general3A_346, %mul3A_352 : vector<2000x128xf32>
    %get3A_354 = arith.constant 0 : index
    %get3A_355 = arith.constant 0 : index
    %get3A_356 = vector.load %arg16[%get3A_354, %get3A_355] : memref<1x128xf32, #tpu.memory_space<vmem>>, vector<1x128xf32>
    %add3A_357 = vector.broadcast %get3A_356 : vector<1x128xf32> to vector<2000x128xf32>
    %add3A_358 = arith.addf %add3A_353, %add3A_357 : vector<2000x128xf32>
    %get3A_359 = arith.constant 0 : index
    %get3A_360 = arith.constant 0 : index
    %get3A_361 = vector.load %arg17[%get3A_359, %get3A_360] : memref<128x1xf32, #tpu.memory_space<vmem>>, vector<128x1xf32>
    %dot_general3A_362 = arith.constant dense<0.000000e+00> : vector<2000x1xf32>
    %dot_general3A_363 = tpu.matmul %add3A_358, %get3A_361, %dot_general3A_362 {dimension_numbers = #tpu.dot_dimension_numbers<[1], [0], [0], [1], [0, 0, 1, 1], [], []>, transpose_lhs_hint = false} : vector<2000x128xf32>, vector<128x1xf32>, vector<2000x1xf32> -> vector<2000x1xf32>
    %add3A_364 = vector.broadcast %get3A_28 : f32 to vector<2000x1xf32>
    %add3A_365 = arith.addf %dot_general3A_363, %add3A_364 : vector<2000x1xf32>
    %logistic3A_366 = arith.negf %add3A_365 : vector<2000x1xf32>
    %logistic3A_367 = math.exp %logistic3A_366 : vector<2000x1xf32>
    %logistic3A_368 = arith.constant 1.000000e+00 : f32
    %logistic3A_369 = vector.broadcast %logistic3A_368 : f32 to vector<2000x1xf32>
    %logistic3A_370 = arith.addf %logistic3A_369, %logistic3A_367 : vector<2000x1xf32>
    %logistic3A_371 = arith.divf %logistic3A_369, %logistic3A_370 : vector<2000x1xf32>
    %mul3A_372 = vector.broadcast %get3A_24 : f32 to vector<2000x3xf32>
    %mul3A_373 = arith.mulf %mul3A_372, %add3A_332 : vector<2000x3xf32>
    %add3A_374 = vector.broadcast %get3A_26 : f32 to vector<2000x3xf32>
    %add3A_375 = arith.addf %mul3A_373, %add3A_374 : vector<2000x3xf32>
    %mul3A_376 = vector.broadcast %logistic3A_371 : vector<2000x1xf32> to vector<2000x3xf32>
    %mul3A_377 = arith.mulf %mul3A_376, %add3A_375 : vector<2000x3xf32>
    %mul3A_378 = vector.broadcast %mul3A_237 : vector<2000x1xf32> to vector<2000x128xf32>
    %mul3A_379 = arith.mulf %add3A_358, %mul3A_378 : vector<2000x128xf32>
    %mul3A_380 = vector.broadcast %mul3A_237 : vector<2000x1xf32> to vector<2000x3xf32>
    %mul3A_381 = arith.mulf %mul3A_377, %mul3A_380 : vector<2000x3xf32>
    %add3A_382 = arith.addf %mul3A_307, %mul3A_379 : vector<2000x128xf32>
    %mul3A_383 = arith.constant 5.000000e-01 : f32
    %mul3A_384 = vector.broadcast %mul3A_383 : f32 to vector<2000x128xf32>
    %mul3A_385 = arith.mulf %add3A_382, %mul3A_384 : vector<2000x128xf32>
    %gt3A = arith.constant 0.000000e+00 : f32
    %gt3A_386 = vector.broadcast %gt3A : f32 to vector<2000x128xf32>
    %gt3A_387 = arith.cmpf ogt, %mul3A_385, %gt3A_386 : vector<2000x128xf32>
    %min3A = arith.constant 0.000000e+00 : f32
    %min3A_388 = vector.broadcast %min3A : f32 to vector<2000x128xf32>
    %min3A_389 = arith.minimumf %mul3A_385, %min3A_388 : vector<2000x128xf32>
    %exp3A_390 = math.exp %min3A_389 : vector<2000x128xf32>
    %sub3A_391 = arith.constant 1.000000e+00 : f32
    %sub3A_392 = vector.broadcast %sub3A_391 : f32 to vector<2000x128xf32>
    %sub3A_393 = arith.subf %exp3A_390, %sub3A_392 : vector<2000x128xf32>
    %select_n3A_394 = arith.select %gt3A_387, %mul3A_385, %sub3A_393 : vector<2000x128xi1>, vector<2000x128xf32>
    %swap3A = arith.constant 0 : index
    %swap3A_395 = arith.constant 0 : index
    %swap3A_396 = vector.load %arg18[%swap3A, %swap3A_395] : memref<2000x128xf32, #tpu.memory_space<vmem>>, vector<2000x128xf32>
    tpu.vector_store %arg18[%swap3A, %swap3A_395], %select_n3A_394 {strides = array<i32>} : memref<2000x128xf32, #tpu.memory_space<vmem>>, vector<2000x128xf32>,
    %add3A_397 = arith.addf %mul3A_309, %mul3A_381 : vector<2000x3xf32>
    %mul3A_398 = arith.constant 5.000000e-01 : f32
    %mul3A_399 = vector.broadcast %mul3A_398 : f32 to vector<2000x3xf32>
    %mul3A_400 = arith.mulf %add3A_397, %mul3A_399 : vector<2000x3xf32>
    %gt3A_401 = arith.constant 0.000000e+00 : f32
    %gt3A_402 = vector.broadcast %gt3A_401 : f32 to vector<2000x3xf32>
    %gt3A_403 = arith.cmpf ogt, %mul3A_400, %gt3A_402 : vector<2000x3xf32>
    %min3A_404 = arith.constant 0.000000e+00 : f32
    %min3A_405 = vector.broadcast %min3A_404 : f32 to vector<2000x3xf32>
    %min3A_406 = arith.minimumf %mul3A_400, %min3A_405 : vector<2000x3xf32>
    %exp3A_407 = math.exp %min3A_406 : vector<2000x3xf32>
    %sub3A_408 = arith.constant 1.000000e+00 : f32
    %sub3A_409 = vector.broadcast %sub3A_408 : f32 to vector<2000x3xf32>
    %sub3A_410 = arith.subf %exp3A_407, %sub3A_409 : vector<2000x3xf32>
    %select_n3A_411 = arith.select %gt3A_403, %mul3A_400, %sub3A_410 : vector<2000x3xi1>, vector<2000x3xf32>
    %swap3A_412 = arith.constant 0 : index
    %swap3A_413 = arith.constant 0 : index
    %swap3A_414 = vector.load %arg19[%swap3A_412, %swap3A_413] : memref<2000x128xf32, #tpu.memory_space<vmem>>, vector<2000x3xf32>
    tpu.vector_store %arg19[%swap3A_412, %swap3A_413], %select_n3A_411 {strides = array<i32>} : memref<2000x128xf32, #tpu.memory_space<vmem>>, vector<2000x3xf32>,
    %broadcast_in_dim3A_415 = arith.constant 0.000000e+00 : f32
    %broadcast_in_dim3A_416 = vector.broadcast %broadcast_in_dim3A_415 : f32 to vector<2000x125xf32>
    %swap3A_417 = arith.constant 0 : index
    %swap3A_418 = arith.constant 3 : index
    %swap3A_419 = vector.load %arg19[%swap3A_417, %swap3A_418] : memref<2000x128xf32, #tpu.memory_space<vmem>>, vector<2000x125xf32>
    tpu.vector_store %arg19[%swap3A_417, %swap3A_418], %broadcast_in_dim3A_416 {strides = array<i32>} : memref<2000x128xf32, #tpu.memory_space<vmem>>, vector<2000x125xf32>,
    return
  }
  func.func @transform_0(%arg0: i32) -> i32 {
    %c0_i32 = arith.constant 0 : i32
    %c0_i32_0 = arith.constant 0 : i32
    return %c0_i32 : i32
  }
  func.func @transform_1(%arg0: i32) -> (i32, i32) {
    %c0_i32 = arith.constant 0 : i32
    %c0_i32_0 = arith.constant 0 : i32
    return %arg0, %c0_i32 : i32, i32
  }
  func.func @transform_2(%arg0: i32) -> (i32, i32) {
    %c0_i32 = arith.constant 0 : i32
    %c0_i32_0 = arith.constant 0 : i32
    return %arg0, %c0_i32 : i32, i32
  }
  func.func @transform_3(%arg0: i32) -> (i32, i32) {
    %c0_i32 = arith.constant 0 : i32
    %c0_i32_0 = arith.constant 0 : i32
    return %arg0, %c0_i32 : i32, i32
  }
  func.func @transform_4(%arg0: i32) -> (i32, i32) {
    %c0_i32 = arith.constant 0 : i32
    %c0_i32_0 = arith.constant 0 : i32
    %c0_i32_1 = arith.constant 0 : i32
    return %c0_i32, %c0_i32_0 : i32, i32
  }
  func.func @transform_5(%arg0: i32) -> (i32, i32) {
    %c0_i32 = arith.constant 0 : i32
    %c0_i32_0 = arith.constant 0 : i32
    %c0_i32_1 = arith.constant 0 : i32
    return %c0_i32, %c0_i32_0 : i32, i32
  }
  func.func @transform_6(%arg0: i32) -> (i32, i32) {
    %c0_i32 = arith.constant 0 : i32
    %c0_i32_0 = arith.constant 0 : i32
    %c0_i32_1 = arith.constant 0 : i32
    return %c0_i32, %c0_i32_0 : i32, i32
  }
  func.func @transform_7(%arg0: i32) -> (i32, i32) {
    %c0_i32 = arith.constant 0 : i32
    %c0_i32_0 = arith.constant 0 : i32
    %c0_i32_1 = arith.constant 0 : i32
    return %c0_i32, %c0_i32_0 : i32, i32
  }
  func.func @transform_8(%arg0: i32) -> (i32, i32) {
    %c0_i32 = arith.constant 0 : i32
    %c0_i32_0 = arith.constant 0 : i32
    %c0_i32_1 = arith.constant 0 : i32
    return %c0_i32, %c0_i32_0 : i32, i32
  }
  func.func @transform_9(%arg0: i32) -> (i32, i32) {
    %c0_i32 = arith.constant 0 : i32
    %c0_i32_0 = arith.constant 0 : i32
    %c0_i32_1 = arith.constant 0 : i32
    return %c0_i32, %c0_i32_0 : i32, i32
  }
  func.func @transform_10(%arg0: i32) -> (i32, i32) {
    %c0_i32 = arith.constant 0 : i32
    %c0_i32_0 = arith.constant 0 : i32
    %c0_i32_1 = arith.constant 0 : i32
    return %c0_i32, %c0_i32_0 : i32, i32
  }
  func.func @transform_11(%arg0: i32) -> (i32, i32) {
    %c0_i32 = arith.constant 0 : i32
    %c0_i32_0 = arith.constant 0 : i32
    %c0_i32_1 = arith.constant 0 : i32
    return %c0_i32, %c0_i32_0 : i32, i32
  }
  func.func @transform_12(%arg0: i32) -> (i32, i32) {
    %c0_i32 = arith.constant 0 : i32
    %c0_i32_0 = arith.constant 0 : i32
    %c0_i32_1 = arith.constant 0 : i32
    return %c0_i32, %c0_i32_0 : i32, i32
  }
  func.func @transform_13(%arg0: i32) -> (i32, i32) {
    %c0_i32 = arith.constant 0 : i32
    %c0_i32_0 = arith.constant 0 : i32
    %c0_i32_1 = arith.constant 0 : i32
    return %c0_i32, %c0_i32_0 : i32, i32
  }
  func.func @transform_14(%arg0: i32) -> (i32, i32) {
    %c0_i32 = arith.constant 0 : i32
    %c0_i32_0 = arith.constant 0 : i32
    %c0_i32_1 = arith.constant 0 : i32
    return %c0_i32, %c0_i32_0 : i32, i32
  }
  func.func @transform_15(%arg0: i32) -> (i32, i32) {
    %c0_i32 = arith.constant 0 : i32
    %c0_i32_0 = arith.constant 0 : i32
    %c0_i32_1 = arith.constant 0 : i32
    return %c0_i32, %c0_i32_0 : i32, i32
  }
  func.func @transform_16(%arg0: i32) -> (i32, i32) {
    %c0_i32 = arith.constant 0 : i32
    %c0_i32_0 = arith.constant 0 : i32
    %c0_i32_1 = arith.constant 0 : i32
    return %c0_i32, %c0_i32_0 : i32, i32
  }
  func.func @transform_17(%arg0: i32) -> (i32, i32) {
    %c0_i32 = arith.constant 0 : i32
    %c0_i32_0 = arith.constant 0 : i32
    return %arg0, %c0_i32 : i32, i32
  }
  func.func @transform_18(%arg0: i32) -> (i32, i32) {
    %c0_i32 = arith.constant 0 : i32
    %c0_i32_0 = arith.constant 0 : i32
    return %arg0, %c0_i32 : i32, i32
  }
}

module attributes {stable_mosaic.version = 14 : i64} {
  func.func @_post_body(%arg0: i32, %arg1: memref<6xf32, #tpu.memory_space<smem>>, %arg2: memref<2x2000x128xf32, #tpu.memory_space<vmem>>, %arg3: memref<2000x128xf32, #tpu.memory_space<vmem>>, %arg4: memref<2000x8xf32, #tpu.memory_space<vmem>>, %arg5: memref<1x128xf32, #tpu.memory_space<vmem>>, %arg6: memref<1x128xf32, #tpu.memory_space<vmem>>, %arg7: memref<1x8xf32, #tpu.memory_space<vmem>>, %arg8: memref<1x8xf32, #tpu.memory_space<vmem>>, %arg9: memref<128x128xf32, #tpu.memory_space<vmem>>, %arg10: memref<1x128xf32, #tpu.memory_space<vmem>>, %arg11: memref<1x128xf32, #tpu.memory_space<vmem>>, %arg12: memref<128x1xf32, #tpu.memory_space<vmem>>, %arg13: memref<2000x128xf32, #tpu.memory_space<vmem>>, %arg14: memref<2000x8xf32, #tpu.memory_space<vmem>>) attributes {dimension_semantics = [#tpu.dimension_semantics<arbitrary>], iteration_bounds = array<i64: 5>, scalar_prefetch = 0 : i64, scratch_operands = 0 : i64, tpu.core_type = #tpu.core_type<tc>, window_params = [{transform_indices = @transform_0, window_bounds = array<i64: 6>}, {transform_indices = @transform_1, window_bounds = array<i64: 2, 2000, 128>}, {transform_indices = @transform_2, window_bounds = array<i64: 2000, 128>}, {transform_indices = @transform_3, window_bounds = array<i64: 2000, 8>}, {pipeline_mode = #tpu.pipeline_mode<synchronous>, transform_indices = @transform_4, window_bounds = array<i64: 1, 128>}, {pipeline_mode = #tpu.pipeline_mode<synchronous>, transform_indices = @transform_5, window_bounds = array<i64: 1, 128>}, {pipeline_mode = #tpu.pipeline_mode<synchronous>, transform_indices = @transform_6, window_bounds = array<i64: 1, 8>}, {pipeline_mode = #tpu.pipeline_mode<synchronous>, transform_indices = @transform_7, window_bounds = array<i64: 1, 8>}, {pipeline_mode = #tpu.pipeline_mode<synchronous>, transform_indices = @transform_8, window_bounds = array<i64: 128, 128>}, {pipeline_mode = #tpu.pipeline_mode<synchronous>, transform_indices = @transform_9, window_bounds = array<i64: 1, 128>}, {pipeline_mode = #tpu.pipeline_mode<synchronous>, transform_indices = @transform_10, window_bounds = array<i64: 1, 128>}, {pipeline_mode = #tpu.pipeline_mode<synchronous>, transform_indices = @transform_11, window_bounds = array<i64: 128, 1>}, {transform_indices = @transform_12, window_bounds = array<i64: 2000, 128>}, {transform_indices = @transform_13, window_bounds = array<i64: 2000, 8>}]} {
    %get3A = arith.constant 0 : index
    %get3A_0 = memref.load %arg1[%get3A] : memref<6xf32, #tpu.memory_space<smem>>
    %get3A_1 = arith.constant 1 : index
    %get3A_2 = memref.load %arg1[%get3A_1] : memref<6xf32, #tpu.memory_space<smem>>
    %get3A_3 = arith.constant 2 : index
    %get3A_4 = memref.load %arg1[%get3A_3] : memref<6xf32, #tpu.memory_space<smem>>
    %get3A_5 = arith.constant 3 : index
    %get3A_6 = memref.load %arg1[%get3A_5] : memref<6xf32, #tpu.memory_space<smem>>
    %get3A_7 = arith.constant 4 : index
    %get3A_8 = memref.load %arg1[%get3A_7] : memref<6xf32, #tpu.memory_space<smem>>
    %get3A_9 = arith.constant 5 : index
    %get3A_10 = memref.load %arg1[%get3A_9] : memref<6xf32, #tpu.memory_space<smem>>
    %get3A_11 = arith.constant 0 : index
    %get3A_12 = arith.constant 0 : index
    %get3A_13 = vector.load %arg3[%get3A_11, %get3A_12] : memref<2000x128xf32, #tpu.memory_space<vmem>>, vector<2000x128xf32>
    %get3A_14 = arith.constant 0 : index
    %get3A_15 = arith.constant 0 : index
    %get3A_16 = arith.constant 0 : index
    %get3A_17 = vector.load %arg2[%get3A_14, %get3A_15, %get3A_16] : memref<2x2000x128xf32, #tpu.memory_space<vmem>>, vector<1x2000x128xf32>
    %get3A_18 = vector.shape_cast %get3A_17 : vector<1x2000x128xf32> to vector<2000x128xf32>
    %add3A = arith.addf %get3A_13, %get3A_18 : vector<2000x128xf32>
    %get3A_19 = arith.constant 0 : index
    %get3A_20 = arith.constant 0 : index
    %get3A_21 = vector.load %arg4[%get3A_19, %get3A_20] : memref<2000x8xf32, #tpu.memory_space<vmem>>, vector<2000x3xf32>
    %get3A_22 = arith.constant 1 : index
    %get3A_23 = arith.constant 0 : index
    %get3A_24 = arith.constant 0 : index
    %get3A_25 = vector.load %arg2[%get3A_22, %get3A_23, %get3A_24] : memref<2x2000x128xf32, #tpu.memory_space<vmem>>, vector<1x2000x3xf32>
    %get3A_26 = vector.shape_cast %get3A_25 : vector<1x2000x3xf32> to vector<2000x3xf32>
    %add3A_27 = arith.addf %get3A_21, %get3A_26 : vector<2000x3xf32>
    %reduce_sum3A = arith.constant dense<0.000000e+00> : vector<2000xf32>
    %reduce_sum3A_28 = vector.multi_reduction <add>, %add3A, %reduce_sum3A [1] : vector<2000x128xf32> to vector<2000xf32>
    %broadcast_in_dim3A = vector.shape_cast %reduce_sum3A_28 : vector<2000xf32> to vector<2000x1xf32>
    %div3A = arith.constant 1.280000e+02 : f32
    %div3A_29 = vector.broadcast %div3A : f32 to vector<2000x1xf32>
    %div3A_30 = arith.divf %broadcast_in_dim3A, %div3A_29 : vector<2000x1xf32>
    %sub3A = vector.broadcast %div3A_30 : vector<2000x1xf32> to vector<2000x128xf32>
    %sub3A_31 = arith.subf %add3A, %sub3A : vector<2000x128xf32>
    %sub3A_32 = vector.broadcast %div3A_30 : vector<2000x1xf32> to vector<2000x128xf32>
    %sub3A_33 = arith.subf %add3A, %sub3A_32 : vector<2000x128xf32>
    %mul3A = arith.mulf %sub3A_31, %sub3A_33 : vector<2000x128xf32>
    %reduce_sum3A_34 = arith.constant dense<0.000000e+00> : vector<2000xf32>
    %reduce_sum3A_35 = vector.multi_reduction <add>, %mul3A, %reduce_sum3A_34 [1] : vector<2000x128xf32> to vector<2000xf32>
    %broadcast_in_dim3A_36 = vector.shape_cast %reduce_sum3A_35 : vector<2000xf32> to vector<2000x1xf32>
    %div3A_37 = arith.constant 1.280000e+02 : f32
    %div3A_38 = vector.broadcast %div3A_37 : f32 to vector<2000x1xf32>
    %div3A_39 = arith.divf %broadcast_in_dim3A_36, %div3A_38 : vector<2000x1xf32>
    %sub3A_40 = vector.broadcast %div3A_30 : vector<2000x1xf32> to vector<2000x128xf32>
    %sub3A_41 = arith.subf %add3A, %sub3A_40 : vector<2000x128xf32>
    %add3A_42 = arith.constant 9.99999974E-6 : f32
    %add3A_43 = vector.broadcast %add3A_42 : f32 to vector<2000x1xf32>
    %add3A_44 = arith.addf %div3A_39, %add3A_43 : vector<2000x1xf32>
    %sqrt3A = math.sqrt %add3A_44 : vector<2000x1xf32>
    %div3A_45 = vector.broadcast %sqrt3A : vector<2000x1xf32> to vector<2000x128xf32>
    %div3A_46 = arith.divf %sub3A_41, %div3A_45 : vector<2000x128xf32>
    %get3A_47 = arith.constant 0 : index
    %get3A_48 = arith.constant 0 : index
    %get3A_49 = vector.load %arg5[%get3A_47, %get3A_48] : memref<1x128xf32, #tpu.memory_space<vmem>>, vector<1x128xf32>
    %mul3A_50 = vector.broadcast %get3A_49 : vector<1x128xf32> to vector<2000x128xf32>
    %mul3A_51 = arith.mulf %div3A_46, %mul3A_50 : vector<2000x128xf32>
    %get3A_52 = arith.constant 0 : index
    %get3A_53 = arith.constant 0 : index
    %get3A_54 = vector.load %arg6[%get3A_52, %get3A_53] : memref<1x128xf32, #tpu.memory_space<vmem>>, vector<1x128xf32>
    %add3A_55 = vector.broadcast %get3A_54 : vector<1x128xf32> to vector<2000x128xf32>
    %add3A_56 = arith.addf %mul3A_51, %add3A_55 : vector<2000x128xf32>
    %reduce_sum3A_57 = arith.constant dense<0.000000e+00> : vector<2000xf32>
    %reduce_sum3A_58 = vector.multi_reduction <add>, %add3A_27, %reduce_sum3A_57 [1] : vector<2000x3xf32> to vector<2000xf32>
    %broadcast_in_dim3A_59 = vector.shape_cast %reduce_sum3A_58 : vector<2000xf32> to vector<2000x1xf32>
    %div3A_60 = arith.constant 3.000000e+00 : f32
    %div3A_61 = vector.broadcast %div3A_60 : f32 to vector<2000x1xf32>
    %div3A_62 = arith.divf %broadcast_in_dim3A_59, %div3A_61 : vector<2000x1xf32>
    %sub3A_63 = vector.broadcast %div3A_62 : vector<2000x1xf32> to vector<2000x3xf32>
    %sub3A_64 = arith.subf %add3A_27, %sub3A_63 : vector<2000x3xf32>
    %sub3A_65 = vector.broadcast %div3A_62 : vector<2000x1xf32> to vector<2000x3xf32>
    %sub3A_66 = arith.subf %add3A_27, %sub3A_65 : vector<2000x3xf32>
    %mul3A_67 = arith.mulf %sub3A_64, %sub3A_66 : vector<2000x3xf32>
    %reduce_sum3A_68 = arith.constant dense<0.000000e+00> : vector<2000xf32>
    %reduce_sum3A_69 = vector.multi_reduction <add>, %mul3A_67, %reduce_sum3A_68 [1] : vector<2000x3xf32> to vector<2000xf32>
    %broadcast_in_dim3A_70 = vector.shape_cast %reduce_sum3A_69 : vector<2000xf32> to vector<2000x1xf32>
    %div3A_71 = arith.constant 3.000000e+00 : f32
    %div3A_72 = vector.broadcast %div3A_71 : f32 to vector<2000x1xf32>
    %div3A_73 = arith.divf %broadcast_in_dim3A_70, %div3A_72 : vector<2000x1xf32>
    %sub3A_74 = vector.broadcast %div3A_62 : vector<2000x1xf32> to vector<2000x3xf32>
    %sub3A_75 = arith.subf %add3A_27, %sub3A_74 : vector<2000x3xf32>
    %add3A_76 = arith.constant 9.99999974E-6 : f32
    %add3A_77 = vector.broadcast %add3A_76 : f32 to vector<2000x1xf32>
    %add3A_78 = arith.addf %div3A_73, %add3A_77 : vector<2000x1xf32>
    %sqrt3A_79 = math.sqrt %add3A_78 : vector<2000x1xf32>
    %div3A_80 = vector.broadcast %sqrt3A_79 : vector<2000x1xf32> to vector<2000x3xf32>
    %div3A_81 = arith.divf %sub3A_75, %div3A_80 : vector<2000x3xf32>
    %get3A_82 = arith.constant 0 : index
    %get3A_83 = arith.constant 0 : index
    %get3A_84 = vector.load %arg7[%get3A_82, %get3A_83] : memref<1x8xf32, #tpu.memory_space<vmem>>, vector<1x3xf32>
    %mul3A_85 = vector.broadcast %get3A_84 : vector<1x3xf32> to vector<2000x3xf32>
    %mul3A_86 = arith.mulf %div3A_81, %mul3A_85 : vector<2000x3xf32>
    %get3A_87 = arith.constant 0 : index
    %get3A_88 = arith.constant 0 : index
    %get3A_89 = vector.load %arg8[%get3A_87, %get3A_88] : memref<1x8xf32, #tpu.memory_space<vmem>>, vector<1x3xf32>
    %add3A_90 = vector.broadcast %get3A_89 : vector<1x3xf32> to vector<2000x3xf32>
    %add3A_91 = arith.addf %mul3A_86, %add3A_90 : vector<2000x3xf32>
    %ge3A = arith.constant 0.000000e+00 : f32
    %ge3A_92 = vector.broadcast %ge3A : f32 to vector<2000x128xf32>
    %ge3A_93 = arith.cmpf oge, %add3A_56, %ge3A_92 : vector<2000x128xf32>
    %mul3A_94 = arith.constant 0.00999999977 : f32
    %mul3A_95 = vector.broadcast %mul3A_94 : f32 to vector<2000x128xf32>
    %mul3A_96 = arith.mulf %mul3A_95, %add3A_56 : vector<2000x128xf32>
    %select_n3A = arith.select %ge3A_93, %add3A_56, %mul3A_96 : vector<2000x128xi1>, vector<2000x128xf32>
    %mul3A_97 = arith.mulf %add3A_91, %add3A_91 : vector<2000x3xf32>
    %broadcast_in_dim3A_98 = arith.constant 1.000000e+00 : f32
    %broadcast_in_dim3A_99 = vector.broadcast %broadcast_in_dim3A_98 : f32 to vector<3x1xf32>
    %dot_general3A = arith.constant dense<0.000000e+00> : vector<2000x1xf32>
    %dot_general3A_100 = tpu.matmul %mul3A_97, %broadcast_in_dim3A_99, %dot_general3A {dimension_numbers = #tpu.dot_dimension_numbers<[1], [0], [0], [1], [0, 0, 1, 1], [], []>, transpose_lhs_hint = false} : vector<2000x3xf32>, vector<3x1xf32>, vector<2000x1xf32> -> vector<2000x1xf32>
    %mul3A_101 = vector.broadcast %get3A_10 : f32 to vector<2000x1xf32>
    %mul3A_102 = arith.mulf %mul3A_101, %dot_general3A_100 : vector<2000x1xf32>
    %mul3A_103 = arith.mulf %get3A_10, %get3A_10 : f32
    %mul3A_104 = vector.broadcast %mul3A_103 : f32 to vector<2000x1xf32>
    %mul3A_105 = arith.mulf %mul3A_104, %dot_general3A_100 : vector<2000x1xf32>
    %ge3A_106 = arith.constant 0.000000e+00 : f32
    %ge3A_107 = vector.broadcast %ge3A_106 : f32 to vector<2000x1xf32>
    %ge3A_108 = arith.cmpf oge, %mul3A_102, %ge3A_107 : vector<2000x1xf32>
    %add3A_109 = arith.constant 9.99999997E-7 : f32
    %add3A_110 = vector.broadcast %add3A_109 : f32 to vector<2000x1xf32>
    %add3A_111 = arith.addf %mul3A_105, %add3A_110 : vector<2000x1xf32>
    %div3A_112 = arith.constant 9.99999997E-7 : f32
    %div3A_113 = vector.broadcast %div3A_112 : f32 to vector<2000x1xf32>
    %div3A_114 = arith.divf %div3A_113, %add3A_111 : vector<2000x1xf32>
    %jit3A = arith.constant 1.000000e+00 : f32
    %broadcast_in_dim3A_115 = vector.broadcast %jit3A : f32 to vector<2000x1xf32>
    %select_n3A_116 = arith.select %ge3A_108, %broadcast_in_dim3A_115, %div3A_114 : vector<2000x1xi1>, vector<2000x1xf32>
    %mul3A_117 = arith.constant 9.900000e-01 : f32
    %mul3A_118 = vector.broadcast %mul3A_117 : f32 to vector<2000x1xf32>
    %mul3A_119 = arith.mulf %mul3A_118, %select_n3A_116 : vector<2000x1xf32>
    %add3A_120 = arith.constant 0.00999999977 : f32
    %add3A_121 = vector.broadcast %add3A_120 : f32 to vector<2000x1xf32>
    %add3A_122 = arith.addf %add3A_121, %mul3A_119 : vector<2000x1xf32>
    %mul3A_123 = vector.broadcast %add3A_122 : vector<2000x1xf32> to vector<2000x3xf32>
    %mul3A_124 = arith.mulf %add3A_91, %mul3A_123 : vector<2000x3xf32>
    %mul3A_125 = vector.broadcast %get3A_0 : f32 to vector<2000x3xf32>
    %mul3A_126 = arith.mulf %mul3A_125, %mul3A_124 : vector<2000x3xf32>
    %add3A_127 = vector.broadcast %get3A_2 : f32 to vector<2000x3xf32>
    %add3A_128 = arith.addf %mul3A_126, %add3A_127 : vector<2000x3xf32>
    %mul3A_129 = arith.mulf %add3A_128, %add3A_128 : vector<2000x3xf32>
    %reduce_sum3A_130 = arith.constant dense<0.000000e+00> : vector<2000xf32>
    %reduce_sum3A_131 = vector.multi_reduction <add>, %mul3A_129, %reduce_sum3A_130 [1] : vector<2000x3xf32> to vector<2000xf32>
    %broadcast_in_dim3A_132 = vector.shape_cast %reduce_sum3A_131 : vector<2000xf32> to vector<2000x1xf32>
    %add3A_133 = arith.constant 9.99999996E-13 : f32
    %add3A_134 = vector.broadcast %add3A_133 : f32 to vector<2000x1xf32>
    %add3A_135 = arith.addf %broadcast_in_dim3A_132, %add3A_134 : vector<2000x1xf32>
    %sqrt3A_136 = math.sqrt %add3A_135 : vector<2000x1xf32>
    %get3A_137 = arith.constant 0 : index
    %get3A_138 = arith.constant 0 : index
    %get3A_139 = vector.load %arg9[%get3A_137, %get3A_138] : memref<128x128xf32, #tpu.memory_space<vmem>>, vector<128x128xf32>
    %dot_general3A_140 = arith.constant dense<0.000000e+00> : vector<2000x128xf32>
    %dot_general3A_141 = tpu.matmul %select_n3A, %get3A_139, %dot_general3A_140 {dimension_numbers = #tpu.dot_dimension_numbers<[1], [0], [0], [1], [0, 0, 1, 1], [], []>, transpose_lhs_hint = false} : vector<2000x128xf32>, vector<128x128xf32>, vector<2000x128xf32> -> vector<2000x128xf32>
    %get3A_142 = arith.constant 0 : index
    %get3A_143 = arith.constant 0 : index
    %get3A_144 = vector.load %arg10[%get3A_142, %get3A_143] : memref<1x128xf32, #tpu.memory_space<vmem>>, vector<1x128xf32>
    %mul3A_145 = vector.broadcast %sqrt3A_136 : vector<2000x1xf32> to vector<2000x128xf32>
    %mul3A_146 = vector.broadcast %get3A_144 : vector<1x128xf32> to vector<2000x128xf32>
    %mul3A_147 = arith.mulf %mul3A_145, %mul3A_146 : vector<2000x128xf32>
    %add3A_148 = arith.addf %dot_general3A_141, %mul3A_147 : vector<2000x128xf32>
    %get3A_149 = arith.constant 0 : index
    %get3A_150 = arith.constant 0 : index
    %get3A_151 = vector.load %arg11[%get3A_149, %get3A_150] : memref<1x128xf32, #tpu.memory_space<vmem>>, vector<1x128xf32>
    %add3A_152 = vector.broadcast %get3A_151 : vector<1x128xf32> to vector<2000x128xf32>
    %add3A_153 = arith.addf %add3A_148, %add3A_152 : vector<2000x128xf32>
    %get3A_154 = arith.constant 0 : index
    %get3A_155 = arith.constant 0 : index
    %get3A_156 = vector.load %arg12[%get3A_154, %get3A_155] : memref<128x1xf32, #tpu.memory_space<vmem>>, vector<128x1xf32>
    %dot_general3A_157 = arith.constant dense<0.000000e+00> : vector<2000x1xf32>
    %dot_general3A_158 = tpu.matmul %add3A_153, %get3A_156, %dot_general3A_157 {dimension_numbers = #tpu.dot_dimension_numbers<[1], [0], [0], [1], [0, 0, 1, 1], [], []>, transpose_lhs_hint = false} : vector<2000x128xf32>, vector<128x1xf32>, vector<2000x1xf32> -> vector<2000x1xf32>
    %add3A_159 = vector.broadcast %get3A_8 : f32 to vector<2000x1xf32>
    %add3A_160 = arith.addf %dot_general3A_158, %add3A_159 : vector<2000x1xf32>
    %logistic3A = arith.negf %add3A_160 : vector<2000x1xf32>
    %logistic3A_161 = math.exp %logistic3A : vector<2000x1xf32>
    %logistic3A_162 = arith.constant 1.000000e+00 : f32
    %logistic3A_163 = vector.broadcast %logistic3A_162 : f32 to vector<2000x1xf32>
    %logistic3A_164 = arith.addf %logistic3A_163, %logistic3A_161 : vector<2000x1xf32>
    %logistic3A_165 = arith.divf %logistic3A_163, %logistic3A_164 : vector<2000x1xf32>
    %mul3A_166 = vector.broadcast %get3A_4 : f32 to vector<2000x3xf32>
    %mul3A_167 = arith.mulf %mul3A_166, %add3A_128 : vector<2000x3xf32>
    %add3A_168 = vector.broadcast %get3A_6 : f32 to vector<2000x3xf32>
    %add3A_169 = arith.addf %mul3A_167, %add3A_168 : vector<2000x3xf32>
    %mul3A_170 = vector.broadcast %logistic3A_165 : vector<2000x1xf32> to vector<2000x3xf32>
    %mul3A_171 = arith.mulf %mul3A_170, %add3A_169 : vector<2000x3xf32>
    %swap3A = arith.constant 0 : index
    %swap3A_172 = arith.constant 0 : index
    %swap3A_173 = vector.load %arg13[%swap3A, %swap3A_172] : memref<2000x128xf32, #tpu.memory_space<vmem>>, vector<2000x128xf32>
    tpu.vector_store %arg13[%swap3A, %swap3A_172], %add3A_153 {strides = array<i32>} : memref<2000x128xf32, #tpu.memory_space<vmem>>, vector<2000x128xf32>,
    %swap3A_174 = arith.constant 0 : index
    %swap3A_175 = arith.constant 0 : index
    %swap3A_176 = vector.load %arg14[%swap3A_174, %swap3A_175] : memref<2000x8xf32, #tpu.memory_space<vmem>>, vector<2000x3xf32>
    tpu.vector_store %arg14[%swap3A_174, %swap3A_175], %mul3A_171 {strides = array<i32>} : memref<2000x8xf32, #tpu.memory_space<vmem>>, vector<2000x3xf32>,
    %broadcast_in_dim3A_177 = arith.constant 0.000000e+00 : f32
    %broadcast_in_dim3A_178 = vector.broadcast %broadcast_in_dim3A_177 : f32 to vector<2000x5xf32>
    %swap3A_179 = arith.constant 0 : index
    %swap3A_180 = arith.constant 3 : index
    %swap3A_181 = vector.load %arg14[%swap3A_179, %swap3A_180] : memref<2000x8xf32, #tpu.memory_space<vmem>>, vector<2000x5xf32>
    tpu.vector_store %arg14[%swap3A_179, %swap3A_180], %broadcast_in_dim3A_178 {strides = array<i32>} : memref<2000x8xf32, #tpu.memory_space<vmem>>, vector<2000x5xf32>,
    return
  }
  func.func @transform_0(%arg0: i32) -> i32 {
    %c0_i32 = arith.constant 0 : i32
    %c0_i32_0 = arith.constant 0 : i32
    return %c0_i32 : i32
  }
  func.func @transform_1(%arg0: i32) -> (i32, i32, i32) {
    %c0_i32 = arith.constant 0 : i32
    %c0_i32_0 = arith.constant 0 : i32
    %c0_i32_1 = arith.constant 0 : i32
    return %c0_i32, %arg0, %c0_i32_0 : i32, i32, i32
  }
  func.func @transform_2(%arg0: i32) -> (i32, i32) {
    %c0_i32 = arith.constant 0 : i32
    %c0_i32_0 = arith.constant 0 : i32
    return %arg0, %c0_i32 : i32, i32
  }
  func.func @transform_3(%arg0: i32) -> (i32, i32) {
    %c0_i32 = arith.constant 0 : i32
    %c0_i32_0 = arith.constant 0 : i32
    return %arg0, %c0_i32 : i32, i32
  }
  func.func @transform_4(%arg0: i32) -> (i32, i32) {
    %c0_i32 = arith.constant 0 : i32
    %c0_i32_0 = arith.constant 0 : i32
    %c0_i32_1 = arith.constant 0 : i32
    return %c0_i32, %c0_i32_0 : i32, i32
  }
  func.func @transform_5(%arg0: i32) -> (i32, i32) {
    %c0_i32 = arith.constant 0 : i32
    %c0_i32_0 = arith.constant 0 : i32
    %c0_i32_1 = arith.constant 0 : i32
    return %c0_i32, %c0_i32_0 : i32, i32
  }
  func.func @transform_6(%arg0: i32) -> (i32, i32) {
    %c0_i32 = arith.constant 0 : i32
    %c0_i32_0 = arith.constant 0 : i32
    %c0_i32_1 = arith.constant 0 : i32
    return %c0_i32, %c0_i32_0 : i32, i32
  }
  func.func @transform_7(%arg0: i32) -> (i32, i32) {
    %c0_i32 = arith.constant 0 : i32
    %c0_i32_0 = arith.constant 0 : i32
    %c0_i32_1 = arith.constant 0 : i32
    return %c0_i32, %c0_i32_0 : i32, i32
  }
  func.func @transform_8(%arg0: i32) -> (i32, i32) {
    %c0_i32 = arith.constant 0 : i32
    %c0_i32_0 = arith.constant 0 : i32
    %c0_i32_1 = arith.constant 0 : i32
    return %c0_i32, %c0_i32_0 : i32, i32
  }
  func.func @transform_9(%arg0: i32) -> (i32, i32) {
    %c0_i32 = arith.constant 0 : i32
    %c0_i32_0 = arith.constant 0 : i32
    %c0_i32_1 = arith.constant 0 : i32
    return %c0_i32, %c0_i32_0 : i32, i32
  }
  func.func @transform_10(%arg0: i32) -> (i32, i32) {
    %c0_i32 = arith.constant 0 : i32
    %c0_i32_0 = arith.constant 0 : i32
    %c0_i32_1 = arith.constant 0 : i32
    return %c0_i32, %c0_i32_0 : i32, i32
  }
  func.func @transform_11(%arg0: i32) -> (i32, i32) {
    %c0_i32 = arith.constant 0 : i32
    %c0_i32_0 = arith.constant 0 : i32
    %c0_i32_1 = arith.constant 0 : i32
    return %c0_i32, %c0_i32_0 : i32, i32
  }
  func.func @transform_12(%arg0: i32) -> (i32, i32) {
    %c0_i32 = arith.constant 0 : i32
    %c0_i32_0 = arith.constant 0 : i32
    return %arg0, %c0_i32 : i32, i32
  }
  func.func @transform_13(%arg0: i32) -> (i32, i32) {
    %c0_i32 = arith.constant 0 : i32
    %c0_i32_0 = arith.constant 0 : i32
    return %arg0, %c0_i32 : i32, i32
  }
}

</mosaic_0001>

<sc_bundles>
// kernel: kernel.12.cloned.1.call-start
scs
__scs_entry_jumppad:
0x0: {  	(pc) =	sbr.rel $0x88, $3  }
0x1: {  	(tag) =	ssettag $0x0;
	lr =	simm.s32 $0x1  }
0x2: {  	[smem:$0x3F53] =	sst lr;
	_ =	strace $0xD0000000  }
0x3: {  	_ = 	snop  }
0x4: {  	_ = 	snop  }
0x5: {  	_ = 	snop  }
0x6: {  	_ = 	snop  }
0x7: {  	_ = 	snop  }
__scs_overlays_trampoline_lowered:
0x8: {  	[smem:$0x3F62] =	sst s0  }
0x9: {  	[smem:$0x3F63] =	sst s1  }
0xa: {  	[smem:$0x3F64] =	sst s2  }
0xb: {  	[smem:$0x3F65] =	sst s3  }
0xc: {  	[smem:$0x3F66] =	sst s4  }
0xd: {  	[smem:$0x3F67] =	sst s5  }
0xe: {  	[smem:$0x3F68] =	sst s6  }
0xf: {  	[smem:$0x3F69] =	sst s7  }
0x10: {  	[smem:$0x3F6A] =	sst s8  }
0x11: {  	[smem:$0x3F6B] =	sst s9;
	s0 =	simm.s32 @!p0 $0x0  }
0x12: {  	s1 =	sld [smem:$0x3F51];
	s0 =	simm.s32 @p0 $0x1  }
0x13: {  	[smem:$0x3F6C] =	sst s0;
	s0 =	simm.s32 @!p1 $0x0  }
0x14: {  	s2 =	sld [smem:$0x3F50];
	s0 =	simm.s32 @p1 $0x1  }
0x15: {  	[smem:$0x3F6D] =	sst s0;
	s0 =	simm.s32 @!p2 $0x0  }
0x16: {  	s3 =	sld [smem:$0x3FDB];
	s0 =	simm.s32 @p2 $0x1  }
0x17: {  	s4 =	simm.s32 $0x1BF5;
	[smem:$0x3F6F] =	sst s0  }
0x18: {  	s0 =	sld [smem:$0x3F52];
	_ =	swait.ge [sflag:s4], $0x0  }
0x19: {  	s7 =	sld [smem:$0x3F53]  }
0x1a: {  	s8 =	sadd.s32 $0xFFFFE003, lr  }
0x1b: {  	s9 =	sadd.s32 $0xFFFFFEF7, lr;
	s5 =	simm.s32 $0xFFFFFFFF;
	p2 =	slt.u32 s8, $0xFFFFF086  }
0x1c: {  	p1 =	slt.u32 s9, $0xF7A;
	s5 =	simm.s32 @!p2 $0x0  }
0x1d: {  	s5 =	simm.s32 @p1 $0x1;
	p0 =	seq.s32 s7, s2  }
0x1e: {  	s7 =	smul.u32 @!p0 $0xF7A, s2;
	p2 =	seq.s32 @!p0 s5, $0x0  }
0x1f: {  	s9 =	smul.u32 $0xF7A, s1;
	s8 =	simm.s32 @!p0 $0x1BF5;
	p2 =	por !p2, p0  }
0x20: {  	[sflag:s8] =	ssyncset.s32 @!p0 $0xFFFFF086;
	s6 =	sadd.s32 @!p0 s3, s7;
	s7 =	simm.s32 @!p0 $0x108  }
0x21: {  	s3 =	sadd.s32 s3, s9;
	s6 =	sadd.s32 @!p0 $0x88, s6;
	s7 =	simm.s32 @p2 $0x1082  }
0x22: {  	[simem:s7], [sflag:s8] =	dma.local @!p0 [hbm:s6], $0xF7A  }
0x23: {  	s9 =	sor.u32 $0xD0000000, s2;
	s6 =	simm.s32 $0x108;
	_ =	swait.ge @!p0 [sflag:s8], $0x0  }
0x24: {  	s3 =	sadd.s32 $0x88, s3;
	s6 =	simm.s32 @!p1 $0x1082;
	[sflag:s4] =	ssyncset.s32 $0xFFFFF086  }
0x25: {  	[simem:s6], [sflag:s4] =	dma.local [hbm:s3], $0xF7A  }
0x26: {  	[smem:$0x3F53] =	sst s1;
	(tag) =	ssettag s2;
	_ =	strace s9  }
0x27: {  	s1 =	sld [smem:$0x3F63]  }
0x28: {  	s2 =	sld [smem:$0x3F64]  }
0x29: {  	s4 =	sld [smem:$0x3F66]  }
0x2a: {  	p0 =	seq.s32 s5, $0x0;
	s5 =	sld [smem:$0x3F67]  }
0x2b: {  	s6 =	sld [smem:$0x3F68]  }
0x2c: {  	s7 =	sld [smem:$0x3F69]  }
0x2d: {  	s3 =	simm.s32 $0x108;
	s8 =	sld [smem:$0x3F6A]  }
0x2e: {  	s3 =	simm.s32 @!p0 $0x1082;
	s9 =	sld [smem:$0x3F6B]  }
0x2f: {  	lr =	sadd.s32 s0, s3;
	s0 =	sld [smem:$0x3F62]  }
0x30: {  	s3 =	sld [smem:$0x3F65]  }
0x31: {  	[smem:$0x3F6E] =	sst s10  }
0x32: {  	s10 =	sld [smem:$0x3F6C];
	_ =	sdelay $0x3  }
0x33: {  	p0 =	seq.s32 s10, $0x1;
	s10 =	sld [smem:$0x3F6E];
	_ =	sdelay $0x3  }
0x34: {  	[smem:$0x3F6E] =	sst s10  }
0x35: {  	s10 =	sld [smem:$0x3F6D];
	_ =	sdelay $0x3  }
0x36: {  	p1 =	seq.s32 s10, $0x1;
	s10 =	sld [smem:$0x3F6E];
	_ =	sdelay $0x3  }
0x37: {  	[smem:$0x3F6E] =	sst s10  }
0x38: {  	s10 =	sld [smem:$0x3F6F]  }
0x39: {  	_ = 	snop;
	(pc) =	sbr.ind lr, $3  }
0x3a: {  	_ = 	snop  }
0x3b: {  	_ = 	snop  }
0x3c: {  	p2 =	seq.s32 s10, $0x1;
	s10 =	sld [smem:$0x3F6E]  }
0x3d: {  	_ =	shalt  }
0x3e: {  	_ =	shalt  }
0x3f: {  	_ =	shalt  }
0x40: {  	_ =	shalt  }
0x41: {  	_ =	shalt  }
0x42: {  	_ =	shalt  }
0x43: {  	_ =	shalt  }
0x44: {  	_ =	shalt  }
0x45: {  	_ =	shalt  }
0x46: {  	_ =	shalt  }
0x47: {  	_ =	shalt  }
0x48: {  	_ =	shalt  }
0x49: {  	_ =	shalt  }
0x4a: {  	_ =	shalt  }
0x4b: {  	_ =	shalt  }
0x4c: {  	_ =	shalt  }
0x4d: {  	_ =	shalt  }
0x4e: {  	_ =	shalt  }
0x4f: {  	_ =	shalt  }
0x50: {  	_ =	shalt  }
0x51: {  	_ =	shalt  }
0x52: {  	_ =	shalt  }
0x53: {  	_ =	shalt  }
0x54: {  	_ =	shalt  }
0x55: {  	_ =	shalt  }
0x56: {  	_ =	shalt  }
0x57: {  	_ =	shalt  }
0x58: {  	_ =	shalt  }
0x59: {  	_ =	shalt  }
0x5a: {  	_ =	shalt  }
0x5b: {  	_ =	shalt  }
0x5c: {  	_ =	shalt  }
0x5d: {  	_ =	shalt  }
0x5e: {  	_ =	shalt  }
0x5f: {  	_ =	shalt  }
0x60: {  	_ =	shalt  }
0x61: {  	_ =	shalt  }
0x62: {  	_ =	shalt  }
0x63: {  	_ =	shalt  }
0x64: {  	_ =	shalt  }
0x65: {  	_ =	shalt  }
0x66: {  	_ =	shalt  }
0x67: {  	_ =	shalt  }
0x68: {  	_ =	shalt  }
0x69: {  	_ =	shalt  }
0x6a: {  	_ =	shalt  }
0x6b: {  	_ =	shalt  }
0x6c: {  	_ =	shalt  }
0x6d: {  	_ =	shalt  }
0x6e: {  	_ =	shalt  }
0x6f: {  	_ =	shalt  }
0x70: {  	_ =	shalt  }
0x71: {  	_ =	shalt  }
0x72: {  	_ =	shalt  }
0x73: {  	_ =	shalt  }
0x74: {  	_ =	shalt  }
0x75: {  	_ =	shalt  }
0x76: {  	_ =	shalt  }
0x77: {  	_ =	shalt  }
0x78: {  	_ =	shalt  }
0x79: {  	_ =	shalt  }
0x7a: {  	_ =	shalt  }
0x7b: {  	_ =	shalt  }
0x7c: {  	_ =	shalt  }
0x7d: {  	_ =	shalt  }
0x7e: {  	_ =	shalt  }
0x7f: {  	_ =	shalt  }
0x80: {  	_ =	shalt  }
0x81: {  	_ =	shalt  }
0x82: {  	_ =	shalt  }
0x83: {  	_ =	shalt  }
0x84: {  	_ =	shalt  }
0x85: {  	_ =	shalt  }
0x86: {  	_ =	shalt  }
0x87: {  	_ =	shalt  }
.Lfunc_end0:
.L_simem_size_0:
called_computation.1_lowered:
.L_overlay_start_0:
0x88: {  	s2 =	sld [smem:$0x3FD9]  }
0x89: {  	s3 =	sld [smem:$0x3FFE];
	_ =	sdelay $0x1  }
0x8a: {  	s1 =	srdreg.scid  }
0x8b: {  	s0 =	sand.u32 $0x1, s1  }
0x8c: {  	s16 =	sshll.u32 s0, $0xA;
	s2 =	sadd.s32 s3, s2  }
0x8d: {  	s2 =	sadd.s32 s2, s16  }
0x8e: {  	[smem:$0x3F7A] =	sst s2  }
0x8f: {  	_ = 	snop  }
0x90: {  	(tm) =	ssettm $0x1  }
0x91: {  	s17 =	sld [smem:$0x3FFB];
	_ =	sdelay $0x3  }
0x92: {  	_ =	strace s17  }
0x93: {  	s2 =	sld [smem:$0x3FFC];
	_ =	sdelay $0x3  }
0x94: {  	_ =	strace s2  }
0x95: {  	s2 =	sld [smem:$0x3FFD];
	_ =	sdelay $0x3  }
0x96: {  	_ =	strace s2  }
0x97: {  	_ =	strace $0x8FFFFFFF  }
0x98: {  	s18 =	sld [smem:$0x3FDB];
	_ =	sdelay $0x1  }
0x99: {  	s19 =	simm.s32 $_scs_section_size  }
0x9a: {  	s4 =	simm.s32 $_size__tile_overlayer_lowered;
	s5 =	simm.s32 $_tile_overlayer_lowered  }
0x9b: {  	s22 =	simm.s32 $0x1BFF;
	s21 =	sshll.u32 s5, $0x1;
	s2 =	sadd.s32 s19, s18  }
0x9c: {  	s6 =	simm.s32 $0x0;
	s20 =	sshll.u32 s4, $0x1;
	s4 =	sadd.s32 s21, s2  }
0x9d: {  	[timem:s6], [sflag:s22] =	dma.local [hbm:s4], s20  }
0x9e: {  	_ =	swait.ge [sflag:s22], s20  }
0x9f: {  	s3 =	ssub.s32 $0x0, s20;
	[sflag:s22] =	ssyncset.done $0x0  }
0xa0: {  	[sflag:s22] =	ssyncadd.s32 s3;
	_ =	sdelay $0x1  }
0xa1: {  	s23 =	simm.s32 $0x1B8B  }
0xa2: {  	_ =	swait.ge [sflag:s23], $0x1  }
0xa3: {  	[sflag:s23] =	ssyncset.done $0x0  }
0xa4: {  	s25 =	simm.s32 $0x1B8E;
	s24 =	sld [smem:$0x3FFE];
	[sflag:s23] =	ssyncadd.s32 $0xFFFFFFFF  }
0xa5: {  	s26 =	simm.s32 $execute0_lowered;
	[smem:$0x3FD2] =	sst s25  }
0xa6: {  	s4 =	sshll.u32 s26, $0x1;
	_ =	strace $0x80000046;
	[dreg:$0x1] =	wrdreg $0xFFFFFFFF  }
0xa7: {  	s28 =	simm.s32 $_size_execute0_lowered;
	s2 =	sadd.s32 s2, s4;
	[dreg:$0x0] =	wrdreg $0x0  }
0xa8: {  	s4 =	sshll.u32 s28, $0x1;
	[dreg:$0x2] =	wrdreg s2  }
0xa9: {  	[dreg:$0x3] =	wrdreg s4  }
0xaa: {  	[dreg:$0x4] =	wrdreg $0xC0  }
0xab: {  	_ =	task [dreg:s6], $0x5FFFF  }
0xac: {  	[dreg:$0x1] =	wrdreg $0xFFFFFFFF  }
0xad: {  	[dreg:$0x0] =	wrdreg $0x60  }
0xae: {  	[dreg:$0x2] =	wrdreg s24  }
0xaf: {  	[dreg:$0x3] =	wrdreg $0xA  }
0xb0: {  	_ =	task.clear_ibuf [dreg:s6], $0x4FFFF;
	_ =	strace $0x90000046  }
0xb1: {  	s29 =	simm.s32 $0xA;
	_ =	strace $0x80000048  }
0xb2: {  	_ =	swait.ge [sflag:s29], $0x1  }
0xb3: {  	[sflag:s29] =	ssyncadd.s32 $0xFFFFFFFF  }
0xb4: {  	_ =	strace $0x90000048  }
0xb5: {  	_ =	sfence  }
0xb6: {  	s30 =	sld [smem:$0x0];
	_ =	sdelay $0x2  }
0xb7: {  	s31 =	sshll.u32 s1, $0xD;
	s1 =	sshrl.u32 s1, $0x2  }
0xb8: {  	s3 =	sand.u32 $0x4000, s31;
	s1 =	sadd.s32 s1, s30  }
0xb9: {  	s0 =	sor.u32 s3, s0;
	s1 =	sshll.u32 s1, $0x11  }
0xba: {  	s0 =	sor.u32 s1, s0  }
0xbb: {  	s0 =	sadd.s32 $0x8F2B, s0  }
0xbc: {  	[sflag:s0] =	ssyncadd.remote.s32 $0x1  }
0xbd: {  	_ =	sfence.sel $0xFFFF  }
0xbe: {  	[dreg:$0x0] =	wrdreg $0xFFFFFFFF;
	(pc) =	sbr.abs _section_cstart, $3  }
0xbf: {  	[dreg:$0x1] =	wrdreg $0xFFFFFFFF  }
0xc0: {  	_ =	task.clear_ibuf [dreg:s6], $0x2FFFF;
	_ =	strace $0x9FFFFFFF  }
0xc1: {  	(tm) =	ssettm $0x7FFFFFFF  }
tec
execute0_lowered:
.L_overlay_start_1:
0x0: {  	(tag) =	ssettag $0x1  }
0x1: {  	s0 =	srdreg.scid;
	s10 =	stileid.u32  }
0x2: {  	s5 =	rddreg [dreg:$0x0];
	s2 =	simm.s32 $0x0;
	s12 =	simm.s32 $0x2800  }
0x3: {  	s13 =	simm.s32 $0x3000;
	s14 =	simm.s32 $0x3800;
	s19 =	simm.s32 $0x8000  }
0x4: {  	s15 =	simm.s32 $0x4000;
	s20 =	simm.s32 $0x8800;
	s21 =	simm.s32 $0x9000  }
0x5: {  	s22 =	simm.s32 $0x9800;
	s23 =	simm.s32 $0xA800;
	s24 =	simm.s32 $0xB000  }
0x6: {  	s25 =	simm.s32 $0xB800;
	s26 =	simm.s32 $0xC000;
	s28 =	simm.s32 $0x4  }
0x7: {  	s29 =	simm.s32 $0x5;
	s30 =	simm.s32 $0x6;
	[smem:$0x7FF] =	sst s2  }
0x8: {  	s31 =	simm.s32 $0x7;
	_ =	strace $0x80000047;
	[dreg:$0x4] =	wrdreg s19  }
0x9: {  	s0 =	sand.u32 $0x1, s0;
	s1 =	sshll.u32 s10, $0x1;
	[dreg:$0x5] =	wrdreg s20  }
0xa: {  	s4 =	sadd.s32 $0x1A800, s5;
	s7 =	sadd.s32 $0xDDE00, s5;
	[dreg:$0x6] =	wrdreg s21  }
0xb: {  	s10 =	smul.u32 $0x4E200, s10;
	s1 =	sor.u32 s0, s1;
	[dreg:$0x7] =	wrdreg s22  }
0xc: {  	s8 =	ssub.s32 $0x2, s0;
	s0 =	smul.u32 $0x27100, s0;
	[dreg:$0x8] =	wrdreg s23  }
0xd: {  	s19 =	simm.s32 $0x6000;
	s20 =	simm.s32 $0x6800;
	[dreg:$0x9] =	wrdreg s24  }
0xe: {  	s21 =	simm.s32 $0x7000;
	[dreg:$0xa] =	wrdreg s25;
	s22 =	simm.s32 $0x7800  }
0xf: {  	s23 =	simm.s32 $0xA000;
	[dreg:$0xb] =	wrdreg s26;
	s24 =	simm.s32 $0x1  }
0x10: {  	s25 =	simm.s32 $0x2;
	s26 =	simm.s32 $0x3;
	s3 =	smul.u32 $0x1388, s1  }
0x11: {  	s1 =	smul.u32 $0x138800, s1;
	s9 =	sshrl.u32 s8, $0x1;
	s17 =	sadd.s32 s10, s7  }
0x12: {  	s9 =	ssub.s32 s8, s9;
	s6 =	sshrl.u32 s3, $0x3;
	s3 =	sadd.s32 $0x68A00, s5  }
0x13: {  	s1 =	sshrl.u32 s1, $0x3;
	s9 =	smax.u32 s9, $0x1;
	s6 =	sadd.s32 s6, s5  }
0x14: {  	s5 =	sadd.s32 $0x5BFE00, s5;
	s1 =	sadd.s32 $0x26C00, s1;
	s16 =	sadd.s32 $0x15800, s6  }
0x15: {  	s6 =	sadd.s32 $0x10800, s6;
	s18 =	sadd.s32 s10, s5;
	[dreg:$0xc] =	wrdreg s16  }
0x16: {  	s7 =	sadd.s32 s7, s1;
	s1 =	sadd.s32 s5, s1;
	[dreg:$0xd] =	wrdreg s6  }
0x17: {  	s10 =	simm.s32 $0x9;
	s6 =	sadd.s32 s0, s17;
	[dreg:$0xe] =	wrdreg s7  }
0x18: {  	v2 =	vlaneseq.u32;
	s0 =	sadd.s32 s0, s18;
	[dreg:$0xf] =	wrdreg s1;
	s16 =	simm.s32 $0x4800  }
0x19: {  	vm0 =	vmmov $0xffff;
	v1 =	vshrl.u32 v2, $0x3;
	s17 =	simm.s32 $0x5000;
	s18 =	simm.s32 $0x5800;
	[dreg:$0x2] =	wrdreg s6  }
0x1a: {  	v0 =	vand.u32 $0x7, v2;
	v2 =	vor.u32 $0x8, v2;
	v1 =	vmul.u32 $0x8, v1;
	s1 =	simm.s32 $0x8;
	[dreg:$0x3] =	wrdreg s0;
	s0 =	simm.s32 $0x0  }
.LBB2_1:
0x1b: {  	s5 =	rddreg [dreg:$0xc]  }
0x1c: {  	[tilespmem:s2], [sflag:$0x9] =	stream.linear.gather [hbm4b:s5+s2], $0x1388, $0x38;
	[tilespmem:$0xC800] =	vst v63  }
0x1d: {  	_ =	swait.ge [sflag:s10], $0x1388  }
0x1e: {  	[sflag:s10] =	ssyncset.done $0x0  }
0x1f: {  	s6 =	simm.s32 $0x1400;
	s11 =	rddreg [dreg:$0xd];
	[sflag:s10] =	ssyncadd.s32 $0xFFFFEC78  }
0x20: {  	[tilespmem:s6], [sflag:$0x9] =	stream.linear.gather [hbm4b:s11+s2], $0x1388, $0x38;
	[tilespmem:$0xC800] =	vst v63  }
0x21: {  	_ =	swait.ge [sflag:s10], $0x1388  }
0x22: {  	s5 =	simm.s32 $0x1428;
	[sflag:s10] =	ssyncset.done $0x0  }
0x23: {  	s11 =	simm.s32 $0x28;
	s6 =	simm.s32 $0x0;
	[sflag:s10] =	ssyncadd.s32 $0xFFFFEC78  }
.LBB2_2:
0x24: {  	p0 =	seq.s32 s6, $0x0  }
0x25: {  	s7 =	simm.s32 @!p0 $0x5  }
0x26: {  	_ =	swait.ge @!p0 [sflag:s7], $0x2800  }
0x27: {  	[sflag:s7] =	ssyncset.done @!p0 $0x0  }
0x28: {  	[sflag:s7] =	ssyncadd.s32 @!p0 $0xFFFFD800;
	s7 =	simm.s32 @!p0 $0x6  }
0x29: {  	_ =	swait.ge @!p0 [sflag:s7], $0x2800  }
0x2a: {  	[sflag:s7] =	ssyncset.done @!p0 $0x0  }
0x2b: {  	[sflag:s7] =	ssyncadd.s32 @!p0 $0xFFFFD800;
	s7 =	simm.s32 @!p0 $0x7  }
0x2c: {  	_ =	swait.ge @!p0 [sflag:s7], $0x2800  }
0x2d: {  	[sflag:s7] =	ssyncset.done @!p0 $0x0  }
0x2e: {  	[sflag:s7] =	ssyncadd.s32 @!p0 $0xFFFFD800;
	s7 =	simm.s32 @!p0 $0x8  }
0x2f: {  	_ =	swait.ge @!p0 [sflag:s7], $0x2800  }
0x30: {  	[sflag:s7] =	ssyncset.done @!p0 $0x0  }
0x31: {  	[sflag:s7] =	ssyncadd.s32 @!p0 $0xFFFFD800  }
0x32: {  	v3 =	vld [tilespmem:s11+$0xFFFFFFD8];
	_ =	sdelay $0x4  }
0x33: {  	v4 =	vshll.u32 v3, $0x1  }
0x34: {  	v3 =	vand.u32 $0x7, v3;
	v4 =	vand.u32 $0xFFFFFFF0, v4  }
0x35: {  	v3 =	vor.u32 v3, v4  }
0x36: {  	v4 =	vperm.xlane v3, v0;
	_ =	sdelay $0x1  }
0x37: {  	v3 =	vperm.xlane v3, v2;
	v4 =	vadd.s32 v1, v4;
	_ =	sdelay $0x1  }
0x38: {  	v3 =	vadd.s32 v1, v3;
	_ =	sdelay $0x2  }
0x39: {  	[tilespmem:s12], [sflag:$0x1] =	stream.indirect_vreg.gather [hbm4b:s3+s2], $0x80, v4, vm0, $0xb8;
	[tilespmem:$0xC800] =	vst v63  }
0x3a: {  	_ = 	snop  }
0x3b: {  	[tilespmem:s13], [sflag:$0x1] =	stream.indirect_vreg.gather [hbm4b:s3+s2], $0x80, v3, vm0, $0xb8;
	[tilespmem:$0xC800] =	vst v63  }
0x3c: {  	v3 =	vld [tilespmem:s11+$0xFFFFFFE8];
	_ =	sdelay $0x4  }
0x3d: {  	v53 =	vshll.u32 v3, $0x1  }
0x3e: {  	v3 =	vand.u32 $0x7, v3;
	v4 =	vand.u32 $0xFFFFFFF0, v53  }
0x3f: {  	v3 =	vor.u32 v3, v4  }
0x40: {  	v4 =	vperm.xlane v3, v0;
	_ =	sdelay $0x1  }
0x41: {  	v3 =	vperm.xlane v3, v2;
	v4 =	vadd.s32 v1, v4;
	_ =	sdelay $0x1  }
0x42: {  	v3 =	vadd.s32 v1, v3;
	_ =	sdelay $0x2  }
0x43: {  	[tilespmem:s14], [sflag:$0x1] =	stream.indirect_vreg.gather [hbm4b:s3+s2], $0x80, v4, vm0, $0xb8;
	[tilespmem:$0xC800] =	vst v63  }
0x44: {  	_ = 	snop  }
0x45: {  	[tilespmem:s15], [sflag:$0x1] =	stream.indirect_vreg.gather [hbm4b:s3+s2], $0x80, v3, vm0, $0xb8;
	[tilespmem:$0xC800] =	vst v63  }
0x46: {  	v3 =	vld.msk [tilespmem:s11+$0xFFFFFFF8], $0xff;
	_ =	sdelay $0x4  }
0x47: {  	v54 =	vshll.u32 v3, $0x1  }
0x48: {  	v3 =	vand.u32 $0x7, v3;
	v4 =	vand.u32 $0xFFFFFFF0, v54  }
0x49: {  	v3 =	vor.u32 v3, v4  }
0x4a: {  	v3 =	vperm.xlane v3, v0;
	_ =	sdelay $0x1  }
0x4b: {  	v3 =	vadd.s32 v1, v3;
	_ =	sdelay $0x4  }
0x4c: {  	[tilespmem:s16], [sflag:$0x1] =	stream.indirect_vreg.gather [hbm4b:s3+s2], $0x80, v3, vm0, $0xb8;
	[tilespmem:$0xC800] =	vst v63  }
0x4d: {  	v3 =	vld [tilespmem:s5+$0xFFFFFFD8];
	_ =	sdelay $0x4  }
0x4e: {  	v55 =	vshll.u32 v3, $0x1  }
0x4f: {  	v3 =	vand.u32 $0x7, v3;
	v4 =	vand.u32 $0xFFFFFFF0, v55  }
0x50: {  	v3 =	vor.u32 v3, v4  }
0x51: {  	v4 =	vperm.xlane v3, v0;
	_ =	sdelay $0x1  }
0x52: {  	v3 =	vperm.xlane v3, v2;
	v4 =	vadd.s32 v1, v4;
	_ =	sdelay $0x1  }
0x53: {  	v3 =	vadd.s32 v1, v3;
	_ =	sdelay $0x2  }
0x54: {  	[tilespmem:s17], [sflag:$0x2] =	stream.indirect_vreg.gather [hbm4b:s4+s2], $0x80, v4, vm0, $0xb8;
	[tilespmem:$0xC800] =	vst v63  }
0x55: {  	_ = 	snop  }
0x56: {  	[tilespmem:s18], [sflag:$0x2] =	stream.indirect_vreg.gather [hbm4b:s4+s2], $0x80, v3, vm0, $0xb8;
	[tilespmem:$0xC800] =	vst v63  }
0x57: {  	v3 =	vld [tilespmem:s5+$0xFFFFFFE8];
	_ =	sdelay $0x4  }
0x58: {  	v56 =	vshll.u32 v3, $0x1  }
0x59: {  	v3 =	vand.u32 $0x7, v3;
	v4 =	vand.u32 $0xFFFFFFF0, v56  }
0x5a: {  	v3 =	vor.u32 v3, v4  }
0x5b: {  	v4 =	vperm.xlane v3, v0;
	_ =	sdelay $0x1  }
0x5c: {  	v3 =	vperm.xlane v3, v2;
	v4 =	vadd.s32 v1, v4;
	_ =	sdelay $0x1  }
0x5d: {  	v3 =	vadd.s32 v1, v3;
	_ =	sdelay $0x2  }
0x5e: {  	[tilespmem:s19], [sflag:$0x2] =	stream.indirect_vreg.gather [hbm4b:s4+s2], $0x80, v4, vm0, $0xb8;
	[tilespmem:$0xC800] =	vst v63  }
0x5f: {  	_ = 	snop  }
0x60: {  	[tilespmem:s20], [sflag:$0x2] =	stream.indirect_vreg.gather [hbm4b:s4+s2], $0x80, v3, vm0, $0xb8;
	[tilespmem:$0xC800] =	vst v63  }
0x61: {  	v3 =	vld.msk [tilespmem:s5+$0xFFFFFFF8], $0xff;
	_ =	sdelay $0x4  }
0x62: {  	v57 =	vshll.u32 v3, $0x1  }
0x63: {  	v3 =	vand.u32 $0x7, v3;
	v4 =	vand.u32 $0xFFFFFFF0, v57  }
0x64: {  	v3 =	vor.u32 v3, v4  }
0x65: {  	v3 =	vperm.xlane v3, v0;
	_ =	sdelay $0x1  }
0x66: {  	v3 =	vadd.s32 v1, v3;
	_ =	sdelay $0x4  }
0x67: {  	[tilespmem:s21], [sflag:$0x2] =	stream.indirect_vreg.gather [hbm4b:s4+s2], $0x80, v3, vm0, $0xb8;
	[tilespmem:$0xC800] =	vst v63  }
0x68: {  	v3 =	vld [tilespmem:s11+$0x0];
	_ =	sdelay $0x4  }
0x69: {  	v58 =	vshll.u32 v3, $0x1  }
0x6a: {  	v3 =	vand.u32 $0x7, v3;
	v4 =	vand.u32 $0xFFFFFFF0, v58  }
0x6b: {  	v3 =	vor.u32 v3, v4  }
0x6c: {  	v4 =	vperm.xlane v3, v0;
	_ =	sdelay $0x1  }
0x6d: {  	v3 =	vperm.xlane v3, v2;
	v4 =	vadd.s32 v1, v4;
	_ =	sdelay $0x1  }
0x6e: {  	v3 =	vadd.s32 v1, v3;
	_ =	sdelay $0x2  }
0x6f: {  	[tilespmem:s22], [sflag:$0x3] =	stream.indirect_vreg.gather [hbm4b:s3+s2], $0x80, v4, vm0, $0xb8;
	[tilespmem:$0xC800] =	vst v63  }
0x70: {  	s8 =	rddreg [dreg:$0x4]  }
0x71: {  	[tilespmem:s8], [sflag:$0x3] =	stream.indirect_vreg.gather [hbm4b:s3+s2], $0x80, v3, vm0, $0xb8;
	[tilespmem:$0xC800] =	vst v63  }
0x72: {  	v3 =	vld [tilespmem:s11+$0x10];
	_ =	sdelay $0x4  }
0x73: {  	v59 =	vshll.u32 v3, $0x1  }
0x74: {  	v3 =	vand.u32 $0x7, v3;
	v4 =	vand.u32 $0xFFFFFFF0, v59  }
0x75: {  	v3 =	vor.u32 v3, v4  }
0x76: {  	v4 =	vperm.xlane v3, v0;
	_ =	sdelay $0x1  }
0x77: {  	v3 =	vperm.xlane v3, v2;
	v4 =	vadd.s32 v1, v4;
	_ =	sdelay $0x1  }
0x78: {  	v3 =	vadd.s32 v1, v3;
	_ =	sdelay $0x1  }
0x79: {  	s7 =	rddreg [dreg:$0x5]  }
0x7a: {  	[tilespmem:s7], [sflag:$0x3] =	stream.indirect_vreg.gather [hbm4b:s3+s2], $0x80, v4, vm0, $0xb8;
	[tilespmem:$0xC800] =	vst v63  }
0x7b: {  	s8 =	rddreg [dreg:$0x6]  }
0x7c: {  	[tilespmem:s8], [sflag:$0x3] =	stream.indirect_vreg.gather [hbm4b:s3+s2], $0x80, v3, vm0, $0xb8;
	[tilespmem:$0xC800] =	vst v63  }
0x7d: {  	v3 =	vld.msk [tilespmem:s11+$0x20], $0xff;
	_ =	sdelay $0x4  }
0x7e: {  	v60 =	vshll.u32 v3, $0x1  }
0x7f: {  	v3 =	vand.u32 $0x7, v3;
	v4 =	vand.u32 $0xFFFFFFF0, v60  }
0x80: {  	v3 =	vor.u32 v3, v4  }
0x81: {  	v3 =	vperm.xlane v3, v0;
	_ =	sdelay $0x1  }
0x82: {  	v3 =	vadd.s32 v1, v3;
	_ =	sdelay $0x3  }
0x83: {  	s8 =	rddreg [dreg:$0x7]  }
0x84: {  	[tilespmem:s8], [sflag:$0x3] =	stream.indirect_vreg.gather [hbm4b:s3+s2], $0x80, v3, vm0, $0xb8;
	[tilespmem:$0xC800] =	vst v63  }
0x85: {  	v3 =	vld [tilespmem:s5+$0x0];
	_ =	sdelay $0x4  }
0x86: {  	v61 =	vshll.u32 v3, $0x1  }
0x87: {  	v3 =	vand.u32 $0x7, v3;
	v4 =	vand.u32 $0xFFFFFFF0, v61  }
0x88: {  	v3 =	vor.u32 v3, v4  }
0x89: {  	v4 =	vperm.xlane v3, v0;
	_ =	sdelay $0x1  }
0x8a: {  	v3 =	vperm.xlane v3, v2;
	v4 =	vadd.s32 v1, v4;
	_ =	sdelay $0x1  }
0x8b: {  	v3 =	vadd.s32 v1, v3;
	_ =	sdelay $0x2  }
0x8c: {  	[tilespmem:s23], [sflag:$0x4] =	stream.indirect_vreg.gather [hbm4b:s4+s2], $0x80, v4, vm0, $0xb8;
	[tilespmem:$0xC800] =	vst v63  }
0x8d: {  	s8 =	rddreg [dreg:$0x8]  }
0x8e: {  	[tilespmem:s8], [sflag:$0x4] =	stream.indirect_vreg.gather [hbm4b:s4+s2], $0x80, v3, vm0, $0xb8;
	[tilespmem:$0xC800] =	vst v63  }
0x8f: {  	v3 =	vld [tilespmem:s5+$0x10];
	_ =	sdelay $0x4  }
0x90: {  	v62 =	vshll.u32 v3, $0x1  }
0x91: {  	v3 =	vand.u32 $0x7, v3;
	v4 =	vand.u32 $0xFFFFFFF0, v62  }
0x92: {  	v3 =	vor.u32 v3, v4  }
0x93: {  	v4 =	vperm.xlane v3, v0;
	_ =	sdelay $0x1  }
0x94: {  	v3 =	vperm.xlane v3, v2;
	v4 =	vadd.s32 v1, v4;
	_ =	sdelay $0x1  }
0x95: {  	v3 =	vadd.s32 v1, v3;
	_ =	sdelay $0x1  }
0x96: {  	s7 =	rddreg [dreg:$0x9]  }
0x97: {  	[tilespmem:s7], [sflag:$0x4] =	stream.indirect_vreg.gather [hbm4b:s4+s2], $0x80, v4, vm0, $0xb8;
	[tilespmem:$0xC800] =	vst v63  }
0x98: {  	s8 =	rddreg [dreg:$0xa]  }
0x99: {  	[tilespmem:s8], [sflag:$0x4] =	stream.indirect_vreg.gather [hbm4b:s4+s2], $0x80, v3, vm0, $0xb8;
	[tilespmem:$0xC800] =	vst v63  }
0x9a: {  	v3 =	vld.msk [tilespmem:s5+$0x20], $0xff;
	_ =	sdelay $0x4  }
0x9b: {  	v63 =	vshll.u32 v3, $0x1  }
0x9c: {  	v3 =	vand.u32 $0x7, v3;
	v4 =	vand.u32 $0xFFFFFFF0, v63  }
0x9d: {  	v3 =	vor.u32 v3, v4  }
0x9e: {  	v3 =	vperm.xlane v3, v0;
	_ =	sdelay $0x1  }
0x9f: {  	v3 =	vadd.s32 v1, v3;
	_ =	sdelay $0x3  }
0xa0: {  	s8 =	rddreg [dreg:$0xb]  }
0xa1: {  	[tilespmem:s8], [sflag:$0x4] =	stream.indirect_vreg.gather [hbm4b:s4+s2], $0x80, v3, vm0, $0xb8;
	[tilespmem:$0xC800] =	vst v63  }
0xa2: {  	_ =	swait.ge [sflag:s24], $0x2800  }
0xa3: {  	s8 =	rddreg [dreg:$0x2];
	[sflag:s24] =	ssyncset.done $0x0  }
0xa4: {  	[sflag:s24] =	ssyncadd.s32 $0xFFFFD800;
	s7 =	sadd.s32 s6, s8  }
0xa5: {  	[hbm4b:s7+s2] =	stream.linear.scatter [tilespmem:s12], [sflag:$0x5], $0x2800, $0x38;
	[tilespmem:$0xC800] =	vst v63  }
0xa6: {  	_ =	swait.ge [sflag:s25], $0x2800  }
0xa7: {  	s8 =	rddreg [dreg:$0x3];
	[sflag:s25] =	ssyncset.done $0x0  }
0xa8: {  	[sflag:s25] =	ssyncadd.s32 $0xFFFFD800;
	s8 =	sadd.s32 s6, s8  }
0xa9: {  	[hbm4b:s8+s2] =	stream.linear.scatter [tilespmem:s17], [sflag:$0x6], $0x2800, $0x38;
	[tilespmem:$0xC800] =	vst v63  }
0xaa: {  	_ =	swait.ge [sflag:s26], $0x2800  }
0xab: {  	s6 =	sadd.s32 $0xA00, s6;
	[sflag:s26] =	ssyncset.done $0x0  }
0xac: {  	s7 =	sadd.s32 $0x500, s7;
	p0 =	sne.s32 s6, $0x26C00;
	[sflag:s26] =	ssyncadd.s32 $0xFFFFD800  }
0xad: {  	[hbm4b:s7+s2] =	stream.linear.scatter [tilespmem:s22], [sflag:$0x7], $0x2800, $0x38;
	[tilespmem:$0xC800] =	vst v63  }
.Ltmp0:
0xae: {  	_ = 	snop;
	(pc) =	sbr.rel @p0 .LBB2_2-.Ltmp0, $4  }
0xaf: {  	_ =	swait.ge [sflag:s28], $0x2800  }
0xb0: {  	s11 =	sadd.s32 $0x50, s11;
	[sflag:s28] =	ssyncset.done $0x0  }
0xb1: {  	s5 =	sadd.s32 $0x50, s5;
	s8 =	sadd.s32 $0x500, s8;
	[sflag:s28] =	ssyncadd.s32 $0xFFFFD800  }
0xb2: {  	[hbm4b:s8+s2] =	stream.linear.scatter [tilespmem:s23], [sflag:$0x8], $0x2800, $0x38;
	[tilespmem:$0xC800] =	vst v63  }
0xb3: {  	_ =	swait.ge [sflag:s29], $0x2800  }
0xb4: {  	[sflag:s29] =	ssyncset.done $0x0  }
0xb5: {  	[sflag:s29] =	ssyncadd.s32 $0xFFFFD800  }
0xb6: {  	_ =	swait.ge [sflag:s30], $0x2800  }
0xb7: {  	[sflag:s30] =	ssyncset.done $0x0  }
0xb8: {  	[sflag:s30] =	ssyncadd.s32 $0xFFFFD800  }
0xb9: {  	_ =	swait.ge [sflag:s31], $0x2800  }
0xba: {  	[sflag:s31] =	ssyncset.done $0x0  }
0xbb: {  	[sflag:s31] =	ssyncadd.s32 $0xFFFFD800  }
0xbc: {  	_ =	swait.ge [sflag:s1], $0x2800  }
0xbd: {  	[sflag:s1] =	ssyncset.done $0x0  }
0xbe: {  	[sflag:s1] =	ssyncadd.s32 $0xFFFFD800  }
0xbf: {  	v3 =	vld [tilespmem:$0x1360];
	_ =	sdelay $0x4  }
0xc0: {  	v4 =	vshll.u32 v3, $0x1  }
0xc1: {  	v3 =	vand.u32 $0x7, v3;
	v4 =	vand.u32 $0xFFFFFFF0, v4  }
0xc2: {  	v3 =	vor.u32 v3, v4  }
0xc3: {  	v4 =	vperm.xlane v3, v0;
	_ =	sdelay $0x1  }
0xc4: {  	v3 =	vperm.xlane v3, v2;
	v4 =	vadd.s32 v1, v4;
	_ =	sdelay $0x1  }
0xc5: {  	v3 =	vadd.s32 v1, v3;
	_ =	sdelay $0x2  }
0xc6: {  	[tilespmem:s12], [sflag:$0x1] =	stream.indirect_vreg.gather [hbm4b:s3+s2], $0x80, v4, vm0, $0xb8;
	[tilespmem:$0xC800] =	vst v63  }
0xc7: {  	_ = 	snop  }
0xc8: {  	[tilespmem:s13], [sflag:$0x1] =	stream.indirect_vreg.gather [hbm4b:s3+s2], $0x80, v3, vm0, $0xb8;
	[tilespmem:$0xC800] =	vst v63  }
0xc9: {  	v3 =	vld [tilespmem:$0x1370];
	_ =	sdelay $0x4  }
0xca: {  	v59 =	vshll.u32 v3, $0x1  }
0xcb: {  	v3 =	vand.u32 $0x7, v3;
	v4 =	vand.u32 $0xFFFFFFF0, v59  }
0xcc: {  	v3 =	vor.u32 v3, v4  }
0xcd: {  	v4 =	vperm.xlane v3, v0;
	_ =	sdelay $0x1  }
0xce: {  	v3 =	vperm.xlane v3, v2;
	v4 =	vadd.s32 v1, v4;
	_ =	sdelay $0x1  }
0xcf: {  	v3 =	vadd.s32 v1, v3;
	_ =	sdelay $0x2  }
0xd0: {  	[tilespmem:s14], [sflag:$0x1] =	stream.indirect_vreg.gather [hbm4b:s3+s2], $0x80, v4, vm0, $0xb8;
	[tilespmem:$0xC800] =	vst v63  }
0xd1: {  	_ = 	snop  }
0xd2: {  	[tilespmem:s15], [sflag:$0x1] =	stream.indirect_vreg.gather [hbm4b:s3+s2], $0x80, v3, vm0, $0xb8;
	[tilespmem:$0xC800] =	vst v63  }
0xd3: {  	v3 =	vld.msk [tilespmem:$0x1380], $0xff;
	_ =	sdelay $0x4  }
0xd4: {  	v60 =	vshll.u32 v3, $0x1  }
0xd5: {  	v3 =	vand.u32 $0x7, v3;
	v4 =	vand.u32 $0xFFFFFFF0, v60  }
0xd6: {  	v3 =	vor.u32 v3, v4  }
0xd7: {  	v3 =	vperm.xlane v3, v0;
	_ =	sdelay $0x1  }
0xd8: {  	v3 =	vadd.s32 v1, v3;
	_ =	sdelay $0x4  }
0xd9: {  	[tilespmem:s16], [sflag:$0x1] =	stream.indirect_vreg.gather [hbm4b:s3+s2], $0x80, v3, vm0, $0xb8;
	[tilespmem:$0xC800] =	vst v63  }
0xda: {  	v3 =	vld [tilespmem:$0x2760];
	_ =	sdelay $0x4  }
0xdb: {  	v61 =	vshll.u32 v3, $0x1  }
0xdc: {  	v3 =	vand.u32 $0x7, v3;
	v4 =	vand.u32 $0xFFFFFFF0, v61  }
0xdd: {  	v3 =	vor.u32 v3, v4  }
0xde: {  	v4 =	vperm.xlane v3, v0;
	_ =	sdelay $0x1  }
0xdf: {  	v3 =	vperm.xlane v3, v2;
	v4 =	vadd.s32 v1, v4;
	_ =	sdelay $0x1  }
0xe0: {  	v3 =	vadd.s32 v1, v3;
	_ =	sdelay $0x2  }
0xe1: {  	[tilespmem:s17], [sflag:$0x2] =	stream.indirect_vreg.gather [hbm4b:s4+s2], $0x80, v4, vm0, $0xb8;
	[tilespmem:$0xC800] =	vst v63  }
0xe2: {  	_ = 	snop  }
0xe3: {  	[tilespmem:s18], [sflag:$0x2] =	stream.indirect_vreg.gather [hbm4b:s4+s2], $0x80, v3, vm0, $0xb8;
	[tilespmem:$0xC800] =	vst v63  }
0xe4: {  	v3 =	vld [tilespmem:$0x2770];
	_ =	sdelay $0x4  }
0xe5: {  	v62 =	vshll.u32 v3, $0x1  }
0xe6: {  	v3 =	vand.u32 $0x7, v3;
	v4 =	vand.u32 $0xFFFFFFF0, v62  }
0xe7: {  	v3 =	vor.u32 v3, v4  }
0xe8: {  	v4 =	vperm.xlane v3, v0;
	_ =	sdelay $0x1  }
0xe9: {  	v3 =	vperm.xlane v3, v2;
	v4 =	vadd.s32 v1, v4;
	_ =	sdelay $0x1  }
0xea: {  	v3 =	vadd.s32 v1, v3;
	_ =	sdelay $0x2  }
0xeb: {  	[tilespmem:s19], [sflag:$0x2] =	stream.indirect_vreg.gather [hbm4b:s4+s2], $0x80, v4, vm0, $0xb8;
	[tilespmem:$0xC800] =	vst v63  }
0xec: {  	_ = 	snop  }
0xed: {  	[tilespmem:s20], [sflag:$0x2] =	stream.indirect_vreg.gather [hbm4b:s4+s2], $0x80, v3, vm0, $0xb8;
	[tilespmem:$0xC800] =	vst v63  }
0xee: {  	v3 =	vld.msk [tilespmem:$0x2780], $0xff;
	_ =	sdelay $0x4  }
0xef: {  	v63 =	vshll.u32 v3, $0x1  }
0xf0: {  	v3 =	vand.u32 $0x7, v3;
	v4 =	vand.u32 $0xFFFFFFF0, v63  }
0xf1: {  	v3 =	vor.u32 v3, v4  }
0xf2: {  	v3 =	vperm.xlane v3, v0;
	_ =	sdelay $0x1  }
0xf3: {  	v3 =	vadd.s32 v1, v3;
	_ =	sdelay $0x4  }
0xf4: {  	[tilespmem:s21], [sflag:$0x2] =	stream.indirect_vreg.gather [hbm4b:s4+s2], $0x80, v3, vm0, $0xb8;
	[tilespmem:$0xC800] =	vst v63  }
0xf5: {  	_ =	swait.ge [sflag:s24], $0x2800  }
0xf6: {  	[sflag:s24] =	ssyncset.done $0x0  }
0xf7: {  	s5 =	rddreg [dreg:$0xe];
	[sflag:s24] =	ssyncadd.s32 $0xFFFFD800  }
0xf8: {  	[hbm4b:s5+s2] =	stream.linear.scatter [tilespmem:s12], [sflag:$0x9], $0x2800, $0x38;
	[tilespmem:$0xC800] =	vst v63  }
0xf9: {  	_ =	swait.ge [sflag:s10], $0x2800  }
0xfa: {  	[sflag:s10] =	ssyncset.done $0x0  }
0xfb: {  	[sflag:s10] =	ssyncadd.s32 $0xFFFFD800  }
0xfc: {  	s0 =	sadd.s32 $0x1, s0;
	_ =	swait.ge [sflag:s25], $0x2800  }
0xfd: {  	p0 =	sne.s32 s0, s9;
	[sflag:s25] =	ssyncset.done $0x0  }
.Ltmp1:
0xfe: {  	s11 =	rddreg [dreg:$0xf];
	[sflag:s25] =	ssyncadd.s32 $0xFFFFD800;
	(pc) =	sbr.rel @p0 .LBB2_1-.Ltmp1, $4  }
0xff: {  	[hbm4b:s11+s2] =	stream.linear.scatter [tilespmem:s17], [sflag:$0x9], $0x2800, $0x38;
	[tilespmem:$0xC800] =	vst v63  }
0x100: {  	_ =	swait.ge [sflag:s10], $0x2800  }
0x101: {  	[sflag:s10] =	ssyncset.done $0x0  }
0x102: {  	[sflag:s10] =	ssyncadd.s32 $0xFFFFD800  }
0x103: {  	_ =	sfence.sel $0x180000  }
0x104: {  	[bflag:$0x0] =	sbarrier.arrive $0xFFFF  }
0x105: {  	_ =	strace $0x90000047  }
0x106: {  	s0 =	stileid.u32;
	[bflag:$0x2] =	sbarrier.arrive $0xFFFF  }
0x107: {  	p0 =	sne.s32 s0, $0x0;
	s0 =	rddreg [dreg:$0x1]  }
0x108: {  	s0 =	sadd.s32 @!p0 $0x100000, s0  }
0x109: {  	[sflag:s0] =	ssyncadd.tile.s32 @!p0 $0x1;
	_ =	shalt  }
.Lfunc_end2:
_tile_overlayer_lowered:
.L_overlay_start_2:
0x10a: {  	(tag) =	ssettag $0x2  }
0x10b: {  	s0 =	rddreg [dreg:$0x0];
	s2 =	stileid.u32  }
0x10c: {  	s1 =	rddreg [dreg:$0x1];
	p0 =	sne.s32 s2, $0x0  }
0x10d: {  	s3 =	rddreg [dreg:$0x2];
	[bflag:$0x3] =	sbarrier.arrive $0xFFFF;
	s2 =	simm.s32 @!p0 $0x1C09  }
0x10e: {  	[timem:s3], [sflag:s2] =	dma.local @!p0 [hbm:s0], s1  }
0x10f: {  	s0 =	simm.s32 @!p0 $0x9  }
0x110: {  	_ =	swait.ge @!p0 [sflag:s0], s1  }
0x111: {  	s1 =	ssub.s32 @!p0 $0x0, s1;
	[sflag:s0] =	ssyncset.done @!p0 $0x0  }
0x112: {  	[sflag:s0] =	ssyncadd.s32 @!p0 s1  }
0x113: {  	[bflag:$0x3] =	sbarrier.arrive $0xFFFF  }
0x114: {  	_ =	shalt  }

// kernel: kernel.15.cloned.1.call-start
scs
__scs_entry_jumppad:
0x0: {  	(pc) =	sbr.rel $0x88, $3  }
0x1: {  	(tag) =	ssettag $0x0;
	lr =	simm.s32 $0x1  }
0x2: {  	[smem:$0x3F53] =	sst lr;
	_ =	strace $0xD0000000  }
0x3: {  	_ = 	snop  }
0x4: {  	_ = 	snop  }
0x5: {  	_ = 	snop  }
0x6: {  	_ = 	snop  }
0x7: {  	_ = 	snop  }
__scs_overlays_trampoline_lowered:
0x8: {  	[smem:$0x3F62] =	sst s0  }
0x9: {  	[smem:$0x3F63] =	sst s1  }
0xa: {  	[smem:$0x3F64] =	sst s2  }
0xb: {  	[smem:$0x3F65] =	sst s3  }
0xc: {  	[smem:$0x3F66] =	sst s4  }
0xd: {  	[smem:$0x3F67] =	sst s5  }
0xe: {  	[smem:$0x3F68] =	sst s6  }
0xf: {  	[smem:$0x3F69] =	sst s7  }
0x10: {  	[smem:$0x3F6A] =	sst s8  }
0x11: {  	[smem:$0x3F6B] =	sst s9;
	s0 =	simm.s32 @!p0 $0x0  }
0x12: {  	s1 =	sld [smem:$0x3F51];
	s0 =	simm.s32 @p0 $0x1  }
0x13: {  	[smem:$0x3F6C] =	sst s0;
	s0 =	simm.s32 @!p1 $0x0  }
0x14: {  	s2 =	sld [smem:$0x3F50];
	s0 =	simm.s32 @p1 $0x1  }
0x15: {  	[smem:$0x3F6D] =	sst s0;
	s0 =	simm.s32 @!p2 $0x0  }
0x16: {  	s3 =	sld [smem:$0x3FDB];
	s0 =	simm.s32 @p2 $0x1  }
0x17: {  	s4 =	simm.s32 $0x1BF5;
	[smem:$0x3F6F] =	sst s0  }
0x18: {  	s0 =	sld [smem:$0x3F52];
	_ =	swait.ge [sflag:s4], $0x0  }
0x19: {  	s7 =	sld [smem:$0x3F53]  }
0x1a: {  	s8 =	sadd.s32 $0xFFFFE003, lr  }
0x1b: {  	s9 =	sadd.s32 $0xFFFFFEF7, lr;
	s5 =	simm.s32 $0xFFFFFFFF;
	p2 =	slt.u32 s8, $0xFFFFF086  }
0x1c: {  	p1 =	slt.u32 s9, $0xF7A;
	s5 =	simm.s32 @!p2 $0x0  }
0x1d: {  	s5 =	simm.s32 @p1 $0x1;
	p0 =	seq.s32 s7, s2  }
0x1e: {  	s7 =	smul.u32 @!p0 $0xF7A, s2;
	p2 =	seq.s32 @!p0 s5, $0x0  }
0x1f: {  	s9 =	smul.u32 $0xF7A, s1;
	s8 =	simm.s32 @!p0 $0x1BF5;
	p2 =	por !p2, p0  }
0x20: {  	[sflag:s8] =	ssyncset.s32 @!p0 $0xFFFFF086;
	s6 =	sadd.s32 @!p0 s3, s7;
	s7 =	simm.s32 @!p0 $0x108  }
0x21: {  	s3 =	sadd.s32 s3, s9;
	s6 =	sadd.s32 @!p0 $0x88, s6;
	s7 =	simm.s32 @p2 $0x1082  }
0x22: {  	[simem:s7], [sflag:s8] =	dma.local @!p0 [hbm:s6], $0xF7A  }
0x23: {  	s9 =	sor.u32 $0xD0000000, s2;
	s6 =	simm.s32 $0x108;
	_ =	swait.ge @!p0 [sflag:s8], $0x0  }
0x24: {  	s3 =	sadd.s32 $0x88, s3;
	s6 =	simm.s32 @!p1 $0x1082;
	[sflag:s4] =	ssyncset.s32 $0xFFFFF086  }
0x25: {  	[simem:s6], [sflag:s4] =	dma.local [hbm:s3], $0xF7A  }
0x26: {  	[smem:$0x3F53] =	sst s1;
	(tag) =	ssettag s2;
	_ =	strace s9  }
0x27: {  	s1 =	sld [smem:$0x3F63]  }
0x28: {  	s2 =	sld [smem:$0x3F64]  }
0x29: {  	s4 =	sld [smem:$0x3F66]  }
0x2a: {  	p0 =	seq.s32 s5, $0x0;
	s5 =	sld [smem:$0x3F67]  }
0x2b: {  	s6 =	sld [smem:$0x3F68]  }
0x2c: {  	s7 =	sld [smem:$0x3F69]  }
0x2d: {  	s3 =	simm.s32 $0x108;
	s8 =	sld [smem:$0x3F6A]  }
0x2e: {  	s3 =	simm.s32 @!p0 $0x1082;
	s9 =	sld [smem:$0x3F6B]  }
0x2f: {  	lr =	sadd.s32 s0, s3;
	s0 =	sld [smem:$0x3F62]  }
0x30: {  	s3 =	sld [smem:$0x3F65]  }
0x31: {  	[smem:$0x3F6E] =	sst s10  }
0x32: {  	s10 =	sld [smem:$0x3F6C];
	_ =	sdelay $0x3  }
0x33: {  	p0 =	seq.s32 s10, $0x1;
	s10 =	sld [smem:$0x3F6E];
	_ =	sdelay $0x3  }
0x34: {  	[smem:$0x3F6E] =	sst s10  }
0x35: {  	s10 =	sld [smem:$0x3F6D];
	_ =	sdelay $0x3  }
0x36: {  	p1 =	seq.s32 s10, $0x1;
	s10 =	sld [smem:$0x3F6E];
	_ =	sdelay $0x3  }
0x37: {  	[smem:$0x3F6E] =	sst s10  }
0x38: {  	s10 =	sld [smem:$0x3F6F]  }
0x39: {  	_ = 	snop;
	(pc) =	sbr.ind lr, $3  }
0x3a: {  	_ = 	snop  }
0x3b: {  	_ = 	snop  }
0x3c: {  	p2 =	seq.s32 s10, $0x1;
	s10 =	sld [smem:$0x3F6E]  }
0x3d: {  	_ =	shalt  }
0x3e: {  	_ =	shalt  }
0x3f: {  	_ =	shalt  }
0x40: {  	_ =	shalt  }
0x41: {  	_ =	shalt  }
0x42: {  	_ =	shalt  }
0x43: {  	_ =	shalt  }
0x44: {  	_ =	shalt  }
0x45: {  	_ =	shalt  }
0x46: {  	_ =	shalt  }
0x47: {  	_ =	shalt  }
0x48: {  	_ =	shalt  }
0x49: {  	_ =	shalt  }
0x4a: {  	_ =	shalt  }
0x4b: {  	_ =	shalt  }
0x4c: {  	_ =	shalt  }
0x4d: {  	_ =	shalt  }
0x4e: {  	_ =	shalt  }
0x4f: {  	_ =	shalt  }
0x50: {  	_ =	shalt  }
0x51: {  	_ =	shalt  }
0x52: {  	_ =	shalt  }
0x53: {  	_ =	shalt  }
0x54: {  	_ =	shalt  }
0x55: {  	_ =	shalt  }
0x56: {  	_ =	shalt  }
0x57: {  	_ =	shalt  }
0x58: {  	_ =	shalt  }
0x59: {  	_ =	shalt  }
0x5a: {  	_ =	shalt  }
0x5b: {  	_ =	shalt  }
0x5c: {  	_ =	shalt  }
0x5d: {  	_ =	shalt  }
0x5e: {  	_ =	shalt  }
0x5f: {  	_ =	shalt  }
0x60: {  	_ =	shalt  }
0x61: {  	_ =	shalt  }
0x62: {  	_ =	shalt  }
0x63: {  	_ =	shalt  }
0x64: {  	_ =	shalt  }
0x65: {  	_ =	shalt  }
0x66: {  	_ =	shalt  }
0x67: {  	_ =	shalt  }
0x68: {  	_ =	shalt  }
0x69: {  	_ =	shalt  }
0x6a: {  	_ =	shalt  }
0x6b: {  	_ =	shalt  }
0x6c: {  	_ =	shalt  }
0x6d: {  	_ =	shalt  }
0x6e: {  	_ =	shalt  }
0x6f: {  	_ =	shalt  }
0x70: {  	_ =	shalt  }
0x71: {  	_ =	shalt  }
0x72: {  	_ =	shalt  }
0x73: {  	_ =	shalt  }
0x74: {  	_ =	shalt  }
0x75: {  	_ =	shalt  }
0x76: {  	_ =	shalt  }
0x77: {  	_ =	shalt  }
0x78: {  	_ =	shalt  }
0x79: {  	_ =	shalt  }
0x7a: {  	_ =	shalt  }
0x7b: {  	_ =	shalt  }
0x7c: {  	_ =	shalt  }
0x7d: {  	_ =	shalt  }
0x7e: {  	_ =	shalt  }
0x7f: {  	_ =	shalt  }
0x80: {  	_ =	shalt  }
0x81: {  	_ =	shalt  }
0x82: {  	_ =	shalt  }
0x83: {  	_ =	shalt  }
0x84: {  	_ =	shalt  }
0x85: {  	_ =	shalt  }
0x86: {  	_ =	shalt  }
0x87: {  	_ =	shalt  }
.Lfunc_end0:
.L_simem_size_0:
called_computation.2_lowered:
.L_overlay_start_0:
0x88: {  	s2 =	sld [smem:$0x3FD9]  }
0x89: {  	s3 =	sld [smem:$0x3FFE];
	_ =	sdelay $0x1  }
0x8a: {  	s1 =	srdreg.scid  }
0x8b: {  	s0 =	sand.u32 $0x1, s1  }
0x8c: {  	s16 =	sshll.u32 s0, $0xA;
	s2 =	sadd.s32 s3, s2  }
0x8d: {  	s2 =	sadd.s32 s2, s16  }
0x8e: {  	[smem:$0x3F7A] =	sst s2  }
0x8f: {  	_ = 	snop  }
0x90: {  	(tm) =	ssettm $0x1  }
0x91: {  	s17 =	sld [smem:$0x3FFB];
	_ =	sdelay $0x3  }
0x92: {  	_ =	strace s17  }
0x93: {  	s2 =	sld [smem:$0x3FFC];
	_ =	sdelay $0x3  }
0x94: {  	_ =	strace s2  }
0x95: {  	s2 =	sld [smem:$0x3FFD];
	_ =	sdelay $0x3  }
0x96: {  	_ =	strace s2  }
0x97: {  	_ =	strace $0x8FFFFFFF  }
0x98: {  	s18 =	sld [smem:$0x3FDB];
	_ =	sdelay $0x1  }
0x99: {  	s19 =	simm.s32 $_scs_section_size  }
0x9a: {  	s4 =	simm.s32 $_size__tile_overlayer_lowered;
	s5 =	simm.s32 $_tile_overlayer_lowered  }
0x9b: {  	s22 =	simm.s32 $0x1BFF;
	s21 =	sshll.u32 s5, $0x1;
	s2 =	sadd.s32 s19, s18  }
0x9c: {  	s6 =	simm.s32 $0x0;
	s20 =	sshll.u32 s4, $0x1;
	s4 =	sadd.s32 s21, s2  }
0x9d: {  	[timem:s6], [sflag:s22] =	dma.local [hbm:s4], s20  }
0x9e: {  	_ =	swait.ge [sflag:s22], s20  }
0x9f: {  	s3 =	ssub.s32 $0x0, s20;
	[sflag:s22] =	ssyncset.done $0x0  }
0xa0: {  	[sflag:s22] =	ssyncadd.s32 s3;
	_ =	sdelay $0x1  }
0xa1: {  	s23 =	simm.s32 $0x1B8B  }
0xa2: {  	_ =	swait.ge [sflag:s23], $0x1  }
0xa3: {  	[sflag:s23] =	ssyncset.done $0x0  }
0xa4: {  	s25 =	simm.s32 $0x1B8E;
	s24 =	sld [smem:$0x3FFE];
	[sflag:s23] =	ssyncadd.s32 $0xFFFFFFFF  }
0xa5: {  	s26 =	simm.s32 $execute0_lowered;
	[smem:$0x3FD2] =	sst s25  }
0xa6: {  	s4 =	sshll.u32 s26, $0x1;
	_ =	strace $0x8000004C;
	[dreg:$0x1] =	wrdreg $0xFFFFFFFF  }
0xa7: {  	s28 =	simm.s32 $_size_execute0_lowered;
	s2 =	sadd.s32 s2, s4;
	[dreg:$0x0] =	wrdreg $0x0  }
0xa8: {  	s4 =	sshll.u32 s28, $0x1;
	[dreg:$0x2] =	wrdreg s2  }
0xa9: {  	[dreg:$0x3] =	wrdreg s4  }
0xaa: {  	[dreg:$0x4] =	wrdreg $0xC0  }
0xab: {  	_ =	task [dreg:s6], $0x5FFFF  }
0xac: {  	[dreg:$0x1] =	wrdreg $0xFFFFFFFF  }
0xad: {  	[dreg:$0x0] =	wrdreg $0x60  }
0xae: {  	[dreg:$0x2] =	wrdreg s24  }
0xaf: {  	[dreg:$0x3] =	wrdreg $0x85000  }
0xb0: {  	[dreg:$0x4] =	wrdreg $0x9  }
0xb1: {  	_ =	task.clear_ibuf [dreg:s6], $0x5FFFF;
	_ =	strace $0x9000004C  }
0xb2: {  	s29 =	simm.s32 $0x9;
	_ =	strace $0x8000004E  }
0xb3: {  	_ =	swait.ge [sflag:s29], $0x1  }
0xb4: {  	[sflag:s29] =	ssyncadd.s32 $0xFFFFFFFF  }
0xb5: {  	_ =	strace $0x9000004E  }
0xb6: {  	_ =	sfence  }
0xb7: {  	s30 =	sld [smem:$0x0];
	_ =	sdelay $0x2  }
0xb8: {  	s31 =	sshll.u32 s1, $0xD;
	s1 =	sshrl.u32 s1, $0x2  }
0xb9: {  	s3 =	sand.u32 $0x4000, s31;
	s1 =	sadd.s32 s1, s30  }
0xba: {  	s0 =	sor.u32 s3, s0;
	s1 =	sshll.u32 s1, $0x11  }
0xbb: {  	s0 =	sor.u32 s1, s0  }
0xbc: {  	s0 =	sadd.s32 $0x8F2B, s0  }
0xbd: {  	[sflag:s0] =	ssyncadd.remote.s32 $0x1  }
0xbe: {  	_ =	sfence.sel $0xFFFF  }
0xbf: {  	[dreg:$0x0] =	wrdreg $0xFFFFFFFF;
	(pc) =	sbr.abs _section_cstart, $3  }
0xc0: {  	[dreg:$0x1] =	wrdreg $0xFFFFFFFF  }
0xc1: {  	_ =	task.clear_ibuf [dreg:s6], $0x2FFFF;
	_ =	strace $0x9FFFFFFF  }
0xc2: {  	(tm) =	ssettm $0x7FFFFFFF  }
0xc3: {  	_ =	shalt  }
tec
execute0_lowered:
.L_overlay_start_1:
0x0: {  	(tag) =	ssettag $0x1  }
0x1: {  	s0 =	rddreg [dreg:$0x0]  }
0x2: {  	s1 =	rddreg [dreg:$0x1]  }
0x3: {  	s2 =	simm.s32 $0x0;
	s3 =	srdreg.scid;
	s18 =	stileid.u32  }
0x4: {  	s14 =	simm.s32 $0x9C;
	s28 =	simm.s32 $0x4;
	s29 =	simm.s32 $0x80  }
0x5: {  	s30 =	simm.s32 $0x1;
	s31 =	simm.s32 $0x2;
	[smem:$0x7FF] =	sst s2  }
0x6: {  	s3 =	sand.u32 $0x1, s3;
	s4 =	sadd.s32 $0x146FE00, s0;
	s9 =	smul.u32 $0x13800, s18  }
0x7: {  	s5 =	sadd.s32 $0x1951E00, s0;
	s6 =	sadd.s32 $0xDDE00, s0;
	s10 =	smin.u32 s18, $0x2  }
0x8: {  	s7 =	sadd.s32 $0x1BC2E00, s0;
	s13 =	smul.u32 $0x270, s18;
	p0 =	slt.u32 s18, $0x2  }
0x9: {  	s16 =	sand.u32 $0x7, s18;
	p2 =	slt.u32 s18, $0x8;
	_ =	strace $0x8000004D  }
0xa: {  	p6 =	sgt.u32 s18, $0x7;
	s8 =	smul.u32 $0x138800, s3;
	s11 =	sshll.u32 s10, $0xA  }
0xb: {  	s24 =	ssub.s32 $0x2, s3;
	s10 =	sshll.u32 s10, $0x3;
	s25 =	smul.u32 $0x9C, s16  }
0xc: {  	s17 =	smin.u32 s16, $0x2;
	p1 =	seq.s32 s3, $0x0;
	p4 =	seq.s32 s3, $0x1  }
0xd: {  	s26 =	smul.u32 $0x9C0, s16;
	s12 =	sshrl.u32 s24, $0x1;
	s10 =	sadd.s32 s13, s10  }
0xe: {  	p3 =	por !p1, !p2;
	p1 =	por !p1, !p6;
	p5 =	por !p2, !p4  }
0xf: {  	p6 =	por !p6, !p4;
	s19 =	sshll.u32 s17, $0x7;
	s20 =	sshll.u32 s17, $0x4  }
0x10: {  	s9 =	sadd.s32 s9, s8;
	s8 =	sadd.s32 $0x6A00, s0;
	s15 =	ssub.s32 s24, s12  }
0x11: {  	s10 =	sshll.u32 s10, $0x7;
	s12 =	simm.s32 $0x9E;
	s13 =	sor.u32 s17, s25  }
0x12: {  	p3 =	por !p3, !p3;
	p2 =	por !p5, !p5;
	s9 =	sadd.s32 s11, s9  }
0x13: {  	s17 =	sshll.u32 s17, $0xB;
	s10 =	sadd.s32 s10, s1;
	s9 =	sshrl.u32 s9, $0x3  }
0x14: {  	s11 =	simm.s32 $0x9D;
	s0 =	sadd.s32 s9, s0;
	s9 =	simm.s32 $0x4F  }
0x15: {  	s9 =	simm.s32 @!p0 $0x4E;
	p0 =	slt.u32 s16, $0x2;
	s0 =	sadd.s32 $0x10800, s0  }
0x16: {  	[dreg:$0x3] =	wrdreg s9;
	s11 =	simm.s32 @!p0 $0x9C;
	s12 =	simm.s32 @!p0 $0x9C  }
0x17: {  	s9 =	simm.s32 @!p3 $0x0;
	s14 =	simm.s32 @!p0 $0x9B;
	p0 =	por !p1, !p1  }
0x18: {  	[dreg:$0xb] =	wrdreg s0;
	s0 =	simm.s32 $0x0;
	s9 =	simm.s32 @p3 $0x1  }
0x19: {  	s3 =	simm.s32 @!p0 $0x0;
	[smem:$0x7FC] =	sst s9;
	s9 =	smul.u32 $0x4E00, s16  }
0x1a: {  	p3 =	por !p6, !p6;
	s3 =	simm.s32 @p0 $0x1;
	s16 =	smul.u32 $0x4E000, s16  }
0x1b: {  	[smem:$0x7FD] =	sst s3;
	s3 =	sadd.s32 s26, s8;
	s18 =	sor.u32 s19, s9  }
0x1c: {  	s19 =	smax.u32 s15, $0x1;
	s3 =	sadd.s32 s20, s3;
	s21 =	sadd.s32 s16, s4  }
0x1d: {  	s23 =	sadd.s32 s16, s5;
	s25 =	sadd.s32 s16, s7;
	[dreg:$0x4] =	wrdreg s19  }
0x1e: {  	[dreg:$0x5] =	wrdreg s3;
	s20 =	sadd.s32 $0x27100, s18;
	s22 =	sadd.s32 s17, s21  }
0x1f: {  	s26 =	sadd.s32 s17, s25;
	s3 =	sshrl.u32 s20, $0x3;
	[dreg:$0x6] =	wrdreg s22  }
0x20: {  	s24 =	sadd.s32 s16, s6;
	[dreg:$0xa] =	wrdreg s26;
	s3 =	sadd.s32 s3, s8  }
0x21: {  	s25 =	simm.s32 $0x100;
	[dreg:$0x7] =	wrdreg s3;
	s3 =	sadd.s32 s17, s23  }
0x22: {  	s26 =	simm.s32 $0x4100;
	[dreg:$0x8] =	wrdreg s3;
	s3 =	sadd.s32 s17, s24  }
0x23: {  	v0 =	vimm.f32 $0.0e+00;
	s23 =	simm.s32 $0x8100;
	s24 =	simm.s32 $0x3;
	[dreg:$0x9] =	wrdreg s3  }
.LBB2_1:
0x24: {  	[tilespmem:$0x8100] =	vst v0  }
0x25: {  	[tilespmem:$0x8110] =	vst v0  }
0x26: {  	[tilespmem:$0x8120] =	vst v0  }
0x27: {  	[tilespmem:$0x8130] =	vst v0  }
0x28: {  	[tilespmem:$0x8140] =	vst v0  }
0x29: {  	[tilespmem:$0x8150] =	vst v0  }
0x2a: {  	[tilespmem:$0x8160] =	vst v0  }
0x2b: {  	[tilespmem:$0x8170] =	vst v0  }
0x2c: {  	[tilespmem:$0x8180] =	vst v0  }
0x2d: {  	[tilespmem:$0x8190] =	vst v0  }
0x2e: {  	[tilespmem:$0x81A0] =	vst v0  }
0x2f: {  	[tilespmem:$0x81B0] =	vst v0  }
0x30: {  	[tilespmem:$0x81C0] =	vst v0  }
0x31: {  	[tilespmem:$0x81D0] =	vst v0  }
0x32: {  	[tilespmem:$0x81E0] =	vst v0  }
0x33: {  	[tilespmem:$0x81F0] =	vst v0  }
0x34: {  	[tilespmem:$0x8200] =	vst v0  }
0x35: {  	[tilespmem:$0x8210] =	vst v0  }
0x36: {  	[tilespmem:$0x8220] =	vst v0  }
0x37: {  	[tilespmem:$0x8230] =	vst v0  }
0x38: {  	[tilespmem:$0x8240] =	vst v0  }
0x39: {  	[tilespmem:$0x8250] =	vst v0  }
0x3a: {  	[tilespmem:$0x8260] =	vst v0  }
0x3b: {  	[tilespmem:$0x8270] =	vst v0  }
0x3c: {  	[tilespmem:$0x8280] =	vst v0  }
0x3d: {  	[tilespmem:$0x8290] =	vst v0  }
0x3e: {  	[tilespmem:$0x82A0] =	vst v0  }
0x3f: {  	[tilespmem:$0x82B0] =	vst v0  }
0x40: {  	[tilespmem:$0x82C0] =	vst v0  }
0x41: {  	[tilespmem:$0x82D0] =	vst v0  }
0x42: {  	[tilespmem:$0x82E0] =	vst v0  }
0x43: {  	[tilespmem:$0x82F0] =	vst v0  }
0x44: {  	[tilespmem:$0x8300] =	vst v0  }
0x45: {  	[tilespmem:$0x8310] =	vst v0  }
0x46: {  	[tilespmem:$0x8320] =	vst v0  }
0x47: {  	[tilespmem:$0x8330] =	vst v0  }
0x48: {  	[tilespmem:$0x8340] =	vst v0  }
0x49: {  	[tilespmem:$0x8350] =	vst v0  }
0x4a: {  	[tilespmem:$0x8360] =	vst v0  }
0x4b: {  	[tilespmem:$0x8370] =	vst v0  }
0x4c: {  	[tilespmem:$0x8380] =	vst v0  }
0x4d: {  	[tilespmem:$0x8390] =	vst v0  }
0x4e: {  	[tilespmem:$0x83A0] =	vst v0  }
0x4f: {  	[tilespmem:$0x83B0] =	vst v0  }
0x50: {  	[tilespmem:$0x83C0] =	vst v0  }
0x51: {  	[tilespmem:$0x83D0] =	vst v0  }
0x52: {  	[tilespmem:$0x83E0] =	vst v0  }
0x53: {  	[tilespmem:$0x83F0] =	vst v0  }
0x54: {  	[tilespmem:$0x8400] =	vst v0  }
0x55: {  	[tilespmem:$0x8410] =	vst v0  }
0x56: {  	[tilespmem:$0x8420] =	vst v0  }
0x57: {  	[tilespmem:$0x8430] =	vst v0  }
0x58: {  	[tilespmem:$0x8440] =	vst v0  }
0x59: {  	[tilespmem:$0x8450] =	vst v0  }
0x5a: {  	[tilespmem:$0x8460] =	vst v0  }
0x5b: {  	[tilespmem:$0x8470] =	vst v0  }
0x5c: {  	[tilespmem:$0x8480] =	vst v0  }
0x5d: {  	[tilespmem:$0x8490] =	vst v0  }
0x5e: {  	[tilespmem:$0x84A0] =	vst v0  }
0x5f: {  	[tilespmem:$0x84B0] =	vst v0  }
0x60: {  	[tilespmem:$0x84C0] =	vst v0;
	s3 =	rddreg [dreg:$0x3]  }
0x61: {  	[tilespmem:$0x84D0] =	vst v0;
	p4 =	sne.s32 s3, $0x1  }
.Ltmp0:
0x62: {  	[tilespmem:$0x84E0] =	vst v0;
	(pc) =	sbr.rel @!p4 .LBB2_3-.Ltmp0, $4  }
0x63: {  	[tilespmem:$0x84F0] =	vst v0  }
0x64: {  	[spmem:s10] =	stream.linear.scatter [tilespmem:s23], [sflag:$0x3], $0x400, $0x38;
	[tilespmem:$0x1BD80] =	vst v63  }
0x65: {  	_ =	swait.ge [sflag:s24], $0x400  }
0x66: {  	s15 =	smov.u32 s10;
	s3 =	sadd.s32 $0xFFFFFFFF, s3;
	[sflag:s24] =	ssyncset.done $0x0  }
.LBB2_2:
0x67: {  	p0 =	sne.s32 s3, $0x1;
	[sflag:s24] =	ssyncadd.s32 $0xFFFFFC00;
	s15 =	sadd.s32 $0x400, s15  }
.Ltmp1:
0x68: {  	s3 =	sadd.s32 $0xFFFFFFFF, s3;
	(pc) =	sbr.rel @p0 .LBB2_2-.Ltmp1, $4  }
0x69: {  	_ = 	snop  }
0x6a: {  	[spmem:s15] =	stream.linear.scatter [tilespmem:s23], [sflag:$0x3], $0x400, $0x38;
	[tilespmem:$0x1BD80] =	vst v63  }
0x6b: {  	_ =	swait.ge [sflag:s24], $0x400  }
0x6c: {  	[sflag:s24] =	ssyncset.done $0x0  }
.LBB2_3:
0x6d: {  	[sflag:s24] =	ssyncadd.s32 $0xFFFFFC00  }
0x6e: {  	[bflag:$0x0] =	sbarrier.arrive $0xFFFF  }
0x6f: {  	s3 =	sld [smem:$0x7FC];
	_ =	sdelay $0x2  }
0x70: {  	p0 =	seq.s32 s3, $0x1  }
.Ltmp2:
0x71: {  	_ = 	snop;
	(pc) =	sbr.rel @!p0 .LBB2_9-.Ltmp2, $1  }
0x72: {  	_ =	sdelay $0x3  }
0x73: {  	p6 =	sne.s32 s12, $0x2  }
.Ltmp3:
0x74: {  	_ = 	snop;
	(pc) =	sbr.rel @!p6 .LBB2_5-.Ltmp3, $4  }
0x75: {  	_ = 	snop  }
0x76: {  	s3 =	simm.s32 $0x1;
	p0 =	sgt.s32 s14, $0x1;
	s15 =	smov.u32 s14  }
0x77: {  	s15 =	smov.u32 @p0 s3  }
0x78: {  	p5 =	por $0x0, $0x0;
	s20 =	sadd.s32 s13, s15  }
0x79: {  	s3 =	sshll.u32 s20, $0xB  }
0x7a: {  	s16 =	rddreg [dreg:$0x6];
	s3 =	sand.u32 $0x1FFFF800, s3  }
0x7b: {  	[tilespmem:s25], [sflag:$0x1] =	stream.linear.gather [hbm4b:s16+s2], $0x4000, $0x38;
	[tilespmem:$0x1BD80] =	vst v63  }
0x7c: {  	s3 =	sadd.s32 s4, s3  }
0x7d: {  	[tilespmem:s26], [sflag:$0x2] =	stream.linear.gather [hbm4b:s3+s2], $0x4000, $0x38;
	[tilespmem:$0x1BD80] =	vst v63  }
0x7e: {  	s9 =	rddreg [dreg:$0x5]  }
0x7f: {  	[tilespmem:s2], [sflag:$0x4] =	stream.linear.gather [hbm4b:s9+s2], $0x80, $0x38;
	[tilespmem:$0x1BD80] =	vst v63  }
0x80: {  	s22 =	sshll.u32 s20, $0x4;
	_ =	swait.ge [sflag:s28], $0x80  }
0x81: {  	s3 =	sand.u32 $0x1FFFFFF0, s22;
	[sflag:s28] =	ssyncset.done $0x0  }
0x82: {  	s3 =	sadd.s32 s8, s3;
	[sflag:s28] =	ssyncadd.s32 $0xFFFFFF80  }
0x83: {  	[tilespmem:s29], [sflag:$0x4] =	stream.linear.gather [hbm4b:s3+s2], $0x80, $0x38;
	[tilespmem:$0x1BD80] =	vst v63  }
0x84: {  	_ =	swait.ge [sflag:s28], $0x80  }
0x85: {  	[sflag:s28] =	ssyncset.done $0x0  }
0x86: {  	[sflag:s28] =	ssyncadd.s32 $0xFFFFFF80  }
0x87: {  	s15 =	simm.s32 $0x4;
	_ =	swait.ge [sflag:s30], $0x4000  }
0x88: {  	p6 =	sne.s32 s12, $0x4;
	p0 =	sle.u32 s11, $0x1;
	[sflag:s30] =	ssyncset.done $0x0  }
0x89: {  	p5 =	sgt.s32 s14, $0x3;
	s17 =	smov.u32 s14;
	[sflag:s30] =	ssyncadd.s32 $0xFFFFC000  }
0x8a: {  	[spmem:s1] =	stream.indirect.scatter.add.f32 [tilespmem:s25], [sflag:$0x4], $0x80, s2, s29, $0xb8;
	[tilespmem:$0x1BD80] =	vst v63  }
.Ltmp4:
0x8b: {  	s18 =	sadd.s32 $0x1000, s16;
	_ =	swait.ge [sflag:s28], $0x4000;
	(pc) =	sbr.rel @!p6 .LBB2_8-.Ltmp4, $4  }
0x8c: {  	s19 =	sadd.s32 $0x20, s9;
	s21 =	simm.s32 @!p0 $0x3;
	[sflag:s28] =	ssyncset.done $0x0  }
0x8d: {  	s16 =	simm.s32 @!p0 $0x4100;
	s3 =	simm.s32 $0x3;
	[sflag:s28] =	ssyncadd.s32 $0xFFFFC000  }
0x8e: {  	s17 =	smov.u32 @p5 s3;
	p5 =	por $0x1, $0x1;
	_ =	swait.ge [sflag:s31], $0x4000  }
0x8f: {  	s20 =	sadd.s32 s13, s17;
	s17 =	simm.s32 @!p0 $0x80;
	[sflag:s31] =	ssyncset.done $0x0  }
.LBB2_7:
0x90: {  	s22 =	sshll.u32 s20, $0xB  }
0x91: {  	[sflag:s31] =	ssyncadd.s32 $0xFFFFC000;
	s9 =	smov.u32 s15;
	s15 =	sadd.s32 $0x2, s15  }
0x92: {  	[spmem:s1] =	stream.indirect.scatter.add.f32 @!p0 [tilespmem:s16], [sflag:$0x3], $0x80, s17, s17, $0xb8;
	[tilespmem:$0x1BD80] =	vst v63  }
0x93: {  	p6 =	sne.s32 s12, s15;
	s16 =	sand.u32 $0x1FFFF800, s22;
	_ =	swait.ge @!p0 [sflag:s21], $0x4000  }
0x94: {  	[sflag:s21] =	ssyncset.done @!p0 $0x0  }
0x95: {  	[sflag:s21] =	ssyncadd.s32 @!p0 $0xFFFFC000  }
0x96: {  	[tilespmem:s25], [sflag:$0x1] =	stream.linear.gather [hbm4b:s18+s2], $0x4000, $0x38;
	[tilespmem:$0x1BD80] =	vst v63  }
0x97: {  	s16 =	sadd.s32 s4, s16  }
0x98: {  	[tilespmem:s26], [sflag:$0x2] =	stream.linear.gather [hbm4b:s16+s2], $0x4000, $0x38;
	[tilespmem:$0x1BD80] =	vst v63  }
0x99: {  	_ = 	snop  }
0x9a: {  	[tilespmem:s2], [sflag:$0x4] =	stream.linear.gather [hbm4b:s19+s2], $0x80, $0x38;
	[tilespmem:$0x1BD80] =	vst v63  }
0x9b: {  	s16 =	sshll.u32 s20, $0x4;
	_ =	swait.ge [sflag:s28], $0x80  }
0x9c: {  	s16 =	sand.u32 $0x1FFFFFF0, s16;
	[sflag:s28] =	ssyncset.done $0x0  }
0x9d: {  	s16 =	sadd.s32 s8, s16;
	[sflag:s28] =	ssyncadd.s32 $0xFFFFFF80  }
0x9e: {  	[tilespmem:s29], [sflag:$0x4] =	stream.linear.gather [hbm4b:s16+s2], $0x80, $0x38;
	[tilespmem:$0x1BD80] =	vst v63  }
0x9f: {  	_ =	swait.ge [sflag:s28], $0x80  }
0xa0: {  	[sflag:s28] =	ssyncset.done $0x0  }
0xa1: {  	[sflag:s28] =	ssyncadd.s32 $0xFFFFFF80  }
0xa2: {  	_ =	swait.ge [sflag:s30], $0x4000  }
0xa3: {  	[sflag:s30] =	ssyncset.done $0x0  }
0xa4: {  	p0 =	sge.u32 s3, s11;
	s18 =	sadd.s32 $0x1000, s18;
	[sflag:s30] =	ssyncadd.s32 $0xFFFFC000  }
0xa5: {  	[spmem:s1] =	stream.indirect.scatter.add.f32 [tilespmem:s25], [sflag:$0x4], $0x80, s2, s29, $0xb8;
	[tilespmem:$0x1BD80] =	vst v63  }
.Ltmp5:
0xa6: {  	s19 =	sadd.s32 $0x20, s19;
	_ =	swait.ge [sflag:s28], $0x4000;
	(pc) =	sbr.rel @p6 .LBB2_7-.Ltmp5, $4  }
0xa7: {  	s3 =	sadd.s32 $0x1, s9;
	s9 =	smov.u32 s14;
	[sflag:s28] =	ssyncset.done $0x0  }
0xa8: {  	p1 =	slt.s32 s3, s14;
	s21 =	simm.s32 @!p0 $0x3;
	[sflag:s28] =	ssyncadd.s32 $0xFFFFC000  }
0xa9: {  	s9 =	smov.u32 @p1 s3;
	s16 =	simm.s32 @!p0 $0x4100;
	_ =	swait.ge [sflag:s31], $0x4000  }
0xaa: {  	s17 =	simm.s32 @!p0 $0x80;
	s20 =	sadd.s32 s13, s9;
	[sflag:s31] =	ssyncset.done $0x0  }
.LBB2_8:
0xab: {  	[sflag:s31] =	ssyncadd.s32 @p5 $0xFFFFC000;
	p0 =	por p0, !p5  }
0xac: {  	[spmem:s1] =	stream.indirect.scatter.add.f32 @!p0 [tilespmem:s16], [sflag:$0x3], $0x80, s17, s17, $0xb8;
	[tilespmem:$0x1BD80] =	vst v63  }
0xad: {  	_ =	swait.ge @!p0 [sflag:s21], $0x4000  }
0xae: {  	s9 =	sshll.u32 s20, $0xB;
	[sflag:s21] =	ssyncset.done @!p0 $0x0  }
0xaf: {  	s9 =	sand.u32 $0x1FFFF800, s9;
	[sflag:s21] =	ssyncadd.s32 @!p0 $0xFFFFC000  }
0xb0: {  	[tilespmem:s25], [sflag:$0x1] =	stream.linear.gather [hbm4b:s18+s2], $0x4000, $0x38;
	[tilespmem:$0x1BD80] =	vst v63  }
0xb1: {  	s9 =	sadd.s32 s4, s9  }
0xb2: {  	[tilespmem:s26], [sflag:$0x2] =	stream.linear.gather [hbm4b:s9+s2], $0x4000, $0x38;
	[tilespmem:$0x1BD80] =	vst v63  }
0xb3: {  	_ = 	snop  }
0xb4: {  	[tilespmem:s2], [sflag:$0x4] =	stream.linear.gather [hbm4b:s19+s2], $0x80, $0x38;
	[tilespmem:$0x1BD80] =	vst v63  }
0xb5: {  	s22 =	sshll.u32 s20, $0x4;
	_ =	swait.ge [sflag:s28], $0x80  }
0xb6: {  	s9 =	sand.u32 $0x1FFFFFF0, s22;
	[sflag:s28] =	ssyncset.done $0x0  }
0xb7: {  	s9 =	sadd.s32 s8, s9;
	[sflag:s28] =	ssyncadd.s32 $0xFFFFFF80  }
0xb8: {  	[tilespmem:s29], [sflag:$0x4] =	stream.linear.gather [hbm4b:s9+s2], $0x80, $0x38;
	[tilespmem:$0x1BD80] =	vst v63  }
0xb9: {  	_ =	swait.ge [sflag:s28], $0x80  }
0xba: {  	[sflag:s28] =	ssyncset.done $0x0  }
0xbb: {  	[sflag:s28] =	ssyncadd.s32 $0xFFFFFF80  }
0xbc: {  	_ =	swait.ge [sflag:s30], $0x4000  }
0xbd: {  	[sflag:s30] =	ssyncset.done $0x0  }
0xbe: {  	[sflag:s30] =	ssyncadd.s32 $0xFFFFC000  }
0xbf: {  	[spmem:s1] =	stream.indirect.scatter.add.f32 [tilespmem:s25], [sflag:$0x4], $0x80, s2, s29, $0xb8;
	[tilespmem:$0x1BD80] =	vst v63  }
0xc0: {  	_ =	swait.ge [sflag:s28], $0x4000  }
0xc1: {  	[sflag:s28] =	ssyncset.done $0x0  }
0xc2: {  	[sflag:s28] =	ssyncadd.s32 $0xFFFFC000  }
0xc3: {  	p0 =	sge.u32 s3, s11;
	_ =	swait.ge [sflag:s31], $0x4000  }
0xc4: {  	s3 =	simm.s32 @!p0 $0x3;
	[sflag:s31] =	ssyncset.done $0x0  }
0xc5: {  	s15 =	simm.s32 @!p0 $0x80;
	s9 =	simm.s32 @!p0 $0x4100;
	[sflag:s31] =	ssyncadd.s32 $0xFFFFC000  }
0xc6: {  	[spmem:s1] =	stream.indirect.scatter.add.f32 @!p0 [tilespmem:s9], [sflag:$0x3], $0x80, s15, s15, $0xb8;
	[tilespmem:$0x1BD80] =	vst v63  }
0xc7: {  	_ =	swait.ge @!p0 [sflag:s3], $0x4000  }
0xc8: {  	[sflag:s3] =	ssyncset.done @!p0 $0x0  }
0xc9: {  	[sflag:s3] =	ssyncadd.s32 @!p0 $0xFFFFC000  }
.LBB2_9:
0xca: {  	s3 =	sld [smem:$0x7FD];
	_ =	sdelay $0x2  }
0xcb: {  	p0 =	seq.s32 s3, $0x1  }
.Ltmp6:
0xcc: {  	_ = 	snop;
	(pc) =	sbr.rel @!p0 .LBB2_15-.Ltmp6, $1  }
0xcd: {  	_ =	sdelay $0x3  }
0xce: {  	p1 =	sne.s32 s12, $0x2  }
.Ltmp7:
0xcf: {  	_ = 	snop;
	(pc) =	sbr.rel @!p1 .LBB2_11-.Ltmp7, $4  }
0xd0: {  	_ = 	snop  }
0xd1: {  	s3 =	simm.s32 $0x1;
	p0 =	sgt.s32 s14, $0x1;
	s9 =	smov.u32 s14  }
0xd2: {  	s9 =	smov.u32 @p0 s3  }
0xd3: {  	p5 =	por $0x0, $0x0;
	s20 =	sadd.s32 s13, s9  }
0xd4: {  	s3 =	sshll.u32 s20, $0xB  }
0xd5: {  	s16 =	rddreg [dreg:$0x8];
	s3 =	sand.u32 $0x1FFFF800, s3  }
0xd6: {  	[tilespmem:s25], [sflag:$0x1] =	stream.linear.gather [hbm4b:s16+s2], $0x4000, $0x38;
	[tilespmem:$0x1BD80] =	vst v63  }
0xd7: {  	s3 =	sadd.s32 s5, s3  }
0xd8: {  	[tilespmem:s26], [sflag:$0x2] =	stream.linear.gather [hbm4b:s3+s2], $0x4000, $0x38;
	[tilespmem:$0x1BD80] =	vst v63  }
0xd9: {  	s22 =	sshll.u32 s20, $0x7;
	s9 =	rddreg [dreg:$0x7]  }
0xda: {  	[tilespmem:s2], [sflag:$0x4] =	stream.linear.gather [hbm4b:s9+s2], $0x80, $0x38;
	[tilespmem:$0x1BD80] =	vst v63  }
0xdb: {  	s3 =	sadd.s32 $0x27100, s22;
	_ =	swait.ge [sflag:s28], $0x80  }
0xdc: {  	s3 =	sshrl.u32 s3, $0x3;
	[sflag:s28] =	ssyncset.done $0x0  }
0xdd: {  	s3 =	sadd.s32 s8, s3;
	[sflag:s28] =	ssyncadd.s32 $0xFFFFFF80  }
0xde: {  	[tilespmem:s29], [sflag:$0x4] =	stream.linear.gather [hbm4b:s3+s2], $0x80, $0x38;
	[tilespmem:$0x1BD80] =	vst v63  }
0xdf: {  	_ =	swait.ge [sflag:s28], $0x80  }
0xe0: {  	[sflag:s28] =	ssyncset.done $0x0  }
0xe1: {  	[sflag:s28] =	ssyncadd.s32 $0xFFFFFF80  }
0xe2: {  	s15 =	simm.s32 $0x4;
	_ =	swait.ge [sflag:s30], $0x4000  }
0xe3: {  	p6 =	sne.s32 s12, $0x4;
	p0 =	sle.u32 s11, $0x1;
	[sflag:s30] =	ssyncset.done $0x0  }
0xe4: {  	p1 =	sgt.s32 s14, $0x3;
	p5 =	por $0x1, $0x1;
	[sflag:s30] =	ssyncadd.s32 $0xFFFFC000  }
0xe5: {  	[spmem:s1] =	stream.indirect.scatter.add.f32 [tilespmem:s25], [sflag:$0x4], $0x80, s2, s29, $0xb8;
	[tilespmem:$0x1BD80] =	vst v63  }
.Ltmp8:
0xe6: {  	s19 =	sadd.s32 $0x1000, s16;
	_ =	swait.ge [sflag:s28], $0x4000;
	(pc) =	sbr.rel @!p6 .LBB2_14-.Ltmp8, $4  }
0xe7: {  	s18 =	sadd.s32 $0x20, s9;
	s21 =	simm.s32 @!p0 $0x3;
	[sflag:s28] =	ssyncset.done $0x0  }
0xe8: {  	s9 =	smov.u32 s14;
	s3 =	simm.s32 $0x3;
	[sflag:s28] =	ssyncadd.s32 $0xFFFFC000  }
0xe9: {  	s16 =	simm.s32 @!p0 $0x4100;
	s9 =	smov.u32 @p1 s3;
	_ =	swait.ge [sflag:s31], $0x4000  }
0xea: {  	s17 =	simm.s32 @!p0 $0x80;
	s20 =	sadd.s32 s13, s9;
	[sflag:s31] =	ssyncset.done $0x0  }
.LBB2_13:
0xeb: {  	s9 =	sshll.u32 s20, $0xB  }
0xec: {  	[sflag:s31] =	ssyncadd.s32 $0xFFFFC000;
	s22 =	smov.u32 s15;
	s15 =	sadd.s32 $0x2, s15  }
0xed: {  	[spmem:s1] =	stream.indirect.scatter.add.f32 @!p0 [tilespmem:s16], [sflag:$0x3], $0x80, s17, s17, $0xb8;
	[tilespmem:$0x1BD80] =	vst v63  }
0xee: {  	p6 =	sne.s32 s12, s15;
	s9 =	sand.u32 $0x1FFFF800, s9;
	_ =	swait.ge @!p0 [sflag:s21], $0x4000  }
0xef: {  	[sflag:s21] =	ssyncset.done @!p0 $0x0  }
0xf0: {  	[sflag:s21] =	ssyncadd.s32 @!p0 $0xFFFFC000  }
0xf1: {  	[tilespmem:s25], [sflag:$0x1] =	stream.linear.gather [hbm4b:s19+s2], $0x4000, $0x38;
	[tilespmem:$0x1BD80] =	vst v63  }
0xf2: {  	s9 =	sadd.s32 s5, s9  }
0xf3: {  	[tilespmem:s26], [sflag:$0x2] =	stream.linear.gather [hbm4b:s9+s2], $0x4000, $0x38;
	[tilespmem:$0x1BD80] =	vst v63  }
0xf4: {  	s9 =	sshll.u32 s20, $0x7  }
0xf5: {  	[tilespmem:s2], [sflag:$0x4] =	stream.linear.gather [hbm4b:s18+s2], $0x80, $0x38;
	[tilespmem:$0x1BD80] =	vst v63  }
0xf6: {  	s9 =	sadd.s32 $0x27100, s9;
	_ =	swait.ge [sflag:s28], $0x80  }
0xf7: {  	s9 =	sshrl.u32 s9, $0x3;
	[sflag:s28] =	ssyncset.done $0x0  }
0xf8: {  	s9 =	sadd.s32 s8, s9;
	[sflag:s28] =	ssyncadd.s32 $0xFFFFFF80  }
0xf9: {  	[tilespmem:s29], [sflag:$0x4] =	stream.linear.gather [hbm4b:s9+s2], $0x80, $0x38;
	[tilespmem:$0x1BD80] =	vst v63  }
0xfa: {  	_ =	swait.ge [sflag:s28], $0x80  }
0xfb: {  	[sflag:s28] =	ssyncset.done $0x0  }
0xfc: {  	[sflag:s28] =	ssyncadd.s32 $0xFFFFFF80  }
0xfd: {  	_ =	swait.ge [sflag:s30], $0x4000  }
0xfe: {  	p0 =	sge.u32 s3, s11;
	[sflag:s30] =	ssyncset.done $0x0  }
0xff: {  	s3 =	sadd.s32 $0x1, s22;
	s19 =	sadd.s32 $0x1000, s19;
	[sflag:s30] =	ssyncadd.s32 $0xFFFFC000  }
0x100: {  	[spmem:s1] =	stream.indirect.scatter.add.f32 [tilespmem:s25], [sflag:$0x4], $0x80, s2, s29, $0xb8;
	[tilespmem:$0x1BD80] =	vst v63  }
.Ltmp9:
0x101: {  	s18 =	sadd.s32 $0x20, s18;
	_ =	swait.ge [sflag:s28], $0x4000;
	(pc) =	sbr.rel @p6 .LBB2_13-.Ltmp9, $4  }
0x102: {  	p1 =	slt.s32 s3, s14;
	[sflag:s28] =	ssyncset.done $0x0  }
0x103: {  	s21 =	simm.s32 @!p0 $0x3;
	s9 =	smov.u32 s14;
	[sflag:s28] =	ssyncadd.s32 $0xFFFFC000  }
0x104: {  	s16 =	simm.s32 @!p0 $0x4100;
	s9 =	smov.u32 @p1 s3;
	_ =	swait.ge [sflag:s31], $0x4000  }
0x105: {  	s17 =	simm.s32 @!p0 $0x80;
	s20 =	sadd.s32 s13, s9;
	[sflag:s31] =	ssyncset.done $0x0  }
.LBB2_14:
0x106: {  	[sflag:s31] =	ssyncadd.s32 @p5 $0xFFFFC000;
	p0 =	por p0, !p5  }
0x107: {  	[spmem:s1] =	stream.indirect.scatter.add.f32 @!p0 [tilespmem:s16], [sflag:$0x3], $0x80, s17, s17, $0xb8;
	[tilespmem:$0x1BD80] =	vst v63  }
0x108: {  	_ =	swait.ge @!p0 [sflag:s21], $0x4000  }
0x109: {  	s9 =	sshll.u32 s20, $0xB;
	[sflag:s21] =	ssyncset.done @!p0 $0x0  }
0x10a: {  	s9 =	sand.u32 $0x1FFFF800, s9;
	[sflag:s21] =	ssyncadd.s32 @!p0 $0xFFFFC000  }
0x10b: {  	[tilespmem:s25], [sflag:$0x1] =	stream.linear.gather [hbm4b:s19+s2], $0x4000, $0x38;
	[tilespmem:$0x1BD80] =	vst v63  }
0x10c: {  	s9 =	sadd.s32 s5, s9  }
0x10d: {  	[tilespmem:s26], [sflag:$0x2] =	stream.linear.gather [hbm4b:s9+s2], $0x4000, $0x38;
	[tilespmem:$0x1BD80] =	vst v63  }
0x10e: {  	s22 =	sshll.u32 s20, $0x7  }
0x10f: {  	[tilespmem:s2], [sflag:$0x4] =	stream.linear.gather [hbm4b:s18+s2], $0x80, $0x38;
	[tilespmem:$0x1BD80] =	vst v63  }
0x110: {  	s9 =	sadd.s32 $0x27100, s22;
	_ =	swait.ge [sflag:s28], $0x80  }
0x111: {  	s9 =	sshrl.u32 s9, $0x3;
	[sflag:s28] =	ssyncset.done $0x0  }
0x112: {  	s9 =	sadd.s32 s8, s9;
	[sflag:s28] =	ssyncadd.s32 $0xFFFFFF80  }
0x113: {  	[tilespmem:s29], [sflag:$0x4] =	stream.linear.gather [hbm4b:s9+s2], $0x80, $0x38;
	[tilespmem:$0x1BD80] =	vst v63  }
0x114: {  	_ =	swait.ge [sflag:s28], $0x80  }
0x115: {  	[sflag:s28] =	ssyncset.done $0x0  }
0x116: {  	[sflag:s28] =	ssyncadd.s32 $0xFFFFFF80  }
0x117: {  	_ =	swait.ge [sflag:s30], $0x4000  }
0x118: {  	[sflag:s30] =	ssyncset.done $0x0  }
0x119: {  	[sflag:s30] =	ssyncadd.s32 $0xFFFFC000  }
0x11a: {  	[spmem:s1] =	stream.indirect.scatter.add.f32 [tilespmem:s25], [sflag:$0x4], $0x80, s2, s29, $0xb8;
	[tilespmem:$0x1BD80] =	vst v63  }
0x11b: {  	_ =	swait.ge [sflag:s28], $0x4000  }
0x11c: {  	[sflag:s28] =	ssyncset.done $0x0  }
0x11d: {  	[sflag:s28] =	ssyncadd.s32 $0xFFFFC000  }
0x11e: {  	p0 =	sge.u32 s3, s11;
	_ =	swait.ge [sflag:s31], $0x4000  }
0x11f: {  	s3 =	simm.s32 @!p0 $0x3;
	[sflag:s31] =	ssyncset.done $0x0  }
0x120: {  	s15 =	simm.s32 @!p0 $0x80;
	s9 =	simm.s32 @!p0 $0x4100;
	[sflag:s31] =	ssyncadd.s32 $0xFFFFC000  }
0x121: {  	[spmem:s1] =	stream.indirect.scatter.add.f32 @!p0 [tilespmem:s9], [sflag:$0x3], $0x80, s15, s15, $0xb8;
	[tilespmem:$0x1BD80] =	vst v63  }
0x122: {  	_ =	swait.ge @!p0 [sflag:s3], $0x4000  }
0x123: {  	[sflag:s3] =	ssyncset.done @!p0 $0x0  }
0x124: {  	[sflag:s3] =	ssyncadd.s32 @!p0 $0xFFFFC000  }
.LBB2_15:
.Ltmp10:
0x125: {  	(pc) =	sbr.rel @!p2 .LBB2_21-.Ltmp10, $1  }
0x126: {  	_ =	sdelay $0x3  }
0x127: {  	p1 =	sne.s32 s12, $0x2  }
.Ltmp11:
0x128: {  	_ = 	snop;
	(pc) =	sbr.rel @!p1 .LBB2_17-.Ltmp11, $4  }
0x129: {  	_ = 	snop  }
0x12a: {  	s3 =	simm.s32 $0x1;
	p0 =	sgt.s32 s14, $0x1;
	s9 =	smov.u32 s14  }
0x12b: {  	s9 =	smov.u32 @p0 s3  }
0x12c: {  	p5 =	por $0x0, $0x0;
	s20 =	sadd.s32 s13, s9  }
0x12d: {  	s3 =	sshll.u32 s20, $0xB  }
0x12e: {  	s16 =	rddreg [dreg:$0x9];
	s3 =	sand.u32 $0x1FFFF800, s3  }
0x12f: {  	[tilespmem:s25], [sflag:$0x1] =	stream.linear.gather [hbm4b:s16+s2], $0x4000, $0x38;
	[tilespmem:$0x1BD80] =	vst v63  }
0x130: {  	s3 =	sadd.s32 s6, s3  }
0x131: {  	[tilespmem:s26], [sflag:$0x2] =	stream.linear.gather [hbm4b:s3+s2], $0x4000, $0x38;
	[tilespmem:$0x1BD80] =	vst v63  }
0x132: {  	s9 =	rddreg [dreg:$0x5]  }
0x133: {  	[tilespmem:s2], [sflag:$0x4] =	stream.linear.gather [hbm4b:s9+s2], $0x80, $0x38;
	[tilespmem:$0x1BD80] =	vst v63  }
0x134: {  	s22 =	sshll.u32 s20, $0x4;
	_ =	swait.ge [sflag:s28], $0x80  }
0x135: {  	s3 =	sand.u32 $0x1FFFFFF0, s22;
	[sflag:s28] =	ssyncset.done $0x0  }
0x136: {  	s3 =	sadd.s32 s8, s3;
	[sflag:s28] =	ssyncadd.s32 $0xFFFFFF80  }
0x137: {  	[tilespmem:s29], [sflag:$0x4] =	stream.linear.gather [hbm4b:s3+s2], $0x80, $0x38;
	[tilespmem:$0x1BD80] =	vst v63  }
0x138: {  	_ =	swait.ge [sflag:s28], $0x80  }
0x139: {  	[sflag:s28] =	ssyncset.done $0x0  }
0x13a: {  	[sflag:s28] =	ssyncadd.s32 $0xFFFFFF80  }
0x13b: {  	s15 =	simm.s32 $0x4;
	_ =	swait.ge [sflag:s30], $0x4000  }
0x13c: {  	p6 =	sne.s32 s12, $0x4;
	p0 =	sle.u32 s11, $0x1;
	[sflag:s30] =	ssyncset.done $0x0  }
0x13d: {  	p1 =	sgt.s32 s14, $0x3;
	p5 =	por $0x1, $0x1;
	[sflag:s30] =	ssyncadd.s32 $0xFFFFC000  }
0x13e: {  	[spmem:s1] =	stream.indirect.scatter.add.f32 [tilespmem:s25], [sflag:$0x4], $0x80, s2, s29, $0xb8;
	[tilespmem:$0x1BD80] =	vst v63  }
.Ltmp12:
0x13f: {  	s18 =	sadd.s32 $0x1000, s16;
	_ =	swait.ge [sflag:s28], $0x4000;
	(pc) =	sbr.rel @!p6 .LBB2_20-.Ltmp12, $4  }
0x140: {  	s19 =	sadd.s32 $0x20, s9;
	s21 =	simm.s32 @!p0 $0x3;
	[sflag:s28] =	ssyncset.done $0x0  }
0x141: {  	s9 =	smov.u32 s14;
	s3 =	simm.s32 $0x3;
	[sflag:s28] =	ssyncadd.s32 $0xFFFFC000  }
0x142: {  	s16 =	simm.s32 @!p0 $0x4100;
	s9 =	smov.u32 @p1 s3;
	_ =	swait.ge [sflag:s31], $0x4000  }
0x143: {  	s17 =	simm.s32 @!p0 $0x80;
	s20 =	sadd.s32 s13, s9;
	[sflag:s31] =	ssyncset.done $0x0  }
.LBB2_19:
0x144: {  	s9 =	sshll.u32 s20, $0xB  }
0x145: {  	[sflag:s31] =	ssyncadd.s32 $0xFFFFC000;
	s22 =	smov.u32 s15;
	s15 =	sadd.s32 $0x2, s15  }
0x146: {  	[spmem:s1] =	stream.indirect.scatter.add.f32 @!p0 [tilespmem:s16], [sflag:$0x3], $0x80, s17, s17, $0xb8;
	[tilespmem:$0x1BD80] =	vst v63  }
0x147: {  	p6 =	sne.s32 s12, s15;
	s9 =	sand.u32 $0x1FFFF800, s9;
	_ =	swait.ge @!p0 [sflag:s21], $0x4000  }
0x148: {  	[sflag:s21] =	ssyncset.done @!p0 $0x0  }
0x149: {  	[sflag:s21] =	ssyncadd.s32 @!p0 $0xFFFFC000  }
0x14a: {  	[tilespmem:s25], [sflag:$0x1] =	stream.linear.gather [hbm4b:s18+s2], $0x4000, $0x38;
	[tilespmem:$0x1BD80] =	vst v63  }
0x14b: {  	s9 =	sadd.s32 s6, s9  }
0x14c: {  	[tilespmem:s26], [sflag:$0x2] =	stream.linear.gather [hbm4b:s9+s2], $0x4000, $0x38;
	[tilespmem:$0x1BD80] =	vst v63  }
0x14d: {  	_ = 	snop  }
0x14e: {  	[tilespmem:s2], [sflag:$0x4] =	stream.linear.gather [hbm4b:s19+s2], $0x80, $0x38;
	[tilespmem:$0x1BD80] =	vst v63  }
0x14f: {  	s9 =	sshll.u32 s20, $0x4;
	_ =	swait.ge [sflag:s28], $0x80  }
0x150: {  	s9 =	sand.u32 $0x1FFFFFF0, s9;
	[sflag:s28] =	ssyncset.done $0x0  }
0x151: {  	s9 =	sadd.s32 s8, s9;
	[sflag:s28] =	ssyncadd.s32 $0xFFFFFF80  }
0x152: {  	[tilespmem:s29], [sflag:$0x4] =	stream.linear.gather [hbm4b:s9+s2], $0x80, $0x38;
	[tilespmem:$0x1BD80] =	vst v63  }
0x153: {  	_ =	swait.ge [sflag:s28], $0x80  }
0x154: {  	[sflag:s28] =	ssyncset.done $0x0  }
0x155: {  	[sflag:s28] =	ssyncadd.s32 $0xFFFFFF80  }
0x156: {  	_ =	swait.ge [sflag:s30], $0x4000  }
0x157: {  	p0 =	sge.u32 s3, s11;
	[sflag:s30] =	ssyncset.done $0x0  }
0x158: {  	s3 =	sadd.s32 $0x1, s22;
	s18 =	sadd.s32 $0x1000, s18;
	[sflag:s30] =	ssyncadd.s32 $0xFFFFC000  }
0x159: {  	[spmem:s1] =	stream.indirect.scatter.add.f32 [tilespmem:s25], [sflag:$0x4], $0x80, s2, s29, $0xb8;
	[tilespmem:$0x1BD80] =	vst v63  }
.Ltmp13:
0x15a: {  	s19 =	sadd.s32 $0x20, s19;
	_ =	swait.ge [sflag:s28], $0x4000;
	(pc) =	sbr.rel @p6 .LBB2_19-.Ltmp13, $4  }
0x15b: {  	p1 =	slt.s32 s3, s14;
	[sflag:s28] =	ssyncset.done $0x0  }
0x15c: {  	s21 =	simm.s32 @!p0 $0x3;
	s9 =	smov.u32 s14;
	[sflag:s28] =	ssyncadd.s32 $0xFFFFC000  }
0x15d: {  	s16 =	simm.s32 @!p0 $0x4100;
	s9 =	smov.u32 @p1 s3;
	_ =	swait.ge [sflag:s31], $0x4000  }
0x15e: {  	s17 =	simm.s32 @!p0 $0x80;
	s20 =	sadd.s32 s13, s9;
	[sflag:s31] =	ssyncset.done $0x0  }
.LBB2_20:
0x15f: {  	[sflag:s31] =	ssyncadd.s32 @p5 $0xFFFFC000;
	p0 =	por p0, !p5  }
0x160: {  	[spmem:s1] =	stream.indirect.scatter.add.f32 @!p0 [tilespmem:s16], [sflag:$0x3], $0x80, s17, s17, $0xb8;
	[tilespmem:$0x1BD80] =	vst v63  }
0x161: {  	_ =	swait.ge @!p0 [sflag:s21], $0x4000  }
0x162: {  	s9 =	sshll.u32 s20, $0xB;
	[sflag:s21] =	ssyncset.done @!p0 $0x0  }
0x163: {  	s9 =	sand.u32 $0x1FFFF800, s9;
	[sflag:s21] =	ssyncadd.s32 @!p0 $0xFFFFC000  }
0x164: {  	[tilespmem:s25], [sflag:$0x1] =	stream.linear.gather [hbm4b:s18+s2], $0x4000, $0x38;
	[tilespmem:$0x1BD80] =	vst v63  }
0x165: {  	s9 =	sadd.s32 s6, s9  }
0x166: {  	[tilespmem:s26], [sflag:$0x2] =	stream.linear.gather [hbm4b:s9+s2], $0x4000, $0x38;
	[tilespmem:$0x1BD80] =	vst v63  }
0x167: {  	_ = 	snop  }
0x168: {  	[tilespmem:s2], [sflag:$0x4] =	stream.linear.gather [hbm4b:s19+s2], $0x80, $0x38;
	[tilespmem:$0x1BD80] =	vst v63  }
0x169: {  	s22 =	sshll.u32 s20, $0x4;
	_ =	swait.ge [sflag:s28], $0x80  }
0x16a: {  	s9 =	sand.u32 $0x1FFFFFF0, s22;
	[sflag:s28] =	ssyncset.done $0x0  }
0x16b: {  	s9 =	sadd.s32 s8, s9;
	[sflag:s28] =	ssyncadd.s32 $0xFFFFFF80  }
0x16c: {  	[tilespmem:s29], [sflag:$0x4] =	stream.linear.gather [hbm4b:s9+s2], $0x80, $0x38;
	[tilespmem:$0x1BD80] =	vst v63  }
0x16d: {  	_ =	swait.ge [sflag:s28], $0x80  }
0x16e: {  	[sflag:s28] =	ssyncset.done $0x0  }
0x16f: {  	[sflag:s28] =	ssyncadd.s32 $0xFFFFFF80  }
0x170: {  	_ =	swait.ge [sflag:s30], $0x4000  }
0x171: {  	[sflag:s30] =	ssyncset.done $0x0  }
0x172: {  	[sflag:s30] =	ssyncadd.s32 $0xFFFFC000  }
0x173: {  	[spmem:s1] =	stream.indirect.scatter.add.f32 [tilespmem:s25], [sflag:$0x4], $0x80, s2, s29, $0xb8;
	[tilespmem:$0x1BD80] =	vst v63  }
0x174: {  	_ =	swait.ge [sflag:s28], $0x4000  }
0x175: {  	[sflag:s28] =	ssyncset.done $0x0  }
0x176: {  	[sflag:s28] =	ssyncadd.s32 $0xFFFFC000  }
0x177: {  	p0 =	sge.u32 s3, s11;
	_ =	swait.ge [sflag:s31], $0x4000  }
0x178: {  	s3 =	simm.s32 @!p0 $0x3;
	[sflag:s31] =	ssyncset.done $0x0  }
0x179: {  	s15 =	simm.s32 @!p0 $0x80;
	s9 =	simm.s32 @!p0 $0x4100;
	[sflag:s31] =	ssyncadd.s32 $0xFFFFC000  }
0x17a: {  	[spmem:s1] =	stream.indirect.scatter.add.f32 @!p0 [tilespmem:s9], [sflag:$0x3], $0x80, s15, s15, $0xb8;
	[tilespmem:$0x1BD80] =	vst v63  }
0x17b: {  	_ =	swait.ge @!p0 [sflag:s3], $0x4000  }
0x17c: {  	[sflag:s3] =	ssyncset.done @!p0 $0x0  }
0x17d: {  	[sflag:s3] =	ssyncadd.s32 @!p0 $0xFFFFC000  }
.LBB2_21:
.Ltmp14:
0x17e: {  	(pc) =	sbr.rel @!p3 .LBB2_27-.Ltmp14, $1  }
0x17f: {  	_ =	sdelay $0x3  }
0x180: {  	p1 =	sne.s32 s12, $0x2  }
.Ltmp15:
0x181: {  	_ = 	snop;
	(pc) =	sbr.rel @!p1 .LBB2_23-.Ltmp15, $4  }
0x182: {  	_ = 	snop  }
0x183: {  	s3 =	simm.s32 $0x1;
	p0 =	sgt.s32 s14, $0x1;
	s9 =	smov.u32 s14  }
0x184: {  	s9 =	smov.u32 @p0 s3  }
0x185: {  	p5 =	por $0x0, $0x0;
	s20 =	sadd.s32 s13, s9  }
0x186: {  	s3 =	sshll.u32 s20, $0xB  }
0x187: {  	s16 =	rddreg [dreg:$0xa];
	s3 =	sand.u32 $0x1FFFF800, s3  }
0x188: {  	[tilespmem:s25], [sflag:$0x1] =	stream.linear.gather [hbm4b:s16+s2], $0x4000, $0x38;
	[tilespmem:$0x1BD80] =	vst v63  }
0x189: {  	s3 =	sadd.s32 s7, s3  }
0x18a: {  	[tilespmem:s26], [sflag:$0x2] =	stream.linear.gather [hbm4b:s3+s2], $0x4000, $0x38;
	[tilespmem:$0x1BD80] =	vst v63  }
0x18b: {  	s22 =	sshll.u32 s20, $0x7;
	s9 =	rddreg [dreg:$0x7]  }
0x18c: {  	[tilespmem:s2], [sflag:$0x4] =	stream.linear.gather [hbm4b:s9+s2], $0x80, $0x38;
	[tilespmem:$0x1BD80] =	vst v63  }
0x18d: {  	s3 =	sadd.s32 $0x27100, s22;
	_ =	swait.ge [sflag:s28], $0x80  }
0x18e: {  	s3 =	sshrl.u32 s3, $0x3;
	[sflag:s28] =	ssyncset.done $0x0  }
0x18f: {  	s3 =	sadd.s32 s8, s3;
	[sflag:s28] =	ssyncadd.s32 $0xFFFFFF80  }
0x190: {  	[tilespmem:s29], [sflag:$0x4] =	stream.linear.gather [hbm4b:s3+s2], $0x80, $0x38;
	[tilespmem:$0x1BD80] =	vst v63  }
0x191: {  	_ =	swait.ge [sflag:s28], $0x80  }
0x192: {  	[sflag:s28] =	ssyncset.done $0x0  }
0x193: {  	[sflag:s28] =	ssyncadd.s32 $0xFFFFFF80  }
0x194: {  	s15 =	simm.s32 $0x4;
	_ =	swait.ge [sflag:s30], $0x4000  }
0x195: {  	p6 =	sne.s32 s12, $0x4;
	p0 =	sle.u32 s11, $0x1;
	[sflag:s30] =	ssyncset.done $0x0  }
0x196: {  	p1 =	sgt.s32 s14, $0x3;
	p5 =	por $0x1, $0x1;
	[sflag:s30] =	ssyncadd.s32 $0xFFFFC000  }
0x197: {  	[spmem:s1] =	stream.indirect.scatter.add.f32 [tilespmem:s25], [sflag:$0x4], $0x80, s2, s29, $0xb8;
	[tilespmem:$0x1BD80] =	vst v63  }
.Ltmp16:
0x198: {  	s18 =	sadd.s32 $0x1000, s16;
	_ =	swait.ge [sflag:s28], $0x4000;
	(pc) =	sbr.rel @!p6 .LBB2_26-.Ltmp16, $4  }
0x199: {  	s19 =	sadd.s32 $0x20, s9;
	s21 =	simm.s32 @!p0 $0x3;
	[sflag:s28] =	ssyncset.done $0x0  }
0x19a: {  	s9 =	smov.u32 s14;
	s3 =	simm.s32 $0x3;
	[sflag:s28] =	ssyncadd.s32 $0xFFFFC000  }
0x19b: {  	s16 =	simm.s32 @!p0 $0x4100;
	s9 =	smov.u32 @p1 s3;
	_ =	swait.ge [sflag:s31], $0x4000  }
0x19c: {  	s17 =	simm.s32 @!p0 $0x80;
	s20 =	sadd.s32 s13, s9;
	[sflag:s31] =	ssyncset.done $0x0  }
.LBB2_25:
0x19d: {  	s9 =	sshll.u32 s20, $0xB  }
0x19e: {  	[sflag:s31] =	ssyncadd.s32 $0xFFFFC000;
	s22 =	smov.u32 s15;
	s15 =	sadd.s32 $0x2, s15  }
0x19f: {  	[spmem:s1] =	stream.indirect.scatter.add.f32 @!p0 [tilespmem:s16], [sflag:$0x3], $0x80, s17, s17, $0xb8;
	[tilespmem:$0x1BD80] =	vst v63  }
0x1a0: {  	p6 =	sne.s32 s12, s15;
	s9 =	sand.u32 $0x1FFFF800, s9;
	_ =	swait.ge @!p0 [sflag:s21], $0x4000  }
0x1a1: {  	[sflag:s21] =	ssyncset.done @!p0 $0x0  }
0x1a2: {  	[sflag:s21] =	ssyncadd.s32 @!p0 $0xFFFFC000  }
0x1a3: {  	[tilespmem:s25], [sflag:$0x1] =	stream.linear.gather [hbm4b:s18+s2], $0x4000, $0x38;
	[tilespmem:$0x1BD80] =	vst v63  }
0x1a4: {  	s9 =	sadd.s32 s7, s9  }
0x1a5: {  	[tilespmem:s26], [sflag:$0x2] =	stream.linear.gather [hbm4b:s9+s2], $0x4000, $0x38;
	[tilespmem:$0x1BD80] =	vst v63  }
0x1a6: {  	s9 =	sshll.u32 s20, $0x7  }
0x1a7: {  	[tilespmem:s2], [sflag:$0x4] =	stream.linear.gather [hbm4b:s19+s2], $0x80, $0x38;
	[tilespmem:$0x1BD80] =	vst v63  }
0x1a8: {  	s9 =	sadd.s32 $0x27100, s9;
	_ =	swait.ge [sflag:s28], $0x80  }
0x1a9: {  	s9 =	sshrl.u32 s9, $0x3;
	[sflag:s28] =	ssyncset.done $0x0  }
0x1aa: {  	s9 =	sadd.s32 s8, s9;
	[sflag:s28] =	ssyncadd.s32 $0xFFFFFF80  }
0x1ab: {  	[tilespmem:s29], [sflag:$0x4] =	stream.linear.gather [hbm4b:s9+s2], $0x80, $0x38;
	[tilespmem:$0x1BD80] =	vst v63  }
0x1ac: {  	_ =	swait.ge [sflag:s28], $0x80  }
0x1ad: {  	[sflag:s28] =	ssyncset.done $0x0  }
0x1ae: {  	[sflag:s28] =	ssyncadd.s32 $0xFFFFFF80  }
0x1af: {  	_ =	swait.ge [sflag:s30], $0x4000  }
0x1b0: {  	p0 =	sge.u32 s3, s11;
	[sflag:s30] =	ssyncset.done $0x0  }
0x1b1: {  	s3 =	sadd.s32 $0x1, s22;
	s18 =	sadd.s32 $0x1000, s18;
	[sflag:s30] =	ssyncadd.s32 $0xFFFFC000  }
0x1b2: {  	[spmem:s1] =	stream.indirect.scatter.add.f32 [tilespmem:s25], [sflag:$0x4], $0x80, s2, s29, $0xb8;
	[tilespmem:$0x1BD80] =	vst v63  }
.Ltmp17:
0x1b3: {  	s19 =	sadd.s32 $0x20, s19;
	_ =	swait.ge [sflag:s28], $0x4000;
	(pc) =	sbr.rel @p6 .LBB2_25-.Ltmp17, $4  }
0x1b4: {  	p1 =	slt.s32 s3, s14;
	[sflag:s28] =	ssyncset.done $0x0  }
0x1b5: {  	s21 =	simm.s32 @!p0 $0x3;
	s9 =	smov.u32 s14;
	[sflag:s28] =	ssyncadd.s32 $0xFFFFC000  }
0x1b6: {  	s16 =	simm.s32 @!p0 $0x4100;
	s9 =	smov.u32 @p1 s3;
	_ =	swait.ge [sflag:s31], $0x4000  }
0x1b7: {  	s17 =	simm.s32 @!p0 $0x80;
	s20 =	sadd.s32 s13, s9;
	[sflag:s31] =	ssyncset.done $0x0  }
.LBB2_26:
0x1b8: {  	[sflag:s31] =	ssyncadd.s32 @p5 $0xFFFFC000;
	p0 =	por p0, !p5  }
0x1b9: {  	[spmem:s1] =	stream.indirect.scatter.add.f32 @!p0 [tilespmem:s16], [sflag:$0x3], $0x80, s17, s17, $0xb8;
	[tilespmem:$0x1BD80] =	vst v63  }
0x1ba: {  	_ =	swait.ge @!p0 [sflag:s21], $0x4000  }
0x1bb: {  	s9 =	sshll.u32 s20, $0xB;
	[sflag:s21] =	ssyncset.done @!p0 $0x0  }
0x1bc: {  	s9 =	sand.u32 $0x1FFFF800, s9;
	[sflag:s21] =	ssyncadd.s32 @!p0 $0xFFFFC000  }
0x1bd: {  	[tilespmem:s25], [sflag:$0x1] =	stream.linear.gather [hbm4b:s18+s2], $0x4000, $0x38;
	[tilespmem:$0x1BD80] =	vst v63  }
0x1be: {  	s9 =	sadd.s32 s7, s9  }
0x1bf: {  	[tilespmem:s26], [sflag:$0x2] =	stream.linear.gather [hbm4b:s9+s2], $0x4000, $0x38;
	[tilespmem:$0x1BD80] =	vst v63  }
0x1c0: {  	s22 =	sshll.u32 s20, $0x7  }
0x1c1: {  	[tilespmem:s2], [sflag:$0x4] =	stream.linear.gather [hbm4b:s19+s2], $0x80, $0x38;
	[tilespmem:$0x1BD80] =	vst v63  }
0x1c2: {  	s9 =	sadd.s32 $0x27100, s22;
	_ =	swait.ge [sflag:s28], $0x80  }
0x1c3: {  	s9 =	sshrl.u32 s9, $0x3;
	[sflag:s28] =	ssyncset.done $0x0  }
0x1c4: {  	s9 =	sadd.s32 s8, s9;
	[sflag:s28] =	ssyncadd.s32 $0xFFFFFF80  }
0x1c5: {  	[tilespmem:s29], [sflag:$0x4] =	stream.linear.gather [hbm4b:s9+s2], $0x80, $0x38;
	[tilespmem:$0x1BD80] =	vst v63  }
0x1c6: {  	_ =	swait.ge [sflag:s28], $0x80  }
0x1c7: {  	[sflag:s28] =	ssyncset.done $0x0  }
0x1c8: {  	[sflag:s28] =	ssyncadd.s32 $0xFFFFFF80  }
0x1c9: {  	_ =	swait.ge [sflag:s30], $0x4000  }
0x1ca: {  	[sflag:s30] =	ssyncset.done $0x0  }
0x1cb: {  	[sflag:s30] =	ssyncadd.s32 $0xFFFFC000  }
0x1cc: {  	[spmem:s1] =	stream.indirect.scatter.add.f32 [tilespmem:s25], [sflag:$0x4], $0x80, s2, s29, $0xb8;
	[tilespmem:$0x1BD80] =	vst v63  }
0x1cd: {  	_ =	swait.ge [sflag:s28], $0x4000  }
0x1ce: {  	[sflag:s28] =	ssyncset.done $0x0  }
0x1cf: {  	[sflag:s28] =	ssyncadd.s32 $0xFFFFC000  }
0x1d0: {  	p0 =	sge.u32 s3, s11;
	_ =	swait.ge [sflag:s31], $0x4000  }
0x1d1: {  	s3 =	simm.s32 @!p0 $0x3;
	[sflag:s31] =	ssyncset.done $0x0  }
0x1d2: {  	s15 =	simm.s32 @!p0 $0x80;
	s9 =	simm.s32 @!p0 $0x4100;
	[sflag:s31] =	ssyncadd.s32 $0xFFFFC000  }
0x1d3: {  	[spmem:s1] =	stream.indirect.scatter.add.f32 @!p0 [tilespmem:s9], [sflag:$0x3], $0x80, s15, s15, $0xb8;
	[tilespmem:$0x1BD80] =	vst v63  }
0x1d4: {  	_ =	swait.ge @!p0 [sflag:s3], $0x4000  }
0x1d5: {  	[sflag:s3] =	ssyncset.done @!p0 $0x0  }
0x1d6: {  	[sflag:s3] =	ssyncadd.s32 @!p0 $0xFFFFC000  }
.LBB2_27:
0x1d7: {  	[bflag:$0x0] =	sbarrier.arrive $0xFFFF  }
0x1d8: {  	[tilespmem:s23], [sflag:$0x3] =	stream.linear.gather [spmem:s10], $0x400, $0x38;
	[tilespmem:$0x1BD80] =	vst v63  }
0x1d9: {  	_ =	swait.ge [sflag:s24], $0x400  }
0x1da: {  	[sflag:s24] =	ssyncset.done $0x0  }
.Ltmp18:
0x1db: {  	s15 =	rddreg [dreg:$0xb];
	[sflag:s24] =	ssyncadd.s32 $0xFFFFFC00;
	(pc) =	sbr.rel @!p4 .LBB2_29-.Ltmp18, $4  }
0x1dc: {  	[hbm4b:s15+s2] =	stream.linear.scatter [tilespmem:s23], [sflag:$0x3], $0x400, $0x38;
	[tilespmem:$0x1BD80] =	vst v63  }
0x1dd: {  	_ =	swait.ge [sflag:s24], $0x400  }
0x1de: {  	s3 =	rddreg [dreg:$0x3]  }
0x1df: {  	s16 =	smov.u32 s10;
	[sflag:s24] =	ssyncset.done $0x0;
	s3 =	sadd.s32 $0xFFFFFFFF, s3  }
.LBB2_28:
0x1e0: {  	[sflag:s24] =	ssyncadd.s32 $0xFFFFFC00;
	s15 =	sadd.s32 $0x80, s15;
	s16 =	sadd.s32 $0x400, s16  }
0x1e1: {  	[tilespmem:s23], [sflag:$0x3] =	stream.linear.gather [spmem:s16], $0x400, $0x38;
	[tilespmem:$0x1BD80] =	vst v63  }
0x1e2: {  	p0 =	sne.s32 s3, $0x1;
	s3 =	sadd.s32 $0xFFFFFFFF, s3;
	_ =	swait.ge [sflag:s24], $0x400  }
.Ltmp19:
0x1e3: {  	[sflag:s24] =	ssyncset.done $0x0;
	(pc) =	sbr.rel @p0 .LBB2_28-.Ltmp19, $4  }
0x1e4: {  	[sflag:s24] =	ssyncadd.s32 $0xFFFFFC00  }
0x1e5: {  	[hbm4b:s15+s2] =	stream.linear.scatter [tilespmem:s23], [sflag:$0x3], $0x400, $0x38;
	[tilespmem:$0x1BD80] =	vst v63  }
0x1e6: {  	_ =	swait.ge [sflag:s24], $0x400  }
0x1e7: {  	[sflag:s24] =	ssyncset.done $0x0  }
.LBB2_29:
0x1e8: {  	s0 =	sadd.s32 $0x1, s0;
	s3 =	rddreg [dreg:$0x4]  }
0x1e9: {  	p0 =	sne.s32 s0, s3  }
.Ltmp20:
0x1ea: {  	_ = 	snop;
	(pc) =	sbr.rel @p0 .LBB2_1-.Ltmp20, $4  }
.Ltmp21:
0x1eb: {  	_ = 	snop;
	(pc) =	sbr.rel @!p0 .LBB2_30-.Ltmp21, $4  }
0x1ec: {  	_ = 	snop  }
0x1ed: {  	_ = 	snop  }
0x1ee: {  	[sflag:s24] =	ssyncadd.s32 $0xFFFFFC00  }
0x1ef: {  	_ = 	snop  }
.LBB2_5:
.Ltmp22:
0x1f0: {  	(pc) =	sbr.rel .LBB2_8-.Ltmp22, $3  }
0x1f1: {  	_ =	sdelay $0x1  }
0x1f2: {  	s18 =	rddreg [dreg:$0x6]  }
0x1f3: {  	s19 =	rddreg [dreg:$0x5]  }
.LBB2_11:
.Ltmp23:
0x1f4: {  	(pc) =	sbr.rel .LBB2_14-.Ltmp23, $3  }
0x1f5: {  	_ =	sdelay $0x1  }
0x1f6: {  	s19 =	rddreg [dreg:$0x8]  }
0x1f7: {  	s18 =	rddreg [dreg:$0x7]  }
.LBB2_17:
.Ltmp24:
0x1f8: {  	(pc) =	sbr.rel .LBB2_20-.Ltmp24, $3  }
0x1f9: {  	_ =	sdelay $0x1  }
0x1fa: {  	s18 =	rddreg [dreg:$0x9]  }
0x1fb: {  	s19 =	rddreg [dreg:$0x5]  }
.LBB2_23:
.Ltmp25:
0x1fc: {  	(pc) =	sbr.rel .LBB2_26-.Ltmp25, $3  }
0x1fd: {  	_ =	sdelay $0x1  }
0x1fe: {  	s18 =	rddreg [dreg:$0xa]  }
0x1ff: {  	s19 =	rddreg [dreg:$0x7]  }
.LBB2_30:
0x200: {  	_ =	sfence.sel $0x180000  }
0x201: {  	[bflag:$0x0] =	sbarrier.arrive $0xFFFF  }
0x202: {  	_ =	strace $0x9000004D  }
0x203: {  	s0 =	stileid.u32;
	[bflag:$0x2] =	sbarrier.arrive $0xFFFF  }
0x204: {  	p0 =	sne.s32 s0, $0x0;
	s0 =	rddreg [dreg:$0x2]  }
0x205: {  	s0 =	sadd.s32 @!p0 $0x100000, s0  }
0x206: {  	[sflag:s0] =	ssyncadd.tile.s32 @!p0 $0x1;
	_ =	shalt  }
.Lfunc_end2:
_tile_overlayer_lowered:
.L_overlay_start_2:
0x207: {  	(tag) =	ssettag $0x2  }
0x208: {  	s0 =	rddreg [dreg:$0x0];
	s2 =	stileid.u32  }
0x209: {  	s1 =	rddreg [dreg:$0x1];
	p0 =	sne.s32 s2, $0x0  }
0x20a: {  	s3 =	rddreg [dreg:$0x2];
	[bflag:$0x3] =	sbarrier.arrive $0xFFFF;
	s2 =	simm.s32 @!p0 $0x1C03  }
0x20b: {  	[timem:s3], [sflag:s2] =	dma.local @!p0 [hbm:s0], s1  }
0x20c: {  	s0 =	simm.s32 @!p0 $0x3  }
0x20d: {  	_ =	swait.ge @!p0 [sflag:s0], s1  }
0x20e: {  	s1 =	ssub.s32 @!p0 $0x0, s1;
	[sflag:s0] =	ssyncset.done @!p0 $0x0  }
0x20f: {  	[sflag:s0] =	ssyncadd.s32 @!p0 s1  }
0x210: {  	[bflag:$0x3] =	sbarrier.arrive $0xFFFF  }
0x211: {  	_ =	shalt  }

// kernel: kernel.9.cloned.1.call-start
scs
__scs_entry_jumppad:
0x0: {  	(pc) =	sbr.rel $0x88, $3  }
0x1: {  	(tag) =	ssettag $0x0;
	lr =	simm.s32 $0x1  }
0x2: {  	[smem:$0x3F53] =	sst lr;
	_ =	strace $0xD0000000  }
0x3: {  	_ = 	snop  }
0x4: {  	_ = 	snop  }
0x5: {  	_ = 	snop  }
0x6: {  	_ = 	snop  }
0x7: {  	_ = 	snop  }
__scs_overlays_trampoline_lowered:
0x8: {  	[smem:$0x3F62] =	sst s0  }
0x9: {  	[smem:$0x3F63] =	sst s1  }
0xa: {  	[smem:$0x3F64] =	sst s2  }
0xb: {  	[smem:$0x3F65] =	sst s3  }
0xc: {  	[smem:$0x3F66] =	sst s4  }
0xd: {  	[smem:$0x3F67] =	sst s5  }
0xe: {  	[smem:$0x3F68] =	sst s6  }
0xf: {  	[smem:$0x3F69] =	sst s7  }
0x10: {  	[smem:$0x3F6A] =	sst s8  }
0x11: {  	[smem:$0x3F6B] =	sst s9;
	s0 =	simm.s32 @!p0 $0x0  }
0x12: {  	s1 =	sld [smem:$0x3F51];
	s0 =	simm.s32 @p0 $0x1  }
0x13: {  	[smem:$0x3F6C] =	sst s0;
	s0 =	simm.s32 @!p1 $0x0  }
0x14: {  	s2 =	sld [smem:$0x3F50];
	s0 =	simm.s32 @p1 $0x1  }
0x15: {  	[smem:$0x3F6D] =	sst s0;
	s0 =	simm.s32 @!p2 $0x0  }
0x16: {  	s3 =	sld [smem:$0x3FDB];
	s0 =	simm.s32 @p2 $0x1  }
0x17: {  	s4 =	simm.s32 $0x1BF5;
	[smem:$0x3F6F] =	sst s0  }
0x18: {  	s0 =	sld [smem:$0x3F52];
	_ =	swait.ge [sflag:s4], $0x0  }
0x19: {  	s7 =	sld [smem:$0x3F53]  }
0x1a: {  	s8 =	sadd.s32 $0xFFFFE003, lr  }
0x1b: {  	s9 =	sadd.s32 $0xFFFFFEF7, lr;
	s5 =	simm.s32 $0xFFFFFFFF;
	p2 =	slt.u32 s8, $0xFFFFF086  }
0x1c: {  	p1 =	slt.u32 s9, $0xF7A;
	s5 =	simm.s32 @!p2 $0x0  }
0x1d: {  	s5 =	simm.s32 @p1 $0x1;
	p0 =	seq.s32 s7, s2  }
0x1e: {  	s7 =	smul.u32 @!p0 $0xF7A, s2;
	p2 =	seq.s32 @!p0 s5, $0x0  }
0x1f: {  	s9 =	smul.u32 $0xF7A, s1;
	s8 =	simm.s32 @!p0 $0x1BF5;
	p2 =	por !p2, p0  }
0x20: {  	[sflag:s8] =	ssyncset.s32 @!p0 $0xFFFFF086;
	s6 =	sadd.s32 @!p0 s3, s7;
	s7 =	simm.s32 @!p0 $0x108  }
0x21: {  	s3 =	sadd.s32 s3, s9;
	s6 =	sadd.s32 @!p0 $0x88, s6;
	s7 =	simm.s32 @p2 $0x1082  }
0x22: {  	[simem:s7], [sflag:s8] =	dma.local @!p0 [hbm:s6], $0xF7A  }
0x23: {  	s9 =	sor.u32 $0xD0000000, s2;
	s6 =	simm.s32 $0x108;
	_ =	swait.ge @!p0 [sflag:s8], $0x0  }
0x24: {  	s3 =	sadd.s32 $0x88, s3;
	s6 =	simm.s32 @!p1 $0x1082;
	[sflag:s4] =	ssyncset.s32 $0xFFFFF086  }
0x25: {  	[simem:s6], [sflag:s4] =	dma.local [hbm:s3], $0xF7A  }
0x26: {  	[smem:$0x3F53] =	sst s1;
	(tag) =	ssettag s2;
	_ =	strace s9  }
0x27: {  	s1 =	sld [smem:$0x3F63]  }
0x28: {  	s2 =	sld [smem:$0x3F64]  }
0x29: {  	s4 =	sld [smem:$0x3F66]  }
0x2a: {  	p0 =	seq.s32 s5, $0x0;
	s5 =	sld [smem:$0x3F67]  }
0x2b: {  	s6 =	sld [smem:$0x3F68]  }
0x2c: {  	s7 =	sld [smem:$0x3F69]  }
0x2d: {  	s3 =	simm.s32 $0x108;
	s8 =	sld [smem:$0x3F6A]  }
0x2e: {  	s3 =	simm.s32 @!p0 $0x1082;
	s9 =	sld [smem:$0x3F6B]  }
0x2f: {  	lr =	sadd.s32 s0, s3;
	s0 =	sld [smem:$0x3F62]  }
0x30: {  	s3 =	sld [smem:$0x3F65]  }
0x31: {  	[smem:$0x3F6E] =	sst s10  }
0x32: {  	s10 =	sld [smem:$0x3F6C];
	_ =	sdelay $0x3  }
0x33: {  	p0 =	seq.s32 s10, $0x1;
	s10 =	sld [smem:$0x3F6E];
	_ =	sdelay $0x3  }
0x34: {  	[smem:$0x3F6E] =	sst s10  }
0x35: {  	s10 =	sld [smem:$0x3F6D];
	_ =	sdelay $0x3  }
0x36: {  	p1 =	seq.s32 s10, $0x1;
	s10 =	sld [smem:$0x3F6E];
	_ =	sdelay $0x3  }
0x37: {  	[smem:$0x3F6E] =	sst s10  }
0x38: {  	s10 =	sld [smem:$0x3F6F]  }
0x39: {  	_ = 	snop;
	(pc) =	sbr.ind lr, $3  }
0x3a: {  	_ = 	snop  }
0x3b: {  	_ = 	snop  }
0x3c: {  	p2 =	seq.s32 s10, $0x1;
	s10 =	sld [smem:$0x3F6E]  }
0x3d: {  	_ =	shalt  }
0x3e: {  	_ =	shalt  }
0x3f: {  	_ =	shalt  }
0x40: {  	_ =	shalt  }
0x41: {  	_ =	shalt  }
0x42: {  	_ =	shalt  }
0x43: {  	_ =	shalt  }
0x44: {  	_ =	shalt  }
0x45: {  	_ =	shalt  }
0x46: {  	_ =	shalt  }
0x47: {  	_ =	shalt  }
0x48: {  	_ =	shalt  }
0x49: {  	_ =	shalt  }
0x4a: {  	_ =	shalt  }
0x4b: {  	_ =	shalt  }
0x4c: {  	_ =	shalt  }
0x4d: {  	_ =	shalt  }
0x4e: {  	_ =	shalt  }
0x4f: {  	_ =	shalt  }
0x50: {  	_ =	shalt  }
0x51: {  	_ =	shalt  }
0x52: {  	_ =	shalt  }
0x53: {  	_ =	shalt  }
0x54: {  	_ =	shalt  }
0x55: {  	_ =	shalt  }
0x56: {  	_ =	shalt  }
0x57: {  	_ =	shalt  }
0x58: {  	_ =	shalt  }
0x59: {  	_ =	shalt  }
0x5a: {  	_ =	shalt  }
0x5b: {  	_ =	shalt  }
0x5c: {  	_ =	shalt  }
0x5d: {  	_ =	shalt  }
0x5e: {  	_ =	shalt  }
0x5f: {  	_ =	shalt  }
0x60: {  	_ =	shalt  }
0x61: {  	_ =	shalt  }
0x62: {  	_ =	shalt  }
0x63: {  	_ =	shalt  }
0x64: {  	_ =	shalt  }
0x65: {  	_ =	shalt  }
0x66: {  	_ =	shalt  }
0x67: {  	_ =	shalt  }
0x68: {  	_ =	shalt  }
0x69: {  	_ =	shalt  }
0x6a: {  	_ =	shalt  }
0x6b: {  	_ =	shalt  }
0x6c: {  	_ =	shalt  }
0x6d: {  	_ =	shalt  }
0x6e: {  	_ =	shalt  }
0x6f: {  	_ =	shalt  }
0x70: {  	_ =	shalt  }
0x71: {  	_ =	shalt  }
0x72: {  	_ =	shalt  }
0x73: {  	_ =	shalt  }
0x74: {  	_ =	shalt  }
0x75: {  	_ =	shalt  }
0x76: {  	_ =	shalt  }
0x77: {  	_ =	shalt  }
0x78: {  	_ =	shalt  }
0x79: {  	_ =	shalt  }
0x7a: {  	_ =	shalt  }
0x7b: {  	_ =	shalt  }
0x7c: {  	_ =	shalt  }
0x7d: {  	_ =	shalt  }
0x7e: {  	_ =	shalt  }
0x7f: {  	_ =	shalt  }
0x80: {  	_ =	shalt  }
0x81: {  	_ =	shalt  }
0x82: {  	_ =	shalt  }
0x83: {  	_ =	shalt  }
0x84: {  	_ =	shalt  }
0x85: {  	_ =	shalt  }
0x86: {  	_ =	shalt  }
0x87: {  	_ =	shalt  }
.Lfunc_end0:
.L_simem_size_0:
called_computation_lowered:
.L_overlay_start_0:
0x88: {  	s2 =	sld [smem:$0x3FD9]  }
0x89: {  	s3 =	sld [smem:$0x3FFE];
	_ =	sdelay $0x1  }
0x8a: {  	s1 =	srdreg.scid  }
0x8b: {  	s0 =	sand.u32 $0x1, s1  }
0x8c: {  	s17 =	sshll.u32 s0, $0xA;
	s2 =	sadd.s32 s3, s2  }
0x8d: {  	s2 =	sadd.s32 s2, s17  }
0x8e: {  	[smem:$0x3F7A] =	sst s2  }
0x8f: {  	_ = 	snop  }
0x90: {  	(tm) =	ssettm $0x1  }
0x91: {  	s18 =	sld [smem:$0x3FFB];
	_ =	sdelay $0x3  }
0x92: {  	_ =	strace s18  }
0x93: {  	s2 =	sld [smem:$0x3FFC];
	_ =	sdelay $0x3  }
0x94: {  	_ =	strace s2  }
0x95: {  	s2 =	sld [smem:$0x3FFD];
	_ =	sdelay $0x3  }
0x96: {  	_ =	strace s2  }
0x97: {  	_ =	strace $0x8FFFFFFF  }
0x98: {  	s19 =	sld [smem:$0x3FDB];
	_ =	sdelay $0x1  }
0x99: {  	s20 =	simm.s32 $_scs_section_size  }
0x9a: {  	s4 =	simm.s32 $_size__tile_overlayer_lowered;
	s5 =	simm.s32 $_tile_overlayer_lowered  }
0x9b: {  	s6 =	simm.s32 $0x1BFF;
	s21 =	sshll.u32 s5, $0x1;
	s3 =	sadd.s32 s20, s19  }
0x9c: {  	s22 =	simm.s32 $0x0;
	s4 =	sshll.u32 s4, $0x1;
	s5 =	sadd.s32 s21, s3  }
0x9d: {  	[timem:s22], [sflag:s6] =	dma.local [hbm:s5], s4  }
0x9e: {  	_ =	swait.ge [sflag:s6], s4  }
0x9f: {  	s4 =	ssub.s32 $0x0, s4;
	[sflag:s6] =	ssyncset.done $0x0  }
0xa0: {  	[sflag:s6] =	ssyncadd.s32 s4;
	_ =	sdelay $0x1  }
0xa1: {  	s23 =	simm.s32 $0x1B8B  }
0xa2: {  	_ =	swait.ge [sflag:s23], $0x1  }
0xa3: {  	[sflag:s23] =	ssyncset.done $0x0  }
0xa4: {  	[sflag:s23] =	ssyncadd.s32 $0xFFFFFFFF  }
0xa5: {  	s4 =	sld [smem:$0x0]  }
0xa6: {  	s5 =	sand.u32 $0xFFFFFFFE, s1  }
0xa7: {  	p0 =	sne.s32 s1, s5  }
0xa8: {  	s5 =	sshll.u32 @p0 s5, $0xE  }
0xa9: {  	s5 =	sadd.s32 @p0 $0x11B8D, s5;
	s6 =	sshll.u32 @p0 s4, $0x11  }
0xaa: {  	s5 =	sor.u32 @p0 s6, s5  }
0xab: {  	[sflag:s5] =	ssyncadd.remote.s32 @p0 $0x1;
	_ =	sdelay $0x1  }
0xac: {  	s5 =	simm.s32 @p0 $0x1B8D  }
0xad: {  	_ =	swait.eq @p0 [sflag:s5], $0x1  }
0xae: {  	[sflag:s5] =	ssyncadd.s32 @p0 $0xFFFFFFFF  }
0xaf: {  	s6 =	sshll.u32 @!p0 s1, $0xE  }
0xb0: {  	s6 =	sor.u32 @!p0 $0x4000, s6;
	s5 =	simm.s32 @!p0 $0x1B8D  }
0xb1: {  	s4 =	sshll.u32 @!p0 s4, $0x11;
	s6 =	sadd.s32 @!p0 $0x11B8D, s6;
	_ =	swait.eq @!p0 [sflag:s5], $0x1  }
0xb2: {  	s4 =	sor.u32 @!p0 s4, s6;
	[sflag:s5] =	ssyncadd.s32 @!p0 $0xFFFFFFFF  }
0xb3: {  	s25 =	simm.s32 $0x1B8E;
	s24 =	sld [smem:$0x3FFE];
	[sflag:s4] =	ssyncadd.remote.s32 @!p0 $0x1  }
0xb4: {  	s26 =	simm.s32 $execute0_lowered;
	[smem:$0x3FD2] =	sst s25  }
0xb5: {  	s5 =	sshll.u32 s26, $0x1;
	_ =	strace $0x80000049;
	[dreg:$0x1] =	wrdreg $0xFFFFFFFF  }
0xb6: {  	s28 =	simm.s32 $_size_execute0_lowered;
	s3 =	sadd.s32 s3, s5;
	[dreg:$0x0] =	wrdreg $0x0  }
0xb7: {  	s5 =	sshll.u32 s28, $0x1;
	[dreg:$0x2] =	wrdreg s3  }
0xb8: {  	[dreg:$0x3] =	wrdreg s5  }
0xb9: {  	[dreg:$0x4] =	wrdreg $0xC0  }
0xba: {  	_ =	task [dreg:s22], $0x5FFFF  }
0xbb: {  	[dreg:$0x1] =	wrdreg $0xFFFFFFFF  }
0xbc: {  	[dreg:$0x0] =	wrdreg $0x60  }
0xbd: {  	[dreg:$0x2] =	wrdreg s24  }
0xbe: {  	[dreg:$0x3] =	wrdreg $0x9  }
0xbf: {  	_ =	task.clear_ibuf [dreg:s22], $0x4FFFF;
	_ =	strace $0x90000049  }
0xc0: {  	s29 =	simm.s32 $0x9;
	_ =	strace $0x8000004B  }
0xc1: {  	_ =	swait.ge [sflag:s29], $0x1  }
0xc2: {  	[sflag:s29] =	ssyncadd.s32 $0xFFFFFFFF  }
0xc3: {  	_ =	strace $0x9000004B  }
0xc4: {  	_ =	sfence  }
0xc5: {  	s30 =	sld [smem:$0x0];
	_ =	sdelay $0x2  }
0xc6: {  	s31 =	sshll.u32 s1, $0xD;
	s1 =	sshrl.u32 s1, $0x2  }
0xc7: {  	s4 =	sand.u32 $0x4000, s31;
	s1 =	sadd.s32 s1, s30  }
0xc8: {  	s0 =	sor.u32 s4, s0;
	s1 =	sshll.u32 s1, $0x11  }
0xc9: {  	s0 =	sor.u32 s1, s0  }
0xca: {  	s0 =	sadd.s32 $0x8F2B, s0  }
0xcb: {  	[sflag:s0] =	ssyncadd.remote.s32 $0x1  }
0xcc: {  	_ =	sfence.sel $0xFFFF  }
0xcd: {  	[dreg:$0x0] =	wrdreg $0xFFFFFFFF;
	(pc) =	sbr.abs _section_cstart, $3  }
0xce: {  	[dreg:$0x1] =	wrdreg $0xFFFFFFFF  }
0xcf: {  	_ =	task.clear_ibuf [dreg:s22], $0x2FFFF;
	_ =	strace $0x9FFFFFFF  }
0xd0: {  	(tm) =	ssettm $0x7FFFFFFF  }
0xd1: {  	_ =	shalt  }
tec
execute0_lowered:
.L_overlay_start_1:
0x0: {  	(tag) =	ssettag $0x1  }
0x1: {  	s0 =	srdreg.scid;
	s10 =	stileid.u32  }
0x2: {  	s5 =	rddreg [dreg:$0x0];
	s2 =	simm.s32 $0x0;
	s12 =	simm.s32 $0x2800  }
0x3: {  	s13 =	simm.s32 $0x3000;
	s14 =	simm.s32 $0x3800;
	s19 =	simm.s32 $0x8000  }
0x4: {  	s15 =	simm.s32 $0x4000;
	s20 =	simm.s32 $0x8800;
	s21 =	simm.s32 $0x9000  }
0x5: {  	s22 =	simm.s32 $0x9800;
	s23 =	simm.s32 $0xA800;
	s24 =	simm.s32 $0xB000  }
0x6: {  	s25 =	simm.s32 $0xB800;
	s26 =	simm.s32 $0xC000;
	s28 =	simm.s32 $0x4  }
0x7: {  	s29 =	simm.s32 $0x5;
	s30 =	simm.s32 $0x6;
	[smem:$0x7FF] =	sst s2  }
0x8: {  	s31 =	simm.s32 $0x7;
	_ =	strace $0x8000004A;
	[dreg:$0x4] =	wrdreg s19  }
0x9: {  	s0 =	sand.u32 $0x1, s0;
	s1 =	sshll.u32 s10, $0x1;
	[dreg:$0x5] =	wrdreg s20  }
0xa: {  	s4 =	sadd.s32 $0x1A800, s5;
	s7 =	sadd.s32 $0xAABE00, s5;
	[dreg:$0x6] =	wrdreg s21  }
0xb: {  	s10 =	smul.u32 $0x4E200, s10;
	s1 =	sor.u32 s0, s1;
	[dreg:$0x7] =	wrdreg s22  }
0xc: {  	s8 =	ssub.s32 $0x2, s0;
	s0 =	smul.u32 $0x27100, s0;
	[dreg:$0x8] =	wrdreg s23  }
0xd: {  	s19 =	simm.s32 $0x6000;
	s20 =	simm.s32 $0x6800;
	[dreg:$0x9] =	wrdreg s24  }
0xe: {  	s21 =	simm.s32 $0x7000;
	[dreg:$0xa] =	wrdreg s25;
	s22 =	simm.s32 $0x7800  }
0xf: {  	s23 =	simm.s32 $0xA000;
	[dreg:$0xb] =	wrdreg s26;
	s24 =	simm.s32 $0x1  }
0x10: {  	s25 =	simm.s32 $0x2;
	s26 =	simm.s32 $0x3;
	s3 =	smul.u32 $0x1388, s1  }
0x11: {  	s1 =	smul.u32 $0x138800, s1;
	s9 =	sshrl.u32 s8, $0x1;
	s17 =	sadd.s32 s10, s7  }
0x12: {  	s9 =	ssub.s32 s8, s9;
	s6 =	sshrl.u32 s3, $0x3;
	s3 =	sadd.s32 $0x68A00, s5  }
0x13: {  	s1 =	sshrl.u32 s1, $0x3;
	s6 =	sadd.s32 s6, s5;
	s5 =	sadd.s32 $0xF8DE00, s5  }
0x14: {  	s9 =	smax.u32 s9, $0x1;
	s1 =	sadd.s32 $0x26C00, s1;
	s16 =	sadd.s32 $0xAA6E00, s6  }
0x15: {  	s6 =	sadd.s32 $0xAA1E00, s6;
	s18 =	sadd.s32 s10, s5;
	[dreg:$0xc] =	wrdreg s16  }
0x16: {  	s7 =	sadd.s32 s7, s1;
	s1 =	sadd.s32 s5, s1;
	[dreg:$0xd] =	wrdreg s6  }
0x17: {  	s10 =	simm.s32 $0x9;
	s6 =	sadd.s32 s0, s17;
	[dreg:$0xe] =	wrdreg s7  }
0x18: {  	v2 =	vlaneseq.u32;
	s0 =	sadd.s32 s0, s18;
	[dreg:$0xf] =	wrdreg s1;
	s16 =	simm.s32 $0x4800  }
0x19: {  	vm0 =	vmmov $0xffff;
	v1 =	vshrl.u32 v2, $0x3;
	s17 =	simm.s32 $0x5000;
	s18 =	simm.s32 $0x5800;
	[dreg:$0x2] =	wrdreg s6  }
0x1a: {  	v0 =	vand.u32 $0x7, v2;
	v2 =	vor.u32 $0x8, v2;
	v1 =	vmul.u32 $0x8, v1;
	s1 =	simm.s32 $0x8;
	[dreg:$0x3] =	wrdreg s0;
	s0 =	simm.s32 $0x0  }
.LBB2_1:
0x1b: {  	s5 =	rddreg [dreg:$0xc]  }
0x1c: {  	[tilespmem:s2], [sflag:$0x9] =	stream.linear.gather [hbm4b:s5+s2], $0x1388, $0x38;
	[tilespmem:$0xC800] =	vst v63  }
0x1d: {  	_ =	swait.ge [sflag:s10], $0x1388  }
0x1e: {  	[sflag:s10] =	ssyncset.done $0x0  }
0x1f: {  	s6 =	simm.s32 $0x1400;
	s11 =	rddreg [dreg:$0xd];
	[sflag:s10] =	ssyncadd.s32 $0xFFFFEC78  }
0x20: {  	[tilespmem:s6], [sflag:$0x9] =	stream.linear.gather [hbm4b:s11+s2], $0x1388, $0x38;
	[tilespmem:$0xC800] =	vst v63  }
0x21: {  	_ =	swait.ge [sflag:s10], $0x1388  }
0x22: {  	s5 =	simm.s32 $0x1428;
	[sflag:s10] =	ssyncset.done $0x0  }
0x23: {  	s11 =	simm.s32 $0x28;
	s6 =	simm.s32 $0x0;
	[sflag:s10] =	ssyncadd.s32 $0xFFFFEC78  }
.LBB2_2:
0x24: {  	p0 =	seq.s32 s6, $0x0  }
0x25: {  	s7 =	simm.s32 @!p0 $0x5  }
0x26: {  	_ =	swait.ge @!p0 [sflag:s7], $0x2800  }
0x27: {  	[sflag:s7] =	ssyncset.done @!p0 $0x0  }
0x28: {  	[sflag:s7] =	ssyncadd.s32 @!p0 $0xFFFFD800;
	s7 =	simm.s32 @!p0 $0x6  }
0x29: {  	_ =	swait.ge @!p0 [sflag:s7], $0x2800  }
0x2a: {  	[sflag:s7] =	ssyncset.done @!p0 $0x0  }
0x2b: {  	[sflag:s7] =	ssyncadd.s32 @!p0 $0xFFFFD800;
	s7 =	simm.s32 @!p0 $0x7  }
0x2c: {  	_ =	swait.ge @!p0 [sflag:s7], $0x2800  }
0x2d: {  	[sflag:s7] =	ssyncset.done @!p0 $0x0  }
0x2e: {  	[sflag:s7] =	ssyncadd.s32 @!p0 $0xFFFFD800;
	s7 =	simm.s32 @!p0 $0x8  }
0x2f: {  	_ =	swait.ge @!p0 [sflag:s7], $0x2800  }
0x30: {  	[sflag:s7] =	ssyncset.done @!p0 $0x0  }
0x31: {  	[sflag:s7] =	ssyncadd.s32 @!p0 $0xFFFFD800  }
0x32: {  	v3 =	vld [tilespmem:s11+$0xFFFFFFD8];
	_ =	sdelay $0x4  }
0x33: {  	v4 =	vshll.u32 v3, $0x1  }
0x34: {  	v3 =	vand.u32 $0x7, v3;
	v4 =	vand.u32 $0xFFFFFFF0, v4  }
0x35: {  	v3 =	vor.u32 v3, v4  }
0x36: {  	v4 =	vperm.xlane v3, v0;
	_ =	sdelay $0x1  }
0x37: {  	v3 =	vperm.xlane v3, v2;
	v4 =	vadd.s32 v1, v4;
	_ =	sdelay $0x1  }
0x38: {  	v3 =	vadd.s32 v1, v3;
	_ =	sdelay $0x2  }
0x39: {  	[tilespmem:s12], [sflag:$0x1] =	stream.indirect_vreg.gather [hbm4b:s3+s2], $0x80, v4, vm0, $0xb8;
	[tilespmem:$0xC800] =	vst v63  }
0x3a: {  	_ = 	snop  }
0x3b: {  	[tilespmem:s13], [sflag:$0x1] =	stream.indirect_vreg.gather [hbm4b:s3+s2], $0x80, v3, vm0, $0xb8;
	[tilespmem:$0xC800] =	vst v63  }
0x3c: {  	v3 =	vld [tilespmem:s11+$0xFFFFFFE8];
	_ =	sdelay $0x4  }
0x3d: {  	v53 =	vshll.u32 v3, $0x1  }
0x3e: {  	v3 =	vand.u32 $0x7, v3;
	v4 =	vand.u32 $0xFFFFFFF0, v53  }
0x3f: {  	v3 =	vor.u32 v3, v4  }
0x40: {  	v4 =	vperm.xlane v3, v0;
	_ =	sdelay $0x1  }
0x41: {  	v3 =	vperm.xlane v3, v2;
	v4 =	vadd.s32 v1, v4;
	_ =	sdelay $0x1  }
0x42: {  	v3 =	vadd.s32 v1, v3;
	_ =	sdelay $0x2  }
0x43: {  	[tilespmem:s14], [sflag:$0x1] =	stream.indirect_vreg.gather [hbm4b:s3+s2], $0x80, v4, vm0, $0xb8;
	[tilespmem:$0xC800] =	vst v63  }
0x44: {  	_ = 	snop  }
0x45: {  	[tilespmem:s15], [sflag:$0x1] =	stream.indirect_vreg.gather [hbm4b:s3+s2], $0x80, v3, vm0, $0xb8;
	[tilespmem:$0xC800] =	vst v63  }
0x46: {  	v3 =	vld.msk [tilespmem:s11+$0xFFFFFFF8], $0xff;
	_ =	sdelay $0x4  }
0x47: {  	v54 =	vshll.u32 v3, $0x1  }
0x48: {  	v3 =	vand.u32 $0x7, v3;
	v4 =	vand.u32 $0xFFFFFFF0, v54  }
0x49: {  	v3 =	vor.u32 v3, v4  }
0x4a: {  	v3 =	vperm.xlane v3, v0;
	_ =	sdelay $0x1  }
0x4b: {  	v3 =	vadd.s32 v1, v3;
	_ =	sdelay $0x4  }
0x4c: {  	[tilespmem:s16], [sflag:$0x1] =	stream.indirect_vreg.gather [hbm4b:s3+s2], $0x80, v3, vm0, $0xb8;
	[tilespmem:$0xC800] =	vst v63  }
0x4d: {  	v3 =	vld [tilespmem:s5+$0xFFFFFFD8];
	_ =	sdelay $0x4  }
0x4e: {  	v55 =	vshll.u32 v3, $0x1  }
0x4f: {  	v3 =	vand.u32 $0x7, v3;
	v4 =	vand.u32 $0xFFFFFFF0, v55  }
0x50: {  	v3 =	vor.u32 v3, v4  }
0x51: {  	v4 =	vperm.xlane v3, v0;
	_ =	sdelay $0x1  }
0x52: {  	v3 =	vperm.xlane v3, v2;
	v4 =	vadd.s32 v1, v4;
	_ =	sdelay $0x1  }
0x53: {  	v3 =	vadd.s32 v1, v3;
	_ =	sdelay $0x2  }
0x54: {  	[tilespmem:s17], [sflag:$0x2] =	stream.indirect_vreg.gather [hbm4b:s4+s2], $0x80, v4, vm0, $0xb8;
	[tilespmem:$0xC800] =	vst v63  }
0x55: {  	_ = 	snop  }
0x56: {  	[tilespmem:s18], [sflag:$0x2] =	stream.indirect_vreg.gather [hbm4b:s4+s2], $0x80, v3, vm0, $0xb8;
	[tilespmem:$0xC800] =	vst v63  }
0x57: {  	v3 =	vld [tilespmem:s5+$0xFFFFFFE8];
	_ =	sdelay $0x4  }
0x58: {  	v56 =	vshll.u32 v3, $0x1  }
0x59: {  	v3 =	vand.u32 $0x7, v3;
	v4 =	vand.u32 $0xFFFFFFF0, v56  }
0x5a: {  	v3 =	vor.u32 v3, v4  }
0x5b: {  	v4 =	vperm.xlane v3, v0;
	_ =	sdelay $0x1  }
0x5c: {  	v3 =	vperm.xlane v3, v2;
	v4 =	vadd.s32 v1, v4;
	_ =	sdelay $0x1  }
0x5d: {  	v3 =	vadd.s32 v1, v3;
	_ =	sdelay $0x2  }
0x5e: {  	[tilespmem:s19], [sflag:$0x2] =	stream.indirect_vreg.gather [hbm4b:s4+s2], $0x80, v4, vm0, $0xb8;
	[tilespmem:$0xC800] =	vst v63  }
0x5f: {  	_ = 	snop  }
0x60: {  	[tilespmem:s20], [sflag:$0x2] =	stream.indirect_vreg.gather [hbm4b:s4+s2], $0x80, v3, vm0, $0xb8;
	[tilespmem:$0xC800] =	vst v63  }
0x61: {  	v3 =	vld.msk [tilespmem:s5+$0xFFFFFFF8], $0xff;
	_ =	sdelay $0x4  }
0x62: {  	v57 =	vshll.u32 v3, $0x1  }
0x63: {  	v3 =	vand.u32 $0x7, v3;
	v4 =	vand.u32 $0xFFFFFFF0, v57  }
0x64: {  	v3 =	vor.u32 v3, v4  }
0x65: {  	v3 =	vperm.xlane v3, v0;
	_ =	sdelay $0x1  }
0x66: {  	v3 =	vadd.s32 v1, v3;
	_ =	sdelay $0x4  }
0x67: {  	[tilespmem:s21], [sflag:$0x2] =	stream.indirect_vreg.gather [hbm4b:s4+s2], $0x80, v3, vm0, $0xb8;
	[tilespmem:$0xC800] =	vst v63  }
0x68: {  	v3 =	vld [tilespmem:s11+$0x0];
	_ =	sdelay $0x4  }
0x69: {  	v58 =	vshll.u32 v3, $0x1  }
0x6a: {  	v3 =	vand.u32 $0x7, v3;
	v4 =	vand.u32 $0xFFFFFFF0, v58  }
0x6b: {  	v3 =	vor.u32 v3, v4  }
0x6c: {  	v4 =	vperm.xlane v3, v0;
	_ =	sdelay $0x1  }
0x6d: {  	v3 =	vperm.xlane v3, v2;
	v4 =	vadd.s32 v1, v4;
	_ =	sdelay $0x1  }
0x6e: {  	v3 =	vadd.s32 v1, v3;
	_ =	sdelay $0x2  }
0x6f: {  	[tilespmem:s22], [sflag:$0x3] =	stream.indirect_vreg.gather [hbm4b:s3+s2], $0x80, v4, vm0, $0xb8;
	[tilespmem:$0xC800] =	vst v63  }
0x70: {  	s8 =	rddreg [dreg:$0x4]  }
0x71: {  	[tilespmem:s8], [sflag:$0x3] =	stream.indirect_vreg.gather [hbm4b:s3+s2], $0x80, v3, vm0, $0xb8;
	[tilespmem:$0xC800] =	vst v63  }
0x72: {  	v3 =	vld [tilespmem:s11+$0x10];
	_ =	sdelay $0x4  }
0x73: {  	v59 =	vshll.u32 v3, $0x1  }
0x74: {  	v3 =	vand.u32 $0x7, v3;
	v4 =	vand.u32 $0xFFFFFFF0, v59  }
0x75: {  	v3 =	vor.u32 v3, v4  }
0x76: {  	v4 =	vperm.xlane v3, v0;
	_ =	sdelay $0x1  }
0x77: {  	v3 =	vperm.xlane v3, v2;
	v4 =	vadd.s32 v1, v4;
	_ =	sdelay $0x1  }
0x78: {  	v3 =	vadd.s32 v1, v3;
	_ =	sdelay $0x1  }
0x79: {  	s7 =	rddreg [dreg:$0x5]  }
0x7a: {  	[tilespmem:s7], [sflag:$0x3] =	stream.indirect_vreg.gather [hbm4b:s3+s2], $0x80, v4, vm0, $0xb8;
	[tilespmem:$0xC800] =	vst v63  }
0x7b: {  	s8 =	rddreg [dreg:$0x6]  }
0x7c: {  	[tilespmem:s8], [sflag:$0x3] =	stream.indirect_vreg.gather [hbm4b:s3+s2], $0x80, v3, vm0, $0xb8;
	[tilespmem:$0xC800] =	vst v63  }
0x7d: {  	v3 =	vld.msk [tilespmem:s11+$0x20], $0xff;
	_ =	sdelay $0x4  }
0x7e: {  	v60 =	vshll.u32 v3, $0x1  }
0x7f: {  	v3 =	vand.u32 $0x7, v3;
	v4 =	vand.u32 $0xFFFFFFF0, v60  }
0x80: {  	v3 =	vor.u32 v3, v4  }
0x81: {  	v3 =	vperm.xlane v3, v0;
	_ =	sdelay $0x1  }
0x82: {  	v3 =	vadd.s32 v1, v3;
	_ =	sdelay $0x3  }
0x83: {  	s8 =	rddreg [dreg:$0x7]  }
0x84: {  	[tilespmem:s8], [sflag:$0x3] =	stream.indirect_vreg.gather [hbm4b:s3+s2], $0x80, v3, vm0, $0xb8;
	[tilespmem:$0xC800] =	vst v63  }
0x85: {  	v3 =	vld [tilespmem:s5+$0x0];
	_ =	sdelay $0x4  }
0x86: {  	v61 =	vshll.u32 v3, $0x1  }
0x87: {  	v3 =	vand.u32 $0x7, v3;
	v4 =	vand.u32 $0xFFFFFFF0, v61  }
0x88: {  	v3 =	vor.u32 v3, v4  }
0x89: {  	v4 =	vperm.xlane v3, v0;
	_ =	sdelay $0x1  }
0x8a: {  	v3 =	vperm.xlane v3, v2;
	v4 =	vadd.s32 v1, v4;
	_ =	sdelay $0x1  }
0x8b: {  	v3 =	vadd.s32 v1, v3;
	_ =	sdelay $0x2  }
0x8c: {  	[tilespmem:s23], [sflag:$0x4] =	stream.indirect_vreg.gather [hbm4b:s4+s2], $0x80, v4, vm0, $0xb8;
	[tilespmem:$0xC800] =	vst v63  }
0x8d: {  	s8 =	rddreg [dreg:$0x8]  }
0x8e: {  	[tilespmem:s8], [sflag:$0x4] =	stream.indirect_vreg.gather [hbm4b:s4+s2], $0x80, v3, vm0, $0xb8;
	[tilespmem:$0xC800] =	vst v63  }
0x8f: {  	v3 =	vld [tilespmem:s5+$0x10];
	_ =	sdelay $0x4  }
0x90: {  	v62 =	vshll.u32 v3, $0x1  }
0x91: {  	v3 =	vand.u32 $0x7, v3;
	v4 =	vand.u32 $0xFFFFFFF0, v62  }
0x92: {  	v3 =	vor.u32 v3, v4  }
0x93: {  	v4 =	vperm.xlane v3, v0;
	_ =	sdelay $0x1  }
0x94: {  	v3 =	vperm.xlane v3, v2;
	v4 =	vadd.s32 v1, v4;
	_ =	sdelay $0x1  }
0x95: {  	v3 =	vadd.s32 v1, v3;
	_ =	sdelay $0x1  }
0x96: {  	s7 =	rddreg [dreg:$0x9]  }
0x97: {  	[tilespmem:s7], [sflag:$0x4] =	stream.indirect_vreg.gather [hbm4b:s4+s2], $0x80, v4, vm0, $0xb8;
	[tilespmem:$0xC800] =	vst v63  }
0x98: {  	s8 =	rddreg [dreg:$0xa]  }
0x99: {  	[tilespmem:s8], [sflag:$0x4] =	stream.indirect_vreg.gather [hbm4b:s4+s2], $0x80, v3, vm0, $0xb8;
	[tilespmem:$0xC800] =	vst v63  }
0x9a: {  	v3 =	vld.msk [tilespmem:s5+$0x20], $0xff;
	_ =	sdelay $0x4  }
0x9b: {  	v63 =	vshll.u32 v3, $0x1  }
0x9c: {  	v3 =	vand.u32 $0x7, v3;
	v4 =	vand.u32 $0xFFFFFFF0, v63  }
0x9d: {  	v3 =	vor.u32 v3, v4  }
0x9e: {  	v3 =	vperm.xlane v3, v0;
	_ =	sdelay $0x1  }
0x9f: {  	v3 =	vadd.s32 v1, v3;
	_ =	sdelay $0x3  }
0xa0: {  	s8 =	rddreg [dreg:$0xb]  }
0xa1: {  	[tilespmem:s8], [sflag:$0x4] =	stream.indirect_vreg.gather [hbm4b:s4+s2], $0x80, v3, vm0, $0xb8;
	[tilespmem:$0xC800] =	vst v63  }
0xa2: {  	_ =	swait.ge [sflag:s24], $0x2800  }
0xa3: {  	s8 =	rddreg [dreg:$0x2];
	[sflag:s24] =	ssyncset.done $0x0  }
0xa4: {  	[sflag:s24] =	ssyncadd.s32 $0xFFFFD800;
	s7 =	sadd.s32 s6, s8  }
0xa5: {  	[hbm4b:s7+s2] =	stream.linear.scatter [tilespmem:s12], [sflag:$0x5], $0x2800, $0x38;
	[tilespmem:$0xC800] =	vst v63  }
0xa6: {  	_ =	swait.ge [sflag:s25], $0x2800  }
0xa7: {  	s8 =	rddreg [dreg:$0x3];
	[sflag:s25] =	ssyncset.done $0x0  }
0xa8: {  	[sflag:s25] =	ssyncadd.s32 $0xFFFFD800;
	s8 =	sadd.s32 s6, s8  }
0xa9: {  	[hbm4b:s8+s2] =	stream.linear.scatter [tilespmem:s17], [sflag:$0x6], $0x2800, $0x38;
	[tilespmem:$0xC800] =	vst v63  }
0xaa: {  	_ =	swait.ge [sflag:s26], $0x2800  }
0xab: {  	s6 =	sadd.s32 $0xA00, s6;
	[sflag:s26] =	ssyncset.done $0x0  }
0xac: {  	s7 =	sadd.s32 $0x500, s7;
	p0 =	sne.s32 s6, $0x26C00;
	[sflag:s26] =	ssyncadd.s32 $0xFFFFD800  }
0xad: {  	[hbm4b:s7+s2] =	stream.linear.scatter [tilespmem:s22], [sflag:$0x7], $0x2800, $0x38;
	[tilespmem:$0xC800] =	vst v63  }
.Ltmp0:
0xae: {  	_ = 	snop;
	(pc) =	sbr.rel @p0 .LBB2_2-.Ltmp0, $4  }
0xaf: {  	_ =	swait.ge [sflag:s28], $0x2800  }
0xb0: {  	s11 =	sadd.s32 $0x50, s11;
	[sflag:s28] =	ssyncset.done $0x0  }
0xb1: {  	s5 =	sadd.s32 $0x50, s5;
	s8 =	sadd.s32 $0x500, s8;
	[sflag:s28] =	ssyncadd.s32 $0xFFFFD800  }
0xb2: {  	[hbm4b:s8+s2] =	stream.linear.scatter [tilespmem:s23], [sflag:$0x8], $0x2800, $0x38;
	[tilespmem:$0xC800] =	vst v63  }
0xb3: {  	_ =	swait.ge [sflag:s29], $0x2800  }
0xb4: {  	[sflag:s29] =	ssyncset.done $0x0  }
0xb5: {  	[sflag:s29] =	ssyncadd.s32 $0xFFFFD800  }
0xb6: {  	_ =	swait.ge [sflag:s30], $0x2800  }
0xb7: {  	[sflag:s30] =	ssyncset.done $0x0  }
0xb8: {  	[sflag:s30] =	ssyncadd.s32 $0xFFFFD800  }
0xb9: {  	_ =	swait.ge [sflag:s31], $0x2800  }
0xba: {  	[sflag:s31] =	ssyncset.done $0x0  }
0xbb: {  	[sflag:s31] =	ssyncadd.s32 $0xFFFFD800  }
0xbc: {  	_ =	swait.ge [sflag:s1], $0x2800  }
0xbd: {  	[sflag:s1] =	ssyncset.done $0x0  }
0xbe: {  	[sflag:s1] =	ssyncadd.s32 $0xFFFFD800  }
0xbf: {  	v3 =	vld [tilespmem:$0x1360];
	_ =	sdelay $0x4  }
0xc0: {  	v4 =	vshll.u32 v3, $0x1  }
0xc1: {  	v3 =	vand.u32 $0x7, v3;
	v4 =	vand.u32 $0xFFFFFFF0, v4  }
0xc2: {  	v3 =	vor.u32 v3, v4  }
0xc3: {  	v4 =	vperm.xlane v3, v0;
	_ =	sdelay $0x1  }
0xc4: {  	v3 =	vperm.xlane v3, v2;
	v4 =	vadd.s32 v1, v4;
	_ =	sdelay $0x1  }
0xc5: {  	v3 =	vadd.s32 v1, v3;
	_ =	sdelay $0x2  }
0xc6: {  	[tilespmem:s12], [sflag:$0x1] =	stream.indirect_vreg.gather [hbm4b:s3+s2], $0x80, v4, vm0, $0xb8;
	[tilespmem:$0xC800] =	vst v63  }
0xc7: {  	_ = 	snop  }
0xc8: {  	[tilespmem:s13], [sflag:$0x1] =	stream.indirect_vreg.gather [hbm4b:s3+s2], $0x80, v3, vm0, $0xb8;
	[tilespmem:$0xC800] =	vst v63  }
0xc9: {  	v3 =	vld [tilespmem:$0x1370];
	_ =	sdelay $0x4  }
0xca: {  	v59 =	vshll.u32 v3, $0x1  }
0xcb: {  	v3 =	vand.u32 $0x7, v3;
	v4 =	vand.u32 $0xFFFFFFF0, v59  }
0xcc: {  	v3 =	vor.u32 v3, v4  }
0xcd: {  	v4 =	vperm.xlane v3, v0;
	_ =	sdelay $0x1  }
0xce: {  	v3 =	vperm.xlane v3, v2;
	v4 =	vadd.s32 v1, v4;
	_ =	sdelay $0x1  }
0xcf: {  	v3 =	vadd.s32 v1, v3;
	_ =	sdelay $0x2  }
0xd0: {  	[tilespmem:s14], [sflag:$0x1] =	stream.indirect_vreg.gather [hbm4b:s3+s2], $0x80, v4, vm0, $0xb8;
	[tilespmem:$0xC800] =	vst v63  }
0xd1: {  	_ = 	snop  }
0xd2: {  	[tilespmem:s15], [sflag:$0x1] =	stream.indirect_vreg.gather [hbm4b:s3+s2], $0x80, v3, vm0, $0xb8;
	[tilespmem:$0xC800] =	vst v63  }
0xd3: {  	v3 =	vld.msk [tilespmem:$0x1380], $0xff;
	_ =	sdelay $0x4  }
0xd4: {  	v60 =	vshll.u32 v3, $0x1  }
0xd5: {  	v3 =	vand.u32 $0x7, v3;
	v4 =	vand.u32 $0xFFFFFFF0, v60  }
0xd6: {  	v3 =	vor.u32 v3, v4  }
0xd7: {  	v3 =	vperm.xlane v3, v0;
	_ =	sdelay $0x1  }
0xd8: {  	v3 =	vadd.s32 v1, v3;
	_ =	sdelay $0x4  }
0xd9: {  	[tilespmem:s16], [sflag:$0x1] =	stream.indirect_vreg.gather [hbm4b:s3+s2], $0x80, v3, vm0, $0xb8;
	[tilespmem:$0xC800] =	vst v63  }
0xda: {  	v3 =	vld [tilespmem:$0x2760];
	_ =	sdelay $0x4  }
0xdb: {  	v61 =	vshll.u32 v3, $0x1  }
0xdc: {  	v3 =	vand.u32 $0x7, v3;
	v4 =	vand.u32 $0xFFFFFFF0, v61  }
0xdd: {  	v3 =	vor.u32 v3, v4  }
0xde: {  	v4 =	vperm.xlane v3, v0;
	_ =	sdelay $0x1  }
0xdf: {  	v3 =	vperm.xlane v3, v2;
	v4 =	vadd.s32 v1, v4;
	_ =	sdelay $0x1  }
0xe0: {  	v3 =	vadd.s32 v1, v3;
	_ =	sdelay $0x2  }
0xe1: {  	[tilespmem:s17], [sflag:$0x2] =	stream.indirect_vreg.gather [hbm4b:s4+s2], $0x80, v4, vm0, $0xb8;
	[tilespmem:$0xC800] =	vst v63  }
0xe2: {  	_ = 	snop  }
0xe3: {  	[tilespmem:s18], [sflag:$0x2] =	stream.indirect_vreg.gather [hbm4b:s4+s2], $0x80, v3, vm0, $0xb8;
	[tilespmem:$0xC800] =	vst v63  }
0xe4: {  	v3 =	vld [tilespmem:$0x2770];
	_ =	sdelay $0x4  }
0xe5: {  	v62 =	vshll.u32 v3, $0x1  }
0xe6: {  	v3 =	vand.u32 $0x7, v3;
	v4 =	vand.u32 $0xFFFFFFF0, v62  }
0xe7: {  	v3 =	vor.u32 v3, v4  }
0xe8: {  	v4 =	vperm.xlane v3, v0;
	_ =	sdelay $0x1  }
0xe9: {  	v3 =	vperm.xlane v3, v2;
	v4 =	vadd.s32 v1, v4;
	_ =	sdelay $0x1  }
0xea: {  	v3 =	vadd.s32 v1, v3;
	_ =	sdelay $0x2  }
0xeb: {  	[tilespmem:s19], [sflag:$0x2] =	stream.indirect_vreg.gather [hbm4b:s4+s2], $0x80, v4, vm0, $0xb8;
	[tilespmem:$0xC800] =	vst v63  }
0xec: {  	_ = 	snop  }
0xed: {  	[tilespmem:s20], [sflag:$0x2] =	stream.indirect_vreg.gather [hbm4b:s4+s2], $0x80, v3, vm0, $0xb8;
	[tilespmem:$0xC800] =	vst v63  }
0xee: {  	v3 =	vld.msk [tilespmem:$0x2780], $0xff;
	_ =	sdelay $0x4  }
0xef: {  	v63 =	vshll.u32 v3, $0x1  }
0xf0: {  	v3 =	vand.u32 $0x7, v3;
	v4 =	vand.u32 $0xFFFFFFF0, v63  }
0xf1: {  	v3 =	vor.u32 v3, v4  }
0xf2: {  	v3 =	vperm.xlane v3, v0;
	_ =	sdelay $0x1  }
0xf3: {  	v3 =	vadd.s32 v1, v3;
	_ =	sdelay $0x4  }
0xf4: {  	[tilespmem:s21], [sflag:$0x2] =	stream.indirect_vreg.gather [hbm4b:s4+s2], $0x80, v3, vm0, $0xb8;
	[tilespmem:$0xC800] =	vst v63  }
0xf5: {  	_ =	swait.ge [sflag:s24], $0x2800  }
0xf6: {  	[sflag:s24] =	ssyncset.done $0x0  }
0xf7: {  	s5 =	rddreg [dreg:$0xe];
	[sflag:s24] =	ssyncadd.s32 $0xFFFFD800  }
0xf8: {  	[hbm4b:s5+s2] =	stream.linear.scatter [tilespmem:s12], [sflag:$0x9], $0x2800, $0x38;
	[tilespmem:$0xC800] =	vst v63  }
0xf9: {  	_ =	swait.ge [sflag:s10], $0x2800  }
0xfa: {  	[sflag:s10] =	ssyncset.done $0x0  }
0xfb: {  	[sflag:s10] =	ssyncadd.s32 $0xFFFFD800  }
0xfc: {  	s0 =	sadd.s32 $0x1, s0;
	_ =	swait.ge [sflag:s25], $0x2800  }
0xfd: {  	p0 =	sne.s32 s0, s9;
	[sflag:s25] =	ssyncset.done $0x0  }
.Ltmp1:
0xfe: {  	s11 =	rddreg [dreg:$0xf];
	[sflag:s25] =	ssyncadd.s32 $0xFFFFD800;
	(pc) =	sbr.rel @p0 .LBB2_1-.Ltmp1, $4  }
0xff: {  	[hbm4b:s11+s2] =	stream.linear.scatter [tilespmem:s17], [sflag:$0x9], $0x2800, $0x38;
	[tilespmem:$0xC800] =	vst v63  }
0x100: {  	_ =	swait.ge [sflag:s10], $0x2800  }
0x101: {  	[sflag:s10] =	ssyncset.done $0x0  }
0x102: {  	[sflag:s10] =	ssyncadd.s32 $0xFFFFD800  }
0x103: {  	_ =	sfence.sel $0x180000  }
0x104: {  	[bflag:$0x0] =	sbarrier.arrive $0xFFFF  }
0x105: {  	_ =	strace $0x9000004A  }
0x106: {  	s0 =	stileid.u32;
	[bflag:$0x2] =	sbarrier.arrive $0xFFFF  }
0x107: {  	p0 =	sne.s32 s0, $0x0;
	s0 =	rddreg [dreg:$0x1]  }
0x108: {  	s0 =	sadd.s32 @!p0 $0x100000, s0  }
0x109: {  	[sflag:s0] =	ssyncadd.tile.s32 @!p0 $0x1;
	_ =	shalt  }
.Lfunc_end2:
_tile_overlayer_lowered:
.L_overlay_start_2:
0x10a: {  	(tag) =	ssettag $0x2  }
0x10b: {  	s0 =	rddreg [dreg:$0x0];
	s2 =	stileid.u32  }
0x10c: {  	s1 =	rddreg [dreg:$0x1];
	p0 =	sne.s32 s2, $0x0  }
0x10d: {  	s3 =	rddreg [dreg:$0x2];
	[bflag:$0x3] =	sbarrier.arrive $0xFFFF;
	s2 =	simm.s32 @!p0 $0x1C09  }
0x10e: {  	[timem:s3], [sflag:s2] =	dma.local @!p0 [hbm:s0], s1  }
0x10f: {  	s0 =	simm.s32 @!p0 $0x9  }
0x110: {  	_ =	swait.ge @!p0 [sflag:s0], s1  }
0x111: {  	s1 =	ssub.s32 @!p0 $0x0, s1;
	[sflag:s0] =	ssyncset.done @!p0 $0x0  }
0x112: {  	[sflag:s0] =	ssyncadd.s32 @!p0 s1  }
0x113: {  	[bflag:$0x3] =	sbarrier.arrive $0xFFFF  }
0x114: {  	_ =	shalt  }

</sc_bundles>
